<compile_context>
chip_gen: v7x
topology: tpu7x:2x2x1
jax: 0.10.2.dev20260603
libtpu: 0.0.44.dev20260713+nightly
codegen_flags: <defaults>
</compile_context>

<pallas_src>
import functools

import jax
import jax.numpy as jnp
import numpy as np
from jax import lax
from jax.experimental import pallas as pl
from jax.experimental.pallas import tpu as pltpu
from jax.experimental.pallas import tpu_sc as plsc

ROWS = 1024
COLS = 32768
TOPK = 64
LANES = 16
NWORK = 32
ROWS_PER_W = ROWS // NWORK
NVREG = COLS // LANES
CHAINS = 4
STEPS_A = NVREG // CHAINS

_I32_MIN = np.int32(-2147483648)
_I32_LOW = np.int32(0x7FFFFFFF)


def _sort_key(v):
    b = plsc.bitcast(v, jnp.int32)
    return b ^ ((b >> 31) & _I32_LOW)


def _key_to_f32(k):
    b = k ^ ((k >> 31) & _I32_LOW)
    return plsc.bitcast(b, jnp.float32)


def _ce4(ts4, u):
    t0, t1, t2, t3 = ts4
    m0 = jnp.maximum(t0, u)
    u = jnp.minimum(t0, u)
    m1 = jnp.maximum(t1, u)
    u = jnp.minimum(t1, u)
    m2 = jnp.maximum(t2, u)
    u = jnp.minimum(t2, u)
    m3 = jnp.maximum(t3, u)
    return [m0, m1, m2, m3]


def _topk_body(x_hbm, out_hbm, idx_hbm,
               row_ref, ckey_ref, cidx_ref, wkey_ref, widx_ref, oidx_ref):
    wid = lax.axis_index("s") * 2 + lax.axis_index("c")
    iota = lax.iota(jnp.int32, LANES)
    zeros_i = jnp.zeros((LANES,), jnp.int32)
    zeros_f = jnp.zeros((LANES,), jnp.float32)
    lane0 = iota == 0

    def per_row(r, _carry):
        row = wid * ROWS_PER_W + r
        pltpu.sync_copy(x_hbm.at[row], row_ref)

        def body_a(i, ts):
            base = i * (4 * LANES)
            return tuple(
                jnp.maximum(ts[c], row_ref[pl.ds(base + c * LANES, LANES)])
                for c in range(4))

        init = tuple(jnp.full((LANES,), -jnp.inf, jnp.float32)
                     for _ in range(4))
        ts = lax.fori_loop(0, NVREG // 4, body_a, init)
        t_f = jnp.min(jnp.minimum(jnp.minimum(ts[0], ts[1]),
                                  jnp.minimum(ts[2], ts[3])))
        lo_key = jnp.min(_sort_key(jnp.minimum(jnp.minimum(ts[0], ts[1]),
                                               jnp.minimum(ts[2], ts[3]))))
        hi_key = jnp.max(_sort_key(jnp.maximum(jnp.maximum(ts[0], ts[1]),
                                               jnp.maximum(ts[2], ts[3]))))

        def body_b(i, off_s):
            base = i * (4 * LANES)
            base_vec = zeros_i + i * (4 * LANES)
            for c in range(4):
                v = row_ref[pl.ds(base + c * LANES, LANES)]
                msk = v >= t_f
                row_ref[pl.ds(base + c * LANES, LANES)] = zeros_f
                u = _sort_key(v)
                plsc.store_compressed(ckey_ref.at[pl.ds(off_s, LANES)], u,
                                      mask=msk)
                plsc.store_compressed(cidx_ref.at[pl.ds(off_s, LANES)],
                                      base_vec + (iota + c * LANES), mask=msk)
                off_s = off_s + plsc.all_reduce_population_count(msk)[0]
            return off_s

        ncand = lax.fori_loop(0, NVREG // 4, body_b, np.int32(0))
        nv = (ncand + LANES - 1) // LANES

        def count_pred(strict):
            def count(t):
                def cbody(j, acc):
                    u = ckey_ref[pl.ds(j * LANES, LANES)]
                    valid = (iota + j * LANES) < ncand
                    m = valid & ((u > t) if strict else (u >= t))
                    return acc + plsc.all_reduce_population_count(m)
                return jnp.max(lax.fori_loop(0, nv, cbody, zeros_i))
            return count

        count_ge = count_pred(False)
        count_gt = count_pred(True)

        def bbody(b, tu):
            cand_u = tu | (np.int32(1) << (np.int32(31) - b.astype(jnp.int32)))
            cand_key = cand_u ^ _I32_MIN
            ok = lax.cond(
                jnp.logical_or(cand_key > hi_key, cand_key < lo_key),
                lambda: cand_key < lo_key,
                lambda: count_ge(cand_key) >= TOPK)
            return jnp.where(ok, cand_u, tu)

        t_u = lax.fori_loop(0, 32, bbody, np.int32(0))
        thr = t_u ^ _I32_MIN
        tie_take = TOPK - count_gt(thr)

        def ebody(j, carry):
            eqoff, woff = carry
            u = ckey_ref[pl.ds(j * LANES, LANES)]
            iv = cidx_ref[pl.ds(j * LANES, LANES)]
            valid = (iota + j * LANES) < ncand
            gt = valid & (u > thr)
            eq = valid & (u == thr)
            eqrank = eqoff + plsc.cumsum(eq.astype(jnp.int32)) - 1
            sel = gt | (eq & (eqrank < tie_take))
            wpos = woff + plsc.cumsum(sel.astype(jnp.int32)) - 1
            plsc.store_scatter(wkey_ref, [wpos], u, mask=sel)
            plsc.store_scatter(widx_ref, [wpos], iv, mask=sel)
            return (eqoff + plsc.all_reduce_population_count(eq),
                    woff + plsc.all_reduce_population_count(sel))

        lax.fori_loop(0, nv, ebody, (zeros_i, zeros_i))

        kvs = [wkey_ref[pl.ds(w * LANES, LANES)] for w in range(4)]
        dvs = [widx_ref[pl.ds(w * LANES, LANES)] for w in range(4)]

        for w in range(4):
            val = jnp.maximum(_key_to_f32(kvs[w]), 0.0)
            plsc.store_scatter(row_ref, [dvs[w]], val)

        for i in range(TOPK):
            ks = kvs[i // LANES][i % LANES]
            dsc = dvs[i // LANES][i % LANES]
            cnt = zeros_i
            for w in range(4):
                gm = (kvs[w] > ks) | ((kvs[w] == ks) & (dvs[w] < dsc))
                cnt = cnt + plsc.all_reduce_population_count(gm)
            rank = jnp.max(cnt)
            plsc.store_scatter(oidx_ref, [zeros_i + rank], zeros_i + dsc,
                               mask=lane0)

        pltpu.sync_copy(row_ref, out_hbm.at[row])
        pltpu.sync_copy(oidx_ref, idx_hbm.at[row])
        return _carry

    lax.fori_loop(0, ROWS_PER_W, per_row, np.int32(0))


@functools.partial(jax.jit, donate_argnums=())
def _run(x):
    mesh = plsc.VectorSubcoreMesh(core_axis_name="c", subcore_axis_name="s")
    f = pl.kernel(
        _topk_body,
        out_type=[
            jax.ShapeDtypeStruct((ROWS, COLS), jnp.float32),
            jax.ShapeDtypeStruct((ROWS, TOPK), jnp.int32),
        ],
        mesh=mesh,
        compiler_params=pltpu.CompilerParams(needs_layout_passes=False),
        scratch_types=[
            pltpu.VMEM((COLS,), jnp.float32),
            pltpu.VMEM((COLS + LANES,), jnp.int32),
            pltpu.VMEM((COLS + LANES,), jnp.int32),
            pltpu.VMEM((TOPK,), jnp.int32),
            pltpu.VMEM((TOPK,), jnp.int32),
            pltpu.VMEM((TOPK,), jnp.int32),
        ],
    )
    res, idx = f(x)
    return res, idx


def kernel(x):
    return _run(x)

# --- scband reference (transcript-rebuilt; emitter-appended) ---
"""Pipeline reference for scband-top-kactivation-fn-77008763617645 (READ-ONLY COPY).

The authoritative reference and input builder live on the scoring server;
editing this copy changes nothing except your own understanding.
"""

import jax, jax.numpy as jnp
import numpy as np

K = 64

def setup_inputs(seed: int = 0) -> dict:
    key = jax.random.key(seed)
    x = jax.random.normal(key, (1024, 32768), dtype=jnp.float32)
    return {"x": x}

def reference(x):
    # torch.topk along last dim
    values, indices = jax.lax.top_k(x, K)
    # postact_fn = ReLU
    values = jnp.maximum(values, 0.0)
    # result = zeros_like(x); result.scatter_(-1, indices, values)
    batch = x.shape[0]
    row_idx = jnp.arange(batch)[:, None]
    result = jnp.zeros_like(x).at[row_idx, indices].set(values)
    return (result, indices)

if __name__ == "__main__":
    import jax
    _d = setup_inputs()
    print(jax.jit(kernel)(*tuple(_d.values())))

</pallas_src>

<mosaic_0001>
#map = affine_map<(d0, d1) -> (0, 0)>
module attributes {stable_mosaic.version = 14 : i64} {
  func.func @_topk_body(%arg0: i32, %arg1: i32, %arg2: memref<1024x32768xf32, #tpu.memory_space<hbm>>, %arg3: memref<1024x32768xf32, #tpu.memory_space<hbm>>, %arg4: memref<1024x64xi32, #tpu.memory_space<hbm>>, %arg5: memref<32768xf32, #tpu.memory_space<vmem>>, %arg6: memref<32784xi32, #tpu.memory_space<vmem>>, %arg7: memref<32784xi32, #tpu.memory_space<vmem>>, %arg8: memref<64xi32, #tpu.memory_space<vmem>>, %arg9: memref<64xi32, #tpu.memory_space<vmem>>, %arg10: memref<64xi32, #tpu.memory_space<vmem>>) attributes {dimension_semantics = [#tpu.dimension_semantics<core_parallel>, #tpu.dimension_semantics<subcore_parallel>], iteration_bounds = array<i64: 2, 16>, scalar_prefetch = 0 : i64, scratch_operands = 6 : i64, tpu.core_type = #tpu.core_type<sc_vector_subcore>, window_params = [{transform_indices = #map}, {transform_indices = #map}, {transform_indices = #map}]} {
    %mul3A = arith.constant 2 : i32
    %mul3A_0 = arith.muli %arg1, %mul3A : i32
    %add3A = arith.addi %mul3A_0, %arg0 : i32
    %iota3A = tpu.iota {dimensions = array<i32: 0>} : vector<16xi32>
    %broadcast_in_dim3A = arith.constant 0 : i32
    %broadcast_in_dim3A_1 = vector.broadcast %broadcast_in_dim3A : i32 to vector<16xi32>
    %broadcast_in_dim3A_2 = arith.constant 0.000000e+00 : f32
    %broadcast_in_dim3A_3 = vector.broadcast %broadcast_in_dim3A_2 : f32 to vector<16xf32>
    %eq3A = arith.constant 0 : i32
    %eq3A_4 = vector.broadcast %eq3A : i32 to vector<16xi32>
    %eq3A_5 = arith.cmpi eq, %iota3A, %eq3A_4 : vector<16xi32>
    %scan3A = arith.constant 0 : i32
    %scan3A_6 = arith.constant 0 : i32
    %scan3A_7 = arith.constant 32 : i32
    %scan3A_8 = arith.addi %scan3A_6, %scan3A_7 : i32
    %scan3A_9 = arith.constant 1 : i32
    scf.for %scan3A_11 = %scan3A_6 to %scan3A_8 step %scan3A_9  : i32 {
      %mul3A_12 = arith.constant 32 : i32
      %mul3A_13 = arith.muli %add3A, %mul3A_12 : i32
      %add3A_14 = arith.addi %mul3A_13, %scan3A_11 : i32
      "tpu.region"() ({
        %run_scoped3A = tpu.sem_alloc : memref<!tpu.dma_semaphore, #tpu.memory_space<semaphore_mem>>
        %dma_start3A = arith.constant 0 : i32
        %dma_start3A_3771 = tpu.memref_slice %arg2[%add3A_14, %dma_start3A] : memref<1024x32768xf32, #tpu.memory_space<hbm>> -> memref<1x32768xf32, #tpu.memory_space<hbm>>
        %dma_start3A_3772 = tpu.memref_squeeze %dma_start3A_3771 : memref<1x32768xf32, #tpu.memory_space<hbm>> -> memref<32768xf32, #tpu.memory_space<hbm>>
        %dma_start3A_3773 = arith.constant 0 : i32
        %dma_start3A_3774 = tpu.memref_slice %arg2[%add3A_14, %dma_start3A_3773] : memref<1024x32768xf32, #tpu.memory_space<hbm>> -> memref<1x32768xf32, #tpu.memory_space<hbm>>
        %dma_start3A_3775 = tpu.memref_squeeze %dma_start3A_3774 : memref<1x32768xf32, #tpu.memory_space<hbm>> -> memref<32768xf32, #tpu.memory_space<hbm>>
        tpu.enqueue_dma source(%dma_start3A_3775 : memref<32768xf32, #tpu.memory_space<hbm>>) target(%arg5 : memref<32768xf32, #tpu.memory_space<vmem>>) target_semaphore(%run_scoped3A : memref<!tpu.dma_semaphore, #tpu.memory_space<semaphore_mem>>)
        %dma_wait3A = arith.constant 0 : i32
        %dma_wait3A_3776 = tpu.memref_slice %arg2[%add3A_14, %dma_wait3A] : memref<1024x32768xf32, #tpu.memory_space<hbm>> -> memref<1x32768xf32, #tpu.memory_space<hbm>>
        %dma_wait3A_3777 = tpu.memref_squeeze %dma_wait3A_3776 : memref<1x32768xf32, #tpu.memory_space<hbm>> -> memref<32768xf32, #tpu.memory_space<hbm>>
        %dma_wait3A_3778 = arith.constant 0 : i32
        %dma_wait3A_3779 = tpu.memref_slice %arg2[%add3A_14, %dma_wait3A_3778] : memref<1024x32768xf32, #tpu.memory_space<hbm>> -> memref<1x32768xf32, #tpu.memory_space<hbm>>
        %dma_wait3A_3780 = tpu.memref_squeeze %dma_wait3A_3779 : memref<1x32768xf32, #tpu.memory_space<hbm>> -> memref<32768xf32, #tpu.memory_space<hbm>>
        tpu.wait_dma2 semaphore(%run_scoped3A : memref<!tpu.dma_semaphore, #tpu.memory_space<semaphore_mem>>) src(%dma_wait3A_3780 : memref<32768xf32, #tpu.memory_space<hbm>>) dst(%arg5 : memref<32768xf32, #tpu.memory_space<vmem>>)
        tpu.yield
      }) : () -> ()
      %broadcast_in_dim3A_15 = arith.constant 0xFF800000 : f32
      %broadcast_in_dim3A_16 = vector.broadcast %broadcast_in_dim3A_15 : f32 to vector<16xf32>
      %broadcast_in_dim3A_17 = arith.constant 0xFF800000 : f32
      %broadcast_in_dim3A_18 = vector.broadcast %broadcast_in_dim3A_17 : f32 to vector<16xf32>
      %broadcast_in_dim3A_19 = arith.constant 0xFF800000 : f32
      %broadcast_in_dim3A_20 = vector.broadcast %broadcast_in_dim3A_19 : f32 to vector<16xf32>
      %broadcast_in_dim3A_21 = arith.constant 0xFF800000 : f32
      %broadcast_in_dim3A_22 = vector.broadcast %broadcast_in_dim3A_21 : f32 to vector<16xf32>
      %scan3A_23 = arith.constant 0 : i32
      %scan3A_24 = arith.constant 512 : i32
      %scan3A_25 = arith.addi %scan3A_23, %scan3A_24 : i32
      %scan3A_26 = arith.constant 1 : i32
      %scan3A_27:4 = scf.for %scan3A_3771 = %scan3A_23 to %scan3A_25 step %scan3A_26 iter_args(%scan3A_3772 = %broadcast_in_dim3A_16, %scan3A_3773 = %broadcast_in_dim3A_18, %scan3A_3774 = %broadcast_in_dim3A_20, %scan3A_3775 = %broadcast_in_dim3A_22) -> (vector<16xf32>, vector<16xf32>, vector<16xf32>, vector<16xf32>)  : i32 {
        %mul3A_3776 = arith.constant 64 : i32
        %mul3A_3777 = arith.muli %scan3A_3771, %mul3A_3776 : i32
        %add3A_3778 = arith.constant 0 : i32
        %add3A_3779 = arith.addi %mul3A_3777, %add3A_3778 : i32
        %get3A_3780 = arith.index_cast %add3A_3779 : i32 to index
        %get3A_3781 = tpu.vector_load %arg5[%get3A_3780] {strides = array<i32>} : memref<32768xf32, #tpu.memory_space<vmem>>, vector<16xf32>,
        %max3A_3782 = arith.maximumf %scan3A_3772, %get3A_3781 : vector<16xf32>
        %add3A_3783 = arith.constant 16 : i32
        %add3A_3784 = arith.addi %mul3A_3777, %add3A_3783 : i32
        %get3A_3785 = arith.index_cast %add3A_3784 : i32 to index
        %get3A_3786 = tpu.vector_load %arg5[%get3A_3785] {strides = array<i32>} : memref<32768xf32, #tpu.memory_space<vmem>>, vector<16xf32>,
        %max3A_3787 = arith.maximumf %scan3A_3773, %get3A_3786 : vector<16xf32>
        %add3A_3788 = arith.constant 32 : i32
        %add3A_3789 = arith.addi %mul3A_3777, %add3A_3788 : i32
        %get3A_3790 = arith.index_cast %add3A_3789 : i32 to index
        %get3A_3791 = tpu.vector_load %arg5[%get3A_3790] {strides = array<i32>} : memref<32768xf32, #tpu.memory_space<vmem>>, vector<16xf32>,
        %max3A_3792 = arith.maximumf %scan3A_3774, %get3A_3791 : vector<16xf32>
        %add3A_3793 = arith.constant 48 : i32
        %add3A_3794 = arith.addi %mul3A_3777, %add3A_3793 : i32
        %get3A_3795 = arith.index_cast %add3A_3794 : i32 to index
        %get3A_3796 = tpu.vector_load %arg5[%get3A_3795] {strides = array<i32>} : memref<32768xf32, #tpu.memory_space<vmem>>, vector<16xf32>,
        %max3A_3797 = arith.maximumf %scan3A_3775, %get3A_3796 : vector<16xf32>
        scf.yield %max3A_3782, %max3A_3787, %max3A_3792, %max3A_3797 : vector<16xf32>, vector<16xf32>, vector<16xf32>, vector<16xf32>
      }
      %scan3A_28 = arith.constant 512 : i32
      %min3A = arith.minimumf %scan3A_27#0, %scan3A_27#1 : vector<16xf32>
      %min3A_29 = arith.minimumf %scan3A_27#2, %scan3A_27#3 : vector<16xf32>
      %min3A_30 = arith.minimumf %min3A, %min3A_29 : vector<16xf32>
      %reduce_min3A = arith.constant true
      %reduce_min3A_31 = vector.broadcast %reduce_min3A : i1 to vector<16xi1>
      %reduce_min3A_32 = tpu.scan <min>, %min3A_30 masked %reduce_min3A_31 : vector<16xf32>, vector<16xi1> -> vector<16xf32>
      %reduce_min3A_33 = vector.extract %reduce_min3A_32[15] : f32 from vector<16xf32>
      %min3A_34 = arith.minimumf %scan3A_27#0, %scan3A_27#1 : vector<16xf32>
      %min3A_35 = arith.minimumf %scan3A_27#2, %scan3A_27#3 : vector<16xf32>
      %min3A_36 = arith.minimumf %min3A_34, %min3A_35 : vector<16xf32>
      %bitcast3A = vector.bitcast %min3A_36 : vector<16xf32> to vector<16xi32>
      %shift_right_arithmetic3A = arith.constant 31 : i32
      %shift_right_arithmetic3A_37 = vector.broadcast %shift_right_arithmetic3A : i32 to vector<16xi32>
      %shift_right_arithmetic3A_38 = arith.shrsi %bitcast3A, %shift_right_arithmetic3A_37 : vector<16xi32>
      %and3A = arith.constant 2147483647 : i32
      %and3A_39 = vector.broadcast %and3A : i32 to vector<16xi32>
      %and3A_40 = arith.andi %shift_right_arithmetic3A_38, %and3A_39 : vector<16xi32>
      %xor3A = arith.xori %bitcast3A, %and3A_40 : vector<16xi32>
      %reduce_min3A_41 = arith.constant true
      %reduce_min3A_42 = vector.broadcast %reduce_min3A_41 : i1 to vector<16xi1>
      %reduce_min3A_43 = arith.constant -2147483648 : i32
      %reduce_min3A_44 = vector.broadcast %reduce_min3A_43 : i32 to vector<16xi32>
      %reduce_min3A_45 = arith.xori %xor3A, %reduce_min3A_44 : vector<16xi32>
      %reduce_min3A_46 = tpu.scan <min>, %reduce_min3A_45 masked %reduce_min3A_42 : vector<16xi32>, vector<16xi1> -> vector<16xi32>
      %reduce_min3A_47 = arith.xori %reduce_min3A_46, %reduce_min3A_44 : vector<16xi32>
      %reduce_min3A_48 = vector.extract %reduce_min3A_47[15] : i32 from vector<16xi32>
      %max3A = arith.maximumf %scan3A_27#0, %scan3A_27#1 : vector<16xf32>
      %max3A_49 = arith.maximumf %scan3A_27#2, %scan3A_27#3 : vector<16xf32>
      %max3A_50 = arith.maximumf %max3A, %max3A_49 : vector<16xf32>
      %bitcast3A_51 = vector.bitcast %max3A_50 : vector<16xf32> to vector<16xi32>
      %shift_right_arithmetic3A_52 = arith.constant 31 : i32
      %shift_right_arithmetic3A_53 = vector.broadcast %shift_right_arithmetic3A_52 : i32 to vector<16xi32>
      %shift_right_arithmetic3A_54 = arith.shrsi %bitcast3A_51, %shift_right_arithmetic3A_53 : vector<16xi32>
      %and3A_55 = arith.constant 2147483647 : i32
      %and3A_56 = vector.broadcast %and3A_55 : i32 to vector<16xi32>
      %and3A_57 = arith.andi %shift_right_arithmetic3A_54, %and3A_56 : vector<16xi32>
      %xor3A_58 = arith.xori %bitcast3A_51, %and3A_57 : vector<16xi32>
      %reduce_max3A = arith.constant true
      %reduce_max3A_59 = vector.broadcast %reduce_max3A : i1 to vector<16xi1>
      %reduce_max3A_60 = arith.constant -2147483648 : i32
      %reduce_max3A_61 = vector.broadcast %reduce_max3A_60 : i32 to vector<16xi32>
      %reduce_max3A_62 = arith.xori %xor3A_58, %reduce_max3A_61 : vector<16xi32>
      %reduce_max3A_63 = tpu.scan <max>, %reduce_max3A_62 masked %reduce_max3A_59 : vector<16xi32>, vector<16xi1> -> vector<16xi32>
      %reduce_max3A_64 = arith.xori %reduce_max3A_63, %reduce_max3A_61 : vector<16xi32>
      %reduce_max3A_65 = vector.extract %reduce_max3A_64[15] : i32 from vector<16xi32>
      %scan3A_66 = arith.constant 0 : i32
      %scan3A_67 = arith.constant 0 : i32
      %scan3A_68 = arith.constant 512 : i32
      %scan3A_69 = arith.addi %scan3A_67, %scan3A_68 : i32
      %scan3A_70 = arith.constant 1 : i32
      %scan3A_71 = scf.for %scan3A_3771 = %scan3A_67 to %scan3A_69 step %scan3A_70 iter_args(%scan3A_3772 = %scan3A_66) -> (i32)  : i32 {
        %mul3A_3773 = arith.constant 64 : i32
        %mul3A_3774 = arith.muli %scan3A_3771, %mul3A_3773 : i32
        %mul3A_3775 = arith.constant 64 : i32
        %mul3A_3776 = arith.muli %scan3A_3771, %mul3A_3775 : i32
        %add3A_3777 = vector.broadcast %mul3A_3776 : i32 to vector<16xi32>
        %add3A_3778 = arith.addi %broadcast_in_dim3A_1, %add3A_3777 : vector<16xi32>
        %add3A_3779 = arith.constant 0 : i32
        %add3A_3780 = arith.addi %mul3A_3774, %add3A_3779 : i32
        %get3A_3781 = arith.index_cast %add3A_3780 : i32 to index
        %get3A_3782 = tpu.vector_load %arg5[%get3A_3781] {strides = array<i32>} : memref<32768xf32, #tpu.memory_space<vmem>>, vector<16xf32>,
        %ge3A = vector.broadcast %reduce_min3A_33 : f32 to vector<16xf32>
        %ge3A_3783 = arith.cmpf oge, %get3A_3782, %ge3A : vector<16xf32>
        %add3A_3784 = arith.constant 0 : i32
        %add3A_3785 = arith.addi %mul3A_3774, %add3A_3784 : i32
        %swap3A = arith.index_cast %add3A_3785 : i32 to index
        %swap3A_3786 = tpu.vector_load %arg5[%swap3A] {strides = array<i32>} : memref<32768xf32, #tpu.memory_space<vmem>>, vector<16xf32>,
        tpu.vector_store %arg5[%swap3A], %broadcast_in_dim3A_3 {strides = array<i32>} : memref<32768xf32, #tpu.memory_space<vmem>>, vector<16xf32>,
        %bitcast3A_3787 = vector.bitcast %get3A_3782 : vector<16xf32> to vector<16xi32>
        %shift_right_arithmetic3A_3788 = arith.constant 31 : i32
        %shift_right_arithmetic3A_3789 = vector.broadcast %shift_right_arithmetic3A_3788 : i32 to vector<16xi32>
        %shift_right_arithmetic3A_3790 = arith.shrsi %bitcast3A_3787, %shift_right_arithmetic3A_3789 : vector<16xi32>
        %and3A_3791 = arith.constant 2147483647 : i32
        %and3A_3792 = vector.broadcast %and3A_3791 : i32 to vector<16xi32>
        %and3A_3793 = arith.andi %shift_right_arithmetic3A_3790, %and3A_3792 : vector<16xi32>
        %xor3A_3794 = arith.xori %bitcast3A_3787, %and3A_3793 : vector<16xi32>
        %swap3A_3795 = arith.index_cast %scan3A_3772 : i32 to index
        %swap3A_3796 = tpu.vector_load %arg6[%swap3A_3795] masked %ge3A_3783 {strides = array<i32>} : memref<32784xi32, #tpu.memory_space<vmem>>, vector<16xi32>, vector<16xi1>
        tpu.vector_store %arg6[%swap3A_3795], %xor3A_3794 masked %ge3A_3783 {strides = array<i32>} : memref<32784xi32, #tpu.memory_space<vmem>>, vector<16xi32>, vector<16xi1>
        %add3A_3797 = arith.constant 0 : i32
        %add3A_3798 = vector.broadcast %add3A_3797 : i32 to vector<16xi32>
        %add3A_3799 = arith.addi %iota3A, %add3A_3798 : vector<16xi32>
        %add3A_3800 = arith.addi %add3A_3778, %add3A_3799 : vector<16xi32>
        %swap3A_3801 = arith.index_cast %scan3A_3772 : i32 to index
        %swap3A_3802 = tpu.vector_load %arg7[%swap3A_3801] masked %ge3A_3783 {strides = array<i32>} : memref<32784xi32, #tpu.memory_space<vmem>>, vector<16xi32>, vector<16xi1>
        tpu.vector_store %arg7[%swap3A_3801], %add3A_3800 masked %ge3A_3783 {strides = array<i32>} : memref<32784xi32, #tpu.memory_space<vmem>>, vector<16xi32>, vector<16xi1>
        %all_reduce_population_count3A_3803 = tpu.all_reduce %ge3A_3783 {dim = 0 : i64, kind = #tpu.reduction_kind<sum>} : vector<16xi1> -> vector<16xi32>
        %slice3A_3804 = vector.extract_strided_slice %all_reduce_population_count3A_3803 {offsets = [0], sizes = [1], strides = [1]} : vector<16xi32> to vector<1xi32>
        %squeeze3A_3805 = vector.extract %slice3A_3804[0] : i32 from vector<1xi32>
        %add3A_3806 = arith.addi %scan3A_3772, %squeeze3A_3805 : i32
        %add3A_3807 = arith.constant 16 : i32
        %add3A_3808 = arith.addi %mul3A_3774, %add3A_3807 : i32
        %get3A_3809 = arith.index_cast %add3A_3808 : i32 to index
        %get3A_3810 = tpu.vector_load %arg5[%get3A_3809] {strides = array<i32>} : memref<32768xf32, #tpu.memory_space<vmem>>, vector<16xf32>,
        %ge3A_3811 = vector.broadcast %reduce_min3A_33 : f32 to vector<16xf32>
        %ge3A_3812 = arith.cmpf oge, %get3A_3810, %ge3A_3811 : vector<16xf32>
        %add3A_3813 = arith.constant 16 : i32
        %add3A_3814 = arith.addi %mul3A_3774, %add3A_3813 : i32
        %swap3A_3815 = arith.index_cast %add3A_3814 : i32 to index
        %swap3A_3816 = tpu.vector_load %arg5[%swap3A_3815] {strides = array<i32>} : memref<32768xf32, #tpu.memory_space<vmem>>, vector<16xf32>,
        tpu.vector_store %arg5[%swap3A_3815], %broadcast_in_dim3A_3 {strides = array<i32>} : memref<32768xf32, #tpu.memory_space<vmem>>, vector<16xf32>,
        %bitcast3A_3817 = vector.bitcast %get3A_3810 : vector<16xf32> to vector<16xi32>
        %shift_right_arithmetic3A_3818 = arith.constant 31 : i32
        %shift_right_arithmetic3A_3819 = vector.broadcast %shift_right_arithmetic3A_3818 : i32 to vector<16xi32>
        %shift_right_arithmetic3A_3820 = arith.shrsi %bitcast3A_3817, %shift_right_arithmetic3A_3819 : vector<16xi32>
        %and3A_3821 = arith.constant 2147483647 : i32
        %and3A_3822 = vector.broadcast %and3A_3821 : i32 to vector<16xi32>
        %and3A_3823 = arith.andi %shift_right_arithmetic3A_3820, %and3A_3822 : vector<16xi32>
        %xor3A_3824 = arith.xori %bitcast3A_3817, %and3A_3823 : vector<16xi32>
        %swap3A_3825 = arith.index_cast %add3A_3806 : i32 to index
        %swap3A_3826 = tpu.vector_load %arg6[%swap3A_3825] masked %ge3A_3812 {strides = array<i32>} : memref<32784xi32, #tpu.memory_space<vmem>>, vector<16xi32>, vector<16xi1>
        tpu.vector_store %arg6[%swap3A_3825], %xor3A_3824 masked %ge3A_3812 {strides = array<i32>} : memref<32784xi32, #tpu.memory_space<vmem>>, vector<16xi32>, vector<16xi1>
        %add3A_3827 = arith.constant 16 : i32
        %add3A_3828 = vector.broadcast %add3A_3827 : i32 to vector<16xi32>
        %add3A_3829 = arith.addi %iota3A, %add3A_3828 : vector<16xi32>
        %add3A_3830 = arith.addi %add3A_3778, %add3A_3829 : vector<16xi32>
        %swap3A_3831 = arith.index_cast %add3A_3806 : i32 to index
        %swap3A_3832 = tpu.vector_load %arg7[%swap3A_3831] masked %ge3A_3812 {strides = array<i32>} : memref<32784xi32, #tpu.memory_space<vmem>>, vector<16xi32>, vector<16xi1>
        tpu.vector_store %arg7[%swap3A_3831], %add3A_3830 masked %ge3A_3812 {strides = array<i32>} : memref<32784xi32, #tpu.memory_space<vmem>>, vector<16xi32>, vector<16xi1>
        %all_reduce_population_count3A_3833 = tpu.all_reduce %ge3A_3812 {dim = 0 : i64, kind = #tpu.reduction_kind<sum>} : vector<16xi1> -> vector<16xi32>
        %slice3A_3834 = vector.extract_strided_slice %all_reduce_population_count3A_3833 {offsets = [0], sizes = [1], strides = [1]} : vector<16xi32> to vector<1xi32>
        %squeeze3A_3835 = vector.extract %slice3A_3834[0] : i32 from vector<1xi32>
        %add3A_3836 = arith.addi %add3A_3806, %squeeze3A_3835 : i32
        %add3A_3837 = arith.constant 32 : i32
        %add3A_3838 = arith.addi %mul3A_3774, %add3A_3837 : i32
        %get3A_3839 = arith.index_cast %add3A_3838 : i32 to index
        %get3A_3840 = tpu.vector_load %arg5[%get3A_3839] {strides = array<i32>} : memref<32768xf32, #tpu.memory_space<vmem>>, vector<16xf32>,
        %ge3A_3841 = vector.broadcast %reduce_min3A_33 : f32 to vector<16xf32>
        %ge3A_3842 = arith.cmpf oge, %get3A_3840, %ge3A_3841 : vector<16xf32>
        %add3A_3843 = arith.constant 32 : i32
        %add3A_3844 = arith.addi %mul3A_3774, %add3A_3843 : i32
        %swap3A_3845 = arith.index_cast %add3A_3844 : i32 to index
        %swap3A_3846 = tpu.vector_load %arg5[%swap3A_3845] {strides = array<i32>} : memref<32768xf32, #tpu.memory_space<vmem>>, vector<16xf32>,
        tpu.vector_store %arg5[%swap3A_3845], %broadcast_in_dim3A_3 {strides = array<i32>} : memref<32768xf32, #tpu.memory_space<vmem>>, vector<16xf32>,
        %bitcast3A_3847 = vector.bitcast %get3A_3840 : vector<16xf32> to vector<16xi32>
        %shift_right_arithmetic3A_3848 = arith.constant 31 : i32
        %shift_right_arithmetic3A_3849 = vector.broadcast %shift_right_arithmetic3A_3848 : i32 to vector<16xi32>
        %shift_right_arithmetic3A_3850 = arith.shrsi %bitcast3A_3847, %shift_right_arithmetic3A_3849 : vector<16xi32>
        %and3A_3851 = arith.constant 2147483647 : i32
        %and3A_3852 = vector.broadcast %and3A_3851 : i32 to vector<16xi32>
        %and3A_3853 = arith.andi %shift_right_arithmetic3A_3850, %and3A_3852 : vector<16xi32>
        %xor3A_3854 = arith.xori %bitcast3A_3847, %and3A_3853 : vector<16xi32>
        %swap3A_3855 = arith.index_cast %add3A_3836 : i32 to index
        %swap3A_3856 = tpu.vector_load %arg6[%swap3A_3855] masked %ge3A_3842 {strides = array<i32>} : memref<32784xi32, #tpu.memory_space<vmem>>, vector<16xi32>, vector<16xi1>
        tpu.vector_store %arg6[%swap3A_3855], %xor3A_3854 masked %ge3A_3842 {strides = array<i32>} : memref<32784xi32, #tpu.memory_space<vmem>>, vector<16xi32>, vector<16xi1>
        %add3A_3857 = arith.constant 32 : i32
        %add3A_3858 = vector.broadcast %add3A_3857 : i32 to vector<16xi32>
        %add3A_3859 = arith.addi %iota3A, %add3A_3858 : vector<16xi32>
        %add3A_3860 = arith.addi %add3A_3778, %add3A_3859 : vector<16xi32>
        %swap3A_3861 = arith.index_cast %add3A_3836 : i32 to index
        %swap3A_3862 = tpu.vector_load %arg7[%swap3A_3861] masked %ge3A_3842 {strides = array<i32>} : memref<32784xi32, #tpu.memory_space<vmem>>, vector<16xi32>, vector<16xi1>
        tpu.vector_store %arg7[%swap3A_3861], %add3A_3860 masked %ge3A_3842 {strides = array<i32>} : memref<32784xi32, #tpu.memory_space<vmem>>, vector<16xi32>, vector<16xi1>
        %all_reduce_population_count3A_3863 = tpu.all_reduce %ge3A_3842 {dim = 0 : i64, kind = #tpu.reduction_kind<sum>} : vector<16xi1> -> vector<16xi32>
        %slice3A_3864 = vector.extract_strided_slice %all_reduce_population_count3A_3863 {offsets = [0], sizes = [1], strides = [1]} : vector<16xi32> to vector<1xi32>
        %squeeze3A_3865 = vector.extract %slice3A_3864[0] : i32 from vector<1xi32>
        %add3A_3866 = arith.addi %add3A_3836, %squeeze3A_3865 : i32
        %add3A_3867 = arith.constant 48 : i32
        %add3A_3868 = arith.addi %mul3A_3774, %add3A_3867 : i32
        %get3A_3869 = arith.index_cast %add3A_3868 : i32 to index
        %get3A_3870 = tpu.vector_load %arg5[%get3A_3869] {strides = array<i32>} : memref<32768xf32, #tpu.memory_space<vmem>>, vector<16xf32>,
        %ge3A_3871 = vector.broadcast %reduce_min3A_33 : f32 to vector<16xf32>
        %ge3A_3872 = arith.cmpf oge, %get3A_3870, %ge3A_3871 : vector<16xf32>
        %add3A_3873 = arith.constant 48 : i32
        %add3A_3874 = arith.addi %mul3A_3774, %add3A_3873 : i32
        %swap3A_3875 = arith.index_cast %add3A_3874 : i32 to index
        %swap3A_3876 = tpu.vector_load %arg5[%swap3A_3875] {strides = array<i32>} : memref<32768xf32, #tpu.memory_space<vmem>>, vector<16xf32>,
        tpu.vector_store %arg5[%swap3A_3875], %broadcast_in_dim3A_3 {strides = array<i32>} : memref<32768xf32, #tpu.memory_space<vmem>>, vector<16xf32>,
        %bitcast3A_3877 = vector.bitcast %get3A_3870 : vector<16xf32> to vector<16xi32>
        %shift_right_arithmetic3A_3878 = arith.constant 31 : i32
        %shift_right_arithmetic3A_3879 = vector.broadcast %shift_right_arithmetic3A_3878 : i32 to vector<16xi32>
        %shift_right_arithmetic3A_3880 = arith.shrsi %bitcast3A_3877, %shift_right_arithmetic3A_3879 : vector<16xi32>
        %and3A_3881 = arith.constant 2147483647 : i32
        %and3A_3882 = vector.broadcast %and3A_3881 : i32 to vector<16xi32>
        %and3A_3883 = arith.andi %shift_right_arithmetic3A_3880, %and3A_3882 : vector<16xi32>
        %xor3A_3884 = arith.xori %bitcast3A_3877, %and3A_3883 : vector<16xi32>
        %swap3A_3885 = arith.index_cast %add3A_3866 : i32 to index
        %swap3A_3886 = tpu.vector_load %arg6[%swap3A_3885] masked %ge3A_3872 {strides = array<i32>} : memref<32784xi32, #tpu.memory_space<vmem>>, vector<16xi32>, vector<16xi1>
        tpu.vector_store %arg6[%swap3A_3885], %xor3A_3884 masked %ge3A_3872 {strides = array<i32>} : memref<32784xi32, #tpu.memory_space<vmem>>, vector<16xi32>, vector<16xi1>
        %add3A_3887 = arith.constant 48 : i32
        %add3A_3888 = vector.broadcast %add3A_3887 : i32 to vector<16xi32>
        %add3A_3889 = arith.addi %iota3A, %add3A_3888 : vector<16xi32>
        %add3A_3890 = arith.addi %add3A_3778, %add3A_3889 : vector<16xi32>
        %swap3A_3891 = arith.index_cast %add3A_3866 : i32 to index
        %swap3A_3892 = tpu.vector_load %arg7[%swap3A_3891] masked %ge3A_3872 {strides = array<i32>} : memref<32784xi32, #tpu.memory_space<vmem>>, vector<16xi32>, vector<16xi1>
        tpu.vector_store %arg7[%swap3A_3891], %add3A_3890 masked %ge3A_3872 {strides = array<i32>} : memref<32784xi32, #tpu.memory_space<vmem>>, vector<16xi32>, vector<16xi1>
        %all_reduce_population_count3A_3893 = tpu.all_reduce %ge3A_3872 {dim = 0 : i64, kind = #tpu.reduction_kind<sum>} : vector<16xi1> -> vector<16xi32>
        %slice3A_3894 = vector.extract_strided_slice %all_reduce_population_count3A_3893 {offsets = [0], sizes = [1], strides = [1]} : vector<16xi32> to vector<1xi32>
        %squeeze3A_3895 = vector.extract %slice3A_3894[0] : i32 from vector<1xi32>
        %add3A_3896 = arith.addi %add3A_3866, %squeeze3A_3895 : i32
        scf.yield %add3A_3896 : i32
      }
      %scan3A_72 = arith.constant 512 : i32
      %add3A_73 = arith.constant 16 : i32
      %add3A_74 = arith.addi %scan3A_71, %add3A_73 : i32
      %sub3A = arith.constant 1 : i32
      %sub3A_75 = arith.subi %add3A_74, %sub3A : i32
      %jit3A = arith.constant 16 : i32
      %div3A = arith.divsi %sub3A_75, %jit3A : i32
      %sign3A = arith.constant 0 : i32
      %sign3A_76 = arith.cmpi sgt, %sub3A_75, %sign3A : i32
      %sign3A_77 = arith.extui %sign3A_76 : i1 to i32
      %sign3A_78 = arith.constant 0 : i32
      %sign3A_79 = arith.cmpi slt, %sub3A_75, %sign3A_78 : i32
      %sign3A_80 = arith.extui %sign3A_79 : i1 to i32
      %sign3A_81 = arith.subi %sign3A_77, %sign3A_80 : i32
      %sign3A_82 = arith.constant 0 : i32
      %sign3A_83 = arith.cmpi sgt, %jit3A, %sign3A_82 : i32
      %sign3A_84 = arith.extui %sign3A_83 : i1 to i32
      %sign3A_85 = arith.constant 0 : i32
      %sign3A_86 = arith.cmpi slt, %jit3A, %sign3A_85 : i32
      %sign3A_87 = arith.extui %sign3A_86 : i1 to i32
      %sign3A_88 = arith.subi %sign3A_84, %sign3A_87 : i32
      %ne3A = arith.cmpi ne, %sign3A_81, %sign3A_88 : i32
      %rem3A = arith.remsi %sub3A_75, %jit3A : i32
      %ne3A_89 = arith.constant 0 : i32
      %ne3A_90 = arith.cmpi ne, %rem3A, %ne3A_89 : i32
      %and3A_91 = arith.andi %ne3A, %ne3A_90 : i1
      %sub3A_92 = arith.constant 1 : i32
      %sub3A_93 = arith.subi %div3A, %sub3A_92 : i32
      %select_n3A = arith.select %and3A_91, %sub3A_93, %div3A : i32
      %scan3A_94 = arith.constant 0 : i32
      %scan3A_95 = arith.constant 0 : i32
      %scan3A_96 = arith.constant 32 : i32
      %scan3A_97 = arith.addi %scan3A_95, %scan3A_96 : i32
      %scan3A_98 = arith.constant 1 : i32
      %scan3A_99 = scf.for %scan3A_3771 = %scan3A_95 to %scan3A_97 step %scan3A_98 iter_args(%scan3A_3772 = %scan3A_94) -> (i32)  : i32 {
        %sub3A_3773 = arith.constant 31 : i32
        %sub3A_3774 = arith.subi %sub3A_3773, %scan3A_3771 : i32
        %shift_left3A = arith.constant 1 : i32
        %shift_left3A_3775 = arith.shli %shift_left3A, %sub3A_3774 : i32
        %or3A_3776 = arith.ori %scan3A_3772, %shift_left3A_3775 : i32
        %xor3A_3777 = arith.constant -2147483648 : i32
        %xor3A_3778 = arith.xori %or3A_3776, %xor3A_3777 : i32
        %gt3A_3779 = arith.cmpi sgt, %xor3A_3778, %reduce_max3A_65 : i32
        %lt3A_3780 = arith.cmpi slt, %xor3A_3778, %reduce_min3A_48 : i32
        %or3A_3781 = arith.ori %gt3A_3779, %lt3A_3780 : i1
        %convert_element_type3A = arith.extui %or3A_3781 : i1 to i32
        %cond3A = arith.constant 0 : i32
        %cond3A_3782 = arith.cmpi ne, %convert_element_type3A, %cond3A : i32
        %cond3A_3783 = scf.if %cond3A_3782 -> (i1) {
          %lt3A_3785 = arith.cmpi slt, %xor3A_3778, %reduce_min3A_48 : i32
          scf.yield %lt3A_3785 : i1
        } else {
          %while3A_3785 = arith.constant 0 : i32
          %while3A_3786 = arith.subi %select_n3A, %while3A_3785 : i32
          %while3A_3787 = arith.addi %while3A_3785, %while3A_3786 : i32
          %while3A_3788 = arith.constant 1 : i32
          %while3A_3789 = arith.divsi %while3A_3786, %while3A_3788 : i32
          %while3A_3790 = arith.muli %while3A_3789, %while3A_3788 : i32
          %while3A_3791 = arith.addi %while3A_3785, %while3A_3790 : i32
          %while3A_3792 = arith.constant 1 : i32
          %while3A_3793 = scf.for %while3A_3805 = %while3A_3785 to %while3A_3791 step %while3A_3792 iter_args(%while3A_3806 = %broadcast_in_dim3A_1) -> (vector<16xi32>)  : i32 {
            %mul3A_3807 = arith.constant 16 : i32
            %mul3A_3808 = arith.muli %while3A_3805, %mul3A_3807 : i32
            %get3A_3809 = arith.index_cast %mul3A_3808 : i32 to index
            %get3A_3810 = tpu.vector_load %arg6[%get3A_3809] {strides = array<i32>} : memref<32784xi32, #tpu.memory_space<vmem>>, vector<16xi32>,
            %mul3A_3811 = arith.constant 16 : i32
            %mul3A_3812 = arith.muli %while3A_3805, %mul3A_3811 : i32
            %add3A_3813 = vector.broadcast %mul3A_3812 : i32 to vector<16xi32>
            %add3A_3814 = arith.addi %iota3A, %add3A_3813 : vector<16xi32>
            %lt3A_3815 = vector.broadcast %scan3A_71 : i32 to vector<16xi32>
            %lt3A_3816 = arith.cmpi slt, %add3A_3814, %lt3A_3815 : vector<16xi32>
            %ge3A_3817 = vector.broadcast %xor3A_3778 : i32 to vector<16xi32>
            %ge3A_3818 = arith.cmpi sge, %get3A_3810, %ge3A_3817 : vector<16xi32>
            %and3A_3819 = arith.andi %lt3A_3816, %ge3A_3818 : vector<16xi1>
            %all_reduce_population_count3A_3820 = tpu.all_reduce %and3A_3819 {dim = 0 : i64, kind = #tpu.reduction_kind<sum>} : vector<16xi1> -> vector<16xi32>
            %add3A_3821 = arith.addi %while3A_3806, %all_reduce_population_count3A_3820 : vector<16xi32>
            scf.yield %add3A_3821 : vector<16xi32>
          }
          %while3A_3794 = arith.constant 1 : i32
          %while3A_3795 = scf.for %while3A_3805 = %while3A_3791 to %while3A_3787 step %while3A_3794 iter_args(%while3A_3806 = %while3A_3793) -> (vector<16xi32>)  : i32 {
            %mul3A_3807 = arith.constant 16 : i32
            %mul3A_3808 = arith.muli %while3A_3805, %mul3A_3807 : i32
            %get3A_3809 = arith.index_cast %mul3A_3808 : i32 to index
            %get3A_3810 = tpu.vector_load %arg6[%get3A_3809] {strides = array<i32>} : memref<32784xi32, #tpu.memory_space<vmem>>, vector<16xi32>,
            %mul3A_3811 = arith.constant 16 : i32
            %mul3A_3812 = arith.muli %while3A_3805, %mul3A_3811 : i32
            %add3A_3813 = vector.broadcast %mul3A_3812 : i32 to vector<16xi32>
            %add3A_3814 = arith.addi %iota3A, %add3A_3813 : vector<16xi32>
            %lt3A_3815 = vector.broadcast %scan3A_71 : i32 to vector<16xi32>
            %lt3A_3816 = arith.cmpi slt, %add3A_3814, %lt3A_3815 : vector<16xi32>
            %ge3A_3817 = vector.broadcast %xor3A_3778 : i32 to vector<16xi32>
            %ge3A_3818 = arith.cmpi sge, %get3A_3810, %ge3A_3817 : vector<16xi32>
            %and3A_3819 = arith.andi %lt3A_3816, %ge3A_3818 : vector<16xi1>
            %all_reduce_population_count3A_3820 = tpu.all_reduce %and3A_3819 {dim = 0 : i64, kind = #tpu.reduction_kind<sum>} : vector<16xi1> -> vector<16xi32>
            %add3A_3821 = arith.addi %while3A_3806, %all_reduce_population_count3A_3820 : vector<16xi32>
            scf.yield %add3A_3821 : vector<16xi32>
          }
          %reduce_max3A_3796 = arith.constant true
          %reduce_max3A_3797 = vector.broadcast %reduce_max3A_3796 : i1 to vector<16xi1>
          %reduce_max3A_3798 = arith.constant -2147483648 : i32
          %reduce_max3A_3799 = vector.broadcast %reduce_max3A_3798 : i32 to vector<16xi32>
          %reduce_max3A_3800 = arith.xori %while3A_3795, %reduce_max3A_3799 : vector<16xi32>
          %reduce_max3A_3801 = tpu.scan <max>, %reduce_max3A_3800 masked %reduce_max3A_3797 : vector<16xi32>, vector<16xi1> -> vector<16xi32>
          %reduce_max3A_3802 = arith.xori %reduce_max3A_3801, %reduce_max3A_3799 : vector<16xi32>
          %reduce_max3A_3803 = vector.extract %reduce_max3A_3802[15] : i32 from vector<16xi32>
          %ge3A = arith.constant 64 : i32
          %ge3A_3804 = arith.cmpi sge, %reduce_max3A_3803, %ge3A : i32
          scf.yield %ge3A_3804 : i1
        }
        %select_n3A_3784 = arith.select %cond3A_3783, %or3A_3776, %scan3A_3772 : i32
        scf.yield %select_n3A_3784 : i32
      }
      %scan3A_100 = arith.constant 32 : i32
      %xor3A_101 = arith.constant -2147483648 : i32
      %xor3A_102 = arith.xori %scan3A_99, %xor3A_101 : i32
      %while3A = arith.constant 0 : i32
      %while3A_103 = arith.subi %select_n3A, %while3A : i32
      %while3A_104 = arith.addi %while3A, %while3A_103 : i32
      %while3A_105 = arith.constant 1 : i32
      %while3A_106 = arith.divsi %while3A_103, %while3A_105 : i32
      %while3A_107 = arith.muli %while3A_106, %while3A_105 : i32
      %while3A_108 = arith.addi %while3A, %while3A_107 : i32
      %while3A_109 = arith.constant 1 : i32
      %while3A_110 = scf.for %while3A_3771 = %while3A to %while3A_108 step %while3A_109 iter_args(%while3A_3772 = %broadcast_in_dim3A_1) -> (vector<16xi32>)  : i32 {
        %mul3A_3773 = arith.constant 16 : i32
        %mul3A_3774 = arith.muli %while3A_3771, %mul3A_3773 : i32
        %get3A_3775 = arith.index_cast %mul3A_3774 : i32 to index
        %get3A_3776 = tpu.vector_load %arg6[%get3A_3775] {strides = array<i32>} : memref<32784xi32, #tpu.memory_space<vmem>>, vector<16xi32>,
        %mul3A_3777 = arith.constant 16 : i32
        %mul3A_3778 = arith.muli %while3A_3771, %mul3A_3777 : i32
        %add3A_3779 = vector.broadcast %mul3A_3778 : i32 to vector<16xi32>
        %add3A_3780 = arith.addi %iota3A, %add3A_3779 : vector<16xi32>
        %lt3A_3781 = vector.broadcast %scan3A_71 : i32 to vector<16xi32>
        %lt3A_3782 = arith.cmpi slt, %add3A_3780, %lt3A_3781 : vector<16xi32>
        %gt3A_3783 = vector.broadcast %xor3A_102 : i32 to vector<16xi32>
        %gt3A_3784 = arith.cmpi sgt, %get3A_3776, %gt3A_3783 : vector<16xi32>
        %and3A_3785 = arith.andi %lt3A_3782, %gt3A_3784 : vector<16xi1>
        %all_reduce_population_count3A_3786 = tpu.all_reduce %and3A_3785 {dim = 0 : i64, kind = #tpu.reduction_kind<sum>} : vector<16xi1> -> vector<16xi32>
        %add3A_3787 = arith.addi %while3A_3772, %all_reduce_population_count3A_3786 : vector<16xi32>
        scf.yield %add3A_3787 : vector<16xi32>
      }
      %while3A_111 = arith.constant 1 : i32
      %while3A_112 = scf.for %while3A_3771 = %while3A_108 to %while3A_104 step %while3A_111 iter_args(%while3A_3772 = %while3A_110) -> (vector<16xi32>)  : i32 {
        %mul3A_3773 = arith.constant 16 : i32
        %mul3A_3774 = arith.muli %while3A_3771, %mul3A_3773 : i32
        %get3A_3775 = arith.index_cast %mul3A_3774 : i32 to index
        %get3A_3776 = tpu.vector_load %arg6[%get3A_3775] {strides = array<i32>} : memref<32784xi32, #tpu.memory_space<vmem>>, vector<16xi32>,
        %mul3A_3777 = arith.constant 16 : i32
        %mul3A_3778 = arith.muli %while3A_3771, %mul3A_3777 : i32
        %add3A_3779 = vector.broadcast %mul3A_3778 : i32 to vector<16xi32>
        %add3A_3780 = arith.addi %iota3A, %add3A_3779 : vector<16xi32>
        %lt3A_3781 = vector.broadcast %scan3A_71 : i32 to vector<16xi32>
        %lt3A_3782 = arith.cmpi slt, %add3A_3780, %lt3A_3781 : vector<16xi32>
        %gt3A_3783 = vector.broadcast %xor3A_102 : i32 to vector<16xi32>
        %gt3A_3784 = arith.cmpi sgt, %get3A_3776, %gt3A_3783 : vector<16xi32>
        %and3A_3785 = arith.andi %lt3A_3782, %gt3A_3784 : vector<16xi1>
        %all_reduce_population_count3A_3786 = tpu.all_reduce %and3A_3785 {dim = 0 : i64, kind = #tpu.reduction_kind<sum>} : vector<16xi1> -> vector<16xi32>
        %add3A_3787 = arith.addi %while3A_3772, %all_reduce_population_count3A_3786 : vector<16xi32>
        scf.yield %add3A_3787 : vector<16xi32>
      }
      %reduce_max3A_113 = arith.constant true
      %reduce_max3A_114 = vector.broadcast %reduce_max3A_113 : i1 to vector<16xi1>
      %reduce_max3A_115 = arith.constant -2147483648 : i32
      %reduce_max3A_116 = vector.broadcast %reduce_max3A_115 : i32 to vector<16xi32>
      %reduce_max3A_117 = arith.xori %while3A_112, %reduce_max3A_116 : vector<16xi32>
      %reduce_max3A_118 = tpu.scan <max>, %reduce_max3A_117 masked %reduce_max3A_114 : vector<16xi32>, vector<16xi1> -> vector<16xi32>
      %reduce_max3A_119 = arith.xori %reduce_max3A_118, %reduce_max3A_116 : vector<16xi32>
      %reduce_max3A_120 = vector.extract %reduce_max3A_119[15] : i32 from vector<16xi32>
      %sub3A_121 = arith.constant 64 : i32
      %sub3A_122 = arith.subi %sub3A_121, %reduce_max3A_120 : i32
      %while3A_123 = arith.constant 0 : i32
      %while3A_124 = arith.subi %select_n3A, %while3A_123 : i32
      %while3A_125 = arith.addi %while3A_123, %while3A_124 : i32
      %while3A_126 = arith.constant 1 : i32
      %while3A_127 = arith.divsi %while3A_124, %while3A_126 : i32
      %while3A_128 = arith.muli %while3A_127, %while3A_126 : i32
      %while3A_129 = arith.addi %while3A_123, %while3A_128 : i32
      %while3A_130 = arith.constant 1 : i32
      %while3A_131:2 = scf.for %while3A_3771 = %while3A_123 to %while3A_129 step %while3A_130 iter_args(%while3A_3772 = %broadcast_in_dim3A_1, %while3A_3773 = %broadcast_in_dim3A_1) -> (vector<16xi32>, vector<16xi32>)  : i32 {
        %mul3A_3774 = arith.constant 16 : i32
        %mul3A_3775 = arith.muli %while3A_3771, %mul3A_3774 : i32
        %get3A_3776 = arith.index_cast %mul3A_3775 : i32 to index
        %get3A_3777 = tpu.vector_load %arg6[%get3A_3776] {strides = array<i32>} : memref<32784xi32, #tpu.memory_space<vmem>>, vector<16xi32>,
        %mul3A_3778 = arith.constant 16 : i32
        %mul3A_3779 = arith.muli %while3A_3771, %mul3A_3778 : i32
        %get3A_3780 = arith.index_cast %mul3A_3779 : i32 to index
        %get3A_3781 = tpu.vector_load %arg7[%get3A_3780] {strides = array<i32>} : memref<32784xi32, #tpu.memory_space<vmem>>, vector<16xi32>,
        %mul3A_3782 = arith.constant 16 : i32
        %mul3A_3783 = arith.muli %while3A_3771, %mul3A_3782 : i32
        %add3A_3784 = vector.broadcast %mul3A_3783 : i32 to vector<16xi32>
        %add3A_3785 = arith.addi %iota3A, %add3A_3784 : vector<16xi32>
        %lt3A_3786 = vector.broadcast %scan3A_71 : i32 to vector<16xi32>
        %lt3A_3787 = arith.cmpi slt, %add3A_3785, %lt3A_3786 : vector<16xi32>
        %gt3A_3788 = vector.broadcast %xor3A_102 : i32 to vector<16xi32>
        %gt3A_3789 = arith.cmpi sgt, %get3A_3777, %gt3A_3788 : vector<16xi32>
        %and3A_3790 = arith.andi %lt3A_3787, %gt3A_3789 : vector<16xi1>
        %eq3A_3791 = vector.broadcast %xor3A_102 : i32 to vector<16xi32>
        %eq3A_3792 = arith.cmpi eq, %get3A_3777, %eq3A_3791 : vector<16xi32>
        %and3A_3793 = arith.andi %lt3A_3787, %eq3A_3792 : vector<16xi1>
        %convert_element_type3A = arith.extui %and3A_3793 : vector<16xi1> to vector<16xi32>
        %broadcast_in_dim3A_3794 = arith.constant true
        %broadcast_in_dim3A_3795 = vector.broadcast %broadcast_in_dim3A_3794 : i1 to vector<16xi1>
        %masked_cumsum3A = tpu.scan <sum>, %convert_element_type3A masked %broadcast_in_dim3A_3795 : vector<16xi32>, vector<16xi1> -> vector<16xi32>
        %add3A_3796 = arith.addi %while3A_3772, %masked_cumsum3A : vector<16xi32>
        %sub3A_3797 = arith.constant 1 : i32
        %sub3A_3798 = vector.broadcast %sub3A_3797 : i32 to vector<16xi32>
        %sub3A_3799 = arith.subi %add3A_3796, %sub3A_3798 : vector<16xi32>
        %lt3A_3800 = vector.broadcast %sub3A_122 : i32 to vector<16xi32>
        %lt3A_3801 = arith.cmpi slt, %sub3A_3799, %lt3A_3800 : vector<16xi32>
        %and3A_3802 = arith.andi %and3A_3793, %lt3A_3801 : vector<16xi1>
        %or3A_3803 = arith.ori %and3A_3790, %and3A_3802 : vector<16xi1>
        %convert_element_type3A_3804 = arith.extui %or3A_3803 : vector<16xi1> to vector<16xi32>
        %broadcast_in_dim3A_3805 = arith.constant true
        %broadcast_in_dim3A_3806 = vector.broadcast %broadcast_in_dim3A_3805 : i1 to vector<16xi1>
        %masked_cumsum3A_3807 = tpu.scan <sum>, %convert_element_type3A_3804 masked %broadcast_in_dim3A_3806 : vector<16xi32>, vector<16xi1> -> vector<16xi32>
        %add3A_3808 = arith.addi %while3A_3773, %masked_cumsum3A_3807 : vector<16xi32>
        %sub3A_3809 = arith.constant 1 : i32
        %sub3A_3810 = vector.broadcast %sub3A_3809 : i32 to vector<16xi32>
        %sub3A_3811 = arith.subi %add3A_3808, %sub3A_3810 : vector<16xi32>
        tpu.vector_store_idx %arg8[%sub3A_3811], %get3A_3777 masked %or3A_3803 : memref<64xi32, #tpu.memory_space<vmem>>[vector<16xi32>], vector<16xi32>, vector<16xi1>
        tpu.vector_store_idx %arg9[%sub3A_3811], %get3A_3781 masked %or3A_3803 : memref<64xi32, #tpu.memory_space<vmem>>[vector<16xi32>], vector<16xi32>, vector<16xi1>
        %all_reduce_population_count3A_3812 = tpu.all_reduce %and3A_3793 {dim = 0 : i64, kind = #tpu.reduction_kind<sum>} : vector<16xi1> -> vector<16xi32>
        %add3A_3813 = arith.addi %while3A_3772, %all_reduce_population_count3A_3812 : vector<16xi32>
        %all_reduce_population_count3A_3814 = tpu.all_reduce %or3A_3803 {dim = 0 : i64, kind = #tpu.reduction_kind<sum>} : vector<16xi1> -> vector<16xi32>
        %add3A_3815 = arith.addi %while3A_3773, %all_reduce_population_count3A_3814 : vector<16xi32>
        scf.yield %add3A_3813, %add3A_3815 : vector<16xi32>, vector<16xi32>
      }
      %while3A_132 = arith.constant 1 : i32
      %while3A_133:2 = scf.for %while3A_3771 = %while3A_129 to %while3A_125 step %while3A_132 iter_args(%while3A_3772 = %while3A_131#0, %while3A_3773 = %while3A_131#1) -> (vector<16xi32>, vector<16xi32>)  : i32 {
        %mul3A_3774 = arith.constant 16 : i32
        %mul3A_3775 = arith.muli %while3A_3771, %mul3A_3774 : i32
        %get3A_3776 = arith.index_cast %mul3A_3775 : i32 to index
        %get3A_3777 = tpu.vector_load %arg6[%get3A_3776] {strides = array<i32>} : memref<32784xi32, #tpu.memory_space<vmem>>, vector<16xi32>,
        %mul3A_3778 = arith.constant 16 : i32
        %mul3A_3779 = arith.muli %while3A_3771, %mul3A_3778 : i32
        %get3A_3780 = arith.index_cast %mul3A_3779 : i32 to index
        %get3A_3781 = tpu.vector_load %arg7[%get3A_3780] {strides = array<i32>} : memref<32784xi32, #tpu.memory_space<vmem>>, vector<16xi32>,
        %mul3A_3782 = arith.constant 16 : i32
        %mul3A_3783 = arith.muli %while3A_3771, %mul3A_3782 : i32
        %add3A_3784 = vector.broadcast %mul3A_3783 : i32 to vector<16xi32>
        %add3A_3785 = arith.addi %iota3A, %add3A_3784 : vector<16xi32>
        %lt3A_3786 = vector.broadcast %scan3A_71 : i32 to vector<16xi32>
        %lt3A_3787 = arith.cmpi slt, %add3A_3785, %lt3A_3786 : vector<16xi32>
        %gt3A_3788 = vector.broadcast %xor3A_102 : i32 to vector<16xi32>
        %gt3A_3789 = arith.cmpi sgt, %get3A_3777, %gt3A_3788 : vector<16xi32>
        %and3A_3790 = arith.andi %lt3A_3787, %gt3A_3789 : vector<16xi1>
        %eq3A_3791 = vector.broadcast %xor3A_102 : i32 to vector<16xi32>
        %eq3A_3792 = arith.cmpi eq, %get3A_3777, %eq3A_3791 : vector<16xi32>
        %and3A_3793 = arith.andi %lt3A_3787, %eq3A_3792 : vector<16xi1>
        %convert_element_type3A = arith.extui %and3A_3793 : vector<16xi1> to vector<16xi32>
        %broadcast_in_dim3A_3794 = arith.constant true
        %broadcast_in_dim3A_3795 = vector.broadcast %broadcast_in_dim3A_3794 : i1 to vector<16xi1>
        %masked_cumsum3A = tpu.scan <sum>, %convert_element_type3A masked %broadcast_in_dim3A_3795 : vector<16xi32>, vector<16xi1> -> vector<16xi32>
        %add3A_3796 = arith.addi %while3A_3772, %masked_cumsum3A : vector<16xi32>
        %sub3A_3797 = arith.constant 1 : i32
        %sub3A_3798 = vector.broadcast %sub3A_3797 : i32 to vector<16xi32>
        %sub3A_3799 = arith.subi %add3A_3796, %sub3A_3798 : vector<16xi32>
        %lt3A_3800 = vector.broadcast %sub3A_122 : i32 to vector<16xi32>
        %lt3A_3801 = arith.cmpi slt, %sub3A_3799, %lt3A_3800 : vector<16xi32>
        %and3A_3802 = arith.andi %and3A_3793, %lt3A_3801 : vector<16xi1>
        %or3A_3803 = arith.ori %and3A_3790, %and3A_3802 : vector<16xi1>
        %convert_element_type3A_3804 = arith.extui %or3A_3803 : vector<16xi1> to vector<16xi32>
        %broadcast_in_dim3A_3805 = arith.constant true
        %broadcast_in_dim3A_3806 = vector.broadcast %broadcast_in_dim3A_3805 : i1 to vector<16xi1>
        %masked_cumsum3A_3807 = tpu.scan <sum>, %convert_element_type3A_3804 masked %broadcast_in_dim3A_3806 : vector<16xi32>, vector<16xi1> -> vector<16xi32>
        %add3A_3808 = arith.addi %while3A_3773, %masked_cumsum3A_3807 : vector<16xi32>
        %sub3A_3809 = arith.constant 1 : i32
        %sub3A_3810 = vector.broadcast %sub3A_3809 : i32 to vector<16xi32>
        %sub3A_3811 = arith.subi %add3A_3808, %sub3A_3810 : vector<16xi32>
        tpu.vector_store_idx %arg8[%sub3A_3811], %get3A_3777 masked %or3A_3803 : memref<64xi32, #tpu.memory_space<vmem>>[vector<16xi32>], vector<16xi32>, vector<16xi1>
        tpu.vector_store_idx %arg9[%sub3A_3811], %get3A_3781 masked %or3A_3803 : memref<64xi32, #tpu.memory_space<vmem>>[vector<16xi32>], vector<16xi32>, vector<16xi1>
        %all_reduce_population_count3A_3812 = tpu.all_reduce %and3A_3793 {dim = 0 : i64, kind = #tpu.reduction_kind<sum>} : vector<16xi1> -> vector<16xi32>
        %add3A_3813 = arith.addi %while3A_3772, %all_reduce_population_count3A_3812 : vector<16xi32>
        %all_reduce_population_count3A_3814 = tpu.all_reduce %or3A_3803 {dim = 0 : i64, kind = #tpu.reduction_kind<sum>} : vector<16xi1> -> vector<16xi32>
        %add3A_3815 = arith.addi %while3A_3773, %all_reduce_population_count3A_3814 : vector<16xi32>
        scf.yield %add3A_3813, %add3A_3815 : vector<16xi32>, vector<16xi32>
      }
      %get3A = arith.constant 0 : index
      %get3A_134 = tpu.vector_load %arg8[%get3A] {strides = array<i32>} : memref<64xi32, #tpu.memory_space<vmem>>, vector<16xi32>,
      %get3A_135 = arith.constant 16 : index
      %get3A_136 = tpu.vector_load %arg8[%get3A_135] {strides = array<i32>} : memref<64xi32, #tpu.memory_space<vmem>>, vector<16xi32>,
      %get3A_137 = arith.constant 32 : index
      %get3A_138 = tpu.vector_load %arg8[%get3A_137] {strides = array<i32>} : memref<64xi32, #tpu.memory_space<vmem>>, vector<16xi32>,
      %get3A_139 = arith.constant 48 : index
      %get3A_140 = tpu.vector_load %arg8[%get3A_139] {strides = array<i32>} : memref<64xi32, #tpu.memory_space<vmem>>, vector<16xi32>,
      %get3A_141 = arith.constant 0 : index
      %get3A_142 = tpu.vector_load %arg9[%get3A_141] {strides = array<i32>} : memref<64xi32, #tpu.memory_space<vmem>>, vector<16xi32>,
      %get3A_143 = arith.constant 16 : index
      %get3A_144 = tpu.vector_load %arg9[%get3A_143] {strides = array<i32>} : memref<64xi32, #tpu.memory_space<vmem>>, vector<16xi32>,
      %get3A_145 = arith.constant 32 : index
      %get3A_146 = tpu.vector_load %arg9[%get3A_145] {strides = array<i32>} : memref<64xi32, #tpu.memory_space<vmem>>, vector<16xi32>,
      %get3A_147 = arith.constant 48 : index
      %get3A_148 = tpu.vector_load %arg9[%get3A_147] {strides = array<i32>} : memref<64xi32, #tpu.memory_space<vmem>>, vector<16xi32>,
      %shift_right_arithmetic3A_149 = arith.constant 31 : i32
      %shift_right_arithmetic3A_150 = vector.broadcast %shift_right_arithmetic3A_149 : i32 to vector<16xi32>
      %shift_right_arithmetic3A_151 = arith.shrsi %get3A_134, %shift_right_arithmetic3A_150 : vector<16xi32>
      %and3A_152 = arith.constant 2147483647 : i32
      %and3A_153 = vector.broadcast %and3A_152 : i32 to vector<16xi32>
      %and3A_154 = arith.andi %shift_right_arithmetic3A_151, %and3A_153 : vector<16xi32>
      %xor3A_155 = arith.xori %get3A_134, %and3A_154 : vector<16xi32>
      %bitcast3A_156 = vector.bitcast %xor3A_155 : vector<16xi32> to vector<16xf32>
      %max3A_157 = arith.constant 0.000000e+00 : f32
      %max3A_158 = vector.broadcast %max3A_157 : f32 to vector<16xf32>
      %max3A_159 = arith.maximumf %bitcast3A_156, %max3A_158 : vector<16xf32>
      tpu.vector_store_idx %arg5[%get3A_142], %max3A_159 : memref<32768xf32, #tpu.memory_space<vmem>>[vector<16xi32>], vector<16xf32>,
      %shift_right_arithmetic3A_160 = arith.constant 31 : i32
      %shift_right_arithmetic3A_161 = vector.broadcast %shift_right_arithmetic3A_160 : i32 to vector<16xi32>
      %shift_right_arithmetic3A_162 = arith.shrsi %get3A_136, %shift_right_arithmetic3A_161 : vector<16xi32>
      %and3A_163 = arith.constant 2147483647 : i32
      %and3A_164 = vector.broadcast %and3A_163 : i32 to vector<16xi32>
      %and3A_165 = arith.andi %shift_right_arithmetic3A_162, %and3A_164 : vector<16xi32>
      %xor3A_166 = arith.xori %get3A_136, %and3A_165 : vector<16xi32>
      %bitcast3A_167 = vector.bitcast %xor3A_166 : vector<16xi32> to vector<16xf32>
      %max3A_168 = arith.constant 0.000000e+00 : f32
      %max3A_169 = vector.broadcast %max3A_168 : f32 to vector<16xf32>
      %max3A_170 = arith.maximumf %bitcast3A_167, %max3A_169 : vector<16xf32>
      tpu.vector_store_idx %arg5[%get3A_144], %max3A_170 : memref<32768xf32, #tpu.memory_space<vmem>>[vector<16xi32>], vector<16xf32>,
      %shift_right_arithmetic3A_171 = arith.constant 31 : i32
      %shift_right_arithmetic3A_172 = vector.broadcast %shift_right_arithmetic3A_171 : i32 to vector<16xi32>
      %shift_right_arithmetic3A_173 = arith.shrsi %get3A_138, %shift_right_arithmetic3A_172 : vector<16xi32>
      %and3A_174 = arith.constant 2147483647 : i32
      %and3A_175 = vector.broadcast %and3A_174 : i32 to vector<16xi32>
      %and3A_176 = arith.andi %shift_right_arithmetic3A_173, %and3A_175 : vector<16xi32>
      %xor3A_177 = arith.xori %get3A_138, %and3A_176 : vector<16xi32>
      %bitcast3A_178 = vector.bitcast %xor3A_177 : vector<16xi32> to vector<16xf32>
      %max3A_179 = arith.constant 0.000000e+00 : f32
      %max3A_180 = vector.broadcast %max3A_179 : f32 to vector<16xf32>
      %max3A_181 = arith.maximumf %bitcast3A_178, %max3A_180 : vector<16xf32>
      tpu.vector_store_idx %arg5[%get3A_146], %max3A_181 : memref<32768xf32, #tpu.memory_space<vmem>>[vector<16xi32>], vector<16xf32>,
      %shift_right_arithmetic3A_182 = arith.constant 31 : i32
      %shift_right_arithmetic3A_183 = vector.broadcast %shift_right_arithmetic3A_182 : i32 to vector<16xi32>
      %shift_right_arithmetic3A_184 = arith.shrsi %get3A_140, %shift_right_arithmetic3A_183 : vector<16xi32>
      %and3A_185 = arith.constant 2147483647 : i32
      %and3A_186 = vector.broadcast %and3A_185 : i32 to vector<16xi32>
      %and3A_187 = arith.andi %shift_right_arithmetic3A_184, %and3A_186 : vector<16xi32>
      %xor3A_188 = arith.xori %get3A_140, %and3A_187 : vector<16xi32>
      %bitcast3A_189 = vector.bitcast %xor3A_188 : vector<16xi32> to vector<16xf32>
      %max3A_190 = arith.constant 0.000000e+00 : f32
      %max3A_191 = vector.broadcast %max3A_190 : f32 to vector<16xf32>
      %max3A_192 = arith.maximumf %bitcast3A_189, %max3A_191 : vector<16xf32>
      tpu.vector_store_idx %arg5[%get3A_148], %max3A_192 : memref<32768xf32, #tpu.memory_space<vmem>>[vector<16xi32>], vector<16xf32>,
      %slice3A = vector.extract_strided_slice %get3A_134 {offsets = [0], sizes = [1], strides = [1]} : vector<16xi32> to vector<1xi32>
      %squeeze3A = vector.extract %slice3A[0] : i32 from vector<1xi32>
      %slice3A_193 = vector.extract_strided_slice %get3A_142 {offsets = [0], sizes = [1], strides = [1]} : vector<16xi32> to vector<1xi32>
      %squeeze3A_194 = vector.extract %slice3A_193[0] : i32 from vector<1xi32>
      %gt3A = vector.broadcast %squeeze3A : i32 to vector<16xi32>
      %gt3A_195 = arith.cmpi sgt, %get3A_134, %gt3A : vector<16xi32>
      %eq3A_196 = vector.broadcast %squeeze3A : i32 to vector<16xi32>
      %eq3A_197 = arith.cmpi eq, %get3A_134, %eq3A_196 : vector<16xi32>
      %lt3A = vector.broadcast %squeeze3A_194 : i32 to vector<16xi32>
      %lt3A_198 = arith.cmpi slt, %get3A_142, %lt3A : vector<16xi32>
      %and3A_199 = arith.andi %eq3A_197, %lt3A_198 : vector<16xi1>
      %or3A = arith.ori %gt3A_195, %and3A_199 : vector<16xi1>
      %all_reduce_population_count3A = tpu.all_reduce %or3A {dim = 0 : i64, kind = #tpu.reduction_kind<sum>} : vector<16xi1> -> vector<16xi32>
      %add3A_200 = arith.addi %broadcast_in_dim3A_1, %all_reduce_population_count3A : vector<16xi32>
      %gt3A_201 = vector.broadcast %squeeze3A : i32 to vector<16xi32>
      %gt3A_202 = arith.cmpi sgt, %get3A_136, %gt3A_201 : vector<16xi32>
      %eq3A_203 = vector.broadcast %squeeze3A : i32 to vector<16xi32>
      %eq3A_204 = arith.cmpi eq, %get3A_136, %eq3A_203 : vector<16xi32>
      %lt3A_205 = vector.broadcast %squeeze3A_194 : i32 to vector<16xi32>
      %lt3A_206 = arith.cmpi slt, %get3A_144, %lt3A_205 : vector<16xi32>
      %and3A_207 = arith.andi %eq3A_204, %lt3A_206 : vector<16xi1>
      %or3A_208 = arith.ori %gt3A_202, %and3A_207 : vector<16xi1>
      %all_reduce_population_count3A_209 = tpu.all_reduce %or3A_208 {dim = 0 : i64, kind = #tpu.reduction_kind<sum>} : vector<16xi1> -> vector<16xi32>
      %add3A_210 = arith.addi %add3A_200, %all_reduce_population_count3A_209 : vector<16xi32>
      %gt3A_211 = vector.broadcast %squeeze3A : i32 to vector<16xi32>
      %gt3A_212 = arith.cmpi sgt, %get3A_138, %gt3A_211 : vector<16xi32>
      %eq3A_213 = vector.broadcast %squeeze3A : i32 to vector<16xi32>
      %eq3A_214 = arith.cmpi eq, %get3A_138, %eq3A_213 : vector<16xi32>
      %lt3A_215 = vector.broadcast %squeeze3A_194 : i32 to vector<16xi32>
      %lt3A_216 = arith.cmpi slt, %get3A_146, %lt3A_215 : vector<16xi32>
      %and3A_217 = arith.andi %eq3A_214, %lt3A_216 : vector<16xi1>
      %or3A_218 = arith.ori %gt3A_212, %and3A_217 : vector<16xi1>
      %all_reduce_population_count3A_219 = tpu.all_reduce %or3A_218 {dim = 0 : i64, kind = #tpu.reduction_kind<sum>} : vector<16xi1> -> vector<16xi32>
      %add3A_220 = arith.addi %add3A_210, %all_reduce_population_count3A_219 : vector<16xi32>
      %gt3A_221 = vector.broadcast %squeeze3A : i32 to vector<16xi32>
      %gt3A_222 = arith.cmpi sgt, %get3A_140, %gt3A_221 : vector<16xi32>
      %eq3A_223 = vector.broadcast %squeeze3A : i32 to vector<16xi32>
      %eq3A_224 = arith.cmpi eq, %get3A_140, %eq3A_223 : vector<16xi32>
      %lt3A_225 = vector.broadcast %squeeze3A_194 : i32 to vector<16xi32>
      %lt3A_226 = arith.cmpi slt, %get3A_148, %lt3A_225 : vector<16xi32>
      %and3A_227 = arith.andi %eq3A_224, %lt3A_226 : vector<16xi1>
      %or3A_228 = arith.ori %gt3A_222, %and3A_227 : vector<16xi1>
      %all_reduce_population_count3A_229 = tpu.all_reduce %or3A_228 {dim = 0 : i64, kind = #tpu.reduction_kind<sum>} : vector<16xi1> -> vector<16xi32>
      %add3A_230 = arith.addi %add3A_220, %all_reduce_population_count3A_229 : vector<16xi32>
      %reduce_max3A_231 = arith.constant true
      %reduce_max3A_232 = vector.broadcast %reduce_max3A_231 : i1 to vector<16xi1>
      %reduce_max3A_233 = arith.constant -2147483648 : i32
      %reduce_max3A_234 = vector.broadcast %reduce_max3A_233 : i32 to vector<16xi32>
      %reduce_max3A_235 = arith.xori %add3A_230, %reduce_max3A_234 : vector<16xi32>
      %reduce_max3A_236 = tpu.scan <max>, %reduce_max3A_235 masked %reduce_max3A_232 : vector<16xi32>, vector<16xi1> -> vector<16xi32>
      %reduce_max3A_237 = arith.xori %reduce_max3A_236, %reduce_max3A_234 : vector<16xi32>
      %reduce_max3A_238 = vector.extract %reduce_max3A_237[15] : i32 from vector<16xi32>
      %add3A_239 = vector.broadcast %reduce_max3A_238 : i32 to vector<16xi32>
      %add3A_240 = arith.addi %broadcast_in_dim3A_1, %add3A_239 : vector<16xi32>
      %add3A_241 = vector.broadcast %squeeze3A_194 : i32 to vector<16xi32>
      %add3A_242 = arith.addi %broadcast_in_dim3A_1, %add3A_241 : vector<16xi32>
      tpu.vector_store_idx %arg10[%add3A_240], %add3A_242 masked %eq3A_5 : memref<64xi32, #tpu.memory_space<vmem>>[vector<16xi32>], vector<16xi32>, vector<16xi1>
      %slice3A_243 = vector.extract_strided_slice %get3A_134 {offsets = [1], sizes = [1], strides = [1]} : vector<16xi32> to vector<1xi32>
      %squeeze3A_244 = vector.extract %slice3A_243[0] : i32 from vector<1xi32>
      %slice3A_245 = vector.extract_strided_slice %get3A_142 {offsets = [1], sizes = [1], strides = [1]} : vector<16xi32> to vector<1xi32>
      %squeeze3A_246 = vector.extract %slice3A_245[0] : i32 from vector<1xi32>
      %gt3A_247 = vector.broadcast %squeeze3A_244 : i32 to vector<16xi32>
      %gt3A_248 = arith.cmpi sgt, %get3A_134, %gt3A_247 : vector<16xi32>
      %eq3A_249 = vector.broadcast %squeeze3A_244 : i32 to vector<16xi32>
      %eq3A_250 = arith.cmpi eq, %get3A_134, %eq3A_249 : vector<16xi32>
      %lt3A_251 = vector.broadcast %squeeze3A_246 : i32 to vector<16xi32>
      %lt3A_252 = arith.cmpi slt, %get3A_142, %lt3A_251 : vector<16xi32>
      %and3A_253 = arith.andi %eq3A_250, %lt3A_252 : vector<16xi1>
      %or3A_254 = arith.ori %gt3A_248, %and3A_253 : vector<16xi1>
      %all_reduce_population_count3A_255 = tpu.all_reduce %or3A_254 {dim = 0 : i64, kind = #tpu.reduction_kind<sum>} : vector<16xi1> -> vector<16xi32>
      %add3A_256 = arith.addi %broadcast_in_dim3A_1, %all_reduce_population_count3A_255 : vector<16xi32>
      %gt3A_257 = vector.broadcast %squeeze3A_244 : i32 to vector<16xi32>
      %gt3A_258 = arith.cmpi sgt, %get3A_136, %gt3A_257 : vector<16xi32>
      %eq3A_259 = vector.broadcast %squeeze3A_244 : i32 to vector<16xi32>
      %eq3A_260 = arith.cmpi eq, %get3A_136, %eq3A_259 : vector<16xi32>
      %lt3A_261 = vector.broadcast %squeeze3A_246 : i32 to vector<16xi32>
      %lt3A_262 = arith.cmpi slt, %get3A_144, %lt3A_261 : vector<16xi32>
      %and3A_263 = arith.andi %eq3A_260, %lt3A_262 : vector<16xi1>
      %or3A_264 = arith.ori %gt3A_258, %and3A_263 : vector<16xi1>
      %all_reduce_population_count3A_265 = tpu.all_reduce %or3A_264 {dim = 0 : i64, kind = #tpu.reduction_kind<sum>} : vector<16xi1> -> vector<16xi32>
      %add3A_266 = arith.addi %add3A_256, %all_reduce_population_count3A_265 : vector<16xi32>
      %gt3A_267 = vector.broadcast %squeeze3A_244 : i32 to vector<16xi32>
      %gt3A_268 = arith.cmpi sgt, %get3A_138, %gt3A_267 : vector<16xi32>
      %eq3A_269 = vector.broadcast %squeeze3A_244 : i32 to vector<16xi32>
      %eq3A_270 = arith.cmpi eq, %get3A_138, %eq3A_269 : vector<16xi32>
      %lt3A_271 = vector.broadcast %squeeze3A_246 : i32 to vector<16xi32>
      %lt3A_272 = arith.cmpi slt, %get3A_146, %lt3A_271 : vector<16xi32>
      %and3A_273 = arith.andi %eq3A_270, %lt3A_272 : vector<16xi1>
      %or3A_274 = arith.ori %gt3A_268, %and3A_273 : vector<16xi1>
      %all_reduce_population_count3A_275 = tpu.all_reduce %or3A_274 {dim = 0 : i64, kind = #tpu.reduction_kind<sum>} : vector<16xi1> -> vector<16xi32>
      %add3A_276 = arith.addi %add3A_266, %all_reduce_population_count3A_275 : vector<16xi32>
      %gt3A_277 = vector.broadcast %squeeze3A_244 : i32 to vector<16xi32>
      %gt3A_278 = arith.cmpi sgt, %get3A_140, %gt3A_277 : vector<16xi32>
      %eq3A_279 = vector.broadcast %squeeze3A_244 : i32 to vector<16xi32>
      %eq3A_280 = arith.cmpi eq, %get3A_140, %eq3A_279 : vector<16xi32>
      %lt3A_281 = vector.broadcast %squeeze3A_246 : i32 to vector<16xi32>
      %lt3A_282 = arith.cmpi slt, %get3A_148, %lt3A_281 : vector<16xi32>
      %and3A_283 = arith.andi %eq3A_280, %lt3A_282 : vector<16xi1>
      %or3A_284 = arith.ori %gt3A_278, %and3A_283 : vector<16xi1>
      %all_reduce_population_count3A_285 = tpu.all_reduce %or3A_284 {dim = 0 : i64, kind = #tpu.reduction_kind<sum>} : vector<16xi1> -> vector<16xi32>
      %add3A_286 = arith.addi %add3A_276, %all_reduce_population_count3A_285 : vector<16xi32>
      %reduce_max3A_287 = arith.constant true
      %reduce_max3A_288 = vector.broadcast %reduce_max3A_287 : i1 to vector<16xi1>
      %reduce_max3A_289 = arith.constant -2147483648 : i32
      %reduce_max3A_290 = vector.broadcast %reduce_max3A_289 : i32 to vector<16xi32>
      %reduce_max3A_291 = arith.xori %add3A_286, %reduce_max3A_290 : vector<16xi32>
      %reduce_max3A_292 = tpu.scan <max>, %reduce_max3A_291 masked %reduce_max3A_288 : vector<16xi32>, vector<16xi1> -> vector<16xi32>
      %reduce_max3A_293 = arith.xori %reduce_max3A_292, %reduce_max3A_290 : vector<16xi32>
      %reduce_max3A_294 = vector.extract %reduce_max3A_293[15] : i32 from vector<16xi32>
      %add3A_295 = vector.broadcast %reduce_max3A_294 : i32 to vector<16xi32>
      %add3A_296 = arith.addi %broadcast_in_dim3A_1, %add3A_295 : vector<16xi32>
      %add3A_297 = vector.broadcast %squeeze3A_246 : i32 to vector<16xi32>
      %add3A_298 = arith.addi %broadcast_in_dim3A_1, %add3A_297 : vector<16xi32>
      tpu.vector_store_idx %arg10[%add3A_296], %add3A_298 masked %eq3A_5 : memref<64xi32, #tpu.memory_space<vmem>>[vector<16xi32>], vector<16xi32>, vector<16xi1>
      %slice3A_299 = vector.extract_strided_slice %get3A_134 {offsets = [2], sizes = [1], strides = [1]} : vector<16xi32> to vector<1xi32>
      %squeeze3A_300 = vector.extract %slice3A_299[0] : i32 from vector<1xi32>
      %slice3A_301 = vector.extract_strided_slice %get3A_142 {offsets = [2], sizes = [1], strides = [1]} : vector<16xi32> to vector<1xi32>
      %squeeze3A_302 = vector.extract %slice3A_301[0] : i32 from vector<1xi32>
      %gt3A_303 = vector.broadcast %squeeze3A_300 : i32 to vector<16xi32>
      %gt3A_304 = arith.cmpi sgt, %get3A_134, %gt3A_303 : vector<16xi32>
      %eq3A_305 = vector.broadcast %squeeze3A_300 : i32 to vector<16xi32>
      %eq3A_306 = arith.cmpi eq, %get3A_134, %eq3A_305 : vector<16xi32>
      %lt3A_307 = vector.broadcast %squeeze3A_302 : i32 to vector<16xi32>
      %lt3A_308 = arith.cmpi slt, %get3A_142, %lt3A_307 : vector<16xi32>
      %and3A_309 = arith.andi %eq3A_306, %lt3A_308 : vector<16xi1>
      %or3A_310 = arith.ori %gt3A_304, %and3A_309 : vector<16xi1>
      %all_reduce_population_count3A_311 = tpu.all_reduce %or3A_310 {dim = 0 : i64, kind = #tpu.reduction_kind<sum>} : vector<16xi1> -> vector<16xi32>
      %add3A_312 = arith.addi %broadcast_in_dim3A_1, %all_reduce_population_count3A_311 : vector<16xi32>
      %gt3A_313 = vector.broadcast %squeeze3A_300 : i32 to vector<16xi32>
      %gt3A_314 = arith.cmpi sgt, %get3A_136, %gt3A_313 : vector<16xi32>
      %eq3A_315 = vector.broadcast %squeeze3A_300 : i32 to vector<16xi32>
      %eq3A_316 = arith.cmpi eq, %get3A_136, %eq3A_315 : vector<16xi32>
      %lt3A_317 = vector.broadcast %squeeze3A_302 : i32 to vector<16xi32>
      %lt3A_318 = arith.cmpi slt, %get3A_144, %lt3A_317 : vector<16xi32>
      %and3A_319 = arith.andi %eq3A_316, %lt3A_318 : vector<16xi1>
      %or3A_320 = arith.ori %gt3A_314, %and3A_319 : vector<16xi1>
      %all_reduce_population_count3A_321 = tpu.all_reduce %or3A_320 {dim = 0 : i64, kind = #tpu.reduction_kind<sum>} : vector<16xi1> -> vector<16xi32>
      %add3A_322 = arith.addi %add3A_312, %all_reduce_population_count3A_321 : vector<16xi32>
      %gt3A_323 = vector.broadcast %squeeze3A_300 : i32 to vector<16xi32>
      %gt3A_324 = arith.cmpi sgt, %get3A_138, %gt3A_323 : vector<16xi32>
      %eq3A_325 = vector.broadcast %squeeze3A_300 : i32 to vector<16xi32>
      %eq3A_326 = arith.cmpi eq, %get3A_138, %eq3A_325 : vector<16xi32>
      %lt3A_327 = vector.broadcast %squeeze3A_302 : i32 to vector<16xi32>
      %lt3A_328 = arith.cmpi slt, %get3A_146, %lt3A_327 : vector<16xi32>
      %and3A_329 = arith.andi %eq3A_326, %lt3A_328 : vector<16xi1>
      %or3A_330 = arith.ori %gt3A_324, %and3A_329 : vector<16xi1>
      %all_reduce_population_count3A_331 = tpu.all_reduce %or3A_330 {dim = 0 : i64, kind = #tpu.reduction_kind<sum>} : vector<16xi1> -> vector<16xi32>
      %add3A_332 = arith.addi %add3A_322, %all_reduce_population_count3A_331 : vector<16xi32>
      %gt3A_333 = vector.broadcast %squeeze3A_300 : i32 to vector<16xi32>
      %gt3A_334 = arith.cmpi sgt, %get3A_140, %gt3A_333 : vector<16xi32>
      %eq3A_335 = vector.broadcast %squeeze3A_300 : i32 to vector<16xi32>
      %eq3A_336 = arith.cmpi eq, %get3A_140, %eq3A_335 : vector<16xi32>
      %lt3A_337 = vector.broadcast %squeeze3A_302 : i32 to vector<16xi32>
      %lt3A_338 = arith.cmpi slt, %get3A_148, %lt3A_337 : vector<16xi32>
      %and3A_339 = arith.andi %eq3A_336, %lt3A_338 : vector<16xi1>
      %or3A_340 = arith.ori %gt3A_334, %and3A_339 : vector<16xi1>
      %all_reduce_population_count3A_341 = tpu.all_reduce %or3A_340 {dim = 0 : i64, kind = #tpu.reduction_kind<sum>} : vector<16xi1> -> vector<16xi32>
      %add3A_342 = arith.addi %add3A_332, %all_reduce_population_count3A_341 : vector<16xi32>
      %reduce_max3A_343 = arith.constant true
      %reduce_max3A_344 = vector.broadcast %reduce_max3A_343 : i1 to vector<16xi1>
      %reduce_max3A_345 = arith.constant -2147483648 : i32
      %reduce_max3A_346 = vector.broadcast %reduce_max3A_345 : i32 to vector<16xi32>
      %reduce_max3A_347 = arith.xori %add3A_342, %reduce_max3A_346 : vector<16xi32>
      %reduce_max3A_348 = tpu.scan <max>, %reduce_max3A_347 masked %reduce_max3A_344 : vector<16xi32>, vector<16xi1> -> vector<16xi32>
      %reduce_max3A_349 = arith.xori %reduce_max3A_348, %reduce_max3A_346 : vector<16xi32>
      %reduce_max3A_350 = vector.extract %reduce_max3A_349[15] : i32 from vector<16xi32>
      %add3A_351 = vector.broadcast %reduce_max3A_350 : i32 to vector<16xi32>
      %add3A_352 = arith.addi %broadcast_in_dim3A_1, %add3A_351 : vector<16xi32>
      %add3A_353 = vector.broadcast %squeeze3A_302 : i32 to vector<16xi32>
      %add3A_354 = arith.addi %broadcast_in_dim3A_1, %add3A_353 : vector<16xi32>
      tpu.vector_store_idx %arg10[%add3A_352], %add3A_354 masked %eq3A_5 : memref<64xi32, #tpu.memory_space<vmem>>[vector<16xi32>], vector<16xi32>, vector<16xi1>
      %slice3A_355 = vector.extract_strided_slice %get3A_134 {offsets = [3], sizes = [1], strides = [1]} : vector<16xi32> to vector<1xi32>
      %squeeze3A_356 = vector.extract %slice3A_355[0] : i32 from vector<1xi32>
      %slice3A_357 = vector.extract_strided_slice %get3A_142 {offsets = [3], sizes = [1], strides = [1]} : vector<16xi32> to vector<1xi32>
      %squeeze3A_358 = vector.extract %slice3A_357[0] : i32 from vector<1xi32>
      %gt3A_359 = vector.broadcast %squeeze3A_356 : i32 to vector<16xi32>
      %gt3A_360 = arith.cmpi sgt, %get3A_134, %gt3A_359 : vector<16xi32>
      %eq3A_361 = vector.broadcast %squeeze3A_356 : i32 to vector<16xi32>
      %eq3A_362 = arith.cmpi eq, %get3A_134, %eq3A_361 : vector<16xi32>
      %lt3A_363 = vector.broadcast %squeeze3A_358 : i32 to vector<16xi32>
      %lt3A_364 = arith.cmpi slt, %get3A_142, %lt3A_363 : vector<16xi32>
      %and3A_365 = arith.andi %eq3A_362, %lt3A_364 : vector<16xi1>
      %or3A_366 = arith.ori %gt3A_360, %and3A_365 : vector<16xi1>
      %all_reduce_population_count3A_367 = tpu.all_reduce %or3A_366 {dim = 0 : i64, kind = #tpu.reduction_kind<sum>} : vector<16xi1> -> vector<16xi32>
      %add3A_368 = arith.addi %broadcast_in_dim3A_1, %all_reduce_population_count3A_367 : vector<16xi32>
      %gt3A_369 = vector.broadcast %squeeze3A_356 : i32 to vector<16xi32>
      %gt3A_370 = arith.cmpi sgt, %get3A_136, %gt3A_369 : vector<16xi32>
      %eq3A_371 = vector.broadcast %squeeze3A_356 : i32 to vector<16xi32>
      %eq3A_372 = arith.cmpi eq, %get3A_136, %eq3A_371 : vector<16xi32>
      %lt3A_373 = vector.broadcast %squeeze3A_358 : i32 to vector<16xi32>
      %lt3A_374 = arith.cmpi slt, %get3A_144, %lt3A_373 : vector<16xi32>
      %and3A_375 = arith.andi %eq3A_372, %lt3A_374 : vector<16xi1>
      %or3A_376 = arith.ori %gt3A_370, %and3A_375 : vector<16xi1>
      %all_reduce_population_count3A_377 = tpu.all_reduce %or3A_376 {dim = 0 : i64, kind = #tpu.reduction_kind<sum>} : vector<16xi1> -> vector<16xi32>
      %add3A_378 = arith.addi %add3A_368, %all_reduce_population_count3A_377 : vector<16xi32>
      %gt3A_379 = vector.broadcast %squeeze3A_356 : i32 to vector<16xi32>
      %gt3A_380 = arith.cmpi sgt, %get3A_138, %gt3A_379 : vector<16xi32>
      %eq3A_381 = vector.broadcast %squeeze3A_356 : i32 to vector<16xi32>
      %eq3A_382 = arith.cmpi eq, %get3A_138, %eq3A_381 : vector<16xi32>
      %lt3A_383 = vector.broadcast %squeeze3A_358 : i32 to vector<16xi32>
      %lt3A_384 = arith.cmpi slt, %get3A_146, %lt3A_383 : vector<16xi32>
      %and3A_385 = arith.andi %eq3A_382, %lt3A_384 : vector<16xi1>
      %or3A_386 = arith.ori %gt3A_380, %and3A_385 : vector<16xi1>
      %all_reduce_population_count3A_387 = tpu.all_reduce %or3A_386 {dim = 0 : i64, kind = #tpu.reduction_kind<sum>} : vector<16xi1> -> vector<16xi32>
      %add3A_388 = arith.addi %add3A_378, %all_reduce_population_count3A_387 : vector<16xi32>
      %gt3A_389 = vector.broadcast %squeeze3A_356 : i32 to vector<16xi32>
      %gt3A_390 = arith.cmpi sgt, %get3A_140, %gt3A_389 : vector<16xi32>
      %eq3A_391 = vector.broadcast %squeeze3A_356 : i32 to vector<16xi32>
      %eq3A_392 = arith.cmpi eq, %get3A_140, %eq3A_391 : vector<16xi32>
      %lt3A_393 = vector.broadcast %squeeze3A_358 : i32 to vector<16xi32>
      %lt3A_394 = arith.cmpi slt, %get3A_148, %lt3A_393 : vector<16xi32>
      %and3A_395 = arith.andi %eq3A_392, %lt3A_394 : vector<16xi1>
      %or3A_396 = arith.ori %gt3A_390, %and3A_395 : vector<16xi1>
      %all_reduce_population_count3A_397 = tpu.all_reduce %or3A_396 {dim = 0 : i64, kind = #tpu.reduction_kind<sum>} : vector<16xi1> -> vector<16xi32>
      %add3A_398 = arith.addi %add3A_388, %all_reduce_population_count3A_397 : vector<16xi32>
      %reduce_max3A_399 = arith.constant true
      %reduce_max3A_400 = vector.broadcast %reduce_max3A_399 : i1 to vector<16xi1>
      %reduce_max3A_401 = arith.constant -2147483648 : i32
      %reduce_max3A_402 = vector.broadcast %reduce_max3A_401 : i32 to vector<16xi32>
      %reduce_max3A_403 = arith.xori %add3A_398, %reduce_max3A_402 : vector<16xi32>
      %reduce_max3A_404 = tpu.scan <max>, %reduce_max3A_403 masked %reduce_max3A_400 : vector<16xi32>, vector<16xi1> -> vector<16xi32>
      %reduce_max3A_405 = arith.xori %reduce_max3A_404, %reduce_max3A_402 : vector<16xi32>
      %reduce_max3A_406 = vector.extract %reduce_max3A_405[15] : i32 from vector<16xi32>
      %add3A_407 = vector.broadcast %reduce_max3A_406 : i32 to vector<16xi32>
      %add3A_408 = arith.addi %broadcast_in_dim3A_1, %add3A_407 : vector<16xi32>
      %add3A_409 = vector.broadcast %squeeze3A_358 : i32 to vector<16xi32>
      %add3A_410 = arith.addi %broadcast_in_dim3A_1, %add3A_409 : vector<16xi32>
      tpu.vector_store_idx %arg10[%add3A_408], %add3A_410 masked %eq3A_5 : memref<64xi32, #tpu.memory_space<vmem>>[vector<16xi32>], vector<16xi32>, vector<16xi1>
      %slice3A_411 = vector.extract_strided_slice %get3A_134 {offsets = [4], sizes = [1], strides = [1]} : vector<16xi32> to vector<1xi32>
      %squeeze3A_412 = vector.extract %slice3A_411[0] : i32 from vector<1xi32>
      %slice3A_413 = vector.extract_strided_slice %get3A_142 {offsets = [4], sizes = [1], strides = [1]} : vector<16xi32> to vector<1xi32>
      %squeeze3A_414 = vector.extract %slice3A_413[0] : i32 from vector<1xi32>
      %gt3A_415 = vector.broadcast %squeeze3A_412 : i32 to vector<16xi32>
      %gt3A_416 = arith.cmpi sgt, %get3A_134, %gt3A_415 : vector<16xi32>
      %eq3A_417 = vector.broadcast %squeeze3A_412 : i32 to vector<16xi32>
      %eq3A_418 = arith.cmpi eq, %get3A_134, %eq3A_417 : vector<16xi32>
      %lt3A_419 = vector.broadcast %squeeze3A_414 : i32 to vector<16xi32>
      %lt3A_420 = arith.cmpi slt, %get3A_142, %lt3A_419 : vector<16xi32>
      %and3A_421 = arith.andi %eq3A_418, %lt3A_420 : vector<16xi1>
      %or3A_422 = arith.ori %gt3A_416, %and3A_421 : vector<16xi1>
      %all_reduce_population_count3A_423 = tpu.all_reduce %or3A_422 {dim = 0 : i64, kind = #tpu.reduction_kind<sum>} : vector<16xi1> -> vector<16xi32>
      %add3A_424 = arith.addi %broadcast_in_dim3A_1, %all_reduce_population_count3A_423 : vector<16xi32>
      %gt3A_425 = vector.broadcast %squeeze3A_412 : i32 to vector<16xi32>
      %gt3A_426 = arith.cmpi sgt, %get3A_136, %gt3A_425 : vector<16xi32>
      %eq3A_427 = vector.broadcast %squeeze3A_412 : i32 to vector<16xi32>
      %eq3A_428 = arith.cmpi eq, %get3A_136, %eq3A_427 : vector<16xi32>
      %lt3A_429 = vector.broadcast %squeeze3A_414 : i32 to vector<16xi32>
      %lt3A_430 = arith.cmpi slt, %get3A_144, %lt3A_429 : vector<16xi32>
      %and3A_431 = arith.andi %eq3A_428, %lt3A_430 : vector<16xi1>
      %or3A_432 = arith.ori %gt3A_426, %and3A_431 : vector<16xi1>
      %all_reduce_population_count3A_433 = tpu.all_reduce %or3A_432 {dim = 0 : i64, kind = #tpu.reduction_kind<sum>} : vector<16xi1> -> vector<16xi32>
      %add3A_434 = arith.addi %add3A_424, %all_reduce_population_count3A_433 : vector<16xi32>
      %gt3A_435 = vector.broadcast %squeeze3A_412 : i32 to vector<16xi32>
      %gt3A_436 = arith.cmpi sgt, %get3A_138, %gt3A_435 : vector<16xi32>
      %eq3A_437 = vector.broadcast %squeeze3A_412 : i32 to vector<16xi32>
      %eq3A_438 = arith.cmpi eq, %get3A_138, %eq3A_437 : vector<16xi32>
      %lt3A_439 = vector.broadcast %squeeze3A_414 : i32 to vector<16xi32>
      %lt3A_440 = arith.cmpi slt, %get3A_146, %lt3A_439 : vector<16xi32>
      %and3A_441 = arith.andi %eq3A_438, %lt3A_440 : vector<16xi1>
      %or3A_442 = arith.ori %gt3A_436, %and3A_441 : vector<16xi1>
      %all_reduce_population_count3A_443 = tpu.all_reduce %or3A_442 {dim = 0 : i64, kind = #tpu.reduction_kind<sum>} : vector<16xi1> -> vector<16xi32>
      %add3A_444 = arith.addi %add3A_434, %all_reduce_population_count3A_443 : vector<16xi32>
      %gt3A_445 = vector.broadcast %squeeze3A_412 : i32 to vector<16xi32>
      %gt3A_446 = arith.cmpi sgt, %get3A_140, %gt3A_445 : vector<16xi32>
      %eq3A_447 = vector.broadcast %squeeze3A_412 : i32 to vector<16xi32>
      %eq3A_448 = arith.cmpi eq, %get3A_140, %eq3A_447 : vector<16xi32>
      %lt3A_449 = vector.broadcast %squeeze3A_414 : i32 to vector<16xi32>
      %lt3A_450 = arith.cmpi slt, %get3A_148, %lt3A_449 : vector<16xi32>
      %and3A_451 = arith.andi %eq3A_448, %lt3A_450 : vector<16xi1>
      %or3A_452 = arith.ori %gt3A_446, %and3A_451 : vector<16xi1>
      %all_reduce_population_count3A_453 = tpu.all_reduce %or3A_452 {dim = 0 : i64, kind = #tpu.reduction_kind<sum>} : vector<16xi1> -> vector<16xi32>
      %add3A_454 = arith.addi %add3A_444, %all_reduce_population_count3A_453 : vector<16xi32>
      %reduce_max3A_455 = arith.constant true
      %reduce_max3A_456 = vector.broadcast %reduce_max3A_455 : i1 to vector<16xi1>
      %reduce_max3A_457 = arith.constant -2147483648 : i32
      %reduce_max3A_458 = vector.broadcast %reduce_max3A_457 : i32 to vector<16xi32>
      %reduce_max3A_459 = arith.xori %add3A_454, %reduce_max3A_458 : vector<16xi32>
      %reduce_max3A_460 = tpu.scan <max>, %reduce_max3A_459 masked %reduce_max3A_456 : vector<16xi32>, vector<16xi1> -> vector<16xi32>
      %reduce_max3A_461 = arith.xori %reduce_max3A_460, %reduce_max3A_458 : vector<16xi32>
      %reduce_max3A_462 = vector.extract %reduce_max3A_461[15] : i32 from vector<16xi32>
      %add3A_463 = vector.broadcast %reduce_max3A_462 : i32 to vector<16xi32>
      %add3A_464 = arith.addi %broadcast_in_dim3A_1, %add3A_463 : vector<16xi32>
      %add3A_465 = vector.broadcast %squeeze3A_414 : i32 to vector<16xi32>
      %add3A_466 = arith.addi %broadcast_in_dim3A_1, %add3A_465 : vector<16xi32>
      tpu.vector_store_idx %arg10[%add3A_464], %add3A_466 masked %eq3A_5 : memref<64xi32, #tpu.memory_space<vmem>>[vector<16xi32>], vector<16xi32>, vector<16xi1>
      %slice3A_467 = vector.extract_strided_slice %get3A_134 {offsets = [5], sizes = [1], strides = [1]} : vector<16xi32> to vector<1xi32>
      %squeeze3A_468 = vector.extract %slice3A_467[0] : i32 from vector<1xi32>
      %slice3A_469 = vector.extract_strided_slice %get3A_142 {offsets = [5], sizes = [1], strides = [1]} : vector<16xi32> to vector<1xi32>
      %squeeze3A_470 = vector.extract %slice3A_469[0] : i32 from vector<1xi32>
      %gt3A_471 = vector.broadcast %squeeze3A_468 : i32 to vector<16xi32>
      %gt3A_472 = arith.cmpi sgt, %get3A_134, %gt3A_471 : vector<16xi32>
      %eq3A_473 = vector.broadcast %squeeze3A_468 : i32 to vector<16xi32>
      %eq3A_474 = arith.cmpi eq, %get3A_134, %eq3A_473 : vector<16xi32>
      %lt3A_475 = vector.broadcast %squeeze3A_470 : i32 to vector<16xi32>
      %lt3A_476 = arith.cmpi slt, %get3A_142, %lt3A_475 : vector<16xi32>
      %and3A_477 = arith.andi %eq3A_474, %lt3A_476 : vector<16xi1>
      %or3A_478 = arith.ori %gt3A_472, %and3A_477 : vector<16xi1>
      %all_reduce_population_count3A_479 = tpu.all_reduce %or3A_478 {dim = 0 : i64, kind = #tpu.reduction_kind<sum>} : vector<16xi1> -> vector<16xi32>
      %add3A_480 = arith.addi %broadcast_in_dim3A_1, %all_reduce_population_count3A_479 : vector<16xi32>
      %gt3A_481 = vector.broadcast %squeeze3A_468 : i32 to vector<16xi32>
      %gt3A_482 = arith.cmpi sgt, %get3A_136, %gt3A_481 : vector<16xi32>
      %eq3A_483 = vector.broadcast %squeeze3A_468 : i32 to vector<16xi32>
      %eq3A_484 = arith.cmpi eq, %get3A_136, %eq3A_483 : vector<16xi32>
      %lt3A_485 = vector.broadcast %squeeze3A_470 : i32 to vector<16xi32>
      %lt3A_486 = arith.cmpi slt, %get3A_144, %lt3A_485 : vector<16xi32>
      %and3A_487 = arith.andi %eq3A_484, %lt3A_486 : vector<16xi1>
      %or3A_488 = arith.ori %gt3A_482, %and3A_487 : vector<16xi1>
      %all_reduce_population_count3A_489 = tpu.all_reduce %or3A_488 {dim = 0 : i64, kind = #tpu.reduction_kind<sum>} : vector<16xi1> -> vector<16xi32>
      %add3A_490 = arith.addi %add3A_480, %all_reduce_population_count3A_489 : vector<16xi32>
      %gt3A_491 = vector.broadcast %squeeze3A_468 : i32 to vector<16xi32>
      %gt3A_492 = arith.cmpi sgt, %get3A_138, %gt3A_491 : vector<16xi32>
      %eq3A_493 = vector.broadcast %squeeze3A_468 : i32 to vector<16xi32>
      %eq3A_494 = arith.cmpi eq, %get3A_138, %eq3A_493 : vector<16xi32>
      %lt3A_495 = vector.broadcast %squeeze3A_470 : i32 to vector<16xi32>
      %lt3A_496 = arith.cmpi slt, %get3A_146, %lt3A_495 : vector<16xi32>
      %and3A_497 = arith.andi %eq3A_494, %lt3A_496 : vector<16xi1>
      %or3A_498 = arith.ori %gt3A_492, %and3A_497 : vector<16xi1>
      %all_reduce_population_count3A_499 = tpu.all_reduce %or3A_498 {dim = 0 : i64, kind = #tpu.reduction_kind<sum>} : vector<16xi1> -> vector<16xi32>
      %add3A_500 = arith.addi %add3A_490, %all_reduce_population_count3A_499 : vector<16xi32>
      %gt3A_501 = vector.broadcast %squeeze3A_468 : i32 to vector<16xi32>
      %gt3A_502 = arith.cmpi sgt, %get3A_140, %gt3A_501 : vector<16xi32>
      %eq3A_503 = vector.broadcast %squeeze3A_468 : i32 to vector<16xi32>
      %eq3A_504 = arith.cmpi eq, %get3A_140, %eq3A_503 : vector<16xi32>
      %lt3A_505 = vector.broadcast %squeeze3A_470 : i32 to vector<16xi32>
      %lt3A_506 = arith.cmpi slt, %get3A_148, %lt3A_505 : vector<16xi32>
      %and3A_507 = arith.andi %eq3A_504, %lt3A_506 : vector<16xi1>
      %or3A_508 = arith.ori %gt3A_502, %and3A_507 : vector<16xi1>
      %all_reduce_population_count3A_509 = tpu.all_reduce %or3A_508 {dim = 0 : i64, kind = #tpu.reduction_kind<sum>} : vector<16xi1> -> vector<16xi32>
      %add3A_510 = arith.addi %add3A_500, %all_reduce_population_count3A_509 : vector<16xi32>
      %reduce_max3A_511 = arith.constant true
      %reduce_max3A_512 = vector.broadcast %reduce_max3A_511 : i1 to vector<16xi1>
      %reduce_max3A_513 = arith.constant -2147483648 : i32
      %reduce_max3A_514 = vector.broadcast %reduce_max3A_513 : i32 to vector<16xi32>
      %reduce_max3A_515 = arith.xori %add3A_510, %reduce_max3A_514 : vector<16xi32>
      %reduce_max3A_516 = tpu.scan <max>, %reduce_max3A_515 masked %reduce_max3A_512 : vector<16xi32>, vector<16xi1> -> vector<16xi32>
      %reduce_max3A_517 = arith.xori %reduce_max3A_516, %reduce_max3A_514 : vector<16xi32>
      %reduce_max3A_518 = vector.extract %reduce_max3A_517[15] : i32 from vector<16xi32>
      %add3A_519 = vector.broadcast %reduce_max3A_518 : i32 to vector<16xi32>
      %add3A_520 = arith.addi %broadcast_in_dim3A_1, %add3A_519 : vector<16xi32>
      %add3A_521 = vector.broadcast %squeeze3A_470 : i32 to vector<16xi32>
      %add3A_522 = arith.addi %broadcast_in_dim3A_1, %add3A_521 : vector<16xi32>
      tpu.vector_store_idx %arg10[%add3A_520], %add3A_522 masked %eq3A_5 : memref<64xi32, #tpu.memory_space<vmem>>[vector<16xi32>], vector<16xi32>, vector<16xi1>
      %slice3A_523 = vector.extract_strided_slice %get3A_134 {offsets = [6], sizes = [1], strides = [1]} : vector<16xi32> to vector<1xi32>
      %squeeze3A_524 = vector.extract %slice3A_523[0] : i32 from vector<1xi32>
      %slice3A_525 = vector.extract_strided_slice %get3A_142 {offsets = [6], sizes = [1], strides = [1]} : vector<16xi32> to vector<1xi32>
      %squeeze3A_526 = vector.extract %slice3A_525[0] : i32 from vector<1xi32>
      %gt3A_527 = vector.broadcast %squeeze3A_524 : i32 to vector<16xi32>
      %gt3A_528 = arith.cmpi sgt, %get3A_134, %gt3A_527 : vector<16xi32>
      %eq3A_529 = vector.broadcast %squeeze3A_524 : i32 to vector<16xi32>
      %eq3A_530 = arith.cmpi eq, %get3A_134, %eq3A_529 : vector<16xi32>
      %lt3A_531 = vector.broadcast %squeeze3A_526 : i32 to vector<16xi32>
      %lt3A_532 = arith.cmpi slt, %get3A_142, %lt3A_531 : vector<16xi32>
      %and3A_533 = arith.andi %eq3A_530, %lt3A_532 : vector<16xi1>
      %or3A_534 = arith.ori %gt3A_528, %and3A_533 : vector<16xi1>
      %all_reduce_population_count3A_535 = tpu.all_reduce %or3A_534 {dim = 0 : i64, kind = #tpu.reduction_kind<sum>} : vector<16xi1> -> vector<16xi32>
      %add3A_536 = arith.addi %broadcast_in_dim3A_1, %all_reduce_population_count3A_535 : vector<16xi32>
      %gt3A_537 = vector.broadcast %squeeze3A_524 : i32 to vector<16xi32>
      %gt3A_538 = arith.cmpi sgt, %get3A_136, %gt3A_537 : vector<16xi32>
      %eq3A_539 = vector.broadcast %squeeze3A_524 : i32 to vector<16xi32>
      %eq3A_540 = arith.cmpi eq, %get3A_136, %eq3A_539 : vector<16xi32>
      %lt3A_541 = vector.broadcast %squeeze3A_526 : i32 to vector<16xi32>
      %lt3A_542 = arith.cmpi slt, %get3A_144, %lt3A_541 : vector<16xi32>
      %and3A_543 = arith.andi %eq3A_540, %lt3A_542 : vector<16xi1>
      %or3A_544 = arith.ori %gt3A_538, %and3A_543 : vector<16xi1>
      %all_reduce_population_count3A_545 = tpu.all_reduce %or3A_544 {dim = 0 : i64, kind = #tpu.reduction_kind<sum>} : vector<16xi1> -> vector<16xi32>
      %add3A_546 = arith.addi %add3A_536, %all_reduce_population_count3A_545 : vector<16xi32>
      %gt3A_547 = vector.broadcast %squeeze3A_524 : i32 to vector<16xi32>
      %gt3A_548 = arith.cmpi sgt, %get3A_138, %gt3A_547 : vector<16xi32>
      %eq3A_549 = vector.broadcast %squeeze3A_524 : i32 to vector<16xi32>
      %eq3A_550 = arith.cmpi eq, %get3A_138, %eq3A_549 : vector<16xi32>
      %lt3A_551 = vector.broadcast %squeeze3A_526 : i32 to vector<16xi32>
      %lt3A_552 = arith.cmpi slt, %get3A_146, %lt3A_551 : vector<16xi32>
      %and3A_553 = arith.andi %eq3A_550, %lt3A_552 : vector<16xi1>
      %or3A_554 = arith.ori %gt3A_548, %and3A_553 : vector<16xi1>
      %all_reduce_population_count3A_555 = tpu.all_reduce %or3A_554 {dim = 0 : i64, kind = #tpu.reduction_kind<sum>} : vector<16xi1> -> vector<16xi32>
      %add3A_556 = arith.addi %add3A_546, %all_reduce_population_count3A_555 : vector<16xi32>
      %gt3A_557 = vector.broadcast %squeeze3A_524 : i32 to vector<16xi32>
      %gt3A_558 = arith.cmpi sgt, %get3A_140, %gt3A_557 : vector<16xi32>
      %eq3A_559 = vector.broadcast %squeeze3A_524 : i32 to vector<16xi32>
      %eq3A_560 = arith.cmpi eq, %get3A_140, %eq3A_559 : vector<16xi32>
      %lt3A_561 = vector.broadcast %squeeze3A_526 : i32 to vector<16xi32>
      %lt3A_562 = arith.cmpi slt, %get3A_148, %lt3A_561 : vector<16xi32>
      %and3A_563 = arith.andi %eq3A_560, %lt3A_562 : vector<16xi1>
      %or3A_564 = arith.ori %gt3A_558, %and3A_563 : vector<16xi1>
      %all_reduce_population_count3A_565 = tpu.all_reduce %or3A_564 {dim = 0 : i64, kind = #tpu.reduction_kind<sum>} : vector<16xi1> -> vector<16xi32>
      %add3A_566 = arith.addi %add3A_556, %all_reduce_population_count3A_565 : vector<16xi32>
      %reduce_max3A_567 = arith.constant true
      %reduce_max3A_568 = vector.broadcast %reduce_max3A_567 : i1 to vector<16xi1>
      %reduce_max3A_569 = arith.constant -2147483648 : i32
      %reduce_max3A_570 = vector.broadcast %reduce_max3A_569 : i32 to vector<16xi32>
      %reduce_max3A_571 = arith.xori %add3A_566, %reduce_max3A_570 : vector<16xi32>
      %reduce_max3A_572 = tpu.scan <max>, %reduce_max3A_571 masked %reduce_max3A_568 : vector<16xi32>, vector<16xi1> -> vector<16xi32>
      %reduce_max3A_573 = arith.xori %reduce_max3A_572, %reduce_max3A_570 : vector<16xi32>
      %reduce_max3A_574 = vector.extract %reduce_max3A_573[15] : i32 from vector<16xi32>
      %add3A_575 = vector.broadcast %reduce_max3A_574 : i32 to vector<16xi32>
      %add3A_576 = arith.addi %broadcast_in_dim3A_1, %add3A_575 : vector<16xi32>
      %add3A_577 = vector.broadcast %squeeze3A_526 : i32 to vector<16xi32>
      %add3A_578 = arith.addi %broadcast_in_dim3A_1, %add3A_577 : vector<16xi32>
      tpu.vector_store_idx %arg10[%add3A_576], %add3A_578 masked %eq3A_5 : memref<64xi32, #tpu.memory_space<vmem>>[vector<16xi32>], vector<16xi32>, vector<16xi1>
      %slice3A_579 = vector.extract_strided_slice %get3A_134 {offsets = [7], sizes = [1], strides = [1]} : vector<16xi32> to vector<1xi32>
      %squeeze3A_580 = vector.extract %slice3A_579[0] : i32 from vector<1xi32>
      %slice3A_581 = vector.extract_strided_slice %get3A_142 {offsets = [7], sizes = [1], strides = [1]} : vector<16xi32> to vector<1xi32>
      %squeeze3A_582 = vector.extract %slice3A_581[0] : i32 from vector<1xi32>
      %gt3A_583 = vector.broadcast %squeeze3A_580 : i32 to vector<16xi32>
      %gt3A_584 = arith.cmpi sgt, %get3A_134, %gt3A_583 : vector<16xi32>
      %eq3A_585 = vector.broadcast %squeeze3A_580 : i32 to vector<16xi32>
      %eq3A_586 = arith.cmpi eq, %get3A_134, %eq3A_585 : vector<16xi32>
      %lt3A_587 = vector.broadcast %squeeze3A_582 : i32 to vector<16xi32>
      %lt3A_588 = arith.cmpi slt, %get3A_142, %lt3A_587 : vector<16xi32>
      %and3A_589 = arith.andi %eq3A_586, %lt3A_588 : vector<16xi1>
      %or3A_590 = arith.ori %gt3A_584, %and3A_589 : vector<16xi1>
      %all_reduce_population_count3A_591 = tpu.all_reduce %or3A_590 {dim = 0 : i64, kind = #tpu.reduction_kind<sum>} : vector<16xi1> -> vector<16xi32>
      %add3A_592 = arith.addi %broadcast_in_dim3A_1, %all_reduce_population_count3A_591 : vector<16xi32>
      %gt3A_593 = vector.broadcast %squeeze3A_580 : i32 to vector<16xi32>
      %gt3A_594 = arith.cmpi sgt, %get3A_136, %gt3A_593 : vector<16xi32>
      %eq3A_595 = vector.broadcast %squeeze3A_580 : i32 to vector<16xi32>
      %eq3A_596 = arith.cmpi eq, %get3A_136, %eq3A_595 : vector<16xi32>
      %lt3A_597 = vector.broadcast %squeeze3A_582 : i32 to vector<16xi32>
      %lt3A_598 = arith.cmpi slt, %get3A_144, %lt3A_597 : vector<16xi32>
      %and3A_599 = arith.andi %eq3A_596, %lt3A_598 : vector<16xi1>
      %or3A_600 = arith.ori %gt3A_594, %and3A_599 : vector<16xi1>
      %all_reduce_population_count3A_601 = tpu.all_reduce %or3A_600 {dim = 0 : i64, kind = #tpu.reduction_kind<sum>} : vector<16xi1> -> vector<16xi32>
      %add3A_602 = arith.addi %add3A_592, %all_reduce_population_count3A_601 : vector<16xi32>
      %gt3A_603 = vector.broadcast %squeeze3A_580 : i32 to vector<16xi32>
      %gt3A_604 = arith.cmpi sgt, %get3A_138, %gt3A_603 : vector<16xi32>
      %eq3A_605 = vector.broadcast %squeeze3A_580 : i32 to vector<16xi32>
      %eq3A_606 = arith.cmpi eq, %get3A_138, %eq3A_605 : vector<16xi32>
      %lt3A_607 = vector.broadcast %squeeze3A_582 : i32 to vector<16xi32>
      %lt3A_608 = arith.cmpi slt, %get3A_146, %lt3A_607 : vector<16xi32>
      %and3A_609 = arith.andi %eq3A_606, %lt3A_608 : vector<16xi1>
      %or3A_610 = arith.ori %gt3A_604, %and3A_609 : vector<16xi1>
      %all_reduce_population_count3A_611 = tpu.all_reduce %or3A_610 {dim = 0 : i64, kind = #tpu.reduction_kind<sum>} : vector<16xi1> -> vector<16xi32>
      %add3A_612 = arith.addi %add3A_602, %all_reduce_population_count3A_611 : vector<16xi32>
      %gt3A_613 = vector.broadcast %squeeze3A_580 : i32 to vector<16xi32>
      %gt3A_614 = arith.cmpi sgt, %get3A_140, %gt3A_613 : vector<16xi32>
      %eq3A_615 = vector.broadcast %squeeze3A_580 : i32 to vector<16xi32>
      %eq3A_616 = arith.cmpi eq, %get3A_140, %eq3A_615 : vector<16xi32>
      %lt3A_617 = vector.broadcast %squeeze3A_582 : i32 to vector<16xi32>
      %lt3A_618 = arith.cmpi slt, %get3A_148, %lt3A_617 : vector<16xi32>
      %and3A_619 = arith.andi %eq3A_616, %lt3A_618 : vector<16xi1>
      %or3A_620 = arith.ori %gt3A_614, %and3A_619 : vector<16xi1>
      %all_reduce_population_count3A_621 = tpu.all_reduce %or3A_620 {dim = 0 : i64, kind = #tpu.reduction_kind<sum>} : vector<16xi1> -> vector<16xi32>
      %add3A_622 = arith.addi %add3A_612, %all_reduce_population_count3A_621 : vector<16xi32>
      %reduce_max3A_623 = arith.constant true
      %reduce_max3A_624 = vector.broadcast %reduce_max3A_623 : i1 to vector<16xi1>
      %reduce_max3A_625 = arith.constant -2147483648 : i32
      %reduce_max3A_626 = vector.broadcast %reduce_max3A_625 : i32 to vector<16xi32>
      %reduce_max3A_627 = arith.xori %add3A_622, %reduce_max3A_626 : vector<16xi32>
      %reduce_max3A_628 = tpu.scan <max>, %reduce_max3A_627 masked %reduce_max3A_624 : vector<16xi32>, vector<16xi1> -> vector<16xi32>
      %reduce_max3A_629 = arith.xori %reduce_max3A_628, %reduce_max3A_626 : vector<16xi32>
      %reduce_max3A_630 = vector.extract %reduce_max3A_629[15] : i32 from vector<16xi32>
      %add3A_631 = vector.broadcast %reduce_max3A_630 : i32 to vector<16xi32>
      %add3A_632 = arith.addi %broadcast_in_dim3A_1, %add3A_631 : vector<16xi32>
      %add3A_633 = vector.broadcast %squeeze3A_582 : i32 to vector<16xi32>
      %add3A_634 = arith.addi %broadcast_in_dim3A_1, %add3A_633 : vector<16xi32>
      tpu.vector_store_idx %arg10[%add3A_632], %add3A_634 masked %eq3A_5 : memref<64xi32, #tpu.memory_space<vmem>>[vector<16xi32>], vector<16xi32>, vector<16xi1>
      %slice3A_635 = vector.extract_strided_slice %get3A_134 {offsets = [8], sizes = [1], strides = [1]} : vector<16xi32> to vector<1xi32>
      %squeeze3A_636 = vector.extract %slice3A_635[0] : i32 from vector<1xi32>
      %slice3A_637 = vector.extract_strided_slice %get3A_142 {offsets = [8], sizes = [1], strides = [1]} : vector<16xi32> to vector<1xi32>
      %squeeze3A_638 = vector.extract %slice3A_637[0] : i32 from vector<1xi32>
      %gt3A_639 = vector.broadcast %squeeze3A_636 : i32 to vector<16xi32>
      %gt3A_640 = arith.cmpi sgt, %get3A_134, %gt3A_639 : vector<16xi32>
      %eq3A_641 = vector.broadcast %squeeze3A_636 : i32 to vector<16xi32>
      %eq3A_642 = arith.cmpi eq, %get3A_134, %eq3A_641 : vector<16xi32>
      %lt3A_643 = vector.broadcast %squeeze3A_638 : i32 to vector<16xi32>
      %lt3A_644 = arith.cmpi slt, %get3A_142, %lt3A_643 : vector<16xi32>
      %and3A_645 = arith.andi %eq3A_642, %lt3A_644 : vector<16xi1>
      %or3A_646 = arith.ori %gt3A_640, %and3A_645 : vector<16xi1>
      %all_reduce_population_count3A_647 = tpu.all_reduce %or3A_646 {dim = 0 : i64, kind = #tpu.reduction_kind<sum>} : vector<16xi1> -> vector<16xi32>
      %add3A_648 = arith.addi %broadcast_in_dim3A_1, %all_reduce_population_count3A_647 : vector<16xi32>
      %gt3A_649 = vector.broadcast %squeeze3A_636 : i32 to vector<16xi32>
      %gt3A_650 = arith.cmpi sgt, %get3A_136, %gt3A_649 : vector<16xi32>
      %eq3A_651 = vector.broadcast %squeeze3A_636 : i32 to vector<16xi32>
      %eq3A_652 = arith.cmpi eq, %get3A_136, %eq3A_651 : vector<16xi32>
      %lt3A_653 = vector.broadcast %squeeze3A_638 : i32 to vector<16xi32>
      %lt3A_654 = arith.cmpi slt, %get3A_144, %lt3A_653 : vector<16xi32>
      %and3A_655 = arith.andi %eq3A_652, %lt3A_654 : vector<16xi1>
      %or3A_656 = arith.ori %gt3A_650, %and3A_655 : vector<16xi1>
      %all_reduce_population_count3A_657 = tpu.all_reduce %or3A_656 {dim = 0 : i64, kind = #tpu.reduction_kind<sum>} : vector<16xi1> -> vector<16xi32>
      %add3A_658 = arith.addi %add3A_648, %all_reduce_population_count3A_657 : vector<16xi32>
      %gt3A_659 = vector.broadcast %squeeze3A_636 : i32 to vector<16xi32>
      %gt3A_660 = arith.cmpi sgt, %get3A_138, %gt3A_659 : vector<16xi32>
      %eq3A_661 = vector.broadcast %squeeze3A_636 : i32 to vector<16xi32>
      %eq3A_662 = arith.cmpi eq, %get3A_138, %eq3A_661 : vector<16xi32>
      %lt3A_663 = vector.broadcast %squeeze3A_638 : i32 to vector<16xi32>
      %lt3A_664 = arith.cmpi slt, %get3A_146, %lt3A_663 : vector<16xi32>
      %and3A_665 = arith.andi %eq3A_662, %lt3A_664 : vector<16xi1>
      %or3A_666 = arith.ori %gt3A_660, %and3A_665 : vector<16xi1>
      %all_reduce_population_count3A_667 = tpu.all_reduce %or3A_666 {dim = 0 : i64, kind = #tpu.reduction_kind<sum>} : vector<16xi1> -> vector<16xi32>
      %add3A_668 = arith.addi %add3A_658, %all_reduce_population_count3A_667 : vector<16xi32>
      %gt3A_669 = vector.broadcast %squeeze3A_636 : i32 to vector<16xi32>
      %gt3A_670 = arith.cmpi sgt, %get3A_140, %gt3A_669 : vector<16xi32>
      %eq3A_671 = vector.broadcast %squeeze3A_636 : i32 to vector<16xi32>
      %eq3A_672 = arith.cmpi eq, %get3A_140, %eq3A_671 : vector<16xi32>
      %lt3A_673 = vector.broadcast %squeeze3A_638 : i32 to vector<16xi32>
      %lt3A_674 = arith.cmpi slt, %get3A_148, %lt3A_673 : vector<16xi32>
      %and3A_675 = arith.andi %eq3A_672, %lt3A_674 : vector<16xi1>
      %or3A_676 = arith.ori %gt3A_670, %and3A_675 : vector<16xi1>
      %all_reduce_population_count3A_677 = tpu.all_reduce %or3A_676 {dim = 0 : i64, kind = #tpu.reduction_kind<sum>} : vector<16xi1> -> vector<16xi32>
      %add3A_678 = arith.addi %add3A_668, %all_reduce_population_count3A_677 : vector<16xi32>
      %reduce_max3A_679 = arith.constant true
      %reduce_max3A_680 = vector.broadcast %reduce_max3A_679 : i1 to vector<16xi1>
      %reduce_max3A_681 = arith.constant -2147483648 : i32
      %reduce_max3A_682 = vector.broadcast %reduce_max3A_681 : i32 to vector<16xi32>
      %reduce_max3A_683 = arith.xori %add3A_678, %reduce_max3A_682 : vector<16xi32>
      %reduce_max3A_684 = tpu.scan <max>, %reduce_max3A_683 masked %reduce_max3A_680 : vector<16xi32>, vector<16xi1> -> vector<16xi32>
      %reduce_max3A_685 = arith.xori %reduce_max3A_684, %reduce_max3A_682 : vector<16xi32>
      %reduce_max3A_686 = vector.extract %reduce_max3A_685[15] : i32 from vector<16xi32>
      %add3A_687 = vector.broadcast %reduce_max3A_686 : i32 to vector<16xi32>
      %add3A_688 = arith.addi %broadcast_in_dim3A_1, %add3A_687 : vector<16xi32>
      %add3A_689 = vector.broadcast %squeeze3A_638 : i32 to vector<16xi32>
      %add3A_690 = arith.addi %broadcast_in_dim3A_1, %add3A_689 : vector<16xi32>
      tpu.vector_store_idx %arg10[%add3A_688], %add3A_690 masked %eq3A_5 : memref<64xi32, #tpu.memory_space<vmem>>[vector<16xi32>], vector<16xi32>, vector<16xi1>
      %slice3A_691 = vector.extract_strided_slice %get3A_134 {offsets = [9], sizes = [1], strides = [1]} : vector<16xi32> to vector<1xi32>
      %squeeze3A_692 = vector.extract %slice3A_691[0] : i32 from vector<1xi32>
      %slice3A_693 = vector.extract_strided_slice %get3A_142 {offsets = [9], sizes = [1], strides = [1]} : vector<16xi32> to vector<1xi32>
      %squeeze3A_694 = vector.extract %slice3A_693[0] : i32 from vector<1xi32>
      %gt3A_695 = vector.broadcast %squeeze3A_692 : i32 to vector<16xi32>
      %gt3A_696 = arith.cmpi sgt, %get3A_134, %gt3A_695 : vector<16xi32>
      %eq3A_697 = vector.broadcast %squeeze3A_692 : i32 to vector<16xi32>
      %eq3A_698 = arith.cmpi eq, %get3A_134, %eq3A_697 : vector<16xi32>
      %lt3A_699 = vector.broadcast %squeeze3A_694 : i32 to vector<16xi32>
      %lt3A_700 = arith.cmpi slt, %get3A_142, %lt3A_699 : vector<16xi32>
      %and3A_701 = arith.andi %eq3A_698, %lt3A_700 : vector<16xi1>
      %or3A_702 = arith.ori %gt3A_696, %and3A_701 : vector<16xi1>
      %all_reduce_population_count3A_703 = tpu.all_reduce %or3A_702 {dim = 0 : i64, kind = #tpu.reduction_kind<sum>} : vector<16xi1> -> vector<16xi32>
      %add3A_704 = arith.addi %broadcast_in_dim3A_1, %all_reduce_population_count3A_703 : vector<16xi32>
      %gt3A_705 = vector.broadcast %squeeze3A_692 : i32 to vector<16xi32>
      %gt3A_706 = arith.cmpi sgt, %get3A_136, %gt3A_705 : vector<16xi32>
      %eq3A_707 = vector.broadcast %squeeze3A_692 : i32 to vector<16xi32>
      %eq3A_708 = arith.cmpi eq, %get3A_136, %eq3A_707 : vector<16xi32>
      %lt3A_709 = vector.broadcast %squeeze3A_694 : i32 to vector<16xi32>
      %lt3A_710 = arith.cmpi slt, %get3A_144, %lt3A_709 : vector<16xi32>
      %and3A_711 = arith.andi %eq3A_708, %lt3A_710 : vector<16xi1>
      %or3A_712 = arith.ori %gt3A_706, %and3A_711 : vector<16xi1>
      %all_reduce_population_count3A_713 = tpu.all_reduce %or3A_712 {dim = 0 : i64, kind = #tpu.reduction_kind<sum>} : vector<16xi1> -> vector<16xi32>
      %add3A_714 = arith.addi %add3A_704, %all_reduce_population_count3A_713 : vector<16xi32>
      %gt3A_715 = vector.broadcast %squeeze3A_692 : i32 to vector<16xi32>
      %gt3A_716 = arith.cmpi sgt, %get3A_138, %gt3A_715 : vector<16xi32>
      %eq3A_717 = vector.broadcast %squeeze3A_692 : i32 to vector<16xi32>
      %eq3A_718 = arith.cmpi eq, %get3A_138, %eq3A_717 : vector<16xi32>
      %lt3A_719 = vector.broadcast %squeeze3A_694 : i32 to vector<16xi32>
      %lt3A_720 = arith.cmpi slt, %get3A_146, %lt3A_719 : vector<16xi32>
      %and3A_721 = arith.andi %eq3A_718, %lt3A_720 : vector<16xi1>
      %or3A_722 = arith.ori %gt3A_716, %and3A_721 : vector<16xi1>
      %all_reduce_population_count3A_723 = tpu.all_reduce %or3A_722 {dim = 0 : i64, kind = #tpu.reduction_kind<sum>} : vector<16xi1> -> vector<16xi32>
      %add3A_724 = arith.addi %add3A_714, %all_reduce_population_count3A_723 : vector<16xi32>
      %gt3A_725 = vector.broadcast %squeeze3A_692 : i32 to vector<16xi32>
      %gt3A_726 = arith.cmpi sgt, %get3A_140, %gt3A_725 : vector<16xi32>
      %eq3A_727 = vector.broadcast %squeeze3A_692 : i32 to vector<16xi32>
      %eq3A_728 = arith.cmpi eq, %get3A_140, %eq3A_727 : vector<16xi32>
      %lt3A_729 = vector.broadcast %squeeze3A_694 : i32 to vector<16xi32>
      %lt3A_730 = arith.cmpi slt, %get3A_148, %lt3A_729 : vector<16xi32>
      %and3A_731 = arith.andi %eq3A_728, %lt3A_730 : vector<16xi1>
      %or3A_732 = arith.ori %gt3A_726, %and3A_731 : vector<16xi1>
      %all_reduce_population_count3A_733 = tpu.all_reduce %or3A_732 {dim = 0 : i64, kind = #tpu.reduction_kind<sum>} : vector<16xi1> -> vector<16xi32>
      %add3A_734 = arith.addi %add3A_724, %all_reduce_population_count3A_733 : vector<16xi32>
      %reduce_max3A_735 = arith.constant true
      %reduce_max3A_736 = vector.broadcast %reduce_max3A_735 : i1 to vector<16xi1>
      %reduce_max3A_737 = arith.constant -2147483648 : i32
      %reduce_max3A_738 = vector.broadcast %reduce_max3A_737 : i32 to vector<16xi32>
      %reduce_max3A_739 = arith.xori %add3A_734, %reduce_max3A_738 : vector<16xi32>
      %reduce_max3A_740 = tpu.scan <max>, %reduce_max3A_739 masked %reduce_max3A_736 : vector<16xi32>, vector<16xi1> -> vector<16xi32>
      %reduce_max3A_741 = arith.xori %reduce_max3A_740, %reduce_max3A_738 : vector<16xi32>
      %reduce_max3A_742 = vector.extract %reduce_max3A_741[15] : i32 from vector<16xi32>
      %add3A_743 = vector.broadcast %reduce_max3A_742 : i32 to vector<16xi32>
      %add3A_744 = arith.addi %broadcast_in_dim3A_1, %add3A_743 : vector<16xi32>
      %add3A_745 = vector.broadcast %squeeze3A_694 : i32 to vector<16xi32>
      %add3A_746 = arith.addi %broadcast_in_dim3A_1, %add3A_745 : vector<16xi32>
      tpu.vector_store_idx %arg10[%add3A_744], %add3A_746 masked %eq3A_5 : memref<64xi32, #tpu.memory_space<vmem>>[vector<16xi32>], vector<16xi32>, vector<16xi1>
      %slice3A_747 = vector.extract_strided_slice %get3A_134 {offsets = [10], sizes = [1], strides = [1]} : vector<16xi32> to vector<1xi32>
      %squeeze3A_748 = vector.extract %slice3A_747[0] : i32 from vector<1xi32>
      %slice3A_749 = vector.extract_strided_slice %get3A_142 {offsets = [10], sizes = [1], strides = [1]} : vector<16xi32> to vector<1xi32>
      %squeeze3A_750 = vector.extract %slice3A_749[0] : i32 from vector<1xi32>
      %gt3A_751 = vector.broadcast %squeeze3A_748 : i32 to vector<16xi32>
      %gt3A_752 = arith.cmpi sgt, %get3A_134, %gt3A_751 : vector<16xi32>
      %eq3A_753 = vector.broadcast %squeeze3A_748 : i32 to vector<16xi32>
      %eq3A_754 = arith.cmpi eq, %get3A_134, %eq3A_753 : vector<16xi32>
      %lt3A_755 = vector.broadcast %squeeze3A_750 : i32 to vector<16xi32>
      %lt3A_756 = arith.cmpi slt, %get3A_142, %lt3A_755 : vector<16xi32>
      %and3A_757 = arith.andi %eq3A_754, %lt3A_756 : vector<16xi1>
      %or3A_758 = arith.ori %gt3A_752, %and3A_757 : vector<16xi1>
      %all_reduce_population_count3A_759 = tpu.all_reduce %or3A_758 {dim = 0 : i64, kind = #tpu.reduction_kind<sum>} : vector<16xi1> -> vector<16xi32>
      %add3A_760 = arith.addi %broadcast_in_dim3A_1, %all_reduce_population_count3A_759 : vector<16xi32>
      %gt3A_761 = vector.broadcast %squeeze3A_748 : i32 to vector<16xi32>
      %gt3A_762 = arith.cmpi sgt, %get3A_136, %gt3A_761 : vector<16xi32>
      %eq3A_763 = vector.broadcast %squeeze3A_748 : i32 to vector<16xi32>
      %eq3A_764 = arith.cmpi eq, %get3A_136, %eq3A_763 : vector<16xi32>
      %lt3A_765 = vector.broadcast %squeeze3A_750 : i32 to vector<16xi32>
      %lt3A_766 = arith.cmpi slt, %get3A_144, %lt3A_765 : vector<16xi32>
      %and3A_767 = arith.andi %eq3A_764, %lt3A_766 : vector<16xi1>
      %or3A_768 = arith.ori %gt3A_762, %and3A_767 : vector<16xi1>
      %all_reduce_population_count3A_769 = tpu.all_reduce %or3A_768 {dim = 0 : i64, kind = #tpu.reduction_kind<sum>} : vector<16xi1> -> vector<16xi32>
      %add3A_770 = arith.addi %add3A_760, %all_reduce_population_count3A_769 : vector<16xi32>
      %gt3A_771 = vector.broadcast %squeeze3A_748 : i32 to vector<16xi32>
      %gt3A_772 = arith.cmpi sgt, %get3A_138, %gt3A_771 : vector<16xi32>
      %eq3A_773 = vector.broadcast %squeeze3A_748 : i32 to vector<16xi32>
      %eq3A_774 = arith.cmpi eq, %get3A_138, %eq3A_773 : vector<16xi32>
      %lt3A_775 = vector.broadcast %squeeze3A_750 : i32 to vector<16xi32>
      %lt3A_776 = arith.cmpi slt, %get3A_146, %lt3A_775 : vector<16xi32>
      %and3A_777 = arith.andi %eq3A_774, %lt3A_776 : vector<16xi1>
      %or3A_778 = arith.ori %gt3A_772, %and3A_777 : vector<16xi1>
      %all_reduce_population_count3A_779 = tpu.all_reduce %or3A_778 {dim = 0 : i64, kind = #tpu.reduction_kind<sum>} : vector<16xi1> -> vector<16xi32>
      %add3A_780 = arith.addi %add3A_770, %all_reduce_population_count3A_779 : vector<16xi32>
      %gt3A_781 = vector.broadcast %squeeze3A_748 : i32 to vector<16xi32>
      %gt3A_782 = arith.cmpi sgt, %get3A_140, %gt3A_781 : vector<16xi32>
      %eq3A_783 = vector.broadcast %squeeze3A_748 : i32 to vector<16xi32>
      %eq3A_784 = arith.cmpi eq, %get3A_140, %eq3A_783 : vector<16xi32>
      %lt3A_785 = vector.broadcast %squeeze3A_750 : i32 to vector<16xi32>
      %lt3A_786 = arith.cmpi slt, %get3A_148, %lt3A_785 : vector<16xi32>
      %and3A_787 = arith.andi %eq3A_784, %lt3A_786 : vector<16xi1>
      %or3A_788 = arith.ori %gt3A_782, %and3A_787 : vector<16xi1>
      %all_reduce_population_count3A_789 = tpu.all_reduce %or3A_788 {dim = 0 : i64, kind = #tpu.reduction_kind<sum>} : vector<16xi1> -> vector<16xi32>
      %add3A_790 = arith.addi %add3A_780, %all_reduce_population_count3A_789 : vector<16xi32>
      %reduce_max3A_791 = arith.constant true
      %reduce_max3A_792 = vector.broadcast %reduce_max3A_791 : i1 to vector<16xi1>
      %reduce_max3A_793 = arith.constant -2147483648 : i32
      %reduce_max3A_794 = vector.broadcast %reduce_max3A_793 : i32 to vector<16xi32>
      %reduce_max3A_795 = arith.xori %add3A_790, %reduce_max3A_794 : vector<16xi32>
      %reduce_max3A_796 = tpu.scan <max>, %reduce_max3A_795 masked %reduce_max3A_792 : vector<16xi32>, vector<16xi1> -> vector<16xi32>
      %reduce_max3A_797 = arith.xori %reduce_max3A_796, %reduce_max3A_794 : vector<16xi32>
      %reduce_max3A_798 = vector.extract %reduce_max3A_797[15] : i32 from vector<16xi32>
      %add3A_799 = vector.broadcast %reduce_max3A_798 : i32 to vector<16xi32>
      %add3A_800 = arith.addi %broadcast_in_dim3A_1, %add3A_799 : vector<16xi32>
      %add3A_801 = vector.broadcast %squeeze3A_750 : i32 to vector<16xi32>
      %add3A_802 = arith.addi %broadcast_in_dim3A_1, %add3A_801 : vector<16xi32>
      tpu.vector_store_idx %arg10[%add3A_800], %add3A_802 masked %eq3A_5 : memref<64xi32, #tpu.memory_space<vmem>>[vector<16xi32>], vector<16xi32>, vector<16xi1>
      %slice3A_803 = vector.extract_strided_slice %get3A_134 {offsets = [11], sizes = [1], strides = [1]} : vector<16xi32> to vector<1xi32>
      %squeeze3A_804 = vector.extract %slice3A_803[0] : i32 from vector<1xi32>
      %slice3A_805 = vector.extract_strided_slice %get3A_142 {offsets = [11], sizes = [1], strides = [1]} : vector<16xi32> to vector<1xi32>
      %squeeze3A_806 = vector.extract %slice3A_805[0] : i32 from vector<1xi32>
      %gt3A_807 = vector.broadcast %squeeze3A_804 : i32 to vector<16xi32>
      %gt3A_808 = arith.cmpi sgt, %get3A_134, %gt3A_807 : vector<16xi32>
      %eq3A_809 = vector.broadcast %squeeze3A_804 : i32 to vector<16xi32>
      %eq3A_810 = arith.cmpi eq, %get3A_134, %eq3A_809 : vector<16xi32>
      %lt3A_811 = vector.broadcast %squeeze3A_806 : i32 to vector<16xi32>
      %lt3A_812 = arith.cmpi slt, %get3A_142, %lt3A_811 : vector<16xi32>
      %and3A_813 = arith.andi %eq3A_810, %lt3A_812 : vector<16xi1>
      %or3A_814 = arith.ori %gt3A_808, %and3A_813 : vector<16xi1>
      %all_reduce_population_count3A_815 = tpu.all_reduce %or3A_814 {dim = 0 : i64, kind = #tpu.reduction_kind<sum>} : vector<16xi1> -> vector<16xi32>
      %add3A_816 = arith.addi %broadcast_in_dim3A_1, %all_reduce_population_count3A_815 : vector<16xi32>
      %gt3A_817 = vector.broadcast %squeeze3A_804 : i32 to vector<16xi32>
      %gt3A_818 = arith.cmpi sgt, %get3A_136, %gt3A_817 : vector<16xi32>
      %eq3A_819 = vector.broadcast %squeeze3A_804 : i32 to vector<16xi32>
      %eq3A_820 = arith.cmpi eq, %get3A_136, %eq3A_819 : vector<16xi32>
      %lt3A_821 = vector.broadcast %squeeze3A_806 : i32 to vector<16xi32>
      %lt3A_822 = arith.cmpi slt, %get3A_144, %lt3A_821 : vector<16xi32>
      %and3A_823 = arith.andi %eq3A_820, %lt3A_822 : vector<16xi1>
      %or3A_824 = arith.ori %gt3A_818, %and3A_823 : vector<16xi1>
      %all_reduce_population_count3A_825 = tpu.all_reduce %or3A_824 {dim = 0 : i64, kind = #tpu.reduction_kind<sum>} : vector<16xi1> -> vector<16xi32>
      %add3A_826 = arith.addi %add3A_816, %all_reduce_population_count3A_825 : vector<16xi32>
      %gt3A_827 = vector.broadcast %squeeze3A_804 : i32 to vector<16xi32>
      %gt3A_828 = arith.cmpi sgt, %get3A_138, %gt3A_827 : vector<16xi32>
      %eq3A_829 = vector.broadcast %squeeze3A_804 : i32 to vector<16xi32>
      %eq3A_830 = arith.cmpi eq, %get3A_138, %eq3A_829 : vector<16xi32>
      %lt3A_831 = vector.broadcast %squeeze3A_806 : i32 to vector<16xi32>
      %lt3A_832 = arith.cmpi slt, %get3A_146, %lt3A_831 : vector<16xi32>
      %and3A_833 = arith.andi %eq3A_830, %lt3A_832 : vector<16xi1>
      %or3A_834 = arith.ori %gt3A_828, %and3A_833 : vector<16xi1>
      %all_reduce_population_count3A_835 = tpu.all_reduce %or3A_834 {dim = 0 : i64, kind = #tpu.reduction_kind<sum>} : vector<16xi1> -> vector<16xi32>
      %add3A_836 = arith.addi %add3A_826, %all_reduce_population_count3A_835 : vector<16xi32>
      %gt3A_837 = vector.broadcast %squeeze3A_804 : i32 to vector<16xi32>
      %gt3A_838 = arith.cmpi sgt, %get3A_140, %gt3A_837 : vector<16xi32>
      %eq3A_839 = vector.broadcast %squeeze3A_804 : i32 to vector<16xi32>
      %eq3A_840 = arith.cmpi eq, %get3A_140, %eq3A_839 : vector<16xi32>
      %lt3A_841 = vector.broadcast %squeeze3A_806 : i32 to vector<16xi32>
      %lt3A_842 = arith.cmpi slt, %get3A_148, %lt3A_841 : vector<16xi32>
      %and3A_843 = arith.andi %eq3A_840, %lt3A_842 : vector<16xi1>
      %or3A_844 = arith.ori %gt3A_838, %and3A_843 : vector<16xi1>
      %all_reduce_population_count3A_845 = tpu.all_reduce %or3A_844 {dim = 0 : i64, kind = #tpu.reduction_kind<sum>} : vector<16xi1> -> vector<16xi32>
      %add3A_846 = arith.addi %add3A_836, %all_reduce_population_count3A_845 : vector<16xi32>
      %reduce_max3A_847 = arith.constant true
      %reduce_max3A_848 = vector.broadcast %reduce_max3A_847 : i1 to vector<16xi1>
      %reduce_max3A_849 = arith.constant -2147483648 : i32
      %reduce_max3A_850 = vector.broadcast %reduce_max3A_849 : i32 to vector<16xi32>
      %reduce_max3A_851 = arith.xori %add3A_846, %reduce_max3A_850 : vector<16xi32>
      %reduce_max3A_852 = tpu.scan <max>, %reduce_max3A_851 masked %reduce_max3A_848 : vector<16xi32>, vector<16xi1> -> vector<16xi32>
      %reduce_max3A_853 = arith.xori %reduce_max3A_852, %reduce_max3A_850 : vector<16xi32>
      %reduce_max3A_854 = vector.extract %reduce_max3A_853[15] : i32 from vector<16xi32>
      %add3A_855 = vector.broadcast %reduce_max3A_854 : i32 to vector<16xi32>
      %add3A_856 = arith.addi %broadcast_in_dim3A_1, %add3A_855 : vector<16xi32>
      %add3A_857 = vector.broadcast %squeeze3A_806 : i32 to vector<16xi32>
      %add3A_858 = arith.addi %broadcast_in_dim3A_1, %add3A_857 : vector<16xi32>
      tpu.vector_store_idx %arg10[%add3A_856], %add3A_858 masked %eq3A_5 : memref<64xi32, #tpu.memory_space<vmem>>[vector<16xi32>], vector<16xi32>, vector<16xi1>
      %slice3A_859 = vector.extract_strided_slice %get3A_134 {offsets = [12], sizes = [1], strides = [1]} : vector<16xi32> to vector<1xi32>
      %squeeze3A_860 = vector.extract %slice3A_859[0] : i32 from vector<1xi32>
      %slice3A_861 = vector.extract_strided_slice %get3A_142 {offsets = [12], sizes = [1], strides = [1]} : vector<16xi32> to vector<1xi32>
      %squeeze3A_862 = vector.extract %slice3A_861[0] : i32 from vector<1xi32>
      %gt3A_863 = vector.broadcast %squeeze3A_860 : i32 to vector<16xi32>
      %gt3A_864 = arith.cmpi sgt, %get3A_134, %gt3A_863 : vector<16xi32>
      %eq3A_865 = vector.broadcast %squeeze3A_860 : i32 to vector<16xi32>
      %eq3A_866 = arith.cmpi eq, %get3A_134, %eq3A_865 : vector<16xi32>
      %lt3A_867 = vector.broadcast %squeeze3A_862 : i32 to vector<16xi32>
      %lt3A_868 = arith.cmpi slt, %get3A_142, %lt3A_867 : vector<16xi32>
      %and3A_869 = arith.andi %eq3A_866, %lt3A_868 : vector<16xi1>
      %or3A_870 = arith.ori %gt3A_864, %and3A_869 : vector<16xi1>
      %all_reduce_population_count3A_871 = tpu.all_reduce %or3A_870 {dim = 0 : i64, kind = #tpu.reduction_kind<sum>} : vector<16xi1> -> vector<16xi32>
      %add3A_872 = arith.addi %broadcast_in_dim3A_1, %all_reduce_population_count3A_871 : vector<16xi32>
      %gt3A_873 = vector.broadcast %squeeze3A_860 : i32 to vector<16xi32>
      %gt3A_874 = arith.cmpi sgt, %get3A_136, %gt3A_873 : vector<16xi32>
      %eq3A_875 = vector.broadcast %squeeze3A_860 : i32 to vector<16xi32>
      %eq3A_876 = arith.cmpi eq, %get3A_136, %eq3A_875 : vector<16xi32>
      %lt3A_877 = vector.broadcast %squeeze3A_862 : i32 to vector<16xi32>
      %lt3A_878 = arith.cmpi slt, %get3A_144, %lt3A_877 : vector<16xi32>
      %and3A_879 = arith.andi %eq3A_876, %lt3A_878 : vector<16xi1>
      %or3A_880 = arith.ori %gt3A_874, %and3A_879 : vector<16xi1>
      %all_reduce_population_count3A_881 = tpu.all_reduce %or3A_880 {dim = 0 : i64, kind = #tpu.reduction_kind<sum>} : vector<16xi1> -> vector<16xi32>
      %add3A_882 = arith.addi %add3A_872, %all_reduce_population_count3A_881 : vector<16xi32>
      %gt3A_883 = vector.broadcast %squeeze3A_860 : i32 to vector<16xi32>
      %gt3A_884 = arith.cmpi sgt, %get3A_138, %gt3A_883 : vector<16xi32>
      %eq3A_885 = vector.broadcast %squeeze3A_860 : i32 to vector<16xi32>
      %eq3A_886 = arith.cmpi eq, %get3A_138, %eq3A_885 : vector<16xi32>
      %lt3A_887 = vector.broadcast %squeeze3A_862 : i32 to vector<16xi32>
      %lt3A_888 = arith.cmpi slt, %get3A_146, %lt3A_887 : vector<16xi32>
      %and3A_889 = arith.andi %eq3A_886, %lt3A_888 : vector<16xi1>
      %or3A_890 = arith.ori %gt3A_884, %and3A_889 : vector<16xi1>
      %all_reduce_population_count3A_891 = tpu.all_reduce %or3A_890 {dim = 0 : i64, kind = #tpu.reduction_kind<sum>} : vector<16xi1> -> vector<16xi32>
      %add3A_892 = arith.addi %add3A_882, %all_reduce_population_count3A_891 : vector<16xi32>
      %gt3A_893 = vector.broadcast %squeeze3A_860 : i32 to vector<16xi32>
      %gt3A_894 = arith.cmpi sgt, %get3A_140, %gt3A_893 : vector<16xi32>
      %eq3A_895 = vector.broadcast %squeeze3A_860 : i32 to vector<16xi32>
      %eq3A_896 = arith.cmpi eq, %get3A_140, %eq3A_895 : vector<16xi32>
      %lt3A_897 = vector.broadcast %squeeze3A_862 : i32 to vector<16xi32>
      %lt3A_898 = arith.cmpi slt, %get3A_148, %lt3A_897 : vector<16xi32>
      %and3A_899 = arith.andi %eq3A_896, %lt3A_898 : vector<16xi1>
      %or3A_900 = arith.ori %gt3A_894, %and3A_899 : vector<16xi1>
      %all_reduce_population_count3A_901 = tpu.all_reduce %or3A_900 {dim = 0 : i64, kind = #tpu.reduction_kind<sum>} : vector<16xi1> -> vector<16xi32>
      %add3A_902 = arith.addi %add3A_892, %all_reduce_population_count3A_901 : vector<16xi32>
      %reduce_max3A_903 = arith.constant true
      %reduce_max3A_904 = vector.broadcast %reduce_max3A_903 : i1 to vector<16xi1>
      %reduce_max3A_905 = arith.constant -2147483648 : i32
      %reduce_max3A_906 = vector.broadcast %reduce_max3A_905 : i32 to vector<16xi32>
      %reduce_max3A_907 = arith.xori %add3A_902, %reduce_max3A_906 : vector<16xi32>
      %reduce_max3A_908 = tpu.scan <max>, %reduce_max3A_907 masked %reduce_max3A_904 : vector<16xi32>, vector<16xi1> -> vector<16xi32>
      %reduce_max3A_909 = arith.xori %reduce_max3A_908, %reduce_max3A_906 : vector<16xi32>
      %reduce_max3A_910 = vector.extract %reduce_max3A_909[15] : i32 from vector<16xi32>
      %add3A_911 = vector.broadcast %reduce_max3A_910 : i32 to vector<16xi32>
      %add3A_912 = arith.addi %broadcast_in_dim3A_1, %add3A_911 : vector<16xi32>
      %add3A_913 = vector.broadcast %squeeze3A_862 : i32 to vector<16xi32>
      %add3A_914 = arith.addi %broadcast_in_dim3A_1, %add3A_913 : vector<16xi32>
      tpu.vector_store_idx %arg10[%add3A_912], %add3A_914 masked %eq3A_5 : memref<64xi32, #tpu.memory_space<vmem>>[vector<16xi32>], vector<16xi32>, vector<16xi1>
      %slice3A_915 = vector.extract_strided_slice %get3A_134 {offsets = [13], sizes = [1], strides = [1]} : vector<16xi32> to vector<1xi32>
      %squeeze3A_916 = vector.extract %slice3A_915[0] : i32 from vector<1xi32>
      %slice3A_917 = vector.extract_strided_slice %get3A_142 {offsets = [13], sizes = [1], strides = [1]} : vector<16xi32> to vector<1xi32>
      %squeeze3A_918 = vector.extract %slice3A_917[0] : i32 from vector<1xi32>
      %gt3A_919 = vector.broadcast %squeeze3A_916 : i32 to vector<16xi32>
      %gt3A_920 = arith.cmpi sgt, %get3A_134, %gt3A_919 : vector<16xi32>
      %eq3A_921 = vector.broadcast %squeeze3A_916 : i32 to vector<16xi32>
      %eq3A_922 = arith.cmpi eq, %get3A_134, %eq3A_921 : vector<16xi32>
      %lt3A_923 = vector.broadcast %squeeze3A_918 : i32 to vector<16xi32>
      %lt3A_924 = arith.cmpi slt, %get3A_142, %lt3A_923 : vector<16xi32>
      %and3A_925 = arith.andi %eq3A_922, %lt3A_924 : vector<16xi1>
      %or3A_926 = arith.ori %gt3A_920, %and3A_925 : vector<16xi1>
      %all_reduce_population_count3A_927 = tpu.all_reduce %or3A_926 {dim = 0 : i64, kind = #tpu.reduction_kind<sum>} : vector<16xi1> -> vector<16xi32>
      %add3A_928 = arith.addi %broadcast_in_dim3A_1, %all_reduce_population_count3A_927 : vector<16xi32>
      %gt3A_929 = vector.broadcast %squeeze3A_916 : i32 to vector<16xi32>
      %gt3A_930 = arith.cmpi sgt, %get3A_136, %gt3A_929 : vector<16xi32>
      %eq3A_931 = vector.broadcast %squeeze3A_916 : i32 to vector<16xi32>
      %eq3A_932 = arith.cmpi eq, %get3A_136, %eq3A_931 : vector<16xi32>
      %lt3A_933 = vector.broadcast %squeeze3A_918 : i32 to vector<16xi32>
      %lt3A_934 = arith.cmpi slt, %get3A_144, %lt3A_933 : vector<16xi32>
      %and3A_935 = arith.andi %eq3A_932, %lt3A_934 : vector<16xi1>
      %or3A_936 = arith.ori %gt3A_930, %and3A_935 : vector<16xi1>
      %all_reduce_population_count3A_937 = tpu.all_reduce %or3A_936 {dim = 0 : i64, kind = #tpu.reduction_kind<sum>} : vector<16xi1> -> vector<16xi32>
      %add3A_938 = arith.addi %add3A_928, %all_reduce_population_count3A_937 : vector<16xi32>
      %gt3A_939 = vector.broadcast %squeeze3A_916 : i32 to vector<16xi32>
      %gt3A_940 = arith.cmpi sgt, %get3A_138, %gt3A_939 : vector<16xi32>
      %eq3A_941 = vector.broadcast %squeeze3A_916 : i32 to vector<16xi32>
      %eq3A_942 = arith.cmpi eq, %get3A_138, %eq3A_941 : vector<16xi32>
      %lt3A_943 = vector.broadcast %squeeze3A_918 : i32 to vector<16xi32>
      %lt3A_944 = arith.cmpi slt, %get3A_146, %lt3A_943 : vector<16xi32>
      %and3A_945 = arith.andi %eq3A_942, %lt3A_944 : vector<16xi1>
      %or3A_946 = arith.ori %gt3A_940, %and3A_945 : vector<16xi1>
      %all_reduce_population_count3A_947 = tpu.all_reduce %or3A_946 {dim = 0 : i64, kind = #tpu.reduction_kind<sum>} : vector<16xi1> -> vector<16xi32>
      %add3A_948 = arith.addi %add3A_938, %all_reduce_population_count3A_947 : vector<16xi32>
      %gt3A_949 = vector.broadcast %squeeze3A_916 : i32 to vector<16xi32>
      %gt3A_950 = arith.cmpi sgt, %get3A_140, %gt3A_949 : vector<16xi32>
      %eq3A_951 = vector.broadcast %squeeze3A_916 : i32 to vector<16xi32>
      %eq3A_952 = arith.cmpi eq, %get3A_140, %eq3A_951 : vector<16xi32>
      %lt3A_953 = vector.broadcast %squeeze3A_918 : i32 to vector<16xi32>
      %lt3A_954 = arith.cmpi slt, %get3A_148, %lt3A_953 : vector<16xi32>
      %and3A_955 = arith.andi %eq3A_952, %lt3A_954 : vector<16xi1>
      %or3A_956 = arith.ori %gt3A_950, %and3A_955 : vector<16xi1>
      %all_reduce_population_count3A_957 = tpu.all_reduce %or3A_956 {dim = 0 : i64, kind = #tpu.reduction_kind<sum>} : vector<16xi1> -> vector<16xi32>
      %add3A_958 = arith.addi %add3A_948, %all_reduce_population_count3A_957 : vector<16xi32>
      %reduce_max3A_959 = arith.constant true
      %reduce_max3A_960 = vector.broadcast %reduce_max3A_959 : i1 to vector<16xi1>
      %reduce_max3A_961 = arith.constant -2147483648 : i32
      %reduce_max3A_962 = vector.broadcast %reduce_max3A_961 : i32 to vector<16xi32>
      %reduce_max3A_963 = arith.xori %add3A_958, %reduce_max3A_962 : vector<16xi32>
      %reduce_max3A_964 = tpu.scan <max>, %reduce_max3A_963 masked %reduce_max3A_960 : vector<16xi32>, vector<16xi1> -> vector<16xi32>
      %reduce_max3A_965 = arith.xori %reduce_max3A_964, %reduce_max3A_962 : vector<16xi32>
      %reduce_max3A_966 = vector.extract %reduce_max3A_965[15] : i32 from vector<16xi32>
      %add3A_967 = vector.broadcast %reduce_max3A_966 : i32 to vector<16xi32>
      %add3A_968 = arith.addi %broadcast_in_dim3A_1, %add3A_967 : vector<16xi32>
      %add3A_969 = vector.broadcast %squeeze3A_918 : i32 to vector<16xi32>
      %add3A_970 = arith.addi %broadcast_in_dim3A_1, %add3A_969 : vector<16xi32>
      tpu.vector_store_idx %arg10[%add3A_968], %add3A_970 masked %eq3A_5 : memref<64xi32, #tpu.memory_space<vmem>>[vector<16xi32>], vector<16xi32>, vector<16xi1>
      %slice3A_971 = vector.extract_strided_slice %get3A_134 {offsets = [14], sizes = [1], strides = [1]} : vector<16xi32> to vector<1xi32>
      %squeeze3A_972 = vector.extract %slice3A_971[0] : i32 from vector<1xi32>
      %slice3A_973 = vector.extract_strided_slice %get3A_142 {offsets = [14], sizes = [1], strides = [1]} : vector<16xi32> to vector<1xi32>
      %squeeze3A_974 = vector.extract %slice3A_973[0] : i32 from vector<1xi32>
      %gt3A_975 = vector.broadcast %squeeze3A_972 : i32 to vector<16xi32>
      %gt3A_976 = arith.cmpi sgt, %get3A_134, %gt3A_975 : vector<16xi32>
      %eq3A_977 = vector.broadcast %squeeze3A_972 : i32 to vector<16xi32>
      %eq3A_978 = arith.cmpi eq, %get3A_134, %eq3A_977 : vector<16xi32>
      %lt3A_979 = vector.broadcast %squeeze3A_974 : i32 to vector<16xi32>
      %lt3A_980 = arith.cmpi slt, %get3A_142, %lt3A_979 : vector<16xi32>
      %and3A_981 = arith.andi %eq3A_978, %lt3A_980 : vector<16xi1>
      %or3A_982 = arith.ori %gt3A_976, %and3A_981 : vector<16xi1>
      %all_reduce_population_count3A_983 = tpu.all_reduce %or3A_982 {dim = 0 : i64, kind = #tpu.reduction_kind<sum>} : vector<16xi1> -> vector<16xi32>
      %add3A_984 = arith.addi %broadcast_in_dim3A_1, %all_reduce_population_count3A_983 : vector<16xi32>
      %gt3A_985 = vector.broadcast %squeeze3A_972 : i32 to vector<16xi32>
      %gt3A_986 = arith.cmpi sgt, %get3A_136, %gt3A_985 : vector<16xi32>
      %eq3A_987 = vector.broadcast %squeeze3A_972 : i32 to vector<16xi32>
      %eq3A_988 = arith.cmpi eq, %get3A_136, %eq3A_987 : vector<16xi32>
      %lt3A_989 = vector.broadcast %squeeze3A_974 : i32 to vector<16xi32>
      %lt3A_990 = arith.cmpi slt, %get3A_144, %lt3A_989 : vector<16xi32>
      %and3A_991 = arith.andi %eq3A_988, %lt3A_990 : vector<16xi1>
      %or3A_992 = arith.ori %gt3A_986, %and3A_991 : vector<16xi1>
      %all_reduce_population_count3A_993 = tpu.all_reduce %or3A_992 {dim = 0 : i64, kind = #tpu.reduction_kind<sum>} : vector<16xi1> -> vector<16xi32>
      %add3A_994 = arith.addi %add3A_984, %all_reduce_population_count3A_993 : vector<16xi32>
      %gt3A_995 = vector.broadcast %squeeze3A_972 : i32 to vector<16xi32>
      %gt3A_996 = arith.cmpi sgt, %get3A_138, %gt3A_995 : vector<16xi32>
      %eq3A_997 = vector.broadcast %squeeze3A_972 : i32 to vector<16xi32>
      %eq3A_998 = arith.cmpi eq, %get3A_138, %eq3A_997 : vector<16xi32>
      %lt3A_999 = vector.broadcast %squeeze3A_974 : i32 to vector<16xi32>
      %lt3A_1000 = arith.cmpi slt, %get3A_146, %lt3A_999 : vector<16xi32>
      %and3A_1001 = arith.andi %eq3A_998, %lt3A_1000 : vector<16xi1>
      %or3A_1002 = arith.ori %gt3A_996, %and3A_1001 : vector<16xi1>
      %all_reduce_population_count3A_1003 = tpu.all_reduce %or3A_1002 {dim = 0 : i64, kind = #tpu.reduction_kind<sum>} : vector<16xi1> -> vector<16xi32>
      %add3A_1004 = arith.addi %add3A_994, %all_reduce_population_count3A_1003 : vector<16xi32>
      %gt3A_1005 = vector.broadcast %squeeze3A_972 : i32 to vector<16xi32>
      %gt3A_1006 = arith.cmpi sgt, %get3A_140, %gt3A_1005 : vector<16xi32>
      %eq3A_1007 = vector.broadcast %squeeze3A_972 : i32 to vector<16xi32>
      %eq3A_1008 = arith.cmpi eq, %get3A_140, %eq3A_1007 : vector<16xi32>
      %lt3A_1009 = vector.broadcast %squeeze3A_974 : i32 to vector<16xi32>
      %lt3A_1010 = arith.cmpi slt, %get3A_148, %lt3A_1009 : vector<16xi32>
      %and3A_1011 = arith.andi %eq3A_1008, %lt3A_1010 : vector<16xi1>
      %or3A_1012 = arith.ori %gt3A_1006, %and3A_1011 : vector<16xi1>
      %all_reduce_population_count3A_1013 = tpu.all_reduce %or3A_1012 {dim = 0 : i64, kind = #tpu.reduction_kind<sum>} : vector<16xi1> -> vector<16xi32>
      %add3A_1014 = arith.addi %add3A_1004, %all_reduce_population_count3A_1013 : vector<16xi32>
      %reduce_max3A_1015 = arith.constant true
      %reduce_max3A_1016 = vector.broadcast %reduce_max3A_1015 : i1 to vector<16xi1>
      %reduce_max3A_1017 = arith.constant -2147483648 : i32
      %reduce_max3A_1018 = vector.broadcast %reduce_max3A_1017 : i32 to vector<16xi32>
      %reduce_max3A_1019 = arith.xori %add3A_1014, %reduce_max3A_1018 : vector<16xi32>
      %reduce_max3A_1020 = tpu.scan <max>, %reduce_max3A_1019 masked %reduce_max3A_1016 : vector<16xi32>, vector<16xi1> -> vector<16xi32>
      %reduce_max3A_1021 = arith.xori %reduce_max3A_1020, %reduce_max3A_1018 : vector<16xi32>
      %reduce_max3A_1022 = vector.extract %reduce_max3A_1021[15] : i32 from vector<16xi32>
      %add3A_1023 = vector.broadcast %reduce_max3A_1022 : i32 to vector<16xi32>
      %add3A_1024 = arith.addi %broadcast_in_dim3A_1, %add3A_1023 : vector<16xi32>
      %add3A_1025 = vector.broadcast %squeeze3A_974 : i32 to vector<16xi32>
      %add3A_1026 = arith.addi %broadcast_in_dim3A_1, %add3A_1025 : vector<16xi32>
      tpu.vector_store_idx %arg10[%add3A_1024], %add3A_1026 masked %eq3A_5 : memref<64xi32, #tpu.memory_space<vmem>>[vector<16xi32>], vector<16xi32>, vector<16xi1>
      %slice3A_1027 = vector.extract_strided_slice %get3A_134 {offsets = [15], sizes = [1], strides = [1]} : vector<16xi32> to vector<1xi32>
      %squeeze3A_1028 = vector.extract %slice3A_1027[0] : i32 from vector<1xi32>
      %slice3A_1029 = vector.extract_strided_slice %get3A_142 {offsets = [15], sizes = [1], strides = [1]} : vector<16xi32> to vector<1xi32>
      %squeeze3A_1030 = vector.extract %slice3A_1029[0] : i32 from vector<1xi32>
      %gt3A_1031 = vector.broadcast %squeeze3A_1028 : i32 to vector<16xi32>
      %gt3A_1032 = arith.cmpi sgt, %get3A_134, %gt3A_1031 : vector<16xi32>
      %eq3A_1033 = vector.broadcast %squeeze3A_1028 : i32 to vector<16xi32>
      %eq3A_1034 = arith.cmpi eq, %get3A_134, %eq3A_1033 : vector<16xi32>
      %lt3A_1035 = vector.broadcast %squeeze3A_1030 : i32 to vector<16xi32>
      %lt3A_1036 = arith.cmpi slt, %get3A_142, %lt3A_1035 : vector<16xi32>
      %and3A_1037 = arith.andi %eq3A_1034, %lt3A_1036 : vector<16xi1>
      %or3A_1038 = arith.ori %gt3A_1032, %and3A_1037 : vector<16xi1>
      %all_reduce_population_count3A_1039 = tpu.all_reduce %or3A_1038 {dim = 0 : i64, kind = #tpu.reduction_kind<sum>} : vector<16xi1> -> vector<16xi32>
      %add3A_1040 = arith.addi %broadcast_in_dim3A_1, %all_reduce_population_count3A_1039 : vector<16xi32>
      %gt3A_1041 = vector.broadcast %squeeze3A_1028 : i32 to vector<16xi32>
      %gt3A_1042 = arith.cmpi sgt, %get3A_136, %gt3A_1041 : vector<16xi32>
      %eq3A_1043 = vector.broadcast %squeeze3A_1028 : i32 to vector<16xi32>
      %eq3A_1044 = arith.cmpi eq, %get3A_136, %eq3A_1043 : vector<16xi32>
      %lt3A_1045 = vector.broadcast %squeeze3A_1030 : i32 to vector<16xi32>
      %lt3A_1046 = arith.cmpi slt, %get3A_144, %lt3A_1045 : vector<16xi32>
      %and3A_1047 = arith.andi %eq3A_1044, %lt3A_1046 : vector<16xi1>
      %or3A_1048 = arith.ori %gt3A_1042, %and3A_1047 : vector<16xi1>
      %all_reduce_population_count3A_1049 = tpu.all_reduce %or3A_1048 {dim = 0 : i64, kind = #tpu.reduction_kind<sum>} : vector<16xi1> -> vector<16xi32>
      %add3A_1050 = arith.addi %add3A_1040, %all_reduce_population_count3A_1049 : vector<16xi32>
      %gt3A_1051 = vector.broadcast %squeeze3A_1028 : i32 to vector<16xi32>
      %gt3A_1052 = arith.cmpi sgt, %get3A_138, %gt3A_1051 : vector<16xi32>
      %eq3A_1053 = vector.broadcast %squeeze3A_1028 : i32 to vector<16xi32>
      %eq3A_1054 = arith.cmpi eq, %get3A_138, %eq3A_1053 : vector<16xi32>
      %lt3A_1055 = vector.broadcast %squeeze3A_1030 : i32 to vector<16xi32>
      %lt3A_1056 = arith.cmpi slt, %get3A_146, %lt3A_1055 : vector<16xi32>
      %and3A_1057 = arith.andi %eq3A_1054, %lt3A_1056 : vector<16xi1>
      %or3A_1058 = arith.ori %gt3A_1052, %and3A_1057 : vector<16xi1>
      %all_reduce_population_count3A_1059 = tpu.all_reduce %or3A_1058 {dim = 0 : i64, kind = #tpu.reduction_kind<sum>} : vector<16xi1> -> vector<16xi32>
      %add3A_1060 = arith.addi %add3A_1050, %all_reduce_population_count3A_1059 : vector<16xi32>
      %gt3A_1061 = vector.broadcast %squeeze3A_1028 : i32 to vector<16xi32>
      %gt3A_1062 = arith.cmpi sgt, %get3A_140, %gt3A_1061 : vector<16xi32>
      %eq3A_1063 = vector.broadcast %squeeze3A_1028 : i32 to vector<16xi32>
      %eq3A_1064 = arith.cmpi eq, %get3A_140, %eq3A_1063 : vector<16xi32>
      %lt3A_1065 = vector.broadcast %squeeze3A_1030 : i32 to vector<16xi32>
      %lt3A_1066 = arith.cmpi slt, %get3A_148, %lt3A_1065 : vector<16xi32>
      %and3A_1067 = arith.andi %eq3A_1064, %lt3A_1066 : vector<16xi1>
      %or3A_1068 = arith.ori %gt3A_1062, %and3A_1067 : vector<16xi1>
      %all_reduce_population_count3A_1069 = tpu.all_reduce %or3A_1068 {dim = 0 : i64, kind = #tpu.reduction_kind<sum>} : vector<16xi1> -> vector<16xi32>
      %add3A_1070 = arith.addi %add3A_1060, %all_reduce_population_count3A_1069 : vector<16xi32>
      %reduce_max3A_1071 = arith.constant true
      %reduce_max3A_1072 = vector.broadcast %reduce_max3A_1071 : i1 to vector<16xi1>
      %reduce_max3A_1073 = arith.constant -2147483648 : i32
      %reduce_max3A_1074 = vector.broadcast %reduce_max3A_1073 : i32 to vector<16xi32>
      %reduce_max3A_1075 = arith.xori %add3A_1070, %reduce_max3A_1074 : vector<16xi32>
      %reduce_max3A_1076 = tpu.scan <max>, %reduce_max3A_1075 masked %reduce_max3A_1072 : vector<16xi32>, vector<16xi1> -> vector<16xi32>
      %reduce_max3A_1077 = arith.xori %reduce_max3A_1076, %reduce_max3A_1074 : vector<16xi32>
      %reduce_max3A_1078 = vector.extract %reduce_max3A_1077[15] : i32 from vector<16xi32>
      %add3A_1079 = vector.broadcast %reduce_max3A_1078 : i32 to vector<16xi32>
      %add3A_1080 = arith.addi %broadcast_in_dim3A_1, %add3A_1079 : vector<16xi32>
      %add3A_1081 = vector.broadcast %squeeze3A_1030 : i32 to vector<16xi32>
      %add3A_1082 = arith.addi %broadcast_in_dim3A_1, %add3A_1081 : vector<16xi32>
      tpu.vector_store_idx %arg10[%add3A_1080], %add3A_1082 masked %eq3A_5 : memref<64xi32, #tpu.memory_space<vmem>>[vector<16xi32>], vector<16xi32>, vector<16xi1>
      %slice3A_1083 = vector.extract_strided_slice %get3A_136 {offsets = [0], sizes = [1], strides = [1]} : vector<16xi32> to vector<1xi32>
      %squeeze3A_1084 = vector.extract %slice3A_1083[0] : i32 from vector<1xi32>
      %slice3A_1085 = vector.extract_strided_slice %get3A_144 {offsets = [0], sizes = [1], strides = [1]} : vector<16xi32> to vector<1xi32>
      %squeeze3A_1086 = vector.extract %slice3A_1085[0] : i32 from vector<1xi32>
      %gt3A_1087 = vector.broadcast %squeeze3A_1084 : i32 to vector<16xi32>
      %gt3A_1088 = arith.cmpi sgt, %get3A_134, %gt3A_1087 : vector<16xi32>
      %eq3A_1089 = vector.broadcast %squeeze3A_1084 : i32 to vector<16xi32>
      %eq3A_1090 = arith.cmpi eq, %get3A_134, %eq3A_1089 : vector<16xi32>
      %lt3A_1091 = vector.broadcast %squeeze3A_1086 : i32 to vector<16xi32>
      %lt3A_1092 = arith.cmpi slt, %get3A_142, %lt3A_1091 : vector<16xi32>
      %and3A_1093 = arith.andi %eq3A_1090, %lt3A_1092 : vector<16xi1>
      %or3A_1094 = arith.ori %gt3A_1088, %and3A_1093 : vector<16xi1>
      %all_reduce_population_count3A_1095 = tpu.all_reduce %or3A_1094 {dim = 0 : i64, kind = #tpu.reduction_kind<sum>} : vector<16xi1> -> vector<16xi32>
      %add3A_1096 = arith.addi %broadcast_in_dim3A_1, %all_reduce_population_count3A_1095 : vector<16xi32>
      %gt3A_1097 = vector.broadcast %squeeze3A_1084 : i32 to vector<16xi32>
      %gt3A_1098 = arith.cmpi sgt, %get3A_136, %gt3A_1097 : vector<16xi32>
      %eq3A_1099 = vector.broadcast %squeeze3A_1084 : i32 to vector<16xi32>
      %eq3A_1100 = arith.cmpi eq, %get3A_136, %eq3A_1099 : vector<16xi32>
      %lt3A_1101 = vector.broadcast %squeeze3A_1086 : i32 to vector<16xi32>
      %lt3A_1102 = arith.cmpi slt, %get3A_144, %lt3A_1101 : vector<16xi32>
      %and3A_1103 = arith.andi %eq3A_1100, %lt3A_1102 : vector<16xi1>
      %or3A_1104 = arith.ori %gt3A_1098, %and3A_1103 : vector<16xi1>
      %all_reduce_population_count3A_1105 = tpu.all_reduce %or3A_1104 {dim = 0 : i64, kind = #tpu.reduction_kind<sum>} : vector<16xi1> -> vector<16xi32>
      %add3A_1106 = arith.addi %add3A_1096, %all_reduce_population_count3A_1105 : vector<16xi32>
      %gt3A_1107 = vector.broadcast %squeeze3A_1084 : i32 to vector<16xi32>
      %gt3A_1108 = arith.cmpi sgt, %get3A_138, %gt3A_1107 : vector<16xi32>
      %eq3A_1109 = vector.broadcast %squeeze3A_1084 : i32 to vector<16xi32>
      %eq3A_1110 = arith.cmpi eq, %get3A_138, %eq3A_1109 : vector<16xi32>
      %lt3A_1111 = vector.broadcast %squeeze3A_1086 : i32 to vector<16xi32>
      %lt3A_1112 = arith.cmpi slt, %get3A_146, %lt3A_1111 : vector<16xi32>
      %and3A_1113 = arith.andi %eq3A_1110, %lt3A_1112 : vector<16xi1>
      %or3A_1114 = arith.ori %gt3A_1108, %and3A_1113 : vector<16xi1>
      %all_reduce_population_count3A_1115 = tpu.all_reduce %or3A_1114 {dim = 0 : i64, kind = #tpu.reduction_kind<sum>} : vector<16xi1> -> vector<16xi32>
      %add3A_1116 = arith.addi %add3A_1106, %all_reduce_population_count3A_1115 : vector<16xi32>
      %gt3A_1117 = vector.broadcast %squeeze3A_1084 : i32 to vector<16xi32>
      %gt3A_1118 = arith.cmpi sgt, %get3A_140, %gt3A_1117 : vector<16xi32>
      %eq3A_1119 = vector.broadcast %squeeze3A_1084 : i32 to vector<16xi32>
      %eq3A_1120 = arith.cmpi eq, %get3A_140, %eq3A_1119 : vector<16xi32>
      %lt3A_1121 = vector.broadcast %squeeze3A_1086 : i32 to vector<16xi32>
      %lt3A_1122 = arith.cmpi slt, %get3A_148, %lt3A_1121 : vector<16xi32>
      %and3A_1123 = arith.andi %eq3A_1120, %lt3A_1122 : vector<16xi1>
      %or3A_1124 = arith.ori %gt3A_1118, %and3A_1123 : vector<16xi1>
      %all_reduce_population_count3A_1125 = tpu.all_reduce %or3A_1124 {dim = 0 : i64, kind = #tpu.reduction_kind<sum>} : vector<16xi1> -> vector<16xi32>
      %add3A_1126 = arith.addi %add3A_1116, %all_reduce_population_count3A_1125 : vector<16xi32>
      %reduce_max3A_1127 = arith.constant true
      %reduce_max3A_1128 = vector.broadcast %reduce_max3A_1127 : i1 to vector<16xi1>
      %reduce_max3A_1129 = arith.constant -2147483648 : i32
      %reduce_max3A_1130 = vector.broadcast %reduce_max3A_1129 : i32 to vector<16xi32>
      %reduce_max3A_1131 = arith.xori %add3A_1126, %reduce_max3A_1130 : vector<16xi32>
      %reduce_max3A_1132 = tpu.scan <max>, %reduce_max3A_1131 masked %reduce_max3A_1128 : vector<16xi32>, vector<16xi1> -> vector<16xi32>
      %reduce_max3A_1133 = arith.xori %reduce_max3A_1132, %reduce_max3A_1130 : vector<16xi32>
      %reduce_max3A_1134 = vector.extract %reduce_max3A_1133[15] : i32 from vector<16xi32>
      %add3A_1135 = vector.broadcast %reduce_max3A_1134 : i32 to vector<16xi32>
      %add3A_1136 = arith.addi %broadcast_in_dim3A_1, %add3A_1135 : vector<16xi32>
      %add3A_1137 = vector.broadcast %squeeze3A_1086 : i32 to vector<16xi32>
      %add3A_1138 = arith.addi %broadcast_in_dim3A_1, %add3A_1137 : vector<16xi32>
      tpu.vector_store_idx %arg10[%add3A_1136], %add3A_1138 masked %eq3A_5 : memref<64xi32, #tpu.memory_space<vmem>>[vector<16xi32>], vector<16xi32>, vector<16xi1>
      %slice3A_1139 = vector.extract_strided_slice %get3A_136 {offsets = [1], sizes = [1], strides = [1]} : vector<16xi32> to vector<1xi32>
      %squeeze3A_1140 = vector.extract %slice3A_1139[0] : i32 from vector<1xi32>
      %slice3A_1141 = vector.extract_strided_slice %get3A_144 {offsets = [1], sizes = [1], strides = [1]} : vector<16xi32> to vector<1xi32>
      %squeeze3A_1142 = vector.extract %slice3A_1141[0] : i32 from vector<1xi32>
      %gt3A_1143 = vector.broadcast %squeeze3A_1140 : i32 to vector<16xi32>
      %gt3A_1144 = arith.cmpi sgt, %get3A_134, %gt3A_1143 : vector<16xi32>
      %eq3A_1145 = vector.broadcast %squeeze3A_1140 : i32 to vector<16xi32>
      %eq3A_1146 = arith.cmpi eq, %get3A_134, %eq3A_1145 : vector<16xi32>
      %lt3A_1147 = vector.broadcast %squeeze3A_1142 : i32 to vector<16xi32>
      %lt3A_1148 = arith.cmpi slt, %get3A_142, %lt3A_1147 : vector<16xi32>
      %and3A_1149 = arith.andi %eq3A_1146, %lt3A_1148 : vector<16xi1>
      %or3A_1150 = arith.ori %gt3A_1144, %and3A_1149 : vector<16xi1>
      %all_reduce_population_count3A_1151 = tpu.all_reduce %or3A_1150 {dim = 0 : i64, kind = #tpu.reduction_kind<sum>} : vector<16xi1> -> vector<16xi32>
      %add3A_1152 = arith.addi %broadcast_in_dim3A_1, %all_reduce_population_count3A_1151 : vector<16xi32>
      %gt3A_1153 = vector.broadcast %squeeze3A_1140 : i32 to vector<16xi32>
      %gt3A_1154 = arith.cmpi sgt, %get3A_136, %gt3A_1153 : vector<16xi32>
      %eq3A_1155 = vector.broadcast %squeeze3A_1140 : i32 to vector<16xi32>
      %eq3A_1156 = arith.cmpi eq, %get3A_136, %eq3A_1155 : vector<16xi32>
      %lt3A_1157 = vector.broadcast %squeeze3A_1142 : i32 to vector<16xi32>
      %lt3A_1158 = arith.cmpi slt, %get3A_144, %lt3A_1157 : vector<16xi32>
      %and3A_1159 = arith.andi %eq3A_1156, %lt3A_1158 : vector<16xi1>
      %or3A_1160 = arith.ori %gt3A_1154, %and3A_1159 : vector<16xi1>
      %all_reduce_population_count3A_1161 = tpu.all_reduce %or3A_1160 {dim = 0 : i64, kind = #tpu.reduction_kind<sum>} : vector<16xi1> -> vector<16xi32>
      %add3A_1162 = arith.addi %add3A_1152, %all_reduce_population_count3A_1161 : vector<16xi32>
      %gt3A_1163 = vector.broadcast %squeeze3A_1140 : i32 to vector<16xi32>
      %gt3A_1164 = arith.cmpi sgt, %get3A_138, %gt3A_1163 : vector<16xi32>
      %eq3A_1165 = vector.broadcast %squeeze3A_1140 : i32 to vector<16xi32>
      %eq3A_1166 = arith.cmpi eq, %get3A_138, %eq3A_1165 : vector<16xi32>
      %lt3A_1167 = vector.broadcast %squeeze3A_1142 : i32 to vector<16xi32>
      %lt3A_1168 = arith.cmpi slt, %get3A_146, %lt3A_1167 : vector<16xi32>
      %and3A_1169 = arith.andi %eq3A_1166, %lt3A_1168 : vector<16xi1>
      %or3A_1170 = arith.ori %gt3A_1164, %and3A_1169 : vector<16xi1>
      %all_reduce_population_count3A_1171 = tpu.all_reduce %or3A_1170 {dim = 0 : i64, kind = #tpu.reduction_kind<sum>} : vector<16xi1> -> vector<16xi32>
      %add3A_1172 = arith.addi %add3A_1162, %all_reduce_population_count3A_1171 : vector<16xi32>
      %gt3A_1173 = vector.broadcast %squeeze3A_1140 : i32 to vector<16xi32>
      %gt3A_1174 = arith.cmpi sgt, %get3A_140, %gt3A_1173 : vector<16xi32>
      %eq3A_1175 = vector.broadcast %squeeze3A_1140 : i32 to vector<16xi32>
      %eq3A_1176 = arith.cmpi eq, %get3A_140, %eq3A_1175 : vector<16xi32>
      %lt3A_1177 = vector.broadcast %squeeze3A_1142 : i32 to vector<16xi32>
      %lt3A_1178 = arith.cmpi slt, %get3A_148, %lt3A_1177 : vector<16xi32>
      %and3A_1179 = arith.andi %eq3A_1176, %lt3A_1178 : vector<16xi1>
      %or3A_1180 = arith.ori %gt3A_1174, %and3A_1179 : vector<16xi1>
      %all_reduce_population_count3A_1181 = tpu.all_reduce %or3A_1180 {dim = 0 : i64, kind = #tpu.reduction_kind<sum>} : vector<16xi1> -> vector<16xi32>
      %add3A_1182 = arith.addi %add3A_1172, %all_reduce_population_count3A_1181 : vector<16xi32>
      %reduce_max3A_1183 = arith.constant true
      %reduce_max3A_1184 = vector.broadcast %reduce_max3A_1183 : i1 to vector<16xi1>
      %reduce_max3A_1185 = arith.constant -2147483648 : i32
      %reduce_max3A_1186 = vector.broadcast %reduce_max3A_1185 : i32 to vector<16xi32>
      %reduce_max3A_1187 = arith.xori %add3A_1182, %reduce_max3A_1186 : vector<16xi32>
      %reduce_max3A_1188 = tpu.scan <max>, %reduce_max3A_1187 masked %reduce_max3A_1184 : vector<16xi32>, vector<16xi1> -> vector<16xi32>
      %reduce_max3A_1189 = arith.xori %reduce_max3A_1188, %reduce_max3A_1186 : vector<16xi32>
      %reduce_max3A_1190 = vector.extract %reduce_max3A_1189[15] : i32 from vector<16xi32>
      %add3A_1191 = vector.broadcast %reduce_max3A_1190 : i32 to vector<16xi32>
      %add3A_1192 = arith.addi %broadcast_in_dim3A_1, %add3A_1191 : vector<16xi32>
      %add3A_1193 = vector.broadcast %squeeze3A_1142 : i32 to vector<16xi32>
      %add3A_1194 = arith.addi %broadcast_in_dim3A_1, %add3A_1193 : vector<16xi32>
      tpu.vector_store_idx %arg10[%add3A_1192], %add3A_1194 masked %eq3A_5 : memref<64xi32, #tpu.memory_space<vmem>>[vector<16xi32>], vector<16xi32>, vector<16xi1>
      %slice3A_1195 = vector.extract_strided_slice %get3A_136 {offsets = [2], sizes = [1], strides = [1]} : vector<16xi32> to vector<1xi32>
      %squeeze3A_1196 = vector.extract %slice3A_1195[0] : i32 from vector<1xi32>
      %slice3A_1197 = vector.extract_strided_slice %get3A_144 {offsets = [2], sizes = [1], strides = [1]} : vector<16xi32> to vector<1xi32>
      %squeeze3A_1198 = vector.extract %slice3A_1197[0] : i32 from vector<1xi32>
      %gt3A_1199 = vector.broadcast %squeeze3A_1196 : i32 to vector<16xi32>
      %gt3A_1200 = arith.cmpi sgt, %get3A_134, %gt3A_1199 : vector<16xi32>
      %eq3A_1201 = vector.broadcast %squeeze3A_1196 : i32 to vector<16xi32>
      %eq3A_1202 = arith.cmpi eq, %get3A_134, %eq3A_1201 : vector<16xi32>
      %lt3A_1203 = vector.broadcast %squeeze3A_1198 : i32 to vector<16xi32>
      %lt3A_1204 = arith.cmpi slt, %get3A_142, %lt3A_1203 : vector<16xi32>
      %and3A_1205 = arith.andi %eq3A_1202, %lt3A_1204 : vector<16xi1>
      %or3A_1206 = arith.ori %gt3A_1200, %and3A_1205 : vector<16xi1>
      %all_reduce_population_count3A_1207 = tpu.all_reduce %or3A_1206 {dim = 0 : i64, kind = #tpu.reduction_kind<sum>} : vector<16xi1> -> vector<16xi32>
      %add3A_1208 = arith.addi %broadcast_in_dim3A_1, %all_reduce_population_count3A_1207 : vector<16xi32>
      %gt3A_1209 = vector.broadcast %squeeze3A_1196 : i32 to vector<16xi32>
      %gt3A_1210 = arith.cmpi sgt, %get3A_136, %gt3A_1209 : vector<16xi32>
      %eq3A_1211 = vector.broadcast %squeeze3A_1196 : i32 to vector<16xi32>
      %eq3A_1212 = arith.cmpi eq, %get3A_136, %eq3A_1211 : vector<16xi32>
      %lt3A_1213 = vector.broadcast %squeeze3A_1198 : i32 to vector<16xi32>
      %lt3A_1214 = arith.cmpi slt, %get3A_144, %lt3A_1213 : vector<16xi32>
      %and3A_1215 = arith.andi %eq3A_1212, %lt3A_1214 : vector<16xi1>
      %or3A_1216 = arith.ori %gt3A_1210, %and3A_1215 : vector<16xi1>
      %all_reduce_population_count3A_1217 = tpu.all_reduce %or3A_1216 {dim = 0 : i64, kind = #tpu.reduction_kind<sum>} : vector<16xi1> -> vector<16xi32>
      %add3A_1218 = arith.addi %add3A_1208, %all_reduce_population_count3A_1217 : vector<16xi32>
      %gt3A_1219 = vector.broadcast %squeeze3A_1196 : i32 to vector<16xi32>
      %gt3A_1220 = arith.cmpi sgt, %get3A_138, %gt3A_1219 : vector<16xi32>
      %eq3A_1221 = vector.broadcast %squeeze3A_1196 : i32 to vector<16xi32>
      %eq3A_1222 = arith.cmpi eq, %get3A_138, %eq3A_1221 : vector<16xi32>
      %lt3A_1223 = vector.broadcast %squeeze3A_1198 : i32 to vector<16xi32>
      %lt3A_1224 = arith.cmpi slt, %get3A_146, %lt3A_1223 : vector<16xi32>
      %and3A_1225 = arith.andi %eq3A_1222, %lt3A_1224 : vector<16xi1>
      %or3A_1226 = arith.ori %gt3A_1220, %and3A_1225 : vector<16xi1>
      %all_reduce_population_count3A_1227 = tpu.all_reduce %or3A_1226 {dim = 0 : i64, kind = #tpu.reduction_kind<sum>} : vector<16xi1> -> vector<16xi32>
      %add3A_1228 = arith.addi %add3A_1218, %all_reduce_population_count3A_1227 : vector<16xi32>
      %gt3A_1229 = vector.broadcast %squeeze3A_1196 : i32 to vector<16xi32>
      %gt3A_1230 = arith.cmpi sgt, %get3A_140, %gt3A_1229 : vector<16xi32>
      %eq3A_1231 = vector.broadcast %squeeze3A_1196 : i32 to vector<16xi32>
      %eq3A_1232 = arith.cmpi eq, %get3A_140, %eq3A_1231 : vector<16xi32>
      %lt3A_1233 = vector.broadcast %squeeze3A_1198 : i32 to vector<16xi32>
      %lt3A_1234 = arith.cmpi slt, %get3A_148, %lt3A_1233 : vector<16xi32>
      %and3A_1235 = arith.andi %eq3A_1232, %lt3A_1234 : vector<16xi1>
      %or3A_1236 = arith.ori %gt3A_1230, %and3A_1235 : vector<16xi1>
      %all_reduce_population_count3A_1237 = tpu.all_reduce %or3A_1236 {dim = 0 : i64, kind = #tpu.reduction_kind<sum>} : vector<16xi1> -> vector<16xi32>
      %add3A_1238 = arith.addi %add3A_1228, %all_reduce_population_count3A_1237 : vector<16xi32>
      %reduce_max3A_1239 = arith.constant true
      %reduce_max3A_1240 = vector.broadcast %reduce_max3A_1239 : i1 to vector<16xi1>
      %reduce_max3A_1241 = arith.constant -2147483648 : i32
      %reduce_max3A_1242 = vector.broadcast %reduce_max3A_1241 : i32 to vector<16xi32>
      %reduce_max3A_1243 = arith.xori %add3A_1238, %reduce_max3A_1242 : vector<16xi32>
      %reduce_max3A_1244 = tpu.scan <max>, %reduce_max3A_1243 masked %reduce_max3A_1240 : vector<16xi32>, vector<16xi1> -> vector<16xi32>
      %reduce_max3A_1245 = arith.xori %reduce_max3A_1244, %reduce_max3A_1242 : vector<16xi32>
      %reduce_max3A_1246 = vector.extract %reduce_max3A_1245[15] : i32 from vector<16xi32>
      %add3A_1247 = vector.broadcast %reduce_max3A_1246 : i32 to vector<16xi32>
      %add3A_1248 = arith.addi %broadcast_in_dim3A_1, %add3A_1247 : vector<16xi32>
      %add3A_1249 = vector.broadcast %squeeze3A_1198 : i32 to vector<16xi32>
      %add3A_1250 = arith.addi %broadcast_in_dim3A_1, %add3A_1249 : vector<16xi32>
      tpu.vector_store_idx %arg10[%add3A_1248], %add3A_1250 masked %eq3A_5 : memref<64xi32, #tpu.memory_space<vmem>>[vector<16xi32>], vector<16xi32>, vector<16xi1>
      %slice3A_1251 = vector.extract_strided_slice %get3A_136 {offsets = [3], sizes = [1], strides = [1]} : vector<16xi32> to vector<1xi32>
      %squeeze3A_1252 = vector.extract %slice3A_1251[0] : i32 from vector<1xi32>
      %slice3A_1253 = vector.extract_strided_slice %get3A_144 {offsets = [3], sizes = [1], strides = [1]} : vector<16xi32> to vector<1xi32>
      %squeeze3A_1254 = vector.extract %slice3A_1253[0] : i32 from vector<1xi32>
      %gt3A_1255 = vector.broadcast %squeeze3A_1252 : i32 to vector<16xi32>
      %gt3A_1256 = arith.cmpi sgt, %get3A_134, %gt3A_1255 : vector<16xi32>
      %eq3A_1257 = vector.broadcast %squeeze3A_1252 : i32 to vector<16xi32>
      %eq3A_1258 = arith.cmpi eq, %get3A_134, %eq3A_1257 : vector<16xi32>
      %lt3A_1259 = vector.broadcast %squeeze3A_1254 : i32 to vector<16xi32>
      %lt3A_1260 = arith.cmpi slt, %get3A_142, %lt3A_1259 : vector<16xi32>
      %and3A_1261 = arith.andi %eq3A_1258, %lt3A_1260 : vector<16xi1>
      %or3A_1262 = arith.ori %gt3A_1256, %and3A_1261 : vector<16xi1>
      %all_reduce_population_count3A_1263 = tpu.all_reduce %or3A_1262 {dim = 0 : i64, kind = #tpu.reduction_kind<sum>} : vector<16xi1> -> vector<16xi32>
      %add3A_1264 = arith.addi %broadcast_in_dim3A_1, %all_reduce_population_count3A_1263 : vector<16xi32>
      %gt3A_1265 = vector.broadcast %squeeze3A_1252 : i32 to vector<16xi32>
      %gt3A_1266 = arith.cmpi sgt, %get3A_136, %gt3A_1265 : vector<16xi32>
      %eq3A_1267 = vector.broadcast %squeeze3A_1252 : i32 to vector<16xi32>
      %eq3A_1268 = arith.cmpi eq, %get3A_136, %eq3A_1267 : vector<16xi32>
      %lt3A_1269 = vector.broadcast %squeeze3A_1254 : i32 to vector<16xi32>
      %lt3A_1270 = arith.cmpi slt, %get3A_144, %lt3A_1269 : vector<16xi32>
      %and3A_1271 = arith.andi %eq3A_1268, %lt3A_1270 : vector<16xi1>
      %or3A_1272 = arith.ori %gt3A_1266, %and3A_1271 : vector<16xi1>
      %all_reduce_population_count3A_1273 = tpu.all_reduce %or3A_1272 {dim = 0 : i64, kind = #tpu.reduction_kind<sum>} : vector<16xi1> -> vector<16xi32>
      %add3A_1274 = arith.addi %add3A_1264, %all_reduce_population_count3A_1273 : vector<16xi32>
      %gt3A_1275 = vector.broadcast %squeeze3A_1252 : i32 to vector<16xi32>
      %gt3A_1276 = arith.cmpi sgt, %get3A_138, %gt3A_1275 : vector<16xi32>
      %eq3A_1277 = vector.broadcast %squeeze3A_1252 : i32 to vector<16xi32>
      %eq3A_1278 = arith.cmpi eq, %get3A_138, %eq3A_1277 : vector<16xi32>
      %lt3A_1279 = vector.broadcast %squeeze3A_1254 : i32 to vector<16xi32>
      %lt3A_1280 = arith.cmpi slt, %get3A_146, %lt3A_1279 : vector<16xi32>
      %and3A_1281 = arith.andi %eq3A_1278, %lt3A_1280 : vector<16xi1>
      %or3A_1282 = arith.ori %gt3A_1276, %and3A_1281 : vector<16xi1>
      %all_reduce_population_count3A_1283 = tpu.all_reduce %or3A_1282 {dim = 0 : i64, kind = #tpu.reduction_kind<sum>} : vector<16xi1> -> vector<16xi32>
      %add3A_1284 = arith.addi %add3A_1274, %all_reduce_population_count3A_1283 : vector<16xi32>
      %gt3A_1285 = vector.broadcast %squeeze3A_1252 : i32 to vector<16xi32>
      %gt3A_1286 = arith.cmpi sgt, %get3A_140, %gt3A_1285 : vector<16xi32>
      %eq3A_1287 = vector.broadcast %squeeze3A_1252 : i32 to vector<16xi32>
      %eq3A_1288 = arith.cmpi eq, %get3A_140, %eq3A_1287 : vector<16xi32>
      %lt3A_1289 = vector.broadcast %squeeze3A_1254 : i32 to vector<16xi32>
      %lt3A_1290 = arith.cmpi slt, %get3A_148, %lt3A_1289 : vector<16xi32>
      %and3A_1291 = arith.andi %eq3A_1288, %lt3A_1290 : vector<16xi1>
      %or3A_1292 = arith.ori %gt3A_1286, %and3A_1291 : vector<16xi1>
      %all_reduce_population_count3A_1293 = tpu.all_reduce %or3A_1292 {dim = 0 : i64, kind = #tpu.reduction_kind<sum>} : vector<16xi1> -> vector<16xi32>
      %add3A_1294 = arith.addi %add3A_1284, %all_reduce_population_count3A_1293 : vector<16xi32>
      %reduce_max3A_1295 = arith.constant true
      %reduce_max3A_1296 = vector.broadcast %reduce_max3A_1295 : i1 to vector<16xi1>
      %reduce_max3A_1297 = arith.constant -2147483648 : i32
      %reduce_max3A_1298 = vector.broadcast %reduce_max3A_1297 : i32 to vector<16xi32>
      %reduce_max3A_1299 = arith.xori %add3A_1294, %reduce_max3A_1298 : vector<16xi32>
      %reduce_max3A_1300 = tpu.scan <max>, %reduce_max3A_1299 masked %reduce_max3A_1296 : vector<16xi32>, vector<16xi1> -> vector<16xi32>
      %reduce_max3A_1301 = arith.xori %reduce_max3A_1300, %reduce_max3A_1298 : vector<16xi32>
      %reduce_max3A_1302 = vector.extract %reduce_max3A_1301[15] : i32 from vector<16xi32>
      %add3A_1303 = vector.broadcast %reduce_max3A_1302 : i32 to vector<16xi32>
      %add3A_1304 = arith.addi %broadcast_in_dim3A_1, %add3A_1303 : vector<16xi32>
      %add3A_1305 = vector.broadcast %squeeze3A_1254 : i32 to vector<16xi32>
      %add3A_1306 = arith.addi %broadcast_in_dim3A_1, %add3A_1305 : vector<16xi32>
      tpu.vector_store_idx %arg10[%add3A_1304], %add3A_1306 masked %eq3A_5 : memref<64xi32, #tpu.memory_space<vmem>>[vector<16xi32>], vector<16xi32>, vector<16xi1>
      %slice3A_1307 = vector.extract_strided_slice %get3A_136 {offsets = [4], sizes = [1], strides = [1]} : vector<16xi32> to vector<1xi32>
      %squeeze3A_1308 = vector.extract %slice3A_1307[0] : i32 from vector<1xi32>
      %slice3A_1309 = vector.extract_strided_slice %get3A_144 {offsets = [4], sizes = [1], strides = [1]} : vector<16xi32> to vector<1xi32>
      %squeeze3A_1310 = vector.extract %slice3A_1309[0] : i32 from vector<1xi32>
      %gt3A_1311 = vector.broadcast %squeeze3A_1308 : i32 to vector<16xi32>
      %gt3A_1312 = arith.cmpi sgt, %get3A_134, %gt3A_1311 : vector<16xi32>
      %eq3A_1313 = vector.broadcast %squeeze3A_1308 : i32 to vector<16xi32>
      %eq3A_1314 = arith.cmpi eq, %get3A_134, %eq3A_1313 : vector<16xi32>
      %lt3A_1315 = vector.broadcast %squeeze3A_1310 : i32 to vector<16xi32>
      %lt3A_1316 = arith.cmpi slt, %get3A_142, %lt3A_1315 : vector<16xi32>
      %and3A_1317 = arith.andi %eq3A_1314, %lt3A_1316 : vector<16xi1>
      %or3A_1318 = arith.ori %gt3A_1312, %and3A_1317 : vector<16xi1>
      %all_reduce_population_count3A_1319 = tpu.all_reduce %or3A_1318 {dim = 0 : i64, kind = #tpu.reduction_kind<sum>} : vector<16xi1> -> vector<16xi32>
      %add3A_1320 = arith.addi %broadcast_in_dim3A_1, %all_reduce_population_count3A_1319 : vector<16xi32>
      %gt3A_1321 = vector.broadcast %squeeze3A_1308 : i32 to vector<16xi32>
      %gt3A_1322 = arith.cmpi sgt, %get3A_136, %gt3A_1321 : vector<16xi32>
      %eq3A_1323 = vector.broadcast %squeeze3A_1308 : i32 to vector<16xi32>
      %eq3A_1324 = arith.cmpi eq, %get3A_136, %eq3A_1323 : vector<16xi32>
      %lt3A_1325 = vector.broadcast %squeeze3A_1310 : i32 to vector<16xi32>
      %lt3A_1326 = arith.cmpi slt, %get3A_144, %lt3A_1325 : vector<16xi32>
      %and3A_1327 = arith.andi %eq3A_1324, %lt3A_1326 : vector<16xi1>
      %or3A_1328 = arith.ori %gt3A_1322, %and3A_1327 : vector<16xi1>
      %all_reduce_population_count3A_1329 = tpu.all_reduce %or3A_1328 {dim = 0 : i64, kind = #tpu.reduction_kind<sum>} : vector<16xi1> -> vector<16xi32>
      %add3A_1330 = arith.addi %add3A_1320, %all_reduce_population_count3A_1329 : vector<16xi32>
      %gt3A_1331 = vector.broadcast %squeeze3A_1308 : i32 to vector<16xi32>
      %gt3A_1332 = arith.cmpi sgt, %get3A_138, %gt3A_1331 : vector<16xi32>
      %eq3A_1333 = vector.broadcast %squeeze3A_1308 : i32 to vector<16xi32>
      %eq3A_1334 = arith.cmpi eq, %get3A_138, %eq3A_1333 : vector<16xi32>
      %lt3A_1335 = vector.broadcast %squeeze3A_1310 : i32 to vector<16xi32>
      %lt3A_1336 = arith.cmpi slt, %get3A_146, %lt3A_1335 : vector<16xi32>
      %and3A_1337 = arith.andi %eq3A_1334, %lt3A_1336 : vector<16xi1>
      %or3A_1338 = arith.ori %gt3A_1332, %and3A_1337 : vector<16xi1>
      %all_reduce_population_count3A_1339 = tpu.all_reduce %or3A_1338 {dim = 0 : i64, kind = #tpu.reduction_kind<sum>} : vector<16xi1> -> vector<16xi32>
      %add3A_1340 = arith.addi %add3A_1330, %all_reduce_population_count3A_1339 : vector<16xi32>
      %gt3A_1341 = vector.broadcast %squeeze3A_1308 : i32 to vector<16xi32>
      %gt3A_1342 = arith.cmpi sgt, %get3A_140, %gt3A_1341 : vector<16xi32>
      %eq3A_1343 = vector.broadcast %squeeze3A_1308 : i32 to vector<16xi32>
      %eq3A_1344 = arith.cmpi eq, %get3A_140, %eq3A_1343 : vector<16xi32>
      %lt3A_1345 = vector.broadcast %squeeze3A_1310 : i32 to vector<16xi32>
      %lt3A_1346 = arith.cmpi slt, %get3A_148, %lt3A_1345 : vector<16xi32>
      %and3A_1347 = arith.andi %eq3A_1344, %lt3A_1346 : vector<16xi1>
      %or3A_1348 = arith.ori %gt3A_1342, %and3A_1347 : vector<16xi1>
      %all_reduce_population_count3A_1349 = tpu.all_reduce %or3A_1348 {dim = 0 : i64, kind = #tpu.reduction_kind<sum>} : vector<16xi1> -> vector<16xi32>
      %add3A_1350 = arith.addi %add3A_1340, %all_reduce_population_count3A_1349 : vector<16xi32>
      %reduce_max3A_1351 = arith.constant true
      %reduce_max3A_1352 = vector.broadcast %reduce_max3A_1351 : i1 to vector<16xi1>
      %reduce_max3A_1353 = arith.constant -2147483648 : i32
      %reduce_max3A_1354 = vector.broadcast %reduce_max3A_1353 : i32 to vector<16xi32>
      %reduce_max3A_1355 = arith.xori %add3A_1350, %reduce_max3A_1354 : vector<16xi32>
      %reduce_max3A_1356 = tpu.scan <max>, %reduce_max3A_1355 masked %reduce_max3A_1352 : vector<16xi32>, vector<16xi1> -> vector<16xi32>
      %reduce_max3A_1357 = arith.xori %reduce_max3A_1356, %reduce_max3A_1354 : vector<16xi32>
      %reduce_max3A_1358 = vector.extract %reduce_max3A_1357[15] : i32 from vector<16xi32>
      %add3A_1359 = vector.broadcast %reduce_max3A_1358 : i32 to vector<16xi32>
      %add3A_1360 = arith.addi %broadcast_in_dim3A_1, %add3A_1359 : vector<16xi32>
      %add3A_1361 = vector.broadcast %squeeze3A_1310 : i32 to vector<16xi32>
      %add3A_1362 = arith.addi %broadcast_in_dim3A_1, %add3A_1361 : vector<16xi32>
      tpu.vector_store_idx %arg10[%add3A_1360], %add3A_1362 masked %eq3A_5 : memref<64xi32, #tpu.memory_space<vmem>>[vector<16xi32>], vector<16xi32>, vector<16xi1>
      %slice3A_1363 = vector.extract_strided_slice %get3A_136 {offsets = [5], sizes = [1], strides = [1]} : vector<16xi32> to vector<1xi32>
      %squeeze3A_1364 = vector.extract %slice3A_1363[0] : i32 from vector<1xi32>
      %slice3A_1365 = vector.extract_strided_slice %get3A_144 {offsets = [5], sizes = [1], strides = [1]} : vector<16xi32> to vector<1xi32>
      %squeeze3A_1366 = vector.extract %slice3A_1365[0] : i32 from vector<1xi32>
      %gt3A_1367 = vector.broadcast %squeeze3A_1364 : i32 to vector<16xi32>
      %gt3A_1368 = arith.cmpi sgt, %get3A_134, %gt3A_1367 : vector<16xi32>
      %eq3A_1369 = vector.broadcast %squeeze3A_1364 : i32 to vector<16xi32>
      %eq3A_1370 = arith.cmpi eq, %get3A_134, %eq3A_1369 : vector<16xi32>
      %lt3A_1371 = vector.broadcast %squeeze3A_1366 : i32 to vector<16xi32>
      %lt3A_1372 = arith.cmpi slt, %get3A_142, %lt3A_1371 : vector<16xi32>
      %and3A_1373 = arith.andi %eq3A_1370, %lt3A_1372 : vector<16xi1>
      %or3A_1374 = arith.ori %gt3A_1368, %and3A_1373 : vector<16xi1>
      %all_reduce_population_count3A_1375 = tpu.all_reduce %or3A_1374 {dim = 0 : i64, kind = #tpu.reduction_kind<sum>} : vector<16xi1> -> vector<16xi32>
      %add3A_1376 = arith.addi %broadcast_in_dim3A_1, %all_reduce_population_count3A_1375 : vector<16xi32>
      %gt3A_1377 = vector.broadcast %squeeze3A_1364 : i32 to vector<16xi32>
      %gt3A_1378 = arith.cmpi sgt, %get3A_136, %gt3A_1377 : vector<16xi32>
      %eq3A_1379 = vector.broadcast %squeeze3A_1364 : i32 to vector<16xi32>
      %eq3A_1380 = arith.cmpi eq, %get3A_136, %eq3A_1379 : vector<16xi32>
      %lt3A_1381 = vector.broadcast %squeeze3A_1366 : i32 to vector<16xi32>
      %lt3A_1382 = arith.cmpi slt, %get3A_144, %lt3A_1381 : vector<16xi32>
      %and3A_1383 = arith.andi %eq3A_1380, %lt3A_1382 : vector<16xi1>
      %or3A_1384 = arith.ori %gt3A_1378, %and3A_1383 : vector<16xi1>
      %all_reduce_population_count3A_1385 = tpu.all_reduce %or3A_1384 {dim = 0 : i64, kind = #tpu.reduction_kind<sum>} : vector<16xi1> -> vector<16xi32>
      %add3A_1386 = arith.addi %add3A_1376, %all_reduce_population_count3A_1385 : vector<16xi32>
      %gt3A_1387 = vector.broadcast %squeeze3A_1364 : i32 to vector<16xi32>
      %gt3A_1388 = arith.cmpi sgt, %get3A_138, %gt3A_1387 : vector<16xi32>
      %eq3A_1389 = vector.broadcast %squeeze3A_1364 : i32 to vector<16xi32>
      %eq3A_1390 = arith.cmpi eq, %get3A_138, %eq3A_1389 : vector<16xi32>
      %lt3A_1391 = vector.broadcast %squeeze3A_1366 : i32 to vector<16xi32>
      %lt3A_1392 = arith.cmpi slt, %get3A_146, %lt3A_1391 : vector<16xi32>
      %and3A_1393 = arith.andi %eq3A_1390, %lt3A_1392 : vector<16xi1>
      %or3A_1394 = arith.ori %gt3A_1388, %and3A_1393 : vector<16xi1>
      %all_reduce_population_count3A_1395 = tpu.all_reduce %or3A_1394 {dim = 0 : i64, kind = #tpu.reduction_kind<sum>} : vector<16xi1> -> vector<16xi32>
      %add3A_1396 = arith.addi %add3A_1386, %all_reduce_population_count3A_1395 : vector<16xi32>
      %gt3A_1397 = vector.broadcast %squeeze3A_1364 : i32 to vector<16xi32>
      %gt3A_1398 = arith.cmpi sgt, %get3A_140, %gt3A_1397 : vector<16xi32>
      %eq3A_1399 = vector.broadcast %squeeze3A_1364 : i32 to vector<16xi32>
      %eq3A_1400 = arith.cmpi eq, %get3A_140, %eq3A_1399 : vector<16xi32>
      %lt3A_1401 = vector.broadcast %squeeze3A_1366 : i32 to vector<16xi32>
      %lt3A_1402 = arith.cmpi slt, %get3A_148, %lt3A_1401 : vector<16xi32>
      %and3A_1403 = arith.andi %eq3A_1400, %lt3A_1402 : vector<16xi1>
      %or3A_1404 = arith.ori %gt3A_1398, %and3A_1403 : vector<16xi1>
      %all_reduce_population_count3A_1405 = tpu.all_reduce %or3A_1404 {dim = 0 : i64, kind = #tpu.reduction_kind<sum>} : vector<16xi1> -> vector<16xi32>
      %add3A_1406 = arith.addi %add3A_1396, %all_reduce_population_count3A_1405 : vector<16xi32>
      %reduce_max3A_1407 = arith.constant true
      %reduce_max3A_1408 = vector.broadcast %reduce_max3A_1407 : i1 to vector<16xi1>
      %reduce_max3A_1409 = arith.constant -2147483648 : i32
      %reduce_max3A_1410 = vector.broadcast %reduce_max3A_1409 : i32 to vector<16xi32>
      %reduce_max3A_1411 = arith.xori %add3A_1406, %reduce_max3A_1410 : vector<16xi32>
      %reduce_max3A_1412 = tpu.scan <max>, %reduce_max3A_1411 masked %reduce_max3A_1408 : vector<16xi32>, vector<16xi1> -> vector<16xi32>
      %reduce_max3A_1413 = arith.xori %reduce_max3A_1412, %reduce_max3A_1410 : vector<16xi32>
      %reduce_max3A_1414 = vector.extract %reduce_max3A_1413[15] : i32 from vector<16xi32>
      %add3A_1415 = vector.broadcast %reduce_max3A_1414 : i32 to vector<16xi32>
      %add3A_1416 = arith.addi %broadcast_in_dim3A_1, %add3A_1415 : vector<16xi32>
      %add3A_1417 = vector.broadcast %squeeze3A_1366 : i32 to vector<16xi32>
      %add3A_1418 = arith.addi %broadcast_in_dim3A_1, %add3A_1417 : vector<16xi32>
      tpu.vector_store_idx %arg10[%add3A_1416], %add3A_1418 masked %eq3A_5 : memref<64xi32, #tpu.memory_space<vmem>>[vector<16xi32>], vector<16xi32>, vector<16xi1>
      %slice3A_1419 = vector.extract_strided_slice %get3A_136 {offsets = [6], sizes = [1], strides = [1]} : vector<16xi32> to vector<1xi32>
      %squeeze3A_1420 = vector.extract %slice3A_1419[0] : i32 from vector<1xi32>
      %slice3A_1421 = vector.extract_strided_slice %get3A_144 {offsets = [6], sizes = [1], strides = [1]} : vector<16xi32> to vector<1xi32>
      %squeeze3A_1422 = vector.extract %slice3A_1421[0] : i32 from vector<1xi32>
      %gt3A_1423 = vector.broadcast %squeeze3A_1420 : i32 to vector<16xi32>
      %gt3A_1424 = arith.cmpi sgt, %get3A_134, %gt3A_1423 : vector<16xi32>
      %eq3A_1425 = vector.broadcast %squeeze3A_1420 : i32 to vector<16xi32>
      %eq3A_1426 = arith.cmpi eq, %get3A_134, %eq3A_1425 : vector<16xi32>
      %lt3A_1427 = vector.broadcast %squeeze3A_1422 : i32 to vector<16xi32>
      %lt3A_1428 = arith.cmpi slt, %get3A_142, %lt3A_1427 : vector<16xi32>
      %and3A_1429 = arith.andi %eq3A_1426, %lt3A_1428 : vector<16xi1>
      %or3A_1430 = arith.ori %gt3A_1424, %and3A_1429 : vector<16xi1>
      %all_reduce_population_count3A_1431 = tpu.all_reduce %or3A_1430 {dim = 0 : i64, kind = #tpu.reduction_kind<sum>} : vector<16xi1> -> vector<16xi32>
      %add3A_1432 = arith.addi %broadcast_in_dim3A_1, %all_reduce_population_count3A_1431 : vector<16xi32>
      %gt3A_1433 = vector.broadcast %squeeze3A_1420 : i32 to vector<16xi32>
      %gt3A_1434 = arith.cmpi sgt, %get3A_136, %gt3A_1433 : vector<16xi32>
      %eq3A_1435 = vector.broadcast %squeeze3A_1420 : i32 to vector<16xi32>
      %eq3A_1436 = arith.cmpi eq, %get3A_136, %eq3A_1435 : vector<16xi32>
      %lt3A_1437 = vector.broadcast %squeeze3A_1422 : i32 to vector<16xi32>
      %lt3A_1438 = arith.cmpi slt, %get3A_144, %lt3A_1437 : vector<16xi32>
      %and3A_1439 = arith.andi %eq3A_1436, %lt3A_1438 : vector<16xi1>
      %or3A_1440 = arith.ori %gt3A_1434, %and3A_1439 : vector<16xi1>
      %all_reduce_population_count3A_1441 = tpu.all_reduce %or3A_1440 {dim = 0 : i64, kind = #tpu.reduction_kind<sum>} : vector<16xi1> -> vector<16xi32>
      %add3A_1442 = arith.addi %add3A_1432, %all_reduce_population_count3A_1441 : vector<16xi32>
      %gt3A_1443 = vector.broadcast %squeeze3A_1420 : i32 to vector<16xi32>
      %gt3A_1444 = arith.cmpi sgt, %get3A_138, %gt3A_1443 : vector<16xi32>
      %eq3A_1445 = vector.broadcast %squeeze3A_1420 : i32 to vector<16xi32>
      %eq3A_1446 = arith.cmpi eq, %get3A_138, %eq3A_1445 : vector<16xi32>
      %lt3A_1447 = vector.broadcast %squeeze3A_1422 : i32 to vector<16xi32>
      %lt3A_1448 = arith.cmpi slt, %get3A_146, %lt3A_1447 : vector<16xi32>
      %and3A_1449 = arith.andi %eq3A_1446, %lt3A_1448 : vector<16xi1>
      %or3A_1450 = arith.ori %gt3A_1444, %and3A_1449 : vector<16xi1>
      %all_reduce_population_count3A_1451 = tpu.all_reduce %or3A_1450 {dim = 0 : i64, kind = #tpu.reduction_kind<sum>} : vector<16xi1> -> vector<16xi32>
      %add3A_1452 = arith.addi %add3A_1442, %all_reduce_population_count3A_1451 : vector<16xi32>
      %gt3A_1453 = vector.broadcast %squeeze3A_1420 : i32 to vector<16xi32>
      %gt3A_1454 = arith.cmpi sgt, %get3A_140, %gt3A_1453 : vector<16xi32>
      %eq3A_1455 = vector.broadcast %squeeze3A_1420 : i32 to vector<16xi32>
      %eq3A_1456 = arith.cmpi eq, %get3A_140, %eq3A_1455 : vector<16xi32>
      %lt3A_1457 = vector.broadcast %squeeze3A_1422 : i32 to vector<16xi32>
      %lt3A_1458 = arith.cmpi slt, %get3A_148, %lt3A_1457 : vector<16xi32>
      %and3A_1459 = arith.andi %eq3A_1456, %lt3A_1458 : vector<16xi1>
      %or3A_1460 = arith.ori %gt3A_1454, %and3A_1459 : vector<16xi1>
      %all_reduce_population_count3A_1461 = tpu.all_reduce %or3A_1460 {dim = 0 : i64, kind = #tpu.reduction_kind<sum>} : vector<16xi1> -> vector<16xi32>
      %add3A_1462 = arith.addi %add3A_1452, %all_reduce_population_count3A_1461 : vector<16xi32>
      %reduce_max3A_1463 = arith.constant true
      %reduce_max3A_1464 = vector.broadcast %reduce_max3A_1463 : i1 to vector<16xi1>
      %reduce_max3A_1465 = arith.constant -2147483648 : i32
      %reduce_max3A_1466 = vector.broadcast %reduce_max3A_1465 : i32 to vector<16xi32>
      %reduce_max3A_1467 = arith.xori %add3A_1462, %reduce_max3A_1466 : vector<16xi32>
      %reduce_max3A_1468 = tpu.scan <max>, %reduce_max3A_1467 masked %reduce_max3A_1464 : vector<16xi32>, vector<16xi1> -> vector<16xi32>
      %reduce_max3A_1469 = arith.xori %reduce_max3A_1468, %reduce_max3A_1466 : vector<16xi32>
      %reduce_max3A_1470 = vector.extract %reduce_max3A_1469[15] : i32 from vector<16xi32>
      %add3A_1471 = vector.broadcast %reduce_max3A_1470 : i32 to vector<16xi32>
      %add3A_1472 = arith.addi %broadcast_in_dim3A_1, %add3A_1471 : vector<16xi32>
      %add3A_1473 = vector.broadcast %squeeze3A_1422 : i32 to vector<16xi32>
      %add3A_1474 = arith.addi %broadcast_in_dim3A_1, %add3A_1473 : vector<16xi32>
      tpu.vector_store_idx %arg10[%add3A_1472], %add3A_1474 masked %eq3A_5 : memref<64xi32, #tpu.memory_space<vmem>>[vector<16xi32>], vector<16xi32>, vector<16xi1>
      %slice3A_1475 = vector.extract_strided_slice %get3A_136 {offsets = [7], sizes = [1], strides = [1]} : vector<16xi32> to vector<1xi32>
      %squeeze3A_1476 = vector.extract %slice3A_1475[0] : i32 from vector<1xi32>
      %slice3A_1477 = vector.extract_strided_slice %get3A_144 {offsets = [7], sizes = [1], strides = [1]} : vector<16xi32> to vector<1xi32>
      %squeeze3A_1478 = vector.extract %slice3A_1477[0] : i32 from vector<1xi32>
      %gt3A_1479 = vector.broadcast %squeeze3A_1476 : i32 to vector<16xi32>
      %gt3A_1480 = arith.cmpi sgt, %get3A_134, %gt3A_1479 : vector<16xi32>
      %eq3A_1481 = vector.broadcast %squeeze3A_1476 : i32 to vector<16xi32>
      %eq3A_1482 = arith.cmpi eq, %get3A_134, %eq3A_1481 : vector<16xi32>
      %lt3A_1483 = vector.broadcast %squeeze3A_1478 : i32 to vector<16xi32>
      %lt3A_1484 = arith.cmpi slt, %get3A_142, %lt3A_1483 : vector<16xi32>
      %and3A_1485 = arith.andi %eq3A_1482, %lt3A_1484 : vector<16xi1>
      %or3A_1486 = arith.ori %gt3A_1480, %and3A_1485 : vector<16xi1>
      %all_reduce_population_count3A_1487 = tpu.all_reduce %or3A_1486 {dim = 0 : i64, kind = #tpu.reduction_kind<sum>} : vector<16xi1> -> vector<16xi32>
      %add3A_1488 = arith.addi %broadcast_in_dim3A_1, %all_reduce_population_count3A_1487 : vector<16xi32>
      %gt3A_1489 = vector.broadcast %squeeze3A_1476 : i32 to vector<16xi32>
      %gt3A_1490 = arith.cmpi sgt, %get3A_136, %gt3A_1489 : vector<16xi32>
      %eq3A_1491 = vector.broadcast %squeeze3A_1476 : i32 to vector<16xi32>
      %eq3A_1492 = arith.cmpi eq, %get3A_136, %eq3A_1491 : vector<16xi32>
      %lt3A_1493 = vector.broadcast %squeeze3A_1478 : i32 to vector<16xi32>
      %lt3A_1494 = arith.cmpi slt, %get3A_144, %lt3A_1493 : vector<16xi32>
      %and3A_1495 = arith.andi %eq3A_1492, %lt3A_1494 : vector<16xi1>
      %or3A_1496 = arith.ori %gt3A_1490, %and3A_1495 : vector<16xi1>
      %all_reduce_population_count3A_1497 = tpu.all_reduce %or3A_1496 {dim = 0 : i64, kind = #tpu.reduction_kind<sum>} : vector<16xi1> -> vector<16xi32>
      %add3A_1498 = arith.addi %add3A_1488, %all_reduce_population_count3A_1497 : vector<16xi32>
      %gt3A_1499 = vector.broadcast %squeeze3A_1476 : i32 to vector<16xi32>
      %gt3A_1500 = arith.cmpi sgt, %get3A_138, %gt3A_1499 : vector<16xi32>
      %eq3A_1501 = vector.broadcast %squeeze3A_1476 : i32 to vector<16xi32>
      %eq3A_1502 = arith.cmpi eq, %get3A_138, %eq3A_1501 : vector<16xi32>
      %lt3A_1503 = vector.broadcast %squeeze3A_1478 : i32 to vector<16xi32>
      %lt3A_1504 = arith.cmpi slt, %get3A_146, %lt3A_1503 : vector<16xi32>
      %and3A_1505 = arith.andi %eq3A_1502, %lt3A_1504 : vector<16xi1>
      %or3A_1506 = arith.ori %gt3A_1500, %and3A_1505 : vector<16xi1>
      %all_reduce_population_count3A_1507 = tpu.all_reduce %or3A_1506 {dim = 0 : i64, kind = #tpu.reduction_kind<sum>} : vector<16xi1> -> vector<16xi32>
      %add3A_1508 = arith.addi %add3A_1498, %all_reduce_population_count3A_1507 : vector<16xi32>
      %gt3A_1509 = vector.broadcast %squeeze3A_1476 : i32 to vector<16xi32>
      %gt3A_1510 = arith.cmpi sgt, %get3A_140, %gt3A_1509 : vector<16xi32>
      %eq3A_1511 = vector.broadcast %squeeze3A_1476 : i32 to vector<16xi32>
      %eq3A_1512 = arith.cmpi eq, %get3A_140, %eq3A_1511 : vector<16xi32>
      %lt3A_1513 = vector.broadcast %squeeze3A_1478 : i32 to vector<16xi32>
      %lt3A_1514 = arith.cmpi slt, %get3A_148, %lt3A_1513 : vector<16xi32>
      %and3A_1515 = arith.andi %eq3A_1512, %lt3A_1514 : vector<16xi1>
      %or3A_1516 = arith.ori %gt3A_1510, %and3A_1515 : vector<16xi1>
      %all_reduce_population_count3A_1517 = tpu.all_reduce %or3A_1516 {dim = 0 : i64, kind = #tpu.reduction_kind<sum>} : vector<16xi1> -> vector<16xi32>
      %add3A_1518 = arith.addi %add3A_1508, %all_reduce_population_count3A_1517 : vector<16xi32>
      %reduce_max3A_1519 = arith.constant true
      %reduce_max3A_1520 = vector.broadcast %reduce_max3A_1519 : i1 to vector<16xi1>
      %reduce_max3A_1521 = arith.constant -2147483648 : i32
      %reduce_max3A_1522 = vector.broadcast %reduce_max3A_1521 : i32 to vector<16xi32>
      %reduce_max3A_1523 = arith.xori %add3A_1518, %reduce_max3A_1522 : vector<16xi32>
      %reduce_max3A_1524 = tpu.scan <max>, %reduce_max3A_1523 masked %reduce_max3A_1520 : vector<16xi32>, vector<16xi1> -> vector<16xi32>
      %reduce_max3A_1525 = arith.xori %reduce_max3A_1524, %reduce_max3A_1522 : vector<16xi32>
      %reduce_max3A_1526 = vector.extract %reduce_max3A_1525[15] : i32 from vector<16xi32>
      %add3A_1527 = vector.broadcast %reduce_max3A_1526 : i32 to vector<16xi32>
      %add3A_1528 = arith.addi %broadcast_in_dim3A_1, %add3A_1527 : vector<16xi32>
      %add3A_1529 = vector.broadcast %squeeze3A_1478 : i32 to vector<16xi32>
      %add3A_1530 = arith.addi %broadcast_in_dim3A_1, %add3A_1529 : vector<16xi32>
      tpu.vector_store_idx %arg10[%add3A_1528], %add3A_1530 masked %eq3A_5 : memref<64xi32, #tpu.memory_space<vmem>>[vector<16xi32>], vector<16xi32>, vector<16xi1>
      %slice3A_1531 = vector.extract_strided_slice %get3A_136 {offsets = [8], sizes = [1], strides = [1]} : vector<16xi32> to vector<1xi32>
      %squeeze3A_1532 = vector.extract %slice3A_1531[0] : i32 from vector<1xi32>
      %slice3A_1533 = vector.extract_strided_slice %get3A_144 {offsets = [8], sizes = [1], strides = [1]} : vector<16xi32> to vector<1xi32>
      %squeeze3A_1534 = vector.extract %slice3A_1533[0] : i32 from vector<1xi32>
      %gt3A_1535 = vector.broadcast %squeeze3A_1532 : i32 to vector<16xi32>
      %gt3A_1536 = arith.cmpi sgt, %get3A_134, %gt3A_1535 : vector<16xi32>
      %eq3A_1537 = vector.broadcast %squeeze3A_1532 : i32 to vector<16xi32>
      %eq3A_1538 = arith.cmpi eq, %get3A_134, %eq3A_1537 : vector<16xi32>
      %lt3A_1539 = vector.broadcast %squeeze3A_1534 : i32 to vector<16xi32>
      %lt3A_1540 = arith.cmpi slt, %get3A_142, %lt3A_1539 : vector<16xi32>
      %and3A_1541 = arith.andi %eq3A_1538, %lt3A_1540 : vector<16xi1>
      %or3A_1542 = arith.ori %gt3A_1536, %and3A_1541 : vector<16xi1>
      %all_reduce_population_count3A_1543 = tpu.all_reduce %or3A_1542 {dim = 0 : i64, kind = #tpu.reduction_kind<sum>} : vector<16xi1> -> vector<16xi32>
      %add3A_1544 = arith.addi %broadcast_in_dim3A_1, %all_reduce_population_count3A_1543 : vector<16xi32>
      %gt3A_1545 = vector.broadcast %squeeze3A_1532 : i32 to vector<16xi32>
      %gt3A_1546 = arith.cmpi sgt, %get3A_136, %gt3A_1545 : vector<16xi32>
      %eq3A_1547 = vector.broadcast %squeeze3A_1532 : i32 to vector<16xi32>
      %eq3A_1548 = arith.cmpi eq, %get3A_136, %eq3A_1547 : vector<16xi32>
      %lt3A_1549 = vector.broadcast %squeeze3A_1534 : i32 to vector<16xi32>
      %lt3A_1550 = arith.cmpi slt, %get3A_144, %lt3A_1549 : vector<16xi32>
      %and3A_1551 = arith.andi %eq3A_1548, %lt3A_1550 : vector<16xi1>
      %or3A_1552 = arith.ori %gt3A_1546, %and3A_1551 : vector<16xi1>
      %all_reduce_population_count3A_1553 = tpu.all_reduce %or3A_1552 {dim = 0 : i64, kind = #tpu.reduction_kind<sum>} : vector<16xi1> -> vector<16xi32>
      %add3A_1554 = arith.addi %add3A_1544, %all_reduce_population_count3A_1553 : vector<16xi32>
      %gt3A_1555 = vector.broadcast %squeeze3A_1532 : i32 to vector<16xi32>
      %gt3A_1556 = arith.cmpi sgt, %get3A_138, %gt3A_1555 : vector<16xi32>
      %eq3A_1557 = vector.broadcast %squeeze3A_1532 : i32 to vector<16xi32>
      %eq3A_1558 = arith.cmpi eq, %get3A_138, %eq3A_1557 : vector<16xi32>
      %lt3A_1559 = vector.broadcast %squeeze3A_1534 : i32 to vector<16xi32>
      %lt3A_1560 = arith.cmpi slt, %get3A_146, %lt3A_1559 : vector<16xi32>
      %and3A_1561 = arith.andi %eq3A_1558, %lt3A_1560 : vector<16xi1>
      %or3A_1562 = arith.ori %gt3A_1556, %and3A_1561 : vector<16xi1>
      %all_reduce_population_count3A_1563 = tpu.all_reduce %or3A_1562 {dim = 0 : i64, kind = #tpu.reduction_kind<sum>} : vector<16xi1> -> vector<16xi32>
      %add3A_1564 = arith.addi %add3A_1554, %all_reduce_population_count3A_1563 : vector<16xi32>
      %gt3A_1565 = vector.broadcast %squeeze3A_1532 : i32 to vector<16xi32>
      %gt3A_1566 = arith.cmpi sgt, %get3A_140, %gt3A_1565 : vector<16xi32>
      %eq3A_1567 = vector.broadcast %squeeze3A_1532 : i32 to vector<16xi32>
      %eq3A_1568 = arith.cmpi eq, %get3A_140, %eq3A_1567 : vector<16xi32>
      %lt3A_1569 = vector.broadcast %squeeze3A_1534 : i32 to vector<16xi32>
      %lt3A_1570 = arith.cmpi slt, %get3A_148, %lt3A_1569 : vector<16xi32>
      %and3A_1571 = arith.andi %eq3A_1568, %lt3A_1570 : vector<16xi1>
      %or3A_1572 = arith.ori %gt3A_1566, %and3A_1571 : vector<16xi1>
      %all_reduce_population_count3A_1573 = tpu.all_reduce %or3A_1572 {dim = 0 : i64, kind = #tpu.reduction_kind<sum>} : vector<16xi1> -> vector<16xi32>
      %add3A_1574 = arith.addi %add3A_1564, %all_reduce_population_count3A_1573 : vector<16xi32>
      %reduce_max3A_1575 = arith.constant true
      %reduce_max3A_1576 = vector.broadcast %reduce_max3A_1575 : i1 to vector<16xi1>
      %reduce_max3A_1577 = arith.constant -2147483648 : i32
      %reduce_max3A_1578 = vector.broadcast %reduce_max3A_1577 : i32 to vector<16xi32>
      %reduce_max3A_1579 = arith.xori %add3A_1574, %reduce_max3A_1578 : vector<16xi32>
      %reduce_max3A_1580 = tpu.scan <max>, %reduce_max3A_1579 masked %reduce_max3A_1576 : vector<16xi32>, vector<16xi1> -> vector<16xi32>
      %reduce_max3A_1581 = arith.xori %reduce_max3A_1580, %reduce_max3A_1578 : vector<16xi32>
      %reduce_max3A_1582 = vector.extract %reduce_max3A_1581[15] : i32 from vector<16xi32>
      %add3A_1583 = vector.broadcast %reduce_max3A_1582 : i32 to vector<16xi32>
      %add3A_1584 = arith.addi %broadcast_in_dim3A_1, %add3A_1583 : vector<16xi32>
      %add3A_1585 = vector.broadcast %squeeze3A_1534 : i32 to vector<16xi32>
      %add3A_1586 = arith.addi %broadcast_in_dim3A_1, %add3A_1585 : vector<16xi32>
      tpu.vector_store_idx %arg10[%add3A_1584], %add3A_1586 masked %eq3A_5 : memref<64xi32, #tpu.memory_space<vmem>>[vector<16xi32>], vector<16xi32>, vector<16xi1>
      %slice3A_1587 = vector.extract_strided_slice %get3A_136 {offsets = [9], sizes = [1], strides = [1]} : vector<16xi32> to vector<1xi32>
      %squeeze3A_1588 = vector.extract %slice3A_1587[0] : i32 from vector<1xi32>
      %slice3A_1589 = vector.extract_strided_slice %get3A_144 {offsets = [9], sizes = [1], strides = [1]} : vector<16xi32> to vector<1xi32>
      %squeeze3A_1590 = vector.extract %slice3A_1589[0] : i32 from vector<1xi32>
      %gt3A_1591 = vector.broadcast %squeeze3A_1588 : i32 to vector<16xi32>
      %gt3A_1592 = arith.cmpi sgt, %get3A_134, %gt3A_1591 : vector<16xi32>
      %eq3A_1593 = vector.broadcast %squeeze3A_1588 : i32 to vector<16xi32>
      %eq3A_1594 = arith.cmpi eq, %get3A_134, %eq3A_1593 : vector<16xi32>
      %lt3A_1595 = vector.broadcast %squeeze3A_1590 : i32 to vector<16xi32>
      %lt3A_1596 = arith.cmpi slt, %get3A_142, %lt3A_1595 : vector<16xi32>
      %and3A_1597 = arith.andi %eq3A_1594, %lt3A_1596 : vector<16xi1>
      %or3A_1598 = arith.ori %gt3A_1592, %and3A_1597 : vector<16xi1>
      %all_reduce_population_count3A_1599 = tpu.all_reduce %or3A_1598 {dim = 0 : i64, kind = #tpu.reduction_kind<sum>} : vector<16xi1> -> vector<16xi32>
      %add3A_1600 = arith.addi %broadcast_in_dim3A_1, %all_reduce_population_count3A_1599 : vector<16xi32>
      %gt3A_1601 = vector.broadcast %squeeze3A_1588 : i32 to vector<16xi32>
      %gt3A_1602 = arith.cmpi sgt, %get3A_136, %gt3A_1601 : vector<16xi32>
      %eq3A_1603 = vector.broadcast %squeeze3A_1588 : i32 to vector<16xi32>
      %eq3A_1604 = arith.cmpi eq, %get3A_136, %eq3A_1603 : vector<16xi32>
      %lt3A_1605 = vector.broadcast %squeeze3A_1590 : i32 to vector<16xi32>
      %lt3A_1606 = arith.cmpi slt, %get3A_144, %lt3A_1605 : vector<16xi32>
      %and3A_1607 = arith.andi %eq3A_1604, %lt3A_1606 : vector<16xi1>
      %or3A_1608 = arith.ori %gt3A_1602, %and3A_1607 : vector<16xi1>
      %all_reduce_population_count3A_1609 = tpu.all_reduce %or3A_1608 {dim = 0 : i64, kind = #tpu.reduction_kind<sum>} : vector<16xi1> -> vector<16xi32>
      %add3A_1610 = arith.addi %add3A_1600, %all_reduce_population_count3A_1609 : vector<16xi32>
      %gt3A_1611 = vector.broadcast %squeeze3A_1588 : i32 to vector<16xi32>
      %gt3A_1612 = arith.cmpi sgt, %get3A_138, %gt3A_1611 : vector<16xi32>
      %eq3A_1613 = vector.broadcast %squeeze3A_1588 : i32 to vector<16xi32>
      %eq3A_1614 = arith.cmpi eq, %get3A_138, %eq3A_1613 : vector<16xi32>
      %lt3A_1615 = vector.broadcast %squeeze3A_1590 : i32 to vector<16xi32>
      %lt3A_1616 = arith.cmpi slt, %get3A_146, %lt3A_1615 : vector<16xi32>
      %and3A_1617 = arith.andi %eq3A_1614, %lt3A_1616 : vector<16xi1>
      %or3A_1618 = arith.ori %gt3A_1612, %and3A_1617 : vector<16xi1>
      %all_reduce_population_count3A_1619 = tpu.all_reduce %or3A_1618 {dim = 0 : i64, kind = #tpu.reduction_kind<sum>} : vector<16xi1> -> vector<16xi32>
      %add3A_1620 = arith.addi %add3A_1610, %all_reduce_population_count3A_1619 : vector<16xi32>
      %gt3A_1621 = vector.broadcast %squeeze3A_1588 : i32 to vector<16xi32>
      %gt3A_1622 = arith.cmpi sgt, %get3A_140, %gt3A_1621 : vector<16xi32>
      %eq3A_1623 = vector.broadcast %squeeze3A_1588 : i32 to vector<16xi32>
      %eq3A_1624 = arith.cmpi eq, %get3A_140, %eq3A_1623 : vector<16xi32>
      %lt3A_1625 = vector.broadcast %squeeze3A_1590 : i32 to vector<16xi32>
      %lt3A_1626 = arith.cmpi slt, %get3A_148, %lt3A_1625 : vector<16xi32>
      %and3A_1627 = arith.andi %eq3A_1624, %lt3A_1626 : vector<16xi1>
      %or3A_1628 = arith.ori %gt3A_1622, %and3A_1627 : vector<16xi1>
      %all_reduce_population_count3A_1629 = tpu.all_reduce %or3A_1628 {dim = 0 : i64, kind = #tpu.reduction_kind<sum>} : vector<16xi1> -> vector<16xi32>
      %add3A_1630 = arith.addi %add3A_1620, %all_reduce_population_count3A_1629 : vector<16xi32>
      %reduce_max3A_1631 = arith.constant true
      %reduce_max3A_1632 = vector.broadcast %reduce_max3A_1631 : i1 to vector<16xi1>
      %reduce_max3A_1633 = arith.constant -2147483648 : i32
      %reduce_max3A_1634 = vector.broadcast %reduce_max3A_1633 : i32 to vector<16xi32>
      %reduce_max3A_1635 = arith.xori %add3A_1630, %reduce_max3A_1634 : vector<16xi32>
      %reduce_max3A_1636 = tpu.scan <max>, %reduce_max3A_1635 masked %reduce_max3A_1632 : vector<16xi32>, vector<16xi1> -> vector<16xi32>
      %reduce_max3A_1637 = arith.xori %reduce_max3A_1636, %reduce_max3A_1634 : vector<16xi32>
      %reduce_max3A_1638 = vector.extract %reduce_max3A_1637[15] : i32 from vector<16xi32>
      %add3A_1639 = vector.broadcast %reduce_max3A_1638 : i32 to vector<16xi32>
      %add3A_1640 = arith.addi %broadcast_in_dim3A_1, %add3A_1639 : vector<16xi32>
      %add3A_1641 = vector.broadcast %squeeze3A_1590 : i32 to vector<16xi32>
      %add3A_1642 = arith.addi %broadcast_in_dim3A_1, %add3A_1641 : vector<16xi32>
      tpu.vector_store_idx %arg10[%add3A_1640], %add3A_1642 masked %eq3A_5 : memref<64xi32, #tpu.memory_space<vmem>>[vector<16xi32>], vector<16xi32>, vector<16xi1>
      %slice3A_1643 = vector.extract_strided_slice %get3A_136 {offsets = [10], sizes = [1], strides = [1]} : vector<16xi32> to vector<1xi32>
      %squeeze3A_1644 = vector.extract %slice3A_1643[0] : i32 from vector<1xi32>
      %slice3A_1645 = vector.extract_strided_slice %get3A_144 {offsets = [10], sizes = [1], strides = [1]} : vector<16xi32> to vector<1xi32>
      %squeeze3A_1646 = vector.extract %slice3A_1645[0] : i32 from vector<1xi32>
      %gt3A_1647 = vector.broadcast %squeeze3A_1644 : i32 to vector<16xi32>
      %gt3A_1648 = arith.cmpi sgt, %get3A_134, %gt3A_1647 : vector<16xi32>
      %eq3A_1649 = vector.broadcast %squeeze3A_1644 : i32 to vector<16xi32>
      %eq3A_1650 = arith.cmpi eq, %get3A_134, %eq3A_1649 : vector<16xi32>
      %lt3A_1651 = vector.broadcast %squeeze3A_1646 : i32 to vector<16xi32>
      %lt3A_1652 = arith.cmpi slt, %get3A_142, %lt3A_1651 : vector<16xi32>
      %and3A_1653 = arith.andi %eq3A_1650, %lt3A_1652 : vector<16xi1>
      %or3A_1654 = arith.ori %gt3A_1648, %and3A_1653 : vector<16xi1>
      %all_reduce_population_count3A_1655 = tpu.all_reduce %or3A_1654 {dim = 0 : i64, kind = #tpu.reduction_kind<sum>} : vector<16xi1> -> vector<16xi32>
      %add3A_1656 = arith.addi %broadcast_in_dim3A_1, %all_reduce_population_count3A_1655 : vector<16xi32>
      %gt3A_1657 = vector.broadcast %squeeze3A_1644 : i32 to vector<16xi32>
      %gt3A_1658 = arith.cmpi sgt, %get3A_136, %gt3A_1657 : vector<16xi32>
      %eq3A_1659 = vector.broadcast %squeeze3A_1644 : i32 to vector<16xi32>
      %eq3A_1660 = arith.cmpi eq, %get3A_136, %eq3A_1659 : vector<16xi32>
      %lt3A_1661 = vector.broadcast %squeeze3A_1646 : i32 to vector<16xi32>
      %lt3A_1662 = arith.cmpi slt, %get3A_144, %lt3A_1661 : vector<16xi32>
      %and3A_1663 = arith.andi %eq3A_1660, %lt3A_1662 : vector<16xi1>
      %or3A_1664 = arith.ori %gt3A_1658, %and3A_1663 : vector<16xi1>
      %all_reduce_population_count3A_1665 = tpu.all_reduce %or3A_1664 {dim = 0 : i64, kind = #tpu.reduction_kind<sum>} : vector<16xi1> -> vector<16xi32>
      %add3A_1666 = arith.addi %add3A_1656, %all_reduce_population_count3A_1665 : vector<16xi32>
      %gt3A_1667 = vector.broadcast %squeeze3A_1644 : i32 to vector<16xi32>
      %gt3A_1668 = arith.cmpi sgt, %get3A_138, %gt3A_1667 : vector<16xi32>
      %eq3A_1669 = vector.broadcast %squeeze3A_1644 : i32 to vector<16xi32>
      %eq3A_1670 = arith.cmpi eq, %get3A_138, %eq3A_1669 : vector<16xi32>
      %lt3A_1671 = vector.broadcast %squeeze3A_1646 : i32 to vector<16xi32>
      %lt3A_1672 = arith.cmpi slt, %get3A_146, %lt3A_1671 : vector<16xi32>
      %and3A_1673 = arith.andi %eq3A_1670, %lt3A_1672 : vector<16xi1>
      %or3A_1674 = arith.ori %gt3A_1668, %and3A_1673 : vector<16xi1>
      %all_reduce_population_count3A_1675 = tpu.all_reduce %or3A_1674 {dim = 0 : i64, kind = #tpu.reduction_kind<sum>} : vector<16xi1> -> vector<16xi32>
      %add3A_1676 = arith.addi %add3A_1666, %all_reduce_population_count3A_1675 : vector<16xi32>
      %gt3A_1677 = vector.broadcast %squeeze3A_1644 : i32 to vector<16xi32>
      %gt3A_1678 = arith.cmpi sgt, %get3A_140, %gt3A_1677 : vector<16xi32>
      %eq3A_1679 = vector.broadcast %squeeze3A_1644 : i32 to vector<16xi32>
      %eq3A_1680 = arith.cmpi eq, %get3A_140, %eq3A_1679 : vector<16xi32>
      %lt3A_1681 = vector.broadcast %squeeze3A_1646 : i32 to vector<16xi32>
      %lt3A_1682 = arith.cmpi slt, %get3A_148, %lt3A_1681 : vector<16xi32>
      %and3A_1683 = arith.andi %eq3A_1680, %lt3A_1682 : vector<16xi1>
      %or3A_1684 = arith.ori %gt3A_1678, %and3A_1683 : vector<16xi1>
      %all_reduce_population_count3A_1685 = tpu.all_reduce %or3A_1684 {dim = 0 : i64, kind = #tpu.reduction_kind<sum>} : vector<16xi1> -> vector<16xi32>
      %add3A_1686 = arith.addi %add3A_1676, %all_reduce_population_count3A_1685 : vector<16xi32>
      %reduce_max3A_1687 = arith.constant true
      %reduce_max3A_1688 = vector.broadcast %reduce_max3A_1687 : i1 to vector<16xi1>
      %reduce_max3A_1689 = arith.constant -2147483648 : i32
      %reduce_max3A_1690 = vector.broadcast %reduce_max3A_1689 : i32 to vector<16xi32>
      %reduce_max3A_1691 = arith.xori %add3A_1686, %reduce_max3A_1690 : vector<16xi32>
      %reduce_max3A_1692 = tpu.scan <max>, %reduce_max3A_1691 masked %reduce_max3A_1688 : vector<16xi32>, vector<16xi1> -> vector<16xi32>
      %reduce_max3A_1693 = arith.xori %reduce_max3A_1692, %reduce_max3A_1690 : vector<16xi32>
      %reduce_max3A_1694 = vector.extract %reduce_max3A_1693[15] : i32 from vector<16xi32>
      %add3A_1695 = vector.broadcast %reduce_max3A_1694 : i32 to vector<16xi32>
      %add3A_1696 = arith.addi %broadcast_in_dim3A_1, %add3A_1695 : vector<16xi32>
      %add3A_1697 = vector.broadcast %squeeze3A_1646 : i32 to vector<16xi32>
      %add3A_1698 = arith.addi %broadcast_in_dim3A_1, %add3A_1697 : vector<16xi32>
      tpu.vector_store_idx %arg10[%add3A_1696], %add3A_1698 masked %eq3A_5 : memref<64xi32, #tpu.memory_space<vmem>>[vector<16xi32>], vector<16xi32>, vector<16xi1>
      %slice3A_1699 = vector.extract_strided_slice %get3A_136 {offsets = [11], sizes = [1], strides = [1]} : vector<16xi32> to vector<1xi32>
      %squeeze3A_1700 = vector.extract %slice3A_1699[0] : i32 from vector<1xi32>
      %slice3A_1701 = vector.extract_strided_slice %get3A_144 {offsets = [11], sizes = [1], strides = [1]} : vector<16xi32> to vector<1xi32>
      %squeeze3A_1702 = vector.extract %slice3A_1701[0] : i32 from vector<1xi32>
      %gt3A_1703 = vector.broadcast %squeeze3A_1700 : i32 to vector<16xi32>
      %gt3A_1704 = arith.cmpi sgt, %get3A_134, %gt3A_1703 : vector<16xi32>
      %eq3A_1705 = vector.broadcast %squeeze3A_1700 : i32 to vector<16xi32>
      %eq3A_1706 = arith.cmpi eq, %get3A_134, %eq3A_1705 : vector<16xi32>
      %lt3A_1707 = vector.broadcast %squeeze3A_1702 : i32 to vector<16xi32>
      %lt3A_1708 = arith.cmpi slt, %get3A_142, %lt3A_1707 : vector<16xi32>
      %and3A_1709 = arith.andi %eq3A_1706, %lt3A_1708 : vector<16xi1>
      %or3A_1710 = arith.ori %gt3A_1704, %and3A_1709 : vector<16xi1>
      %all_reduce_population_count3A_1711 = tpu.all_reduce %or3A_1710 {dim = 0 : i64, kind = #tpu.reduction_kind<sum>} : vector<16xi1> -> vector<16xi32>
      %add3A_1712 = arith.addi %broadcast_in_dim3A_1, %all_reduce_population_count3A_1711 : vector<16xi32>
      %gt3A_1713 = vector.broadcast %squeeze3A_1700 : i32 to vector<16xi32>
      %gt3A_1714 = arith.cmpi sgt, %get3A_136, %gt3A_1713 : vector<16xi32>
      %eq3A_1715 = vector.broadcast %squeeze3A_1700 : i32 to vector<16xi32>
      %eq3A_1716 = arith.cmpi eq, %get3A_136, %eq3A_1715 : vector<16xi32>
      %lt3A_1717 = vector.broadcast %squeeze3A_1702 : i32 to vector<16xi32>
      %lt3A_1718 = arith.cmpi slt, %get3A_144, %lt3A_1717 : vector<16xi32>
      %and3A_1719 = arith.andi %eq3A_1716, %lt3A_1718 : vector<16xi1>
      %or3A_1720 = arith.ori %gt3A_1714, %and3A_1719 : vector<16xi1>
      %all_reduce_population_count3A_1721 = tpu.all_reduce %or3A_1720 {dim = 0 : i64, kind = #tpu.reduction_kind<sum>} : vector<16xi1> -> vector<16xi32>
      %add3A_1722 = arith.addi %add3A_1712, %all_reduce_population_count3A_1721 : vector<16xi32>
      %gt3A_1723 = vector.broadcast %squeeze3A_1700 : i32 to vector<16xi32>
      %gt3A_1724 = arith.cmpi sgt, %get3A_138, %gt3A_1723 : vector<16xi32>
      %eq3A_1725 = vector.broadcast %squeeze3A_1700 : i32 to vector<16xi32>
      %eq3A_1726 = arith.cmpi eq, %get3A_138, %eq3A_1725 : vector<16xi32>
      %lt3A_1727 = vector.broadcast %squeeze3A_1702 : i32 to vector<16xi32>
      %lt3A_1728 = arith.cmpi slt, %get3A_146, %lt3A_1727 : vector<16xi32>
      %and3A_1729 = arith.andi %eq3A_1726, %lt3A_1728 : vector<16xi1>
      %or3A_1730 = arith.ori %gt3A_1724, %and3A_1729 : vector<16xi1>
      %all_reduce_population_count3A_1731 = tpu.all_reduce %or3A_1730 {dim = 0 : i64, kind = #tpu.reduction_kind<sum>} : vector<16xi1> -> vector<16xi32>
      %add3A_1732 = arith.addi %add3A_1722, %all_reduce_population_count3A_1731 : vector<16xi32>
      %gt3A_1733 = vector.broadcast %squeeze3A_1700 : i32 to vector<16xi32>
      %gt3A_1734 = arith.cmpi sgt, %get3A_140, %gt3A_1733 : vector<16xi32>
      %eq3A_1735 = vector.broadcast %squeeze3A_1700 : i32 to vector<16xi32>
      %eq3A_1736 = arith.cmpi eq, %get3A_140, %eq3A_1735 : vector<16xi32>
      %lt3A_1737 = vector.broadcast %squeeze3A_1702 : i32 to vector<16xi32>
      %lt3A_1738 = arith.cmpi slt, %get3A_148, %lt3A_1737 : vector<16xi32>
      %and3A_1739 = arith.andi %eq3A_1736, %lt3A_1738 : vector<16xi1>
      %or3A_1740 = arith.ori %gt3A_1734, %and3A_1739 : vector<16xi1>
      %all_reduce_population_count3A_1741 = tpu.all_reduce %or3A_1740 {dim = 0 : i64, kind = #tpu.reduction_kind<sum>} : vector<16xi1> -> vector<16xi32>
      %add3A_1742 = arith.addi %add3A_1732, %all_reduce_population_count3A_1741 : vector<16xi32>
      %reduce_max3A_1743 = arith.constant true
      %reduce_max3A_1744 = vector.broadcast %reduce_max3A_1743 : i1 to vector<16xi1>
      %reduce_max3A_1745 = arith.constant -2147483648 : i32
      %reduce_max3A_1746 = vector.broadcast %reduce_max3A_1745 : i32 to vector<16xi32>
      %reduce_max3A_1747 = arith.xori %add3A_1742, %reduce_max3A_1746 : vector<16xi32>
      %reduce_max3A_1748 = tpu.scan <max>, %reduce_max3A_1747 masked %reduce_max3A_1744 : vector<16xi32>, vector<16xi1> -> vector<16xi32>
      %reduce_max3A_1749 = arith.xori %reduce_max3A_1748, %reduce_max3A_1746 : vector<16xi32>
      %reduce_max3A_1750 = vector.extract %reduce_max3A_1749[15] : i32 from vector<16xi32>
      %add3A_1751 = vector.broadcast %reduce_max3A_1750 : i32 to vector<16xi32>
      %add3A_1752 = arith.addi %broadcast_in_dim3A_1, %add3A_1751 : vector<16xi32>
      %add3A_1753 = vector.broadcast %squeeze3A_1702 : i32 to vector<16xi32>
      %add3A_1754 = arith.addi %broadcast_in_dim3A_1, %add3A_1753 : vector<16xi32>
      tpu.vector_store_idx %arg10[%add3A_1752], %add3A_1754 masked %eq3A_5 : memref<64xi32, #tpu.memory_space<vmem>>[vector<16xi32>], vector<16xi32>, vector<16xi1>
      %slice3A_1755 = vector.extract_strided_slice %get3A_136 {offsets = [12], sizes = [1], strides = [1]} : vector<16xi32> to vector<1xi32>
      %squeeze3A_1756 = vector.extract %slice3A_1755[0] : i32 from vector<1xi32>
      %slice3A_1757 = vector.extract_strided_slice %get3A_144 {offsets = [12], sizes = [1], strides = [1]} : vector<16xi32> to vector<1xi32>
      %squeeze3A_1758 = vector.extract %slice3A_1757[0] : i32 from vector<1xi32>
      %gt3A_1759 = vector.broadcast %squeeze3A_1756 : i32 to vector<16xi32>
      %gt3A_1760 = arith.cmpi sgt, %get3A_134, %gt3A_1759 : vector<16xi32>
      %eq3A_1761 = vector.broadcast %squeeze3A_1756 : i32 to vector<16xi32>
      %eq3A_1762 = arith.cmpi eq, %get3A_134, %eq3A_1761 : vector<16xi32>
      %lt3A_1763 = vector.broadcast %squeeze3A_1758 : i32 to vector<16xi32>
      %lt3A_1764 = arith.cmpi slt, %get3A_142, %lt3A_1763 : vector<16xi32>
      %and3A_1765 = arith.andi %eq3A_1762, %lt3A_1764 : vector<16xi1>
      %or3A_1766 = arith.ori %gt3A_1760, %and3A_1765 : vector<16xi1>
      %all_reduce_population_count3A_1767 = tpu.all_reduce %or3A_1766 {dim = 0 : i64, kind = #tpu.reduction_kind<sum>} : vector<16xi1> -> vector<16xi32>
      %add3A_1768 = arith.addi %broadcast_in_dim3A_1, %all_reduce_population_count3A_1767 : vector<16xi32>
      %gt3A_1769 = vector.broadcast %squeeze3A_1756 : i32 to vector<16xi32>
      %gt3A_1770 = arith.cmpi sgt, %get3A_136, %gt3A_1769 : vector<16xi32>
      %eq3A_1771 = vector.broadcast %squeeze3A_1756 : i32 to vector<16xi32>
      %eq3A_1772 = arith.cmpi eq, %get3A_136, %eq3A_1771 : vector<16xi32>
      %lt3A_1773 = vector.broadcast %squeeze3A_1758 : i32 to vector<16xi32>
      %lt3A_1774 = arith.cmpi slt, %get3A_144, %lt3A_1773 : vector<16xi32>
      %and3A_1775 = arith.andi %eq3A_1772, %lt3A_1774 : vector<16xi1>
      %or3A_1776 = arith.ori %gt3A_1770, %and3A_1775 : vector<16xi1>
      %all_reduce_population_count3A_1777 = tpu.all_reduce %or3A_1776 {dim = 0 : i64, kind = #tpu.reduction_kind<sum>} : vector<16xi1> -> vector<16xi32>
      %add3A_1778 = arith.addi %add3A_1768, %all_reduce_population_count3A_1777 : vector<16xi32>
      %gt3A_1779 = vector.broadcast %squeeze3A_1756 : i32 to vector<16xi32>
      %gt3A_1780 = arith.cmpi sgt, %get3A_138, %gt3A_1779 : vector<16xi32>
      %eq3A_1781 = vector.broadcast %squeeze3A_1756 : i32 to vector<16xi32>
      %eq3A_1782 = arith.cmpi eq, %get3A_138, %eq3A_1781 : vector<16xi32>
      %lt3A_1783 = vector.broadcast %squeeze3A_1758 : i32 to vector<16xi32>
      %lt3A_1784 = arith.cmpi slt, %get3A_146, %lt3A_1783 : vector<16xi32>
      %and3A_1785 = arith.andi %eq3A_1782, %lt3A_1784 : vector<16xi1>
      %or3A_1786 = arith.ori %gt3A_1780, %and3A_1785 : vector<16xi1>
      %all_reduce_population_count3A_1787 = tpu.all_reduce %or3A_1786 {dim = 0 : i64, kind = #tpu.reduction_kind<sum>} : vector<16xi1> -> vector<16xi32>
      %add3A_1788 = arith.addi %add3A_1778, %all_reduce_population_count3A_1787 : vector<16xi32>
      %gt3A_1789 = vector.broadcast %squeeze3A_1756 : i32 to vector<16xi32>
      %gt3A_1790 = arith.cmpi sgt, %get3A_140, %gt3A_1789 : vector<16xi32>
      %eq3A_1791 = vector.broadcast %squeeze3A_1756 : i32 to vector<16xi32>
      %eq3A_1792 = arith.cmpi eq, %get3A_140, %eq3A_1791 : vector<16xi32>
      %lt3A_1793 = vector.broadcast %squeeze3A_1758 : i32 to vector<16xi32>
      %lt3A_1794 = arith.cmpi slt, %get3A_148, %lt3A_1793 : vector<16xi32>
      %and3A_1795 = arith.andi %eq3A_1792, %lt3A_1794 : vector<16xi1>
      %or3A_1796 = arith.ori %gt3A_1790, %and3A_1795 : vector<16xi1>
      %all_reduce_population_count3A_1797 = tpu.all_reduce %or3A_1796 {dim = 0 : i64, kind = #tpu.reduction_kind<sum>} : vector<16xi1> -> vector<16xi32>
      %add3A_1798 = arith.addi %add3A_1788, %all_reduce_population_count3A_1797 : vector<16xi32>
      %reduce_max3A_1799 = arith.constant true
      %reduce_max3A_1800 = vector.broadcast %reduce_max3A_1799 : i1 to vector<16xi1>
      %reduce_max3A_1801 = arith.constant -2147483648 : i32
      %reduce_max3A_1802 = vector.broadcast %reduce_max3A_1801 : i32 to vector<16xi32>
      %reduce_max3A_1803 = arith.xori %add3A_1798, %reduce_max3A_1802 : vector<16xi32>
      %reduce_max3A_1804 = tpu.scan <max>, %reduce_max3A_1803 masked %reduce_max3A_1800 : vector<16xi32>, vector<16xi1> -> vector<16xi32>
      %reduce_max3A_1805 = arith.xori %reduce_max3A_1804, %reduce_max3A_1802 : vector<16xi32>
      %reduce_max3A_1806 = vector.extract %reduce_max3A_1805[15] : i32 from vector<16xi32>
      %add3A_1807 = vector.broadcast %reduce_max3A_1806 : i32 to vector<16xi32>
      %add3A_1808 = arith.addi %broadcast_in_dim3A_1, %add3A_1807 : vector<16xi32>
      %add3A_1809 = vector.broadcast %squeeze3A_1758 : i32 to vector<16xi32>
      %add3A_1810 = arith.addi %broadcast_in_dim3A_1, %add3A_1809 : vector<16xi32>
      tpu.vector_store_idx %arg10[%add3A_1808], %add3A_1810 masked %eq3A_5 : memref<64xi32, #tpu.memory_space<vmem>>[vector<16xi32>], vector<16xi32>, vector<16xi1>
      %slice3A_1811 = vector.extract_strided_slice %get3A_136 {offsets = [13], sizes = [1], strides = [1]} : vector<16xi32> to vector<1xi32>
      %squeeze3A_1812 = vector.extract %slice3A_1811[0] : i32 from vector<1xi32>
      %slice3A_1813 = vector.extract_strided_slice %get3A_144 {offsets = [13], sizes = [1], strides = [1]} : vector<16xi32> to vector<1xi32>
      %squeeze3A_1814 = vector.extract %slice3A_1813[0] : i32 from vector<1xi32>
      %gt3A_1815 = vector.broadcast %squeeze3A_1812 : i32 to vector<16xi32>
      %gt3A_1816 = arith.cmpi sgt, %get3A_134, %gt3A_1815 : vector<16xi32>
      %eq3A_1817 = vector.broadcast %squeeze3A_1812 : i32 to vector<16xi32>
      %eq3A_1818 = arith.cmpi eq, %get3A_134, %eq3A_1817 : vector<16xi32>
      %lt3A_1819 = vector.broadcast %squeeze3A_1814 : i32 to vector<16xi32>
      %lt3A_1820 = arith.cmpi slt, %get3A_142, %lt3A_1819 : vector<16xi32>
      %and3A_1821 = arith.andi %eq3A_1818, %lt3A_1820 : vector<16xi1>
      %or3A_1822 = arith.ori %gt3A_1816, %and3A_1821 : vector<16xi1>
      %all_reduce_population_count3A_1823 = tpu.all_reduce %or3A_1822 {dim = 0 : i64, kind = #tpu.reduction_kind<sum>} : vector<16xi1> -> vector<16xi32>
      %add3A_1824 = arith.addi %broadcast_in_dim3A_1, %all_reduce_population_count3A_1823 : vector<16xi32>
      %gt3A_1825 = vector.broadcast %squeeze3A_1812 : i32 to vector<16xi32>
      %gt3A_1826 = arith.cmpi sgt, %get3A_136, %gt3A_1825 : vector<16xi32>
      %eq3A_1827 = vector.broadcast %squeeze3A_1812 : i32 to vector<16xi32>
      %eq3A_1828 = arith.cmpi eq, %get3A_136, %eq3A_1827 : vector<16xi32>
      %lt3A_1829 = vector.broadcast %squeeze3A_1814 : i32 to vector<16xi32>
      %lt3A_1830 = arith.cmpi slt, %get3A_144, %lt3A_1829 : vector<16xi32>
      %and3A_1831 = arith.andi %eq3A_1828, %lt3A_1830 : vector<16xi1>
      %or3A_1832 = arith.ori %gt3A_1826, %and3A_1831 : vector<16xi1>
      %all_reduce_population_count3A_1833 = tpu.all_reduce %or3A_1832 {dim = 0 : i64, kind = #tpu.reduction_kind<sum>} : vector<16xi1> -> vector<16xi32>
      %add3A_1834 = arith.addi %add3A_1824, %all_reduce_population_count3A_1833 : vector<16xi32>
      %gt3A_1835 = vector.broadcast %squeeze3A_1812 : i32 to vector<16xi32>
      %gt3A_1836 = arith.cmpi sgt, %get3A_138, %gt3A_1835 : vector<16xi32>
      %eq3A_1837 = vector.broadcast %squeeze3A_1812 : i32 to vector<16xi32>
      %eq3A_1838 = arith.cmpi eq, %get3A_138, %eq3A_1837 : vector<16xi32>
      %lt3A_1839 = vector.broadcast %squeeze3A_1814 : i32 to vector<16xi32>
      %lt3A_1840 = arith.cmpi slt, %get3A_146, %lt3A_1839 : vector<16xi32>
      %and3A_1841 = arith.andi %eq3A_1838, %lt3A_1840 : vector<16xi1>
      %or3A_1842 = arith.ori %gt3A_1836, %and3A_1841 : vector<16xi1>
      %all_reduce_population_count3A_1843 = tpu.all_reduce %or3A_1842 {dim = 0 : i64, kind = #tpu.reduction_kind<sum>} : vector<16xi1> -> vector<16xi32>
      %add3A_1844 = arith.addi %add3A_1834, %all_reduce_population_count3A_1843 : vector<16xi32>
      %gt3A_1845 = vector.broadcast %squeeze3A_1812 : i32 to vector<16xi32>
      %gt3A_1846 = arith.cmpi sgt, %get3A_140, %gt3A_1845 : vector<16xi32>
      %eq3A_1847 = vector.broadcast %squeeze3A_1812 : i32 to vector<16xi32>
      %eq3A_1848 = arith.cmpi eq, %get3A_140, %eq3A_1847 : vector<16xi32>
      %lt3A_1849 = vector.broadcast %squeeze3A_1814 : i32 to vector<16xi32>
      %lt3A_1850 = arith.cmpi slt, %get3A_148, %lt3A_1849 : vector<16xi32>
      %and3A_1851 = arith.andi %eq3A_1848, %lt3A_1850 : vector<16xi1>
      %or3A_1852 = arith.ori %gt3A_1846, %and3A_1851 : vector<16xi1>
      %all_reduce_population_count3A_1853 = tpu.all_reduce %or3A_1852 {dim = 0 : i64, kind = #tpu.reduction_kind<sum>} : vector<16xi1> -> vector<16xi32>
      %add3A_1854 = arith.addi %add3A_1844, %all_reduce_population_count3A_1853 : vector<16xi32>
      %reduce_max3A_1855 = arith.constant true
      %reduce_max3A_1856 = vector.broadcast %reduce_max3A_1855 : i1 to vector<16xi1>
      %reduce_max3A_1857 = arith.constant -2147483648 : i32
      %reduce_max3A_1858 = vector.broadcast %reduce_max3A_1857 : i32 to vector<16xi32>
      %reduce_max3A_1859 = arith.xori %add3A_1854, %reduce_max3A_1858 : vector<16xi32>
      %reduce_max3A_1860 = tpu.scan <max>, %reduce_max3A_1859 masked %reduce_max3A_1856 : vector<16xi32>, vector<16xi1> -> vector<16xi32>
      %reduce_max3A_1861 = arith.xori %reduce_max3A_1860, %reduce_max3A_1858 : vector<16xi32>
      %reduce_max3A_1862 = vector.extract %reduce_max3A_1861[15] : i32 from vector<16xi32>
      %add3A_1863 = vector.broadcast %reduce_max3A_1862 : i32 to vector<16xi32>
      %add3A_1864 = arith.addi %broadcast_in_dim3A_1, %add3A_1863 : vector<16xi32>
      %add3A_1865 = vector.broadcast %squeeze3A_1814 : i32 to vector<16xi32>
      %add3A_1866 = arith.addi %broadcast_in_dim3A_1, %add3A_1865 : vector<16xi32>
      tpu.vector_store_idx %arg10[%add3A_1864], %add3A_1866 masked %eq3A_5 : memref<64xi32, #tpu.memory_space<vmem>>[vector<16xi32>], vector<16xi32>, vector<16xi1>
      %slice3A_1867 = vector.extract_strided_slice %get3A_136 {offsets = [14], sizes = [1], strides = [1]} : vector<16xi32> to vector<1xi32>
      %squeeze3A_1868 = vector.extract %slice3A_1867[0] : i32 from vector<1xi32>
      %slice3A_1869 = vector.extract_strided_slice %get3A_144 {offsets = [14], sizes = [1], strides = [1]} : vector<16xi32> to vector<1xi32>
      %squeeze3A_1870 = vector.extract %slice3A_1869[0] : i32 from vector<1xi32>
      %gt3A_1871 = vector.broadcast %squeeze3A_1868 : i32 to vector<16xi32>
      %gt3A_1872 = arith.cmpi sgt, %get3A_134, %gt3A_1871 : vector<16xi32>
      %eq3A_1873 = vector.broadcast %squeeze3A_1868 : i32 to vector<16xi32>
      %eq3A_1874 = arith.cmpi eq, %get3A_134, %eq3A_1873 : vector<16xi32>
      %lt3A_1875 = vector.broadcast %squeeze3A_1870 : i32 to vector<16xi32>
      %lt3A_1876 = arith.cmpi slt, %get3A_142, %lt3A_1875 : vector<16xi32>
      %and3A_1877 = arith.andi %eq3A_1874, %lt3A_1876 : vector<16xi1>
      %or3A_1878 = arith.ori %gt3A_1872, %and3A_1877 : vector<16xi1>
      %all_reduce_population_count3A_1879 = tpu.all_reduce %or3A_1878 {dim = 0 : i64, kind = #tpu.reduction_kind<sum>} : vector<16xi1> -> vector<16xi32>
      %add3A_1880 = arith.addi %broadcast_in_dim3A_1, %all_reduce_population_count3A_1879 : vector<16xi32>
      %gt3A_1881 = vector.broadcast %squeeze3A_1868 : i32 to vector<16xi32>
      %gt3A_1882 = arith.cmpi sgt, %get3A_136, %gt3A_1881 : vector<16xi32>
      %eq3A_1883 = vector.broadcast %squeeze3A_1868 : i32 to vector<16xi32>
      %eq3A_1884 = arith.cmpi eq, %get3A_136, %eq3A_1883 : vector<16xi32>
      %lt3A_1885 = vector.broadcast %squeeze3A_1870 : i32 to vector<16xi32>
      %lt3A_1886 = arith.cmpi slt, %get3A_144, %lt3A_1885 : vector<16xi32>
      %and3A_1887 = arith.andi %eq3A_1884, %lt3A_1886 : vector<16xi1>
      %or3A_1888 = arith.ori %gt3A_1882, %and3A_1887 : vector<16xi1>
      %all_reduce_population_count3A_1889 = tpu.all_reduce %or3A_1888 {dim = 0 : i64, kind = #tpu.reduction_kind<sum>} : vector<16xi1> -> vector<16xi32>
      %add3A_1890 = arith.addi %add3A_1880, %all_reduce_population_count3A_1889 : vector<16xi32>
      %gt3A_1891 = vector.broadcast %squeeze3A_1868 : i32 to vector<16xi32>
      %gt3A_1892 = arith.cmpi sgt, %get3A_138, %gt3A_1891 : vector<16xi32>
      %eq3A_1893 = vector.broadcast %squeeze3A_1868 : i32 to vector<16xi32>
      %eq3A_1894 = arith.cmpi eq, %get3A_138, %eq3A_1893 : vector<16xi32>
      %lt3A_1895 = vector.broadcast %squeeze3A_1870 : i32 to vector<16xi32>
      %lt3A_1896 = arith.cmpi slt, %get3A_146, %lt3A_1895 : vector<16xi32>
      %and3A_1897 = arith.andi %eq3A_1894, %lt3A_1896 : vector<16xi1>
      %or3A_1898 = arith.ori %gt3A_1892, %and3A_1897 : vector<16xi1>
      %all_reduce_population_count3A_1899 = tpu.all_reduce %or3A_1898 {dim = 0 : i64, kind = #tpu.reduction_kind<sum>} : vector<16xi1> -> vector<16xi32>
      %add3A_1900 = arith.addi %add3A_1890, %all_reduce_population_count3A_1899 : vector<16xi32>
      %gt3A_1901 = vector.broadcast %squeeze3A_1868 : i32 to vector<16xi32>
      %gt3A_1902 = arith.cmpi sgt, %get3A_140, %gt3A_1901 : vector<16xi32>
      %eq3A_1903 = vector.broadcast %squeeze3A_1868 : i32 to vector<16xi32>
      %eq3A_1904 = arith.cmpi eq, %get3A_140, %eq3A_1903 : vector<16xi32>
      %lt3A_1905 = vector.broadcast %squeeze3A_1870 : i32 to vector<16xi32>
      %lt3A_1906 = arith.cmpi slt, %get3A_148, %lt3A_1905 : vector<16xi32>
      %and3A_1907 = arith.andi %eq3A_1904, %lt3A_1906 : vector<16xi1>
      %or3A_1908 = arith.ori %gt3A_1902, %and3A_1907 : vector<16xi1>
      %all_reduce_population_count3A_1909 = tpu.all_reduce %or3A_1908 {dim = 0 : i64, kind = #tpu.reduction_kind<sum>} : vector<16xi1> -> vector<16xi32>
      %add3A_1910 = arith.addi %add3A_1900, %all_reduce_population_count3A_1909 : vector<16xi32>
      %reduce_max3A_1911 = arith.constant true
      %reduce_max3A_1912 = vector.broadcast %reduce_max3A_1911 : i1 to vector<16xi1>
      %reduce_max3A_1913 = arith.constant -2147483648 : i32
      %reduce_max3A_1914 = vector.broadcast %reduce_max3A_1913 : i32 to vector<16xi32>
      %reduce_max3A_1915 = arith.xori %add3A_1910, %reduce_max3A_1914 : vector<16xi32>
      %reduce_max3A_1916 = tpu.scan <max>, %reduce_max3A_1915 masked %reduce_max3A_1912 : vector<16xi32>, vector<16xi1> -> vector<16xi32>
      %reduce_max3A_1917 = arith.xori %reduce_max3A_1916, %reduce_max3A_1914 : vector<16xi32>
      %reduce_max3A_1918 = vector.extract %reduce_max3A_1917[15] : i32 from vector<16xi32>
      %add3A_1919 = vector.broadcast %reduce_max3A_1918 : i32 to vector<16xi32>
      %add3A_1920 = arith.addi %broadcast_in_dim3A_1, %add3A_1919 : vector<16xi32>
      %add3A_1921 = vector.broadcast %squeeze3A_1870 : i32 to vector<16xi32>
      %add3A_1922 = arith.addi %broadcast_in_dim3A_1, %add3A_1921 : vector<16xi32>
      tpu.vector_store_idx %arg10[%add3A_1920], %add3A_1922 masked %eq3A_5 : memref<64xi32, #tpu.memory_space<vmem>>[vector<16xi32>], vector<16xi32>, vector<16xi1>
      %slice3A_1923 = vector.extract_strided_slice %get3A_136 {offsets = [15], sizes = [1], strides = [1]} : vector<16xi32> to vector<1xi32>
      %squeeze3A_1924 = vector.extract %slice3A_1923[0] : i32 from vector<1xi32>
      %slice3A_1925 = vector.extract_strided_slice %get3A_144 {offsets = [15], sizes = [1], strides = [1]} : vector<16xi32> to vector<1xi32>
      %squeeze3A_1926 = vector.extract %slice3A_1925[0] : i32 from vector<1xi32>
      %gt3A_1927 = vector.broadcast %squeeze3A_1924 : i32 to vector<16xi32>
      %gt3A_1928 = arith.cmpi sgt, %get3A_134, %gt3A_1927 : vector<16xi32>
      %eq3A_1929 = vector.broadcast %squeeze3A_1924 : i32 to vector<16xi32>
      %eq3A_1930 = arith.cmpi eq, %get3A_134, %eq3A_1929 : vector<16xi32>
      %lt3A_1931 = vector.broadcast %squeeze3A_1926 : i32 to vector<16xi32>
      %lt3A_1932 = arith.cmpi slt, %get3A_142, %lt3A_1931 : vector<16xi32>
      %and3A_1933 = arith.andi %eq3A_1930, %lt3A_1932 : vector<16xi1>
      %or3A_1934 = arith.ori %gt3A_1928, %and3A_1933 : vector<16xi1>
      %all_reduce_population_count3A_1935 = tpu.all_reduce %or3A_1934 {dim = 0 : i64, kind = #tpu.reduction_kind<sum>} : vector<16xi1> -> vector<16xi32>
      %add3A_1936 = arith.addi %broadcast_in_dim3A_1, %all_reduce_population_count3A_1935 : vector<16xi32>
      %gt3A_1937 = vector.broadcast %squeeze3A_1924 : i32 to vector<16xi32>
      %gt3A_1938 = arith.cmpi sgt, %get3A_136, %gt3A_1937 : vector<16xi32>
      %eq3A_1939 = vector.broadcast %squeeze3A_1924 : i32 to vector<16xi32>
      %eq3A_1940 = arith.cmpi eq, %get3A_136, %eq3A_1939 : vector<16xi32>
      %lt3A_1941 = vector.broadcast %squeeze3A_1926 : i32 to vector<16xi32>
      %lt3A_1942 = arith.cmpi slt, %get3A_144, %lt3A_1941 : vector<16xi32>
      %and3A_1943 = arith.andi %eq3A_1940, %lt3A_1942 : vector<16xi1>
      %or3A_1944 = arith.ori %gt3A_1938, %and3A_1943 : vector<16xi1>
      %all_reduce_population_count3A_1945 = tpu.all_reduce %or3A_1944 {dim = 0 : i64, kind = #tpu.reduction_kind<sum>} : vector<16xi1> -> vector<16xi32>
      %add3A_1946 = arith.addi %add3A_1936, %all_reduce_population_count3A_1945 : vector<16xi32>
      %gt3A_1947 = vector.broadcast %squeeze3A_1924 : i32 to vector<16xi32>
      %gt3A_1948 = arith.cmpi sgt, %get3A_138, %gt3A_1947 : vector<16xi32>
      %eq3A_1949 = vector.broadcast %squeeze3A_1924 : i32 to vector<16xi32>
      %eq3A_1950 = arith.cmpi eq, %get3A_138, %eq3A_1949 : vector<16xi32>
      %lt3A_1951 = vector.broadcast %squeeze3A_1926 : i32 to vector<16xi32>
      %lt3A_1952 = arith.cmpi slt, %get3A_146, %lt3A_1951 : vector<16xi32>
      %and3A_1953 = arith.andi %eq3A_1950, %lt3A_1952 : vector<16xi1>
      %or3A_1954 = arith.ori %gt3A_1948, %and3A_1953 : vector<16xi1>
      %all_reduce_population_count3A_1955 = tpu.all_reduce %or3A_1954 {dim = 0 : i64, kind = #tpu.reduction_kind<sum>} : vector<16xi1> -> vector<16xi32>
      %add3A_1956 = arith.addi %add3A_1946, %all_reduce_population_count3A_1955 : vector<16xi32>
      %gt3A_1957 = vector.broadcast %squeeze3A_1924 : i32 to vector<16xi32>
      %gt3A_1958 = arith.cmpi sgt, %get3A_140, %gt3A_1957 : vector<16xi32>
      %eq3A_1959 = vector.broadcast %squeeze3A_1924 : i32 to vector<16xi32>
      %eq3A_1960 = arith.cmpi eq, %get3A_140, %eq3A_1959 : vector<16xi32>
      %lt3A_1961 = vector.broadcast %squeeze3A_1926 : i32 to vector<16xi32>
      %lt3A_1962 = arith.cmpi slt, %get3A_148, %lt3A_1961 : vector<16xi32>
      %and3A_1963 = arith.andi %eq3A_1960, %lt3A_1962 : vector<16xi1>
      %or3A_1964 = arith.ori %gt3A_1958, %and3A_1963 : vector<16xi1>
      %all_reduce_population_count3A_1965 = tpu.all_reduce %or3A_1964 {dim = 0 : i64, kind = #tpu.reduction_kind<sum>} : vector<16xi1> -> vector<16xi32>
      %add3A_1966 = arith.addi %add3A_1956, %all_reduce_population_count3A_1965 : vector<16xi32>
      %reduce_max3A_1967 = arith.constant true
      %reduce_max3A_1968 = vector.broadcast %reduce_max3A_1967 : i1 to vector<16xi1>
      %reduce_max3A_1969 = arith.constant -2147483648 : i32
      %reduce_max3A_1970 = vector.broadcast %reduce_max3A_1969 : i32 to vector<16xi32>
      %reduce_max3A_1971 = arith.xori %add3A_1966, %reduce_max3A_1970 : vector<16xi32>
      %reduce_max3A_1972 = tpu.scan <max>, %reduce_max3A_1971 masked %reduce_max3A_1968 : vector<16xi32>, vector<16xi1> -> vector<16xi32>
      %reduce_max3A_1973 = arith.xori %reduce_max3A_1972, %reduce_max3A_1970 : vector<16xi32>
      %reduce_max3A_1974 = vector.extract %reduce_max3A_1973[15] : i32 from vector<16xi32>
      %add3A_1975 = vector.broadcast %reduce_max3A_1974 : i32 to vector<16xi32>
      %add3A_1976 = arith.addi %broadcast_in_dim3A_1, %add3A_1975 : vector<16xi32>
      %add3A_1977 = vector.broadcast %squeeze3A_1926 : i32 to vector<16xi32>
      %add3A_1978 = arith.addi %broadcast_in_dim3A_1, %add3A_1977 : vector<16xi32>
      tpu.vector_store_idx %arg10[%add3A_1976], %add3A_1978 masked %eq3A_5 : memref<64xi32, #tpu.memory_space<vmem>>[vector<16xi32>], vector<16xi32>, vector<16xi1>
      %slice3A_1979 = vector.extract_strided_slice %get3A_138 {offsets = [0], sizes = [1], strides = [1]} : vector<16xi32> to vector<1xi32>
      %squeeze3A_1980 = vector.extract %slice3A_1979[0] : i32 from vector<1xi32>
      %slice3A_1981 = vector.extract_strided_slice %get3A_146 {offsets = [0], sizes = [1], strides = [1]} : vector<16xi32> to vector<1xi32>
      %squeeze3A_1982 = vector.extract %slice3A_1981[0] : i32 from vector<1xi32>
      %gt3A_1983 = vector.broadcast %squeeze3A_1980 : i32 to vector<16xi32>
      %gt3A_1984 = arith.cmpi sgt, %get3A_134, %gt3A_1983 : vector<16xi32>
      %eq3A_1985 = vector.broadcast %squeeze3A_1980 : i32 to vector<16xi32>
      %eq3A_1986 = arith.cmpi eq, %get3A_134, %eq3A_1985 : vector<16xi32>
      %lt3A_1987 = vector.broadcast %squeeze3A_1982 : i32 to vector<16xi32>
      %lt3A_1988 = arith.cmpi slt, %get3A_142, %lt3A_1987 : vector<16xi32>
      %and3A_1989 = arith.andi %eq3A_1986, %lt3A_1988 : vector<16xi1>
      %or3A_1990 = arith.ori %gt3A_1984, %and3A_1989 : vector<16xi1>
      %all_reduce_population_count3A_1991 = tpu.all_reduce %or3A_1990 {dim = 0 : i64, kind = #tpu.reduction_kind<sum>} : vector<16xi1> -> vector<16xi32>
      %add3A_1992 = arith.addi %broadcast_in_dim3A_1, %all_reduce_population_count3A_1991 : vector<16xi32>
      %gt3A_1993 = vector.broadcast %squeeze3A_1980 : i32 to vector<16xi32>
      %gt3A_1994 = arith.cmpi sgt, %get3A_136, %gt3A_1993 : vector<16xi32>
      %eq3A_1995 = vector.broadcast %squeeze3A_1980 : i32 to vector<16xi32>
      %eq3A_1996 = arith.cmpi eq, %get3A_136, %eq3A_1995 : vector<16xi32>
      %lt3A_1997 = vector.broadcast %squeeze3A_1982 : i32 to vector<16xi32>
      %lt3A_1998 = arith.cmpi slt, %get3A_144, %lt3A_1997 : vector<16xi32>
      %and3A_1999 = arith.andi %eq3A_1996, %lt3A_1998 : vector<16xi1>
      %or3A_2000 = arith.ori %gt3A_1994, %and3A_1999 : vector<16xi1>
      %all_reduce_population_count3A_2001 = tpu.all_reduce %or3A_2000 {dim = 0 : i64, kind = #tpu.reduction_kind<sum>} : vector<16xi1> -> vector<16xi32>
      %add3A_2002 = arith.addi %add3A_1992, %all_reduce_population_count3A_2001 : vector<16xi32>
      %gt3A_2003 = vector.broadcast %squeeze3A_1980 : i32 to vector<16xi32>
      %gt3A_2004 = arith.cmpi sgt, %get3A_138, %gt3A_2003 : vector<16xi32>
      %eq3A_2005 = vector.broadcast %squeeze3A_1980 : i32 to vector<16xi32>
      %eq3A_2006 = arith.cmpi eq, %get3A_138, %eq3A_2005 : vector<16xi32>
      %lt3A_2007 = vector.broadcast %squeeze3A_1982 : i32 to vector<16xi32>
      %lt3A_2008 = arith.cmpi slt, %get3A_146, %lt3A_2007 : vector<16xi32>
      %and3A_2009 = arith.andi %eq3A_2006, %lt3A_2008 : vector<16xi1>
      %or3A_2010 = arith.ori %gt3A_2004, %and3A_2009 : vector<16xi1>
      %all_reduce_population_count3A_2011 = tpu.all_reduce %or3A_2010 {dim = 0 : i64, kind = #tpu.reduction_kind<sum>} : vector<16xi1> -> vector<16xi32>
      %add3A_2012 = arith.addi %add3A_2002, %all_reduce_population_count3A_2011 : vector<16xi32>
      %gt3A_2013 = vector.broadcast %squeeze3A_1980 : i32 to vector<16xi32>
      %gt3A_2014 = arith.cmpi sgt, %get3A_140, %gt3A_2013 : vector<16xi32>
      %eq3A_2015 = vector.broadcast %squeeze3A_1980 : i32 to vector<16xi32>
      %eq3A_2016 = arith.cmpi eq, %get3A_140, %eq3A_2015 : vector<16xi32>
      %lt3A_2017 = vector.broadcast %squeeze3A_1982 : i32 to vector<16xi32>
      %lt3A_2018 = arith.cmpi slt, %get3A_148, %lt3A_2017 : vector<16xi32>
      %and3A_2019 = arith.andi %eq3A_2016, %lt3A_2018 : vector<16xi1>
      %or3A_2020 = arith.ori %gt3A_2014, %and3A_2019 : vector<16xi1>
      %all_reduce_population_count3A_2021 = tpu.all_reduce %or3A_2020 {dim = 0 : i64, kind = #tpu.reduction_kind<sum>} : vector<16xi1> -> vector<16xi32>
      %add3A_2022 = arith.addi %add3A_2012, %all_reduce_population_count3A_2021 : vector<16xi32>
      %reduce_max3A_2023 = arith.constant true
      %reduce_max3A_2024 = vector.broadcast %reduce_max3A_2023 : i1 to vector<16xi1>
      %reduce_max3A_2025 = arith.constant -2147483648 : i32
      %reduce_max3A_2026 = vector.broadcast %reduce_max3A_2025 : i32 to vector<16xi32>
      %reduce_max3A_2027 = arith.xori %add3A_2022, %reduce_max3A_2026 : vector<16xi32>
      %reduce_max3A_2028 = tpu.scan <max>, %reduce_max3A_2027 masked %reduce_max3A_2024 : vector<16xi32>, vector<16xi1> -> vector<16xi32>
      %reduce_max3A_2029 = arith.xori %reduce_max3A_2028, %reduce_max3A_2026 : vector<16xi32>
      %reduce_max3A_2030 = vector.extract %reduce_max3A_2029[15] : i32 from vector<16xi32>
      %add3A_2031 = vector.broadcast %reduce_max3A_2030 : i32 to vector<16xi32>
      %add3A_2032 = arith.addi %broadcast_in_dim3A_1, %add3A_2031 : vector<16xi32>
      %add3A_2033 = vector.broadcast %squeeze3A_1982 : i32 to vector<16xi32>
      %add3A_2034 = arith.addi %broadcast_in_dim3A_1, %add3A_2033 : vector<16xi32>
      tpu.vector_store_idx %arg10[%add3A_2032], %add3A_2034 masked %eq3A_5 : memref<64xi32, #tpu.memory_space<vmem>>[vector<16xi32>], vector<16xi32>, vector<16xi1>
      %slice3A_2035 = vector.extract_strided_slice %get3A_138 {offsets = [1], sizes = [1], strides = [1]} : vector<16xi32> to vector<1xi32>
      %squeeze3A_2036 = vector.extract %slice3A_2035[0] : i32 from vector<1xi32>
      %slice3A_2037 = vector.extract_strided_slice %get3A_146 {offsets = [1], sizes = [1], strides = [1]} : vector<16xi32> to vector<1xi32>
      %squeeze3A_2038 = vector.extract %slice3A_2037[0] : i32 from vector<1xi32>
      %gt3A_2039 = vector.broadcast %squeeze3A_2036 : i32 to vector<16xi32>
      %gt3A_2040 = arith.cmpi sgt, %get3A_134, %gt3A_2039 : vector<16xi32>
      %eq3A_2041 = vector.broadcast %squeeze3A_2036 : i32 to vector<16xi32>
      %eq3A_2042 = arith.cmpi eq, %get3A_134, %eq3A_2041 : vector<16xi32>
      %lt3A_2043 = vector.broadcast %squeeze3A_2038 : i32 to vector<16xi32>
      %lt3A_2044 = arith.cmpi slt, %get3A_142, %lt3A_2043 : vector<16xi32>
      %and3A_2045 = arith.andi %eq3A_2042, %lt3A_2044 : vector<16xi1>
      %or3A_2046 = arith.ori %gt3A_2040, %and3A_2045 : vector<16xi1>
      %all_reduce_population_count3A_2047 = tpu.all_reduce %or3A_2046 {dim = 0 : i64, kind = #tpu.reduction_kind<sum>} : vector<16xi1> -> vector<16xi32>
      %add3A_2048 = arith.addi %broadcast_in_dim3A_1, %all_reduce_population_count3A_2047 : vector<16xi32>
      %gt3A_2049 = vector.broadcast %squeeze3A_2036 : i32 to vector<16xi32>
      %gt3A_2050 = arith.cmpi sgt, %get3A_136, %gt3A_2049 : vector<16xi32>
      %eq3A_2051 = vector.broadcast %squeeze3A_2036 : i32 to vector<16xi32>
      %eq3A_2052 = arith.cmpi eq, %get3A_136, %eq3A_2051 : vector<16xi32>
      %lt3A_2053 = vector.broadcast %squeeze3A_2038 : i32 to vector<16xi32>
      %lt3A_2054 = arith.cmpi slt, %get3A_144, %lt3A_2053 : vector<16xi32>
      %and3A_2055 = arith.andi %eq3A_2052, %lt3A_2054 : vector<16xi1>
      %or3A_2056 = arith.ori %gt3A_2050, %and3A_2055 : vector<16xi1>
      %all_reduce_population_count3A_2057 = tpu.all_reduce %or3A_2056 {dim = 0 : i64, kind = #tpu.reduction_kind<sum>} : vector<16xi1> -> vector<16xi32>
      %add3A_2058 = arith.addi %add3A_2048, %all_reduce_population_count3A_2057 : vector<16xi32>
      %gt3A_2059 = vector.broadcast %squeeze3A_2036 : i32 to vector<16xi32>
      %gt3A_2060 = arith.cmpi sgt, %get3A_138, %gt3A_2059 : vector<16xi32>
      %eq3A_2061 = vector.broadcast %squeeze3A_2036 : i32 to vector<16xi32>
      %eq3A_2062 = arith.cmpi eq, %get3A_138, %eq3A_2061 : vector<16xi32>
      %lt3A_2063 = vector.broadcast %squeeze3A_2038 : i32 to vector<16xi32>
      %lt3A_2064 = arith.cmpi slt, %get3A_146, %lt3A_2063 : vector<16xi32>
      %and3A_2065 = arith.andi %eq3A_2062, %lt3A_2064 : vector<16xi1>
      %or3A_2066 = arith.ori %gt3A_2060, %and3A_2065 : vector<16xi1>
      %all_reduce_population_count3A_2067 = tpu.all_reduce %or3A_2066 {dim = 0 : i64, kind = #tpu.reduction_kind<sum>} : vector<16xi1> -> vector<16xi32>
      %add3A_2068 = arith.addi %add3A_2058, %all_reduce_population_count3A_2067 : vector<16xi32>
      %gt3A_2069 = vector.broadcast %squeeze3A_2036 : i32 to vector<16xi32>
      %gt3A_2070 = arith.cmpi sgt, %get3A_140, %gt3A_2069 : vector<16xi32>
      %eq3A_2071 = vector.broadcast %squeeze3A_2036 : i32 to vector<16xi32>
      %eq3A_2072 = arith.cmpi eq, %get3A_140, %eq3A_2071 : vector<16xi32>
      %lt3A_2073 = vector.broadcast %squeeze3A_2038 : i32 to vector<16xi32>
      %lt3A_2074 = arith.cmpi slt, %get3A_148, %lt3A_2073 : vector<16xi32>
      %and3A_2075 = arith.andi %eq3A_2072, %lt3A_2074 : vector<16xi1>
      %or3A_2076 = arith.ori %gt3A_2070, %and3A_2075 : vector<16xi1>
      %all_reduce_population_count3A_2077 = tpu.all_reduce %or3A_2076 {dim = 0 : i64, kind = #tpu.reduction_kind<sum>} : vector<16xi1> -> vector<16xi32>
      %add3A_2078 = arith.addi %add3A_2068, %all_reduce_population_count3A_2077 : vector<16xi32>
      %reduce_max3A_2079 = arith.constant true
      %reduce_max3A_2080 = vector.broadcast %reduce_max3A_2079 : i1 to vector<16xi1>
      %reduce_max3A_2081 = arith.constant -2147483648 : i32
      %reduce_max3A_2082 = vector.broadcast %reduce_max3A_2081 : i32 to vector<16xi32>
      %reduce_max3A_2083 = arith.xori %add3A_2078, %reduce_max3A_2082 : vector<16xi32>
      %reduce_max3A_2084 = tpu.scan <max>, %reduce_max3A_2083 masked %reduce_max3A_2080 : vector<16xi32>, vector<16xi1> -> vector<16xi32>
      %reduce_max3A_2085 = arith.xori %reduce_max3A_2084, %reduce_max3A_2082 : vector<16xi32>
      %reduce_max3A_2086 = vector.extract %reduce_max3A_2085[15] : i32 from vector<16xi32>
      %add3A_2087 = vector.broadcast %reduce_max3A_2086 : i32 to vector<16xi32>
      %add3A_2088 = arith.addi %broadcast_in_dim3A_1, %add3A_2087 : vector<16xi32>
      %add3A_2089 = vector.broadcast %squeeze3A_2038 : i32 to vector<16xi32>
      %add3A_2090 = arith.addi %broadcast_in_dim3A_1, %add3A_2089 : vector<16xi32>
      tpu.vector_store_idx %arg10[%add3A_2088], %add3A_2090 masked %eq3A_5 : memref<64xi32, #tpu.memory_space<vmem>>[vector<16xi32>], vector<16xi32>, vector<16xi1>
      %slice3A_2091 = vector.extract_strided_slice %get3A_138 {offsets = [2], sizes = [1], strides = [1]} : vector<16xi32> to vector<1xi32>
      %squeeze3A_2092 = vector.extract %slice3A_2091[0] : i32 from vector<1xi32>
      %slice3A_2093 = vector.extract_strided_slice %get3A_146 {offsets = [2], sizes = [1], strides = [1]} : vector<16xi32> to vector<1xi32>
      %squeeze3A_2094 = vector.extract %slice3A_2093[0] : i32 from vector<1xi32>
      %gt3A_2095 = vector.broadcast %squeeze3A_2092 : i32 to vector<16xi32>
      %gt3A_2096 = arith.cmpi sgt, %get3A_134, %gt3A_2095 : vector<16xi32>
      %eq3A_2097 = vector.broadcast %squeeze3A_2092 : i32 to vector<16xi32>
      %eq3A_2098 = arith.cmpi eq, %get3A_134, %eq3A_2097 : vector<16xi32>
      %lt3A_2099 = vector.broadcast %squeeze3A_2094 : i32 to vector<16xi32>
      %lt3A_2100 = arith.cmpi slt, %get3A_142, %lt3A_2099 : vector<16xi32>
      %and3A_2101 = arith.andi %eq3A_2098, %lt3A_2100 : vector<16xi1>
      %or3A_2102 = arith.ori %gt3A_2096, %and3A_2101 : vector<16xi1>
      %all_reduce_population_count3A_2103 = tpu.all_reduce %or3A_2102 {dim = 0 : i64, kind = #tpu.reduction_kind<sum>} : vector<16xi1> -> vector<16xi32>
      %add3A_2104 = arith.addi %broadcast_in_dim3A_1, %all_reduce_population_count3A_2103 : vector<16xi32>
      %gt3A_2105 = vector.broadcast %squeeze3A_2092 : i32 to vector<16xi32>
      %gt3A_2106 = arith.cmpi sgt, %get3A_136, %gt3A_2105 : vector<16xi32>
      %eq3A_2107 = vector.broadcast %squeeze3A_2092 : i32 to vector<16xi32>
      %eq3A_2108 = arith.cmpi eq, %get3A_136, %eq3A_2107 : vector<16xi32>
      %lt3A_2109 = vector.broadcast %squeeze3A_2094 : i32 to vector<16xi32>
      %lt3A_2110 = arith.cmpi slt, %get3A_144, %lt3A_2109 : vector<16xi32>
      %and3A_2111 = arith.andi %eq3A_2108, %lt3A_2110 : vector<16xi1>
      %or3A_2112 = arith.ori %gt3A_2106, %and3A_2111 : vector<16xi1>
      %all_reduce_population_count3A_2113 = tpu.all_reduce %or3A_2112 {dim = 0 : i64, kind = #tpu.reduction_kind<sum>} : vector<16xi1> -> vector<16xi32>
      %add3A_2114 = arith.addi %add3A_2104, %all_reduce_population_count3A_2113 : vector<16xi32>
      %gt3A_2115 = vector.broadcast %squeeze3A_2092 : i32 to vector<16xi32>
      %gt3A_2116 = arith.cmpi sgt, %get3A_138, %gt3A_2115 : vector<16xi32>
      %eq3A_2117 = vector.broadcast %squeeze3A_2092 : i32 to vector<16xi32>
      %eq3A_2118 = arith.cmpi eq, %get3A_138, %eq3A_2117 : vector<16xi32>
      %lt3A_2119 = vector.broadcast %squeeze3A_2094 : i32 to vector<16xi32>
      %lt3A_2120 = arith.cmpi slt, %get3A_146, %lt3A_2119 : vector<16xi32>
      %and3A_2121 = arith.andi %eq3A_2118, %lt3A_2120 : vector<16xi1>
      %or3A_2122 = arith.ori %gt3A_2116, %and3A_2121 : vector<16xi1>
      %all_reduce_population_count3A_2123 = tpu.all_reduce %or3A_2122 {dim = 0 : i64, kind = #tpu.reduction_kind<sum>} : vector<16xi1> -> vector<16xi32>
      %add3A_2124 = arith.addi %add3A_2114, %all_reduce_population_count3A_2123 : vector<16xi32>
      %gt3A_2125 = vector.broadcast %squeeze3A_2092 : i32 to vector<16xi32>
      %gt3A_2126 = arith.cmpi sgt, %get3A_140, %gt3A_2125 : vector<16xi32>
      %eq3A_2127 = vector.broadcast %squeeze3A_2092 : i32 to vector<16xi32>
      %eq3A_2128 = arith.cmpi eq, %get3A_140, %eq3A_2127 : vector<16xi32>
      %lt3A_2129 = vector.broadcast %squeeze3A_2094 : i32 to vector<16xi32>
      %lt3A_2130 = arith.cmpi slt, %get3A_148, %lt3A_2129 : vector<16xi32>
      %and3A_2131 = arith.andi %eq3A_2128, %lt3A_2130 : vector<16xi1>
      %or3A_2132 = arith.ori %gt3A_2126, %and3A_2131 : vector<16xi1>
      %all_reduce_population_count3A_2133 = tpu.all_reduce %or3A_2132 {dim = 0 : i64, kind = #tpu.reduction_kind<sum>} : vector<16xi1> -> vector<16xi32>
      %add3A_2134 = arith.addi %add3A_2124, %all_reduce_population_count3A_2133 : vector<16xi32>
      %reduce_max3A_2135 = arith.constant true
      %reduce_max3A_2136 = vector.broadcast %reduce_max3A_2135 : i1 to vector<16xi1>
      %reduce_max3A_2137 = arith.constant -2147483648 : i32
      %reduce_max3A_2138 = vector.broadcast %reduce_max3A_2137 : i32 to vector<16xi32>
      %reduce_max3A_2139 = arith.xori %add3A_2134, %reduce_max3A_2138 : vector<16xi32>
      %reduce_max3A_2140 = tpu.scan <max>, %reduce_max3A_2139 masked %reduce_max3A_2136 : vector<16xi32>, vector<16xi1> -> vector<16xi32>
      %reduce_max3A_2141 = arith.xori %reduce_max3A_2140, %reduce_max3A_2138 : vector<16xi32>
      %reduce_max3A_2142 = vector.extract %reduce_max3A_2141[15] : i32 from vector<16xi32>
      %add3A_2143 = vector.broadcast %reduce_max3A_2142 : i32 to vector<16xi32>
      %add3A_2144 = arith.addi %broadcast_in_dim3A_1, %add3A_2143 : vector<16xi32>
      %add3A_2145 = vector.broadcast %squeeze3A_2094 : i32 to vector<16xi32>
      %add3A_2146 = arith.addi %broadcast_in_dim3A_1, %add3A_2145 : vector<16xi32>
      tpu.vector_store_idx %arg10[%add3A_2144], %add3A_2146 masked %eq3A_5 : memref<64xi32, #tpu.memory_space<vmem>>[vector<16xi32>], vector<16xi32>, vector<16xi1>
      %slice3A_2147 = vector.extract_strided_slice %get3A_138 {offsets = [3], sizes = [1], strides = [1]} : vector<16xi32> to vector<1xi32>
      %squeeze3A_2148 = vector.extract %slice3A_2147[0] : i32 from vector<1xi32>
      %slice3A_2149 = vector.extract_strided_slice %get3A_146 {offsets = [3], sizes = [1], strides = [1]} : vector<16xi32> to vector<1xi32>
      %squeeze3A_2150 = vector.extract %slice3A_2149[0] : i32 from vector<1xi32>
      %gt3A_2151 = vector.broadcast %squeeze3A_2148 : i32 to vector<16xi32>
      %gt3A_2152 = arith.cmpi sgt, %get3A_134, %gt3A_2151 : vector<16xi32>
      %eq3A_2153 = vector.broadcast %squeeze3A_2148 : i32 to vector<16xi32>
      %eq3A_2154 = arith.cmpi eq, %get3A_134, %eq3A_2153 : vector<16xi32>
      %lt3A_2155 = vector.broadcast %squeeze3A_2150 : i32 to vector<16xi32>
      %lt3A_2156 = arith.cmpi slt, %get3A_142, %lt3A_2155 : vector<16xi32>
      %and3A_2157 = arith.andi %eq3A_2154, %lt3A_2156 : vector<16xi1>
      %or3A_2158 = arith.ori %gt3A_2152, %and3A_2157 : vector<16xi1>
      %all_reduce_population_count3A_2159 = tpu.all_reduce %or3A_2158 {dim = 0 : i64, kind = #tpu.reduction_kind<sum>} : vector<16xi1> -> vector<16xi32>
      %add3A_2160 = arith.addi %broadcast_in_dim3A_1, %all_reduce_population_count3A_2159 : vector<16xi32>
      %gt3A_2161 = vector.broadcast %squeeze3A_2148 : i32 to vector<16xi32>
      %gt3A_2162 = arith.cmpi sgt, %get3A_136, %gt3A_2161 : vector<16xi32>
      %eq3A_2163 = vector.broadcast %squeeze3A_2148 : i32 to vector<16xi32>
      %eq3A_2164 = arith.cmpi eq, %get3A_136, %eq3A_2163 : vector<16xi32>
      %lt3A_2165 = vector.broadcast %squeeze3A_2150 : i32 to vector<16xi32>
      %lt3A_2166 = arith.cmpi slt, %get3A_144, %lt3A_2165 : vector<16xi32>
      %and3A_2167 = arith.andi %eq3A_2164, %lt3A_2166 : vector<16xi1>
      %or3A_2168 = arith.ori %gt3A_2162, %and3A_2167 : vector<16xi1>
      %all_reduce_population_count3A_2169 = tpu.all_reduce %or3A_2168 {dim = 0 : i64, kind = #tpu.reduction_kind<sum>} : vector<16xi1> -> vector<16xi32>
      %add3A_2170 = arith.addi %add3A_2160, %all_reduce_population_count3A_2169 : vector<16xi32>
      %gt3A_2171 = vector.broadcast %squeeze3A_2148 : i32 to vector<16xi32>
      %gt3A_2172 = arith.cmpi sgt, %get3A_138, %gt3A_2171 : vector<16xi32>
      %eq3A_2173 = vector.broadcast %squeeze3A_2148 : i32 to vector<16xi32>
      %eq3A_2174 = arith.cmpi eq, %get3A_138, %eq3A_2173 : vector<16xi32>
      %lt3A_2175 = vector.broadcast %squeeze3A_2150 : i32 to vector<16xi32>
      %lt3A_2176 = arith.cmpi slt, %get3A_146, %lt3A_2175 : vector<16xi32>
      %and3A_2177 = arith.andi %eq3A_2174, %lt3A_2176 : vector<16xi1>
      %or3A_2178 = arith.ori %gt3A_2172, %and3A_2177 : vector<16xi1>
      %all_reduce_population_count3A_2179 = tpu.all_reduce %or3A_2178 {dim = 0 : i64, kind = #tpu.reduction_kind<sum>} : vector<16xi1> -> vector<16xi32>
      %add3A_2180 = arith.addi %add3A_2170, %all_reduce_population_count3A_2179 : vector<16xi32>
      %gt3A_2181 = vector.broadcast %squeeze3A_2148 : i32 to vector<16xi32>
      %gt3A_2182 = arith.cmpi sgt, %get3A_140, %gt3A_2181 : vector<16xi32>
      %eq3A_2183 = vector.broadcast %squeeze3A_2148 : i32 to vector<16xi32>
      %eq3A_2184 = arith.cmpi eq, %get3A_140, %eq3A_2183 : vector<16xi32>
      %lt3A_2185 = vector.broadcast %squeeze3A_2150 : i32 to vector<16xi32>
      %lt3A_2186 = arith.cmpi slt, %get3A_148, %lt3A_2185 : vector<16xi32>
      %and3A_2187 = arith.andi %eq3A_2184, %lt3A_2186 : vector<16xi1>
      %or3A_2188 = arith.ori %gt3A_2182, %and3A_2187 : vector<16xi1>
      %all_reduce_population_count3A_2189 = tpu.all_reduce %or3A_2188 {dim = 0 : i64, kind = #tpu.reduction_kind<sum>} : vector<16xi1> -> vector<16xi32>
      %add3A_2190 = arith.addi %add3A_2180, %all_reduce_population_count3A_2189 : vector<16xi32>
      %reduce_max3A_2191 = arith.constant true
      %reduce_max3A_2192 = vector.broadcast %reduce_max3A_2191 : i1 to vector<16xi1>
      %reduce_max3A_2193 = arith.constant -2147483648 : i32
      %reduce_max3A_2194 = vector.broadcast %reduce_max3A_2193 : i32 to vector<16xi32>
      %reduce_max3A_2195 = arith.xori %add3A_2190, %reduce_max3A_2194 : vector<16xi32>
      %reduce_max3A_2196 = tpu.scan <max>, %reduce_max3A_2195 masked %reduce_max3A_2192 : vector<16xi32>, vector<16xi1> -> vector<16xi32>
      %reduce_max3A_2197 = arith.xori %reduce_max3A_2196, %reduce_max3A_2194 : vector<16xi32>
      %reduce_max3A_2198 = vector.extract %reduce_max3A_2197[15] : i32 from vector<16xi32>
      %add3A_2199 = vector.broadcast %reduce_max3A_2198 : i32 to vector<16xi32>
      %add3A_2200 = arith.addi %broadcast_in_dim3A_1, %add3A_2199 : vector<16xi32>
      %add3A_2201 = vector.broadcast %squeeze3A_2150 : i32 to vector<16xi32>
      %add3A_2202 = arith.addi %broadcast_in_dim3A_1, %add3A_2201 : vector<16xi32>
      tpu.vector_store_idx %arg10[%add3A_2200], %add3A_2202 masked %eq3A_5 : memref<64xi32, #tpu.memory_space<vmem>>[vector<16xi32>], vector<16xi32>, vector<16xi1>
      %slice3A_2203 = vector.extract_strided_slice %get3A_138 {offsets = [4], sizes = [1], strides = [1]} : vector<16xi32> to vector<1xi32>
      %squeeze3A_2204 = vector.extract %slice3A_2203[0] : i32 from vector<1xi32>
      %slice3A_2205 = vector.extract_strided_slice %get3A_146 {offsets = [4], sizes = [1], strides = [1]} : vector<16xi32> to vector<1xi32>
      %squeeze3A_2206 = vector.extract %slice3A_2205[0] : i32 from vector<1xi32>
      %gt3A_2207 = vector.broadcast %squeeze3A_2204 : i32 to vector<16xi32>
      %gt3A_2208 = arith.cmpi sgt, %get3A_134, %gt3A_2207 : vector<16xi32>
      %eq3A_2209 = vector.broadcast %squeeze3A_2204 : i32 to vector<16xi32>
      %eq3A_2210 = arith.cmpi eq, %get3A_134, %eq3A_2209 : vector<16xi32>
      %lt3A_2211 = vector.broadcast %squeeze3A_2206 : i32 to vector<16xi32>
      %lt3A_2212 = arith.cmpi slt, %get3A_142, %lt3A_2211 : vector<16xi32>
      %and3A_2213 = arith.andi %eq3A_2210, %lt3A_2212 : vector<16xi1>
      %or3A_2214 = arith.ori %gt3A_2208, %and3A_2213 : vector<16xi1>
      %all_reduce_population_count3A_2215 = tpu.all_reduce %or3A_2214 {dim = 0 : i64, kind = #tpu.reduction_kind<sum>} : vector<16xi1> -> vector<16xi32>
      %add3A_2216 = arith.addi %broadcast_in_dim3A_1, %all_reduce_population_count3A_2215 : vector<16xi32>
      %gt3A_2217 = vector.broadcast %squeeze3A_2204 : i32 to vector<16xi32>
      %gt3A_2218 = arith.cmpi sgt, %get3A_136, %gt3A_2217 : vector<16xi32>
      %eq3A_2219 = vector.broadcast %squeeze3A_2204 : i32 to vector<16xi32>
      %eq3A_2220 = arith.cmpi eq, %get3A_136, %eq3A_2219 : vector<16xi32>
      %lt3A_2221 = vector.broadcast %squeeze3A_2206 : i32 to vector<16xi32>
      %lt3A_2222 = arith.cmpi slt, %get3A_144, %lt3A_2221 : vector<16xi32>
      %and3A_2223 = arith.andi %eq3A_2220, %lt3A_2222 : vector<16xi1>
      %or3A_2224 = arith.ori %gt3A_2218, %and3A_2223 : vector<16xi1>
      %all_reduce_population_count3A_2225 = tpu.all_reduce %or3A_2224 {dim = 0 : i64, kind = #tpu.reduction_kind<sum>} : vector<16xi1> -> vector<16xi32>
      %add3A_2226 = arith.addi %add3A_2216, %all_reduce_population_count3A_2225 : vector<16xi32>
      %gt3A_2227 = vector.broadcast %squeeze3A_2204 : i32 to vector<16xi32>
      %gt3A_2228 = arith.cmpi sgt, %get3A_138, %gt3A_2227 : vector<16xi32>
      %eq3A_2229 = vector.broadcast %squeeze3A_2204 : i32 to vector<16xi32>
      %eq3A_2230 = arith.cmpi eq, %get3A_138, %eq3A_2229 : vector<16xi32>
      %lt3A_2231 = vector.broadcast %squeeze3A_2206 : i32 to vector<16xi32>
      %lt3A_2232 = arith.cmpi slt, %get3A_146, %lt3A_2231 : vector<16xi32>
      %and3A_2233 = arith.andi %eq3A_2230, %lt3A_2232 : vector<16xi1>
      %or3A_2234 = arith.ori %gt3A_2228, %and3A_2233 : vector<16xi1>
      %all_reduce_population_count3A_2235 = tpu.all_reduce %or3A_2234 {dim = 0 : i64, kind = #tpu.reduction_kind<sum>} : vector<16xi1> -> vector<16xi32>
      %add3A_2236 = arith.addi %add3A_2226, %all_reduce_population_count3A_2235 : vector<16xi32>
      %gt3A_2237 = vector.broadcast %squeeze3A_2204 : i32 to vector<16xi32>
      %gt3A_2238 = arith.cmpi sgt, %get3A_140, %gt3A_2237 : vector<16xi32>
      %eq3A_2239 = vector.broadcast %squeeze3A_2204 : i32 to vector<16xi32>
      %eq3A_2240 = arith.cmpi eq, %get3A_140, %eq3A_2239 : vector<16xi32>
      %lt3A_2241 = vector.broadcast %squeeze3A_2206 : i32 to vector<16xi32>
      %lt3A_2242 = arith.cmpi slt, %get3A_148, %lt3A_2241 : vector<16xi32>
      %and3A_2243 = arith.andi %eq3A_2240, %lt3A_2242 : vector<16xi1>
      %or3A_2244 = arith.ori %gt3A_2238, %and3A_2243 : vector<16xi1>
      %all_reduce_population_count3A_2245 = tpu.all_reduce %or3A_2244 {dim = 0 : i64, kind = #tpu.reduction_kind<sum>} : vector<16xi1> -> vector<16xi32>
      %add3A_2246 = arith.addi %add3A_2236, %all_reduce_population_count3A_2245 : vector<16xi32>
      %reduce_max3A_2247 = arith.constant true
      %reduce_max3A_2248 = vector.broadcast %reduce_max3A_2247 : i1 to vector<16xi1>
      %reduce_max3A_2249 = arith.constant -2147483648 : i32
      %reduce_max3A_2250 = vector.broadcast %reduce_max3A_2249 : i32 to vector<16xi32>
      %reduce_max3A_2251 = arith.xori %add3A_2246, %reduce_max3A_2250 : vector<16xi32>
      %reduce_max3A_2252 = tpu.scan <max>, %reduce_max3A_2251 masked %reduce_max3A_2248 : vector<16xi32>, vector<16xi1> -> vector<16xi32>
      %reduce_max3A_2253 = arith.xori %reduce_max3A_2252, %reduce_max3A_2250 : vector<16xi32>
      %reduce_max3A_2254 = vector.extract %reduce_max3A_2253[15] : i32 from vector<16xi32>
      %add3A_2255 = vector.broadcast %reduce_max3A_2254 : i32 to vector<16xi32>
      %add3A_2256 = arith.addi %broadcast_in_dim3A_1, %add3A_2255 : vector<16xi32>
      %add3A_2257 = vector.broadcast %squeeze3A_2206 : i32 to vector<16xi32>
      %add3A_2258 = arith.addi %broadcast_in_dim3A_1, %add3A_2257 : vector<16xi32>
      tpu.vector_store_idx %arg10[%add3A_2256], %add3A_2258 masked %eq3A_5 : memref<64xi32, #tpu.memory_space<vmem>>[vector<16xi32>], vector<16xi32>, vector<16xi1>
      %slice3A_2259 = vector.extract_strided_slice %get3A_138 {offsets = [5], sizes = [1], strides = [1]} : vector<16xi32> to vector<1xi32>
      %squeeze3A_2260 = vector.extract %slice3A_2259[0] : i32 from vector<1xi32>
      %slice3A_2261 = vector.extract_strided_slice %get3A_146 {offsets = [5], sizes = [1], strides = [1]} : vector<16xi32> to vector<1xi32>
      %squeeze3A_2262 = vector.extract %slice3A_2261[0] : i32 from vector<1xi32>
      %gt3A_2263 = vector.broadcast %squeeze3A_2260 : i32 to vector<16xi32>
      %gt3A_2264 = arith.cmpi sgt, %get3A_134, %gt3A_2263 : vector<16xi32>
      %eq3A_2265 = vector.broadcast %squeeze3A_2260 : i32 to vector<16xi32>
      %eq3A_2266 = arith.cmpi eq, %get3A_134, %eq3A_2265 : vector<16xi32>
      %lt3A_2267 = vector.broadcast %squeeze3A_2262 : i32 to vector<16xi32>
      %lt3A_2268 = arith.cmpi slt, %get3A_142, %lt3A_2267 : vector<16xi32>
      %and3A_2269 = arith.andi %eq3A_2266, %lt3A_2268 : vector<16xi1>
      %or3A_2270 = arith.ori %gt3A_2264, %and3A_2269 : vector<16xi1>
      %all_reduce_population_count3A_2271 = tpu.all_reduce %or3A_2270 {dim = 0 : i64, kind = #tpu.reduction_kind<sum>} : vector<16xi1> -> vector<16xi32>
      %add3A_2272 = arith.addi %broadcast_in_dim3A_1, %all_reduce_population_count3A_2271 : vector<16xi32>
      %gt3A_2273 = vector.broadcast %squeeze3A_2260 : i32 to vector<16xi32>
      %gt3A_2274 = arith.cmpi sgt, %get3A_136, %gt3A_2273 : vector<16xi32>
      %eq3A_2275 = vector.broadcast %squeeze3A_2260 : i32 to vector<16xi32>
      %eq3A_2276 = arith.cmpi eq, %get3A_136, %eq3A_2275 : vector<16xi32>
      %lt3A_2277 = vector.broadcast %squeeze3A_2262 : i32 to vector<16xi32>
      %lt3A_2278 = arith.cmpi slt, %get3A_144, %lt3A_2277 : vector<16xi32>
      %and3A_2279 = arith.andi %eq3A_2276, %lt3A_2278 : vector<16xi1>
      %or3A_2280 = arith.ori %gt3A_2274, %and3A_2279 : vector<16xi1>
      %all_reduce_population_count3A_2281 = tpu.all_reduce %or3A_2280 {dim = 0 : i64, kind = #tpu.reduction_kind<sum>} : vector<16xi1> -> vector<16xi32>
      %add3A_2282 = arith.addi %add3A_2272, %all_reduce_population_count3A_2281 : vector<16xi32>
      %gt3A_2283 = vector.broadcast %squeeze3A_2260 : i32 to vector<16xi32>
      %gt3A_2284 = arith.cmpi sgt, %get3A_138, %gt3A_2283 : vector<16xi32>
      %eq3A_2285 = vector.broadcast %squeeze3A_2260 : i32 to vector<16xi32>
      %eq3A_2286 = arith.cmpi eq, %get3A_138, %eq3A_2285 : vector<16xi32>
      %lt3A_2287 = vector.broadcast %squeeze3A_2262 : i32 to vector<16xi32>
      %lt3A_2288 = arith.cmpi slt, %get3A_146, %lt3A_2287 : vector<16xi32>
      %and3A_2289 = arith.andi %eq3A_2286, %lt3A_2288 : vector<16xi1>
      %or3A_2290 = arith.ori %gt3A_2284, %and3A_2289 : vector<16xi1>
      %all_reduce_population_count3A_2291 = tpu.all_reduce %or3A_2290 {dim = 0 : i64, kind = #tpu.reduction_kind<sum>} : vector<16xi1> -> vector<16xi32>
      %add3A_2292 = arith.addi %add3A_2282, %all_reduce_population_count3A_2291 : vector<16xi32>
      %gt3A_2293 = vector.broadcast %squeeze3A_2260 : i32 to vector<16xi32>
      %gt3A_2294 = arith.cmpi sgt, %get3A_140, %gt3A_2293 : vector<16xi32>
      %eq3A_2295 = vector.broadcast %squeeze3A_2260 : i32 to vector<16xi32>
      %eq3A_2296 = arith.cmpi eq, %get3A_140, %eq3A_2295 : vector<16xi32>
      %lt3A_2297 = vector.broadcast %squeeze3A_2262 : i32 to vector<16xi32>
      %lt3A_2298 = arith.cmpi slt, %get3A_148, %lt3A_2297 : vector<16xi32>
      %and3A_2299 = arith.andi %eq3A_2296, %lt3A_2298 : vector<16xi1>
      %or3A_2300 = arith.ori %gt3A_2294, %and3A_2299 : vector<16xi1>
      %all_reduce_population_count3A_2301 = tpu.all_reduce %or3A_2300 {dim = 0 : i64, kind = #tpu.reduction_kind<sum>} : vector<16xi1> -> vector<16xi32>
      %add3A_2302 = arith.addi %add3A_2292, %all_reduce_population_count3A_2301 : vector<16xi32>
      %reduce_max3A_2303 = arith.constant true
      %reduce_max3A_2304 = vector.broadcast %reduce_max3A_2303 : i1 to vector<16xi1>
      %reduce_max3A_2305 = arith.constant -2147483648 : i32
      %reduce_max3A_2306 = vector.broadcast %reduce_max3A_2305 : i32 to vector<16xi32>
      %reduce_max3A_2307 = arith.xori %add3A_2302, %reduce_max3A_2306 : vector<16xi32>
      %reduce_max3A_2308 = tpu.scan <max>, %reduce_max3A_2307 masked %reduce_max3A_2304 : vector<16xi32>, vector<16xi1> -> vector<16xi32>
      %reduce_max3A_2309 = arith.xori %reduce_max3A_2308, %reduce_max3A_2306 : vector<16xi32>
      %reduce_max3A_2310 = vector.extract %reduce_max3A_2309[15] : i32 from vector<16xi32>
      %add3A_2311 = vector.broadcast %reduce_max3A_2310 : i32 to vector<16xi32>
      %add3A_2312 = arith.addi %broadcast_in_dim3A_1, %add3A_2311 : vector<16xi32>
      %add3A_2313 = vector.broadcast %squeeze3A_2262 : i32 to vector<16xi32>
      %add3A_2314 = arith.addi %broadcast_in_dim3A_1, %add3A_2313 : vector<16xi32>
      tpu.vector_store_idx %arg10[%add3A_2312], %add3A_2314 masked %eq3A_5 : memref<64xi32, #tpu.memory_space<vmem>>[vector<16xi32>], vector<16xi32>, vector<16xi1>
      %slice3A_2315 = vector.extract_strided_slice %get3A_138 {offsets = [6], sizes = [1], strides = [1]} : vector<16xi32> to vector<1xi32>
      %squeeze3A_2316 = vector.extract %slice3A_2315[0] : i32 from vector<1xi32>
      %slice3A_2317 = vector.extract_strided_slice %get3A_146 {offsets = [6], sizes = [1], strides = [1]} : vector<16xi32> to vector<1xi32>
      %squeeze3A_2318 = vector.extract %slice3A_2317[0] : i32 from vector<1xi32>
      %gt3A_2319 = vector.broadcast %squeeze3A_2316 : i32 to vector<16xi32>
      %gt3A_2320 = arith.cmpi sgt, %get3A_134, %gt3A_2319 : vector<16xi32>
      %eq3A_2321 = vector.broadcast %squeeze3A_2316 : i32 to vector<16xi32>
      %eq3A_2322 = arith.cmpi eq, %get3A_134, %eq3A_2321 : vector<16xi32>
      %lt3A_2323 = vector.broadcast %squeeze3A_2318 : i32 to vector<16xi32>
      %lt3A_2324 = arith.cmpi slt, %get3A_142, %lt3A_2323 : vector<16xi32>
      %and3A_2325 = arith.andi %eq3A_2322, %lt3A_2324 : vector<16xi1>
      %or3A_2326 = arith.ori %gt3A_2320, %and3A_2325 : vector<16xi1>
      %all_reduce_population_count3A_2327 = tpu.all_reduce %or3A_2326 {dim = 0 : i64, kind = #tpu.reduction_kind<sum>} : vector<16xi1> -> vector<16xi32>
      %add3A_2328 = arith.addi %broadcast_in_dim3A_1, %all_reduce_population_count3A_2327 : vector<16xi32>
      %gt3A_2329 = vector.broadcast %squeeze3A_2316 : i32 to vector<16xi32>
      %gt3A_2330 = arith.cmpi sgt, %get3A_136, %gt3A_2329 : vector<16xi32>
      %eq3A_2331 = vector.broadcast %squeeze3A_2316 : i32 to vector<16xi32>
      %eq3A_2332 = arith.cmpi eq, %get3A_136, %eq3A_2331 : vector<16xi32>
      %lt3A_2333 = vector.broadcast %squeeze3A_2318 : i32 to vector<16xi32>
      %lt3A_2334 = arith.cmpi slt, %get3A_144, %lt3A_2333 : vector<16xi32>
      %and3A_2335 = arith.andi %eq3A_2332, %lt3A_2334 : vector<16xi1>
      %or3A_2336 = arith.ori %gt3A_2330, %and3A_2335 : vector<16xi1>
      %all_reduce_population_count3A_2337 = tpu.all_reduce %or3A_2336 {dim = 0 : i64, kind = #tpu.reduction_kind<sum>} : vector<16xi1> -> vector<16xi32>
      %add3A_2338 = arith.addi %add3A_2328, %all_reduce_population_count3A_2337 : vector<16xi32>
      %gt3A_2339 = vector.broadcast %squeeze3A_2316 : i32 to vector<16xi32>
      %gt3A_2340 = arith.cmpi sgt, %get3A_138, %gt3A_2339 : vector<16xi32>
      %eq3A_2341 = vector.broadcast %squeeze3A_2316 : i32 to vector<16xi32>
      %eq3A_2342 = arith.cmpi eq, %get3A_138, %eq3A_2341 : vector<16xi32>
      %lt3A_2343 = vector.broadcast %squeeze3A_2318 : i32 to vector<16xi32>
      %lt3A_2344 = arith.cmpi slt, %get3A_146, %lt3A_2343 : vector<16xi32>
      %and3A_2345 = arith.andi %eq3A_2342, %lt3A_2344 : vector<16xi1>
      %or3A_2346 = arith.ori %gt3A_2340, %and3A_2345 : vector<16xi1>
      %all_reduce_population_count3A_2347 = tpu.all_reduce %or3A_2346 {dim = 0 : i64, kind = #tpu.reduction_kind<sum>} : vector<16xi1> -> vector<16xi32>
      %add3A_2348 = arith.addi %add3A_2338, %all_reduce_population_count3A_2347 : vector<16xi32>
      %gt3A_2349 = vector.broadcast %squeeze3A_2316 : i32 to vector<16xi32>
      %gt3A_2350 = arith.cmpi sgt, %get3A_140, %gt3A_2349 : vector<16xi32>
      %eq3A_2351 = vector.broadcast %squeeze3A_2316 : i32 to vector<16xi32>
      %eq3A_2352 = arith.cmpi eq, %get3A_140, %eq3A_2351 : vector<16xi32>
      %lt3A_2353 = vector.broadcast %squeeze3A_2318 : i32 to vector<16xi32>
      %lt3A_2354 = arith.cmpi slt, %get3A_148, %lt3A_2353 : vector<16xi32>
      %and3A_2355 = arith.andi %eq3A_2352, %lt3A_2354 : vector<16xi1>
      %or3A_2356 = arith.ori %gt3A_2350, %and3A_2355 : vector<16xi1>
      %all_reduce_population_count3A_2357 = tpu.all_reduce %or3A_2356 {dim = 0 : i64, kind = #tpu.reduction_kind<sum>} : vector<16xi1> -> vector<16xi32>
      %add3A_2358 = arith.addi %add3A_2348, %all_reduce_population_count3A_2357 : vector<16xi32>
      %reduce_max3A_2359 = arith.constant true
      %reduce_max3A_2360 = vector.broadcast %reduce_max3A_2359 : i1 to vector<16xi1>
      %reduce_max3A_2361 = arith.constant -2147483648 : i32
      %reduce_max3A_2362 = vector.broadcast %reduce_max3A_2361 : i32 to vector<16xi32>
      %reduce_max3A_2363 = arith.xori %add3A_2358, %reduce_max3A_2362 : vector<16xi32>
      %reduce_max3A_2364 = tpu.scan <max>, %reduce_max3A_2363 masked %reduce_max3A_2360 : vector<16xi32>, vector<16xi1> -> vector<16xi32>
      %reduce_max3A_2365 = arith.xori %reduce_max3A_2364, %reduce_max3A_2362 : vector<16xi32>
      %reduce_max3A_2366 = vector.extract %reduce_max3A_2365[15] : i32 from vector<16xi32>
      %add3A_2367 = vector.broadcast %reduce_max3A_2366 : i32 to vector<16xi32>
      %add3A_2368 = arith.addi %broadcast_in_dim3A_1, %add3A_2367 : vector<16xi32>
      %add3A_2369 = vector.broadcast %squeeze3A_2318 : i32 to vector<16xi32>
      %add3A_2370 = arith.addi %broadcast_in_dim3A_1, %add3A_2369 : vector<16xi32>
      tpu.vector_store_idx %arg10[%add3A_2368], %add3A_2370 masked %eq3A_5 : memref<64xi32, #tpu.memory_space<vmem>>[vector<16xi32>], vector<16xi32>, vector<16xi1>
      %slice3A_2371 = vector.extract_strided_slice %get3A_138 {offsets = [7], sizes = [1], strides = [1]} : vector<16xi32> to vector<1xi32>
      %squeeze3A_2372 = vector.extract %slice3A_2371[0] : i32 from vector<1xi32>
      %slice3A_2373 = vector.extract_strided_slice %get3A_146 {offsets = [7], sizes = [1], strides = [1]} : vector<16xi32> to vector<1xi32>
      %squeeze3A_2374 = vector.extract %slice3A_2373[0] : i32 from vector<1xi32>
      %gt3A_2375 = vector.broadcast %squeeze3A_2372 : i32 to vector<16xi32>
      %gt3A_2376 = arith.cmpi sgt, %get3A_134, %gt3A_2375 : vector<16xi32>
      %eq3A_2377 = vector.broadcast %squeeze3A_2372 : i32 to vector<16xi32>
      %eq3A_2378 = arith.cmpi eq, %get3A_134, %eq3A_2377 : vector<16xi32>
      %lt3A_2379 = vector.broadcast %squeeze3A_2374 : i32 to vector<16xi32>
      %lt3A_2380 = arith.cmpi slt, %get3A_142, %lt3A_2379 : vector<16xi32>
      %and3A_2381 = arith.andi %eq3A_2378, %lt3A_2380 : vector<16xi1>
      %or3A_2382 = arith.ori %gt3A_2376, %and3A_2381 : vector<16xi1>
      %all_reduce_population_count3A_2383 = tpu.all_reduce %or3A_2382 {dim = 0 : i64, kind = #tpu.reduction_kind<sum>} : vector<16xi1> -> vector<16xi32>
      %add3A_2384 = arith.addi %broadcast_in_dim3A_1, %all_reduce_population_count3A_2383 : vector<16xi32>
      %gt3A_2385 = vector.broadcast %squeeze3A_2372 : i32 to vector<16xi32>
      %gt3A_2386 = arith.cmpi sgt, %get3A_136, %gt3A_2385 : vector<16xi32>
      %eq3A_2387 = vector.broadcast %squeeze3A_2372 : i32 to vector<16xi32>
      %eq3A_2388 = arith.cmpi eq, %get3A_136, %eq3A_2387 : vector<16xi32>
      %lt3A_2389 = vector.broadcast %squeeze3A_2374 : i32 to vector<16xi32>
      %lt3A_2390 = arith.cmpi slt, %get3A_144, %lt3A_2389 : vector<16xi32>
      %and3A_2391 = arith.andi %eq3A_2388, %lt3A_2390 : vector<16xi1>
      %or3A_2392 = arith.ori %gt3A_2386, %and3A_2391 : vector<16xi1>
      %all_reduce_population_count3A_2393 = tpu.all_reduce %or3A_2392 {dim = 0 : i64, kind = #tpu.reduction_kind<sum>} : vector<16xi1> -> vector<16xi32>
      %add3A_2394 = arith.addi %add3A_2384, %all_reduce_population_count3A_2393 : vector<16xi32>
      %gt3A_2395 = vector.broadcast %squeeze3A_2372 : i32 to vector<16xi32>
      %gt3A_2396 = arith.cmpi sgt, %get3A_138, %gt3A_2395 : vector<16xi32>
      %eq3A_2397 = vector.broadcast %squeeze3A_2372 : i32 to vector<16xi32>
      %eq3A_2398 = arith.cmpi eq, %get3A_138, %eq3A_2397 : vector<16xi32>
      %lt3A_2399 = vector.broadcast %squeeze3A_2374 : i32 to vector<16xi32>
      %lt3A_2400 = arith.cmpi slt, %get3A_146, %lt3A_2399 : vector<16xi32>
      %and3A_2401 = arith.andi %eq3A_2398, %lt3A_2400 : vector<16xi1>
      %or3A_2402 = arith.ori %gt3A_2396, %and3A_2401 : vector<16xi1>
      %all_reduce_population_count3A_2403 = tpu.all_reduce %or3A_2402 {dim = 0 : i64, kind = #tpu.reduction_kind<sum>} : vector<16xi1> -> vector<16xi32>
      %add3A_2404 = arith.addi %add3A_2394, %all_reduce_population_count3A_2403 : vector<16xi32>
      %gt3A_2405 = vector.broadcast %squeeze3A_2372 : i32 to vector<16xi32>
      %gt3A_2406 = arith.cmpi sgt, %get3A_140, %gt3A_2405 : vector<16xi32>
      %eq3A_2407 = vector.broadcast %squeeze3A_2372 : i32 to vector<16xi32>
      %eq3A_2408 = arith.cmpi eq, %get3A_140, %eq3A_2407 : vector<16xi32>
      %lt3A_2409 = vector.broadcast %squeeze3A_2374 : i32 to vector<16xi32>
      %lt3A_2410 = arith.cmpi slt, %get3A_148, %lt3A_2409 : vector<16xi32>
      %and3A_2411 = arith.andi %eq3A_2408, %lt3A_2410 : vector<16xi1>
      %or3A_2412 = arith.ori %gt3A_2406, %and3A_2411 : vector<16xi1>
      %all_reduce_population_count3A_2413 = tpu.all_reduce %or3A_2412 {dim = 0 : i64, kind = #tpu.reduction_kind<sum>} : vector<16xi1> -> vector<16xi32>
      %add3A_2414 = arith.addi %add3A_2404, %all_reduce_population_count3A_2413 : vector<16xi32>
      %reduce_max3A_2415 = arith.constant true
      %reduce_max3A_2416 = vector.broadcast %reduce_max3A_2415 : i1 to vector<16xi1>
      %reduce_max3A_2417 = arith.constant -2147483648 : i32
      %reduce_max3A_2418 = vector.broadcast %reduce_max3A_2417 : i32 to vector<16xi32>
      %reduce_max3A_2419 = arith.xori %add3A_2414, %reduce_max3A_2418 : vector<16xi32>
      %reduce_max3A_2420 = tpu.scan <max>, %reduce_max3A_2419 masked %reduce_max3A_2416 : vector<16xi32>, vector<16xi1> -> vector<16xi32>
      %reduce_max3A_2421 = arith.xori %reduce_max3A_2420, %reduce_max3A_2418 : vector<16xi32>
      %reduce_max3A_2422 = vector.extract %reduce_max3A_2421[15] : i32 from vector<16xi32>
      %add3A_2423 = vector.broadcast %reduce_max3A_2422 : i32 to vector<16xi32>
      %add3A_2424 = arith.addi %broadcast_in_dim3A_1, %add3A_2423 : vector<16xi32>
      %add3A_2425 = vector.broadcast %squeeze3A_2374 : i32 to vector<16xi32>
      %add3A_2426 = arith.addi %broadcast_in_dim3A_1, %add3A_2425 : vector<16xi32>
      tpu.vector_store_idx %arg10[%add3A_2424], %add3A_2426 masked %eq3A_5 : memref<64xi32, #tpu.memory_space<vmem>>[vector<16xi32>], vector<16xi32>, vector<16xi1>
      %slice3A_2427 = vector.extract_strided_slice %get3A_138 {offsets = [8], sizes = [1], strides = [1]} : vector<16xi32> to vector<1xi32>
      %squeeze3A_2428 = vector.extract %slice3A_2427[0] : i32 from vector<1xi32>
      %slice3A_2429 = vector.extract_strided_slice %get3A_146 {offsets = [8], sizes = [1], strides = [1]} : vector<16xi32> to vector<1xi32>
      %squeeze3A_2430 = vector.extract %slice3A_2429[0] : i32 from vector<1xi32>
      %gt3A_2431 = vector.broadcast %squeeze3A_2428 : i32 to vector<16xi32>
      %gt3A_2432 = arith.cmpi sgt, %get3A_134, %gt3A_2431 : vector<16xi32>
      %eq3A_2433 = vector.broadcast %squeeze3A_2428 : i32 to vector<16xi32>
      %eq3A_2434 = arith.cmpi eq, %get3A_134, %eq3A_2433 : vector<16xi32>
      %lt3A_2435 = vector.broadcast %squeeze3A_2430 : i32 to vector<16xi32>
      %lt3A_2436 = arith.cmpi slt, %get3A_142, %lt3A_2435 : vector<16xi32>
      %and3A_2437 = arith.andi %eq3A_2434, %lt3A_2436 : vector<16xi1>
      %or3A_2438 = arith.ori %gt3A_2432, %and3A_2437 : vector<16xi1>
      %all_reduce_population_count3A_2439 = tpu.all_reduce %or3A_2438 {dim = 0 : i64, kind = #tpu.reduction_kind<sum>} : vector<16xi1> -> vector<16xi32>
      %add3A_2440 = arith.addi %broadcast_in_dim3A_1, %all_reduce_population_count3A_2439 : vector<16xi32>
      %gt3A_2441 = vector.broadcast %squeeze3A_2428 : i32 to vector<16xi32>
      %gt3A_2442 = arith.cmpi sgt, %get3A_136, %gt3A_2441 : vector<16xi32>
      %eq3A_2443 = vector.broadcast %squeeze3A_2428 : i32 to vector<16xi32>
      %eq3A_2444 = arith.cmpi eq, %get3A_136, %eq3A_2443 : vector<16xi32>
      %lt3A_2445 = vector.broadcast %squeeze3A_2430 : i32 to vector<16xi32>
      %lt3A_2446 = arith.cmpi slt, %get3A_144, %lt3A_2445 : vector<16xi32>
      %and3A_2447 = arith.andi %eq3A_2444, %lt3A_2446 : vector<16xi1>
      %or3A_2448 = arith.ori %gt3A_2442, %and3A_2447 : vector<16xi1>
      %all_reduce_population_count3A_2449 = tpu.all_reduce %or3A_2448 {dim = 0 : i64, kind = #tpu.reduction_kind<sum>} : vector<16xi1> -> vector<16xi32>
      %add3A_2450 = arith.addi %add3A_2440, %all_reduce_population_count3A_2449 : vector<16xi32>
      %gt3A_2451 = vector.broadcast %squeeze3A_2428 : i32 to vector<16xi32>
      %gt3A_2452 = arith.cmpi sgt, %get3A_138, %gt3A_2451 : vector<16xi32>
      %eq3A_2453 = vector.broadcast %squeeze3A_2428 : i32 to vector<16xi32>
      %eq3A_2454 = arith.cmpi eq, %get3A_138, %eq3A_2453 : vector<16xi32>
      %lt3A_2455 = vector.broadcast %squeeze3A_2430 : i32 to vector<16xi32>
      %lt3A_2456 = arith.cmpi slt, %get3A_146, %lt3A_2455 : vector<16xi32>
      %and3A_2457 = arith.andi %eq3A_2454, %lt3A_2456 : vector<16xi1>
      %or3A_2458 = arith.ori %gt3A_2452, %and3A_2457 : vector<16xi1>
      %all_reduce_population_count3A_2459 = tpu.all_reduce %or3A_2458 {dim = 0 : i64, kind = #tpu.reduction_kind<sum>} : vector<16xi1> -> vector<16xi32>
      %add3A_2460 = arith.addi %add3A_2450, %all_reduce_population_count3A_2459 : vector<16xi32>
      %gt3A_2461 = vector.broadcast %squeeze3A_2428 : i32 to vector<16xi32>
      %gt3A_2462 = arith.cmpi sgt, %get3A_140, %gt3A_2461 : vector<16xi32>
      %eq3A_2463 = vector.broadcast %squeeze3A_2428 : i32 to vector<16xi32>
      %eq3A_2464 = arith.cmpi eq, %get3A_140, %eq3A_2463 : vector<16xi32>
      %lt3A_2465 = vector.broadcast %squeeze3A_2430 : i32 to vector<16xi32>
      %lt3A_2466 = arith.cmpi slt, %get3A_148, %lt3A_2465 : vector<16xi32>
      %and3A_2467 = arith.andi %eq3A_2464, %lt3A_2466 : vector<16xi1>
      %or3A_2468 = arith.ori %gt3A_2462, %and3A_2467 : vector<16xi1>
      %all_reduce_population_count3A_2469 = tpu.all_reduce %or3A_2468 {dim = 0 : i64, kind = #tpu.reduction_kind<sum>} : vector<16xi1> -> vector<16xi32>
      %add3A_2470 = arith.addi %add3A_2460, %all_reduce_population_count3A_2469 : vector<16xi32>
      %reduce_max3A_2471 = arith.constant true
      %reduce_max3A_2472 = vector.broadcast %reduce_max3A_2471 : i1 to vector<16xi1>
      %reduce_max3A_2473 = arith.constant -2147483648 : i32
      %reduce_max3A_2474 = vector.broadcast %reduce_max3A_2473 : i32 to vector<16xi32>
      %reduce_max3A_2475 = arith.xori %add3A_2470, %reduce_max3A_2474 : vector<16xi32>
      %reduce_max3A_2476 = tpu.scan <max>, %reduce_max3A_2475 masked %reduce_max3A_2472 : vector<16xi32>, vector<16xi1> -> vector<16xi32>
      %reduce_max3A_2477 = arith.xori %reduce_max3A_2476, %reduce_max3A_2474 : vector<16xi32>
      %reduce_max3A_2478 = vector.extract %reduce_max3A_2477[15] : i32 from vector<16xi32>
      %add3A_2479 = vector.broadcast %reduce_max3A_2478 : i32 to vector<16xi32>
      %add3A_2480 = arith.addi %broadcast_in_dim3A_1, %add3A_2479 : vector<16xi32>
      %add3A_2481 = vector.broadcast %squeeze3A_2430 : i32 to vector<16xi32>
      %add3A_2482 = arith.addi %broadcast_in_dim3A_1, %add3A_2481 : vector<16xi32>
      tpu.vector_store_idx %arg10[%add3A_2480], %add3A_2482 masked %eq3A_5 : memref<64xi32, #tpu.memory_space<vmem>>[vector<16xi32>], vector<16xi32>, vector<16xi1>
      %slice3A_2483 = vector.extract_strided_slice %get3A_138 {offsets = [9], sizes = [1], strides = [1]} : vector<16xi32> to vector<1xi32>
      %squeeze3A_2484 = vector.extract %slice3A_2483[0] : i32 from vector<1xi32>
      %slice3A_2485 = vector.extract_strided_slice %get3A_146 {offsets = [9], sizes = [1], strides = [1]} : vector<16xi32> to vector<1xi32>
      %squeeze3A_2486 = vector.extract %slice3A_2485[0] : i32 from vector<1xi32>
      %gt3A_2487 = vector.broadcast %squeeze3A_2484 : i32 to vector<16xi32>
      %gt3A_2488 = arith.cmpi sgt, %get3A_134, %gt3A_2487 : vector<16xi32>
      %eq3A_2489 = vector.broadcast %squeeze3A_2484 : i32 to vector<16xi32>
      %eq3A_2490 = arith.cmpi eq, %get3A_134, %eq3A_2489 : vector<16xi32>
      %lt3A_2491 = vector.broadcast %squeeze3A_2486 : i32 to vector<16xi32>
      %lt3A_2492 = arith.cmpi slt, %get3A_142, %lt3A_2491 : vector<16xi32>
      %and3A_2493 = arith.andi %eq3A_2490, %lt3A_2492 : vector<16xi1>
      %or3A_2494 = arith.ori %gt3A_2488, %and3A_2493 : vector<16xi1>
      %all_reduce_population_count3A_2495 = tpu.all_reduce %or3A_2494 {dim = 0 : i64, kind = #tpu.reduction_kind<sum>} : vector<16xi1> -> vector<16xi32>
      %add3A_2496 = arith.addi %broadcast_in_dim3A_1, %all_reduce_population_count3A_2495 : vector<16xi32>
      %gt3A_2497 = vector.broadcast %squeeze3A_2484 : i32 to vector<16xi32>
      %gt3A_2498 = arith.cmpi sgt, %get3A_136, %gt3A_2497 : vector<16xi32>
      %eq3A_2499 = vector.broadcast %squeeze3A_2484 : i32 to vector<16xi32>
      %eq3A_2500 = arith.cmpi eq, %get3A_136, %eq3A_2499 : vector<16xi32>
      %lt3A_2501 = vector.broadcast %squeeze3A_2486 : i32 to vector<16xi32>
      %lt3A_2502 = arith.cmpi slt, %get3A_144, %lt3A_2501 : vector<16xi32>
      %and3A_2503 = arith.andi %eq3A_2500, %lt3A_2502 : vector<16xi1>
      %or3A_2504 = arith.ori %gt3A_2498, %and3A_2503 : vector<16xi1>
      %all_reduce_population_count3A_2505 = tpu.all_reduce %or3A_2504 {dim = 0 : i64, kind = #tpu.reduction_kind<sum>} : vector<16xi1> -> vector<16xi32>
      %add3A_2506 = arith.addi %add3A_2496, %all_reduce_population_count3A_2505 : vector<16xi32>
      %gt3A_2507 = vector.broadcast %squeeze3A_2484 : i32 to vector<16xi32>
      %gt3A_2508 = arith.cmpi sgt, %get3A_138, %gt3A_2507 : vector<16xi32>
      %eq3A_2509 = vector.broadcast %squeeze3A_2484 : i32 to vector<16xi32>
      %eq3A_2510 = arith.cmpi eq, %get3A_138, %eq3A_2509 : vector<16xi32>
      %lt3A_2511 = vector.broadcast %squeeze3A_2486 : i32 to vector<16xi32>
      %lt3A_2512 = arith.cmpi slt, %get3A_146, %lt3A_2511 : vector<16xi32>
      %and3A_2513 = arith.andi %eq3A_2510, %lt3A_2512 : vector<16xi1>
      %or3A_2514 = arith.ori %gt3A_2508, %and3A_2513 : vector<16xi1>
      %all_reduce_population_count3A_2515 = tpu.all_reduce %or3A_2514 {dim = 0 : i64, kind = #tpu.reduction_kind<sum>} : vector<16xi1> -> vector<16xi32>
      %add3A_2516 = arith.addi %add3A_2506, %all_reduce_population_count3A_2515 : vector<16xi32>
      %gt3A_2517 = vector.broadcast %squeeze3A_2484 : i32 to vector<16xi32>
      %gt3A_2518 = arith.cmpi sgt, %get3A_140, %gt3A_2517 : vector<16xi32>
      %eq3A_2519 = vector.broadcast %squeeze3A_2484 : i32 to vector<16xi32>
      %eq3A_2520 = arith.cmpi eq, %get3A_140, %eq3A_2519 : vector<16xi32>
      %lt3A_2521 = vector.broadcast %squeeze3A_2486 : i32 to vector<16xi32>
      %lt3A_2522 = arith.cmpi slt, %get3A_148, %lt3A_2521 : vector<16xi32>
      %and3A_2523 = arith.andi %eq3A_2520, %lt3A_2522 : vector<16xi1>
      %or3A_2524 = arith.ori %gt3A_2518, %and3A_2523 : vector<16xi1>
      %all_reduce_population_count3A_2525 = tpu.all_reduce %or3A_2524 {dim = 0 : i64, kind = #tpu.reduction_kind<sum>} : vector<16xi1> -> vector<16xi32>
      %add3A_2526 = arith.addi %add3A_2516, %all_reduce_population_count3A_2525 : vector<16xi32>
      %reduce_max3A_2527 = arith.constant true
      %reduce_max3A_2528 = vector.broadcast %reduce_max3A_2527 : i1 to vector<16xi1>
      %reduce_max3A_2529 = arith.constant -2147483648 : i32
      %reduce_max3A_2530 = vector.broadcast %reduce_max3A_2529 : i32 to vector<16xi32>
      %reduce_max3A_2531 = arith.xori %add3A_2526, %reduce_max3A_2530 : vector<16xi32>
      %reduce_max3A_2532 = tpu.scan <max>, %reduce_max3A_2531 masked %reduce_max3A_2528 : vector<16xi32>, vector<16xi1> -> vector<16xi32>
      %reduce_max3A_2533 = arith.xori %reduce_max3A_2532, %reduce_max3A_2530 : vector<16xi32>
      %reduce_max3A_2534 = vector.extract %reduce_max3A_2533[15] : i32 from vector<16xi32>
      %add3A_2535 = vector.broadcast %reduce_max3A_2534 : i32 to vector<16xi32>
      %add3A_2536 = arith.addi %broadcast_in_dim3A_1, %add3A_2535 : vector<16xi32>
      %add3A_2537 = vector.broadcast %squeeze3A_2486 : i32 to vector<16xi32>
      %add3A_2538 = arith.addi %broadcast_in_dim3A_1, %add3A_2537 : vector<16xi32>
      tpu.vector_store_idx %arg10[%add3A_2536], %add3A_2538 masked %eq3A_5 : memref<64xi32, #tpu.memory_space<vmem>>[vector<16xi32>], vector<16xi32>, vector<16xi1>
      %slice3A_2539 = vector.extract_strided_slice %get3A_138 {offsets = [10], sizes = [1], strides = [1]} : vector<16xi32> to vector<1xi32>
      %squeeze3A_2540 = vector.extract %slice3A_2539[0] : i32 from vector<1xi32>
      %slice3A_2541 = vector.extract_strided_slice %get3A_146 {offsets = [10], sizes = [1], strides = [1]} : vector<16xi32> to vector<1xi32>
      %squeeze3A_2542 = vector.extract %slice3A_2541[0] : i32 from vector<1xi32>
      %gt3A_2543 = vector.broadcast %squeeze3A_2540 : i32 to vector<16xi32>
      %gt3A_2544 = arith.cmpi sgt, %get3A_134, %gt3A_2543 : vector<16xi32>
      %eq3A_2545 = vector.broadcast %squeeze3A_2540 : i32 to vector<16xi32>
      %eq3A_2546 = arith.cmpi eq, %get3A_134, %eq3A_2545 : vector<16xi32>
      %lt3A_2547 = vector.broadcast %squeeze3A_2542 : i32 to vector<16xi32>
      %lt3A_2548 = arith.cmpi slt, %get3A_142, %lt3A_2547 : vector<16xi32>
      %and3A_2549 = arith.andi %eq3A_2546, %lt3A_2548 : vector<16xi1>
      %or3A_2550 = arith.ori %gt3A_2544, %and3A_2549 : vector<16xi1>
      %all_reduce_population_count3A_2551 = tpu.all_reduce %or3A_2550 {dim = 0 : i64, kind = #tpu.reduction_kind<sum>} : vector<16xi1> -> vector<16xi32>
      %add3A_2552 = arith.addi %broadcast_in_dim3A_1, %all_reduce_population_count3A_2551 : vector<16xi32>
      %gt3A_2553 = vector.broadcast %squeeze3A_2540 : i32 to vector<16xi32>
      %gt3A_2554 = arith.cmpi sgt, %get3A_136, %gt3A_2553 : vector<16xi32>
      %eq3A_2555 = vector.broadcast %squeeze3A_2540 : i32 to vector<16xi32>
      %eq3A_2556 = arith.cmpi eq, %get3A_136, %eq3A_2555 : vector<16xi32>
      %lt3A_2557 = vector.broadcast %squeeze3A_2542 : i32 to vector<16xi32>
      %lt3A_2558 = arith.cmpi slt, %get3A_144, %lt3A_2557 : vector<16xi32>
      %and3A_2559 = arith.andi %eq3A_2556, %lt3A_2558 : vector<16xi1>
      %or3A_2560 = arith.ori %gt3A_2554, %and3A_2559 : vector<16xi1>
      %all_reduce_population_count3A_2561 = tpu.all_reduce %or3A_2560 {dim = 0 : i64, kind = #tpu.reduction_kind<sum>} : vector<16xi1> -> vector<16xi32>
      %add3A_2562 = arith.addi %add3A_2552, %all_reduce_population_count3A_2561 : vector<16xi32>
      %gt3A_2563 = vector.broadcast %squeeze3A_2540 : i32 to vector<16xi32>
      %gt3A_2564 = arith.cmpi sgt, %get3A_138, %gt3A_2563 : vector<16xi32>
      %eq3A_2565 = vector.broadcast %squeeze3A_2540 : i32 to vector<16xi32>
      %eq3A_2566 = arith.cmpi eq, %get3A_138, %eq3A_2565 : vector<16xi32>
      %lt3A_2567 = vector.broadcast %squeeze3A_2542 : i32 to vector<16xi32>
      %lt3A_2568 = arith.cmpi slt, %get3A_146, %lt3A_2567 : vector<16xi32>
      %and3A_2569 = arith.andi %eq3A_2566, %lt3A_2568 : vector<16xi1>
      %or3A_2570 = arith.ori %gt3A_2564, %and3A_2569 : vector<16xi1>
      %all_reduce_population_count3A_2571 = tpu.all_reduce %or3A_2570 {dim = 0 : i64, kind = #tpu.reduction_kind<sum>} : vector<16xi1> -> vector<16xi32>
      %add3A_2572 = arith.addi %add3A_2562, %all_reduce_population_count3A_2571 : vector<16xi32>
      %gt3A_2573 = vector.broadcast %squeeze3A_2540 : i32 to vector<16xi32>
      %gt3A_2574 = arith.cmpi sgt, %get3A_140, %gt3A_2573 : vector<16xi32>
      %eq3A_2575 = vector.broadcast %squeeze3A_2540 : i32 to vector<16xi32>
      %eq3A_2576 = arith.cmpi eq, %get3A_140, %eq3A_2575 : vector<16xi32>
      %lt3A_2577 = vector.broadcast %squeeze3A_2542 : i32 to vector<16xi32>
      %lt3A_2578 = arith.cmpi slt, %get3A_148, %lt3A_2577 : vector<16xi32>
      %and3A_2579 = arith.andi %eq3A_2576, %lt3A_2578 : vector<16xi1>
      %or3A_2580 = arith.ori %gt3A_2574, %and3A_2579 : vector<16xi1>
      %all_reduce_population_count3A_2581 = tpu.all_reduce %or3A_2580 {dim = 0 : i64, kind = #tpu.reduction_kind<sum>} : vector<16xi1> -> vector<16xi32>
      %add3A_2582 = arith.addi %add3A_2572, %all_reduce_population_count3A_2581 : vector<16xi32>
      %reduce_max3A_2583 = arith.constant true
      %reduce_max3A_2584 = vector.broadcast %reduce_max3A_2583 : i1 to vector<16xi1>
      %reduce_max3A_2585 = arith.constant -2147483648 : i32
      %reduce_max3A_2586 = vector.broadcast %reduce_max3A_2585 : i32 to vector<16xi32>
      %reduce_max3A_2587 = arith.xori %add3A_2582, %reduce_max3A_2586 : vector<16xi32>
      %reduce_max3A_2588 = tpu.scan <max>, %reduce_max3A_2587 masked %reduce_max3A_2584 : vector<16xi32>, vector<16xi1> -> vector<16xi32>
      %reduce_max3A_2589 = arith.xori %reduce_max3A_2588, %reduce_max3A_2586 : vector<16xi32>
      %reduce_max3A_2590 = vector.extract %reduce_max3A_2589[15] : i32 from vector<16xi32>
      %add3A_2591 = vector.broadcast %reduce_max3A_2590 : i32 to vector<16xi32>
      %add3A_2592 = arith.addi %broadcast_in_dim3A_1, %add3A_2591 : vector<16xi32>
      %add3A_2593 = vector.broadcast %squeeze3A_2542 : i32 to vector<16xi32>
      %add3A_2594 = arith.addi %broadcast_in_dim3A_1, %add3A_2593 : vector<16xi32>
      tpu.vector_store_idx %arg10[%add3A_2592], %add3A_2594 masked %eq3A_5 : memref<64xi32, #tpu.memory_space<vmem>>[vector<16xi32>], vector<16xi32>, vector<16xi1>
      %slice3A_2595 = vector.extract_strided_slice %get3A_138 {offsets = [11], sizes = [1], strides = [1]} : vector<16xi32> to vector<1xi32>
      %squeeze3A_2596 = vector.extract %slice3A_2595[0] : i32 from vector<1xi32>
      %slice3A_2597 = vector.extract_strided_slice %get3A_146 {offsets = [11], sizes = [1], strides = [1]} : vector<16xi32> to vector<1xi32>
      %squeeze3A_2598 = vector.extract %slice3A_2597[0] : i32 from vector<1xi32>
      %gt3A_2599 = vector.broadcast %squeeze3A_2596 : i32 to vector<16xi32>
      %gt3A_2600 = arith.cmpi sgt, %get3A_134, %gt3A_2599 : vector<16xi32>
      %eq3A_2601 = vector.broadcast %squeeze3A_2596 : i32 to vector<16xi32>
      %eq3A_2602 = arith.cmpi eq, %get3A_134, %eq3A_2601 : vector<16xi32>
      %lt3A_2603 = vector.broadcast %squeeze3A_2598 : i32 to vector<16xi32>
      %lt3A_2604 = arith.cmpi slt, %get3A_142, %lt3A_2603 : vector<16xi32>
      %and3A_2605 = arith.andi %eq3A_2602, %lt3A_2604 : vector<16xi1>
      %or3A_2606 = arith.ori %gt3A_2600, %and3A_2605 : vector<16xi1>
      %all_reduce_population_count3A_2607 = tpu.all_reduce %or3A_2606 {dim = 0 : i64, kind = #tpu.reduction_kind<sum>} : vector<16xi1> -> vector<16xi32>
      %add3A_2608 = arith.addi %broadcast_in_dim3A_1, %all_reduce_population_count3A_2607 : vector<16xi32>
      %gt3A_2609 = vector.broadcast %squeeze3A_2596 : i32 to vector<16xi32>
      %gt3A_2610 = arith.cmpi sgt, %get3A_136, %gt3A_2609 : vector<16xi32>
      %eq3A_2611 = vector.broadcast %squeeze3A_2596 : i32 to vector<16xi32>
      %eq3A_2612 = arith.cmpi eq, %get3A_136, %eq3A_2611 : vector<16xi32>
      %lt3A_2613 = vector.broadcast %squeeze3A_2598 : i32 to vector<16xi32>
      %lt3A_2614 = arith.cmpi slt, %get3A_144, %lt3A_2613 : vector<16xi32>
      %and3A_2615 = arith.andi %eq3A_2612, %lt3A_2614 : vector<16xi1>
      %or3A_2616 = arith.ori %gt3A_2610, %and3A_2615 : vector<16xi1>
      %all_reduce_population_count3A_2617 = tpu.all_reduce %or3A_2616 {dim = 0 : i64, kind = #tpu.reduction_kind<sum>} : vector<16xi1> -> vector<16xi32>
      %add3A_2618 = arith.addi %add3A_2608, %all_reduce_population_count3A_2617 : vector<16xi32>
      %gt3A_2619 = vector.broadcast %squeeze3A_2596 : i32 to vector<16xi32>
      %gt3A_2620 = arith.cmpi sgt, %get3A_138, %gt3A_2619 : vector<16xi32>
      %eq3A_2621 = vector.broadcast %squeeze3A_2596 : i32 to vector<16xi32>
      %eq3A_2622 = arith.cmpi eq, %get3A_138, %eq3A_2621 : vector<16xi32>
      %lt3A_2623 = vector.broadcast %squeeze3A_2598 : i32 to vector<16xi32>
      %lt3A_2624 = arith.cmpi slt, %get3A_146, %lt3A_2623 : vector<16xi32>
      %and3A_2625 = arith.andi %eq3A_2622, %lt3A_2624 : vector<16xi1>
      %or3A_2626 = arith.ori %gt3A_2620, %and3A_2625 : vector<16xi1>
      %all_reduce_population_count3A_2627 = tpu.all_reduce %or3A_2626 {dim = 0 : i64, kind = #tpu.reduction_kind<sum>} : vector<16xi1> -> vector<16xi32>
      %add3A_2628 = arith.addi %add3A_2618, %all_reduce_population_count3A_2627 : vector<16xi32>
      %gt3A_2629 = vector.broadcast %squeeze3A_2596 : i32 to vector<16xi32>
      %gt3A_2630 = arith.cmpi sgt, %get3A_140, %gt3A_2629 : vector<16xi32>
      %eq3A_2631 = vector.broadcast %squeeze3A_2596 : i32 to vector<16xi32>
      %eq3A_2632 = arith.cmpi eq, %get3A_140, %eq3A_2631 : vector<16xi32>
      %lt3A_2633 = vector.broadcast %squeeze3A_2598 : i32 to vector<16xi32>
      %lt3A_2634 = arith.cmpi slt, %get3A_148, %lt3A_2633 : vector<16xi32>
      %and3A_2635 = arith.andi %eq3A_2632, %lt3A_2634 : vector<16xi1>
      %or3A_2636 = arith.ori %gt3A_2630, %and3A_2635 : vector<16xi1>
      %all_reduce_population_count3A_2637 = tpu.all_reduce %or3A_2636 {dim = 0 : i64, kind = #tpu.reduction_kind<sum>} : vector<16xi1> -> vector<16xi32>
      %add3A_2638 = arith.addi %add3A_2628, %all_reduce_population_count3A_2637 : vector<16xi32>
      %reduce_max3A_2639 = arith.constant true
      %reduce_max3A_2640 = vector.broadcast %reduce_max3A_2639 : i1 to vector<16xi1>
      %reduce_max3A_2641 = arith.constant -2147483648 : i32
      %reduce_max3A_2642 = vector.broadcast %reduce_max3A_2641 : i32 to vector<16xi32>
      %reduce_max3A_2643 = arith.xori %add3A_2638, %reduce_max3A_2642 : vector<16xi32>
      %reduce_max3A_2644 = tpu.scan <max>, %reduce_max3A_2643 masked %reduce_max3A_2640 : vector<16xi32>, vector<16xi1> -> vector<16xi32>
      %reduce_max3A_2645 = arith.xori %reduce_max3A_2644, %reduce_max3A_2642 : vector<16xi32>
      %reduce_max3A_2646 = vector.extract %reduce_max3A_2645[15] : i32 from vector<16xi32>
      %add3A_2647 = vector.broadcast %reduce_max3A_2646 : i32 to vector<16xi32>
      %add3A_2648 = arith.addi %broadcast_in_dim3A_1, %add3A_2647 : vector<16xi32>
      %add3A_2649 = vector.broadcast %squeeze3A_2598 : i32 to vector<16xi32>
      %add3A_2650 = arith.addi %broadcast_in_dim3A_1, %add3A_2649 : vector<16xi32>
      tpu.vector_store_idx %arg10[%add3A_2648], %add3A_2650 masked %eq3A_5 : memref<64xi32, #tpu.memory_space<vmem>>[vector<16xi32>], vector<16xi32>, vector<16xi1>
      %slice3A_2651 = vector.extract_strided_slice %get3A_138 {offsets = [12], sizes = [1], strides = [1]} : vector<16xi32> to vector<1xi32>
      %squeeze3A_2652 = vector.extract %slice3A_2651[0] : i32 from vector<1xi32>
      %slice3A_2653 = vector.extract_strided_slice %get3A_146 {offsets = [12], sizes = [1], strides = [1]} : vector<16xi32> to vector<1xi32>
      %squeeze3A_2654 = vector.extract %slice3A_2653[0] : i32 from vector<1xi32>
      %gt3A_2655 = vector.broadcast %squeeze3A_2652 : i32 to vector<16xi32>
      %gt3A_2656 = arith.cmpi sgt, %get3A_134, %gt3A_2655 : vector<16xi32>
      %eq3A_2657 = vector.broadcast %squeeze3A_2652 : i32 to vector<16xi32>
      %eq3A_2658 = arith.cmpi eq, %get3A_134, %eq3A_2657 : vector<16xi32>
      %lt3A_2659 = vector.broadcast %squeeze3A_2654 : i32 to vector<16xi32>
      %lt3A_2660 = arith.cmpi slt, %get3A_142, %lt3A_2659 : vector<16xi32>
      %and3A_2661 = arith.andi %eq3A_2658, %lt3A_2660 : vector<16xi1>
      %or3A_2662 = arith.ori %gt3A_2656, %and3A_2661 : vector<16xi1>
      %all_reduce_population_count3A_2663 = tpu.all_reduce %or3A_2662 {dim = 0 : i64, kind = #tpu.reduction_kind<sum>} : vector<16xi1> -> vector<16xi32>
      %add3A_2664 = arith.addi %broadcast_in_dim3A_1, %all_reduce_population_count3A_2663 : vector<16xi32>
      %gt3A_2665 = vector.broadcast %squeeze3A_2652 : i32 to vector<16xi32>
      %gt3A_2666 = arith.cmpi sgt, %get3A_136, %gt3A_2665 : vector<16xi32>
      %eq3A_2667 = vector.broadcast %squeeze3A_2652 : i32 to vector<16xi32>
      %eq3A_2668 = arith.cmpi eq, %get3A_136, %eq3A_2667 : vector<16xi32>
      %lt3A_2669 = vector.broadcast %squeeze3A_2654 : i32 to vector<16xi32>
      %lt3A_2670 = arith.cmpi slt, %get3A_144, %lt3A_2669 : vector<16xi32>
      %and3A_2671 = arith.andi %eq3A_2668, %lt3A_2670 : vector<16xi1>
      %or3A_2672 = arith.ori %gt3A_2666, %and3A_2671 : vector<16xi1>
      %all_reduce_population_count3A_2673 = tpu.all_reduce %or3A_2672 {dim = 0 : i64, kind = #tpu.reduction_kind<sum>} : vector<16xi1> -> vector<16xi32>
      %add3A_2674 = arith.addi %add3A_2664, %all_reduce_population_count3A_2673 : vector<16xi32>
      %gt3A_2675 = vector.broadcast %squeeze3A_2652 : i32 to vector<16xi32>
      %gt3A_2676 = arith.cmpi sgt, %get3A_138, %gt3A_2675 : vector<16xi32>
      %eq3A_2677 = vector.broadcast %squeeze3A_2652 : i32 to vector<16xi32>
      %eq3A_2678 = arith.cmpi eq, %get3A_138, %eq3A_2677 : vector<16xi32>
      %lt3A_2679 = vector.broadcast %squeeze3A_2654 : i32 to vector<16xi32>
      %lt3A_2680 = arith.cmpi slt, %get3A_146, %lt3A_2679 : vector<16xi32>
      %and3A_2681 = arith.andi %eq3A_2678, %lt3A_2680 : vector<16xi1>
      %or3A_2682 = arith.ori %gt3A_2676, %and3A_2681 : vector<16xi1>
      %all_reduce_population_count3A_2683 = tpu.all_reduce %or3A_2682 {dim = 0 : i64, kind = #tpu.reduction_kind<sum>} : vector<16xi1> -> vector<16xi32>
      %add3A_2684 = arith.addi %add3A_2674, %all_reduce_population_count3A_2683 : vector<16xi32>
      %gt3A_2685 = vector.broadcast %squeeze3A_2652 : i32 to vector<16xi32>
      %gt3A_2686 = arith.cmpi sgt, %get3A_140, %gt3A_2685 : vector<16xi32>
      %eq3A_2687 = vector.broadcast %squeeze3A_2652 : i32 to vector<16xi32>
      %eq3A_2688 = arith.cmpi eq, %get3A_140, %eq3A_2687 : vector<16xi32>
      %lt3A_2689 = vector.broadcast %squeeze3A_2654 : i32 to vector<16xi32>
      %lt3A_2690 = arith.cmpi slt, %get3A_148, %lt3A_2689 : vector<16xi32>
      %and3A_2691 = arith.andi %eq3A_2688, %lt3A_2690 : vector<16xi1>
      %or3A_2692 = arith.ori %gt3A_2686, %and3A_2691 : vector<16xi1>
      %all_reduce_population_count3A_2693 = tpu.all_reduce %or3A_2692 {dim = 0 : i64, kind = #tpu.reduction_kind<sum>} : vector<16xi1> -> vector<16xi32>
      %add3A_2694 = arith.addi %add3A_2684, %all_reduce_population_count3A_2693 : vector<16xi32>
      %reduce_max3A_2695 = arith.constant true
      %reduce_max3A_2696 = vector.broadcast %reduce_max3A_2695 : i1 to vector<16xi1>
      %reduce_max3A_2697 = arith.constant -2147483648 : i32
      %reduce_max3A_2698 = vector.broadcast %reduce_max3A_2697 : i32 to vector<16xi32>
      %reduce_max3A_2699 = arith.xori %add3A_2694, %reduce_max3A_2698 : vector<16xi32>
      %reduce_max3A_2700 = tpu.scan <max>, %reduce_max3A_2699 masked %reduce_max3A_2696 : vector<16xi32>, vector<16xi1> -> vector<16xi32>
      %reduce_max3A_2701 = arith.xori %reduce_max3A_2700, %reduce_max3A_2698 : vector<16xi32>
      %reduce_max3A_2702 = vector.extract %reduce_max3A_2701[15] : i32 from vector<16xi32>
      %add3A_2703 = vector.broadcast %reduce_max3A_2702 : i32 to vector<16xi32>
      %add3A_2704 = arith.addi %broadcast_in_dim3A_1, %add3A_2703 : vector<16xi32>
      %add3A_2705 = vector.broadcast %squeeze3A_2654 : i32 to vector<16xi32>
      %add3A_2706 = arith.addi %broadcast_in_dim3A_1, %add3A_2705 : vector<16xi32>
      tpu.vector_store_idx %arg10[%add3A_2704], %add3A_2706 masked %eq3A_5 : memref<64xi32, #tpu.memory_space<vmem>>[vector<16xi32>], vector<16xi32>, vector<16xi1>
      %slice3A_2707 = vector.extract_strided_slice %get3A_138 {offsets = [13], sizes = [1], strides = [1]} : vector<16xi32> to vector<1xi32>
      %squeeze3A_2708 = vector.extract %slice3A_2707[0] : i32 from vector<1xi32>
      %slice3A_2709 = vector.extract_strided_slice %get3A_146 {offsets = [13], sizes = [1], strides = [1]} : vector<16xi32> to vector<1xi32>
      %squeeze3A_2710 = vector.extract %slice3A_2709[0] : i32 from vector<1xi32>
      %gt3A_2711 = vector.broadcast %squeeze3A_2708 : i32 to vector<16xi32>
      %gt3A_2712 = arith.cmpi sgt, %get3A_134, %gt3A_2711 : vector<16xi32>
      %eq3A_2713 = vector.broadcast %squeeze3A_2708 : i32 to vector<16xi32>
      %eq3A_2714 = arith.cmpi eq, %get3A_134, %eq3A_2713 : vector<16xi32>
      %lt3A_2715 = vector.broadcast %squeeze3A_2710 : i32 to vector<16xi32>
      %lt3A_2716 = arith.cmpi slt, %get3A_142, %lt3A_2715 : vector<16xi32>
      %and3A_2717 = arith.andi %eq3A_2714, %lt3A_2716 : vector<16xi1>
      %or3A_2718 = arith.ori %gt3A_2712, %and3A_2717 : vector<16xi1>
      %all_reduce_population_count3A_2719 = tpu.all_reduce %or3A_2718 {dim = 0 : i64, kind = #tpu.reduction_kind<sum>} : vector<16xi1> -> vector<16xi32>
      %add3A_2720 = arith.addi %broadcast_in_dim3A_1, %all_reduce_population_count3A_2719 : vector<16xi32>
      %gt3A_2721 = vector.broadcast %squeeze3A_2708 : i32 to vector<16xi32>
      %gt3A_2722 = arith.cmpi sgt, %get3A_136, %gt3A_2721 : vector<16xi32>
      %eq3A_2723 = vector.broadcast %squeeze3A_2708 : i32 to vector<16xi32>
      %eq3A_2724 = arith.cmpi eq, %get3A_136, %eq3A_2723 : vector<16xi32>
      %lt3A_2725 = vector.broadcast %squeeze3A_2710 : i32 to vector<16xi32>
      %lt3A_2726 = arith.cmpi slt, %get3A_144, %lt3A_2725 : vector<16xi32>
      %and3A_2727 = arith.andi %eq3A_2724, %lt3A_2726 : vector<16xi1>
      %or3A_2728 = arith.ori %gt3A_2722, %and3A_2727 : vector<16xi1>
      %all_reduce_population_count3A_2729 = tpu.all_reduce %or3A_2728 {dim = 0 : i64, kind = #tpu.reduction_kind<sum>} : vector<16xi1> -> vector<16xi32>
      %add3A_2730 = arith.addi %add3A_2720, %all_reduce_population_count3A_2729 : vector<16xi32>
      %gt3A_2731 = vector.broadcast %squeeze3A_2708 : i32 to vector<16xi32>
      %gt3A_2732 = arith.cmpi sgt, %get3A_138, %gt3A_2731 : vector<16xi32>
      %eq3A_2733 = vector.broadcast %squeeze3A_2708 : i32 to vector<16xi32>
      %eq3A_2734 = arith.cmpi eq, %get3A_138, %eq3A_2733 : vector<16xi32>
      %lt3A_2735 = vector.broadcast %squeeze3A_2710 : i32 to vector<16xi32>
      %lt3A_2736 = arith.cmpi slt, %get3A_146, %lt3A_2735 : vector<16xi32>
      %and3A_2737 = arith.andi %eq3A_2734, %lt3A_2736 : vector<16xi1>
      %or3A_2738 = arith.ori %gt3A_2732, %and3A_2737 : vector<16xi1>
      %all_reduce_population_count3A_2739 = tpu.all_reduce %or3A_2738 {dim = 0 : i64, kind = #tpu.reduction_kind<sum>} : vector<16xi1> -> vector<16xi32>
      %add3A_2740 = arith.addi %add3A_2730, %all_reduce_population_count3A_2739 : vector<16xi32>
      %gt3A_2741 = vector.broadcast %squeeze3A_2708 : i32 to vector<16xi32>
      %gt3A_2742 = arith.cmpi sgt, %get3A_140, %gt3A_2741 : vector<16xi32>
      %eq3A_2743 = vector.broadcast %squeeze3A_2708 : i32 to vector<16xi32>
      %eq3A_2744 = arith.cmpi eq, %get3A_140, %eq3A_2743 : vector<16xi32>
      %lt3A_2745 = vector.broadcast %squeeze3A_2710 : i32 to vector<16xi32>
      %lt3A_2746 = arith.cmpi slt, %get3A_148, %lt3A_2745 : vector<16xi32>
      %and3A_2747 = arith.andi %eq3A_2744, %lt3A_2746 : vector<16xi1>
      %or3A_2748 = arith.ori %gt3A_2742, %and3A_2747 : vector<16xi1>
      %all_reduce_population_count3A_2749 = tpu.all_reduce %or3A_2748 {dim = 0 : i64, kind = #tpu.reduction_kind<sum>} : vector<16xi1> -> vector<16xi32>
      %add3A_2750 = arith.addi %add3A_2740, %all_reduce_population_count3A_2749 : vector<16xi32>
      %reduce_max3A_2751 = arith.constant true
      %reduce_max3A_2752 = vector.broadcast %reduce_max3A_2751 : i1 to vector<16xi1>
      %reduce_max3A_2753 = arith.constant -2147483648 : i32
      %reduce_max3A_2754 = vector.broadcast %reduce_max3A_2753 : i32 to vector<16xi32>
      %reduce_max3A_2755 = arith.xori %add3A_2750, %reduce_max3A_2754 : vector<16xi32>
      %reduce_max3A_2756 = tpu.scan <max>, %reduce_max3A_2755 masked %reduce_max3A_2752 : vector<16xi32>, vector<16xi1> -> vector<16xi32>
      %reduce_max3A_2757 = arith.xori %reduce_max3A_2756, %reduce_max3A_2754 : vector<16xi32>
      %reduce_max3A_2758 = vector.extract %reduce_max3A_2757[15] : i32 from vector<16xi32>
      %add3A_2759 = vector.broadcast %reduce_max3A_2758 : i32 to vector<16xi32>
      %add3A_2760 = arith.addi %broadcast_in_dim3A_1, %add3A_2759 : vector<16xi32>
      %add3A_2761 = vector.broadcast %squeeze3A_2710 : i32 to vector<16xi32>
      %add3A_2762 = arith.addi %broadcast_in_dim3A_1, %add3A_2761 : vector<16xi32>
      tpu.vector_store_idx %arg10[%add3A_2760], %add3A_2762 masked %eq3A_5 : memref<64xi32, #tpu.memory_space<vmem>>[vector<16xi32>], vector<16xi32>, vector<16xi1>
      %slice3A_2763 = vector.extract_strided_slice %get3A_138 {offsets = [14], sizes = [1], strides = [1]} : vector<16xi32> to vector<1xi32>
      %squeeze3A_2764 = vector.extract %slice3A_2763[0] : i32 from vector<1xi32>
      %slice3A_2765 = vector.extract_strided_slice %get3A_146 {offsets = [14], sizes = [1], strides = [1]} : vector<16xi32> to vector<1xi32>
      %squeeze3A_2766 = vector.extract %slice3A_2765[0] : i32 from vector<1xi32>
      %gt3A_2767 = vector.broadcast %squeeze3A_2764 : i32 to vector<16xi32>
      %gt3A_2768 = arith.cmpi sgt, %get3A_134, %gt3A_2767 : vector<16xi32>
      %eq3A_2769 = vector.broadcast %squeeze3A_2764 : i32 to vector<16xi32>
      %eq3A_2770 = arith.cmpi eq, %get3A_134, %eq3A_2769 : vector<16xi32>
      %lt3A_2771 = vector.broadcast %squeeze3A_2766 : i32 to vector<16xi32>
      %lt3A_2772 = arith.cmpi slt, %get3A_142, %lt3A_2771 : vector<16xi32>
      %and3A_2773 = arith.andi %eq3A_2770, %lt3A_2772 : vector<16xi1>
      %or3A_2774 = arith.ori %gt3A_2768, %and3A_2773 : vector<16xi1>
      %all_reduce_population_count3A_2775 = tpu.all_reduce %or3A_2774 {dim = 0 : i64, kind = #tpu.reduction_kind<sum>} : vector<16xi1> -> vector<16xi32>
      %add3A_2776 = arith.addi %broadcast_in_dim3A_1, %all_reduce_population_count3A_2775 : vector<16xi32>
      %gt3A_2777 = vector.broadcast %squeeze3A_2764 : i32 to vector<16xi32>
      %gt3A_2778 = arith.cmpi sgt, %get3A_136, %gt3A_2777 : vector<16xi32>
      %eq3A_2779 = vector.broadcast %squeeze3A_2764 : i32 to vector<16xi32>
      %eq3A_2780 = arith.cmpi eq, %get3A_136, %eq3A_2779 : vector<16xi32>
      %lt3A_2781 = vector.broadcast %squeeze3A_2766 : i32 to vector<16xi32>
      %lt3A_2782 = arith.cmpi slt, %get3A_144, %lt3A_2781 : vector<16xi32>
      %and3A_2783 = arith.andi %eq3A_2780, %lt3A_2782 : vector<16xi1>
      %or3A_2784 = arith.ori %gt3A_2778, %and3A_2783 : vector<16xi1>
      %all_reduce_population_count3A_2785 = tpu.all_reduce %or3A_2784 {dim = 0 : i64, kind = #tpu.reduction_kind<sum>} : vector<16xi1> -> vector<16xi32>
      %add3A_2786 = arith.addi %add3A_2776, %all_reduce_population_count3A_2785 : vector<16xi32>
      %gt3A_2787 = vector.broadcast %squeeze3A_2764 : i32 to vector<16xi32>
      %gt3A_2788 = arith.cmpi sgt, %get3A_138, %gt3A_2787 : vector<16xi32>
      %eq3A_2789 = vector.broadcast %squeeze3A_2764 : i32 to vector<16xi32>
      %eq3A_2790 = arith.cmpi eq, %get3A_138, %eq3A_2789 : vector<16xi32>
      %lt3A_2791 = vector.broadcast %squeeze3A_2766 : i32 to vector<16xi32>
      %lt3A_2792 = arith.cmpi slt, %get3A_146, %lt3A_2791 : vector<16xi32>
      %and3A_2793 = arith.andi %eq3A_2790, %lt3A_2792 : vector<16xi1>
      %or3A_2794 = arith.ori %gt3A_2788, %and3A_2793 : vector<16xi1>
      %all_reduce_population_count3A_2795 = tpu.all_reduce %or3A_2794 {dim = 0 : i64, kind = #tpu.reduction_kind<sum>} : vector<16xi1> -> vector<16xi32>
      %add3A_2796 = arith.addi %add3A_2786, %all_reduce_population_count3A_2795 : vector<16xi32>
      %gt3A_2797 = vector.broadcast %squeeze3A_2764 : i32 to vector<16xi32>
      %gt3A_2798 = arith.cmpi sgt, %get3A_140, %gt3A_2797 : vector<16xi32>
      %eq3A_2799 = vector.broadcast %squeeze3A_2764 : i32 to vector<16xi32>
      %eq3A_2800 = arith.cmpi eq, %get3A_140, %eq3A_2799 : vector<16xi32>
      %lt3A_2801 = vector.broadcast %squeeze3A_2766 : i32 to vector<16xi32>
      %lt3A_2802 = arith.cmpi slt, %get3A_148, %lt3A_2801 : vector<16xi32>
      %and3A_2803 = arith.andi %eq3A_2800, %lt3A_2802 : vector<16xi1>
      %or3A_2804 = arith.ori %gt3A_2798, %and3A_2803 : vector<16xi1>
      %all_reduce_population_count3A_2805 = tpu.all_reduce %or3A_2804 {dim = 0 : i64, kind = #tpu.reduction_kind<sum>} : vector<16xi1> -> vector<16xi32>
      %add3A_2806 = arith.addi %add3A_2796, %all_reduce_population_count3A_2805 : vector<16xi32>
      %reduce_max3A_2807 = arith.constant true
      %reduce_max3A_2808 = vector.broadcast %reduce_max3A_2807 : i1 to vector<16xi1>
      %reduce_max3A_2809 = arith.constant -2147483648 : i32
      %reduce_max3A_2810 = vector.broadcast %reduce_max3A_2809 : i32 to vector<16xi32>
      %reduce_max3A_2811 = arith.xori %add3A_2806, %reduce_max3A_2810 : vector<16xi32>
      %reduce_max3A_2812 = tpu.scan <max>, %reduce_max3A_2811 masked %reduce_max3A_2808 : vector<16xi32>, vector<16xi1> -> vector<16xi32>
      %reduce_max3A_2813 = arith.xori %reduce_max3A_2812, %reduce_max3A_2810 : vector<16xi32>
      %reduce_max3A_2814 = vector.extract %reduce_max3A_2813[15] : i32 from vector<16xi32>
      %add3A_2815 = vector.broadcast %reduce_max3A_2814 : i32 to vector<16xi32>
      %add3A_2816 = arith.addi %broadcast_in_dim3A_1, %add3A_2815 : vector<16xi32>
      %add3A_2817 = vector.broadcast %squeeze3A_2766 : i32 to vector<16xi32>
      %add3A_2818 = arith.addi %broadcast_in_dim3A_1, %add3A_2817 : vector<16xi32>
      tpu.vector_store_idx %arg10[%add3A_2816], %add3A_2818 masked %eq3A_5 : memref<64xi32, #tpu.memory_space<vmem>>[vector<16xi32>], vector<16xi32>, vector<16xi1>
      %slice3A_2819 = vector.extract_strided_slice %get3A_138 {offsets = [15], sizes = [1], strides = [1]} : vector<16xi32> to vector<1xi32>
      %squeeze3A_2820 = vector.extract %slice3A_2819[0] : i32 from vector<1xi32>
      %slice3A_2821 = vector.extract_strided_slice %get3A_146 {offsets = [15], sizes = [1], strides = [1]} : vector<16xi32> to vector<1xi32>
      %squeeze3A_2822 = vector.extract %slice3A_2821[0] : i32 from vector<1xi32>
      %gt3A_2823 = vector.broadcast %squeeze3A_2820 : i32 to vector<16xi32>
      %gt3A_2824 = arith.cmpi sgt, %get3A_134, %gt3A_2823 : vector<16xi32>
      %eq3A_2825 = vector.broadcast %squeeze3A_2820 : i32 to vector<16xi32>
      %eq3A_2826 = arith.cmpi eq, %get3A_134, %eq3A_2825 : vector<16xi32>
      %lt3A_2827 = vector.broadcast %squeeze3A_2822 : i32 to vector<16xi32>
      %lt3A_2828 = arith.cmpi slt, %get3A_142, %lt3A_2827 : vector<16xi32>
      %and3A_2829 = arith.andi %eq3A_2826, %lt3A_2828 : vector<16xi1>
      %or3A_2830 = arith.ori %gt3A_2824, %and3A_2829 : vector<16xi1>
      %all_reduce_population_count3A_2831 = tpu.all_reduce %or3A_2830 {dim = 0 : i64, kind = #tpu.reduction_kind<sum>} : vector<16xi1> -> vector<16xi32>
      %add3A_2832 = arith.addi %broadcast_in_dim3A_1, %all_reduce_population_count3A_2831 : vector<16xi32>
      %gt3A_2833 = vector.broadcast %squeeze3A_2820 : i32 to vector<16xi32>
      %gt3A_2834 = arith.cmpi sgt, %get3A_136, %gt3A_2833 : vector<16xi32>
      %eq3A_2835 = vector.broadcast %squeeze3A_2820 : i32 to vector<16xi32>
      %eq3A_2836 = arith.cmpi eq, %get3A_136, %eq3A_2835 : vector<16xi32>
      %lt3A_2837 = vector.broadcast %squeeze3A_2822 : i32 to vector<16xi32>
      %lt3A_2838 = arith.cmpi slt, %get3A_144, %lt3A_2837 : vector<16xi32>
      %and3A_2839 = arith.andi %eq3A_2836, %lt3A_2838 : vector<16xi1>
      %or3A_2840 = arith.ori %gt3A_2834, %and3A_2839 : vector<16xi1>
      %all_reduce_population_count3A_2841 = tpu.all_reduce %or3A_2840 {dim = 0 : i64, kind = #tpu.reduction_kind<sum>} : vector<16xi1> -> vector<16xi32>
      %add3A_2842 = arith.addi %add3A_2832, %all_reduce_population_count3A_2841 : vector<16xi32>
      %gt3A_2843 = vector.broadcast %squeeze3A_2820 : i32 to vector<16xi32>
      %gt3A_2844 = arith.cmpi sgt, %get3A_138, %gt3A_2843 : vector<16xi32>
      %eq3A_2845 = vector.broadcast %squeeze3A_2820 : i32 to vector<16xi32>
      %eq3A_2846 = arith.cmpi eq, %get3A_138, %eq3A_2845 : vector<16xi32>
      %lt3A_2847 = vector.broadcast %squeeze3A_2822 : i32 to vector<16xi32>
      %lt3A_2848 = arith.cmpi slt, %get3A_146, %lt3A_2847 : vector<16xi32>
      %and3A_2849 = arith.andi %eq3A_2846, %lt3A_2848 : vector<16xi1>
      %or3A_2850 = arith.ori %gt3A_2844, %and3A_2849 : vector<16xi1>
      %all_reduce_population_count3A_2851 = tpu.all_reduce %or3A_2850 {dim = 0 : i64, kind = #tpu.reduction_kind<sum>} : vector<16xi1> -> vector<16xi32>
      %add3A_2852 = arith.addi %add3A_2842, %all_reduce_population_count3A_2851 : vector<16xi32>
      %gt3A_2853 = vector.broadcast %squeeze3A_2820 : i32 to vector<16xi32>
      %gt3A_2854 = arith.cmpi sgt, %get3A_140, %gt3A_2853 : vector<16xi32>
      %eq3A_2855 = vector.broadcast %squeeze3A_2820 : i32 to vector<16xi32>
      %eq3A_2856 = arith.cmpi eq, %get3A_140, %eq3A_2855 : vector<16xi32>
      %lt3A_2857 = vector.broadcast %squeeze3A_2822 : i32 to vector<16xi32>
      %lt3A_2858 = arith.cmpi slt, %get3A_148, %lt3A_2857 : vector<16xi32>
      %and3A_2859 = arith.andi %eq3A_2856, %lt3A_2858 : vector<16xi1>
      %or3A_2860 = arith.ori %gt3A_2854, %and3A_2859 : vector<16xi1>
      %all_reduce_population_count3A_2861 = tpu.all_reduce %or3A_2860 {dim = 0 : i64, kind = #tpu.reduction_kind<sum>} : vector<16xi1> -> vector<16xi32>
      %add3A_2862 = arith.addi %add3A_2852, %all_reduce_population_count3A_2861 : vector<16xi32>
      %reduce_max3A_2863 = arith.constant true
      %reduce_max3A_2864 = vector.broadcast %reduce_max3A_2863 : i1 to vector<16xi1>
      %reduce_max3A_2865 = arith.constant -2147483648 : i32
      %reduce_max3A_2866 = vector.broadcast %reduce_max3A_2865 : i32 to vector<16xi32>
      %reduce_max3A_2867 = arith.xori %add3A_2862, %reduce_max3A_2866 : vector<16xi32>
      %reduce_max3A_2868 = tpu.scan <max>, %reduce_max3A_2867 masked %reduce_max3A_2864 : vector<16xi32>, vector<16xi1> -> vector<16xi32>
      %reduce_max3A_2869 = arith.xori %reduce_max3A_2868, %reduce_max3A_2866 : vector<16xi32>
      %reduce_max3A_2870 = vector.extract %reduce_max3A_2869[15] : i32 from vector<16xi32>
      %add3A_2871 = vector.broadcast %reduce_max3A_2870 : i32 to vector<16xi32>
      %add3A_2872 = arith.addi %broadcast_in_dim3A_1, %add3A_2871 : vector<16xi32>
      %add3A_2873 = vector.broadcast %squeeze3A_2822 : i32 to vector<16xi32>
      %add3A_2874 = arith.addi %broadcast_in_dim3A_1, %add3A_2873 : vector<16xi32>
      tpu.vector_store_idx %arg10[%add3A_2872], %add3A_2874 masked %eq3A_5 : memref<64xi32, #tpu.memory_space<vmem>>[vector<16xi32>], vector<16xi32>, vector<16xi1>
      %slice3A_2875 = vector.extract_strided_slice %get3A_140 {offsets = [0], sizes = [1], strides = [1]} : vector<16xi32> to vector<1xi32>
      %squeeze3A_2876 = vector.extract %slice3A_2875[0] : i32 from vector<1xi32>
      %slice3A_2877 = vector.extract_strided_slice %get3A_148 {offsets = [0], sizes = [1], strides = [1]} : vector<16xi32> to vector<1xi32>
      %squeeze3A_2878 = vector.extract %slice3A_2877[0] : i32 from vector<1xi32>
      %gt3A_2879 = vector.broadcast %squeeze3A_2876 : i32 to vector<16xi32>
      %gt3A_2880 = arith.cmpi sgt, %get3A_134, %gt3A_2879 : vector<16xi32>
      %eq3A_2881 = vector.broadcast %squeeze3A_2876 : i32 to vector<16xi32>
      %eq3A_2882 = arith.cmpi eq, %get3A_134, %eq3A_2881 : vector<16xi32>
      %lt3A_2883 = vector.broadcast %squeeze3A_2878 : i32 to vector<16xi32>
      %lt3A_2884 = arith.cmpi slt, %get3A_142, %lt3A_2883 : vector<16xi32>
      %and3A_2885 = arith.andi %eq3A_2882, %lt3A_2884 : vector<16xi1>
      %or3A_2886 = arith.ori %gt3A_2880, %and3A_2885 : vector<16xi1>
      %all_reduce_population_count3A_2887 = tpu.all_reduce %or3A_2886 {dim = 0 : i64, kind = #tpu.reduction_kind<sum>} : vector<16xi1> -> vector<16xi32>
      %add3A_2888 = arith.addi %broadcast_in_dim3A_1, %all_reduce_population_count3A_2887 : vector<16xi32>
      %gt3A_2889 = vector.broadcast %squeeze3A_2876 : i32 to vector<16xi32>
      %gt3A_2890 = arith.cmpi sgt, %get3A_136, %gt3A_2889 : vector<16xi32>
      %eq3A_2891 = vector.broadcast %squeeze3A_2876 : i32 to vector<16xi32>
      %eq3A_2892 = arith.cmpi eq, %get3A_136, %eq3A_2891 : vector<16xi32>
      %lt3A_2893 = vector.broadcast %squeeze3A_2878 : i32 to vector<16xi32>
      %lt3A_2894 = arith.cmpi slt, %get3A_144, %lt3A_2893 : vector<16xi32>
      %and3A_2895 = arith.andi %eq3A_2892, %lt3A_2894 : vector<16xi1>
      %or3A_2896 = arith.ori %gt3A_2890, %and3A_2895 : vector<16xi1>
      %all_reduce_population_count3A_2897 = tpu.all_reduce %or3A_2896 {dim = 0 : i64, kind = #tpu.reduction_kind<sum>} : vector<16xi1> -> vector<16xi32>
      %add3A_2898 = arith.addi %add3A_2888, %all_reduce_population_count3A_2897 : vector<16xi32>
      %gt3A_2899 = vector.broadcast %squeeze3A_2876 : i32 to vector<16xi32>
      %gt3A_2900 = arith.cmpi sgt, %get3A_138, %gt3A_2899 : vector<16xi32>
      %eq3A_2901 = vector.broadcast %squeeze3A_2876 : i32 to vector<16xi32>
      %eq3A_2902 = arith.cmpi eq, %get3A_138, %eq3A_2901 : vector<16xi32>
      %lt3A_2903 = vector.broadcast %squeeze3A_2878 : i32 to vector<16xi32>
      %lt3A_2904 = arith.cmpi slt, %get3A_146, %lt3A_2903 : vector<16xi32>
      %and3A_2905 = arith.andi %eq3A_2902, %lt3A_2904 : vector<16xi1>
      %or3A_2906 = arith.ori %gt3A_2900, %and3A_2905 : vector<16xi1>
      %all_reduce_population_count3A_2907 = tpu.all_reduce %or3A_2906 {dim = 0 : i64, kind = #tpu.reduction_kind<sum>} : vector<16xi1> -> vector<16xi32>
      %add3A_2908 = arith.addi %add3A_2898, %all_reduce_population_count3A_2907 : vector<16xi32>
      %gt3A_2909 = vector.broadcast %squeeze3A_2876 : i32 to vector<16xi32>
      %gt3A_2910 = arith.cmpi sgt, %get3A_140, %gt3A_2909 : vector<16xi32>
      %eq3A_2911 = vector.broadcast %squeeze3A_2876 : i32 to vector<16xi32>
      %eq3A_2912 = arith.cmpi eq, %get3A_140, %eq3A_2911 : vector<16xi32>
      %lt3A_2913 = vector.broadcast %squeeze3A_2878 : i32 to vector<16xi32>
      %lt3A_2914 = arith.cmpi slt, %get3A_148, %lt3A_2913 : vector<16xi32>
      %and3A_2915 = arith.andi %eq3A_2912, %lt3A_2914 : vector<16xi1>
      %or3A_2916 = arith.ori %gt3A_2910, %and3A_2915 : vector<16xi1>
      %all_reduce_population_count3A_2917 = tpu.all_reduce %or3A_2916 {dim = 0 : i64, kind = #tpu.reduction_kind<sum>} : vector<16xi1> -> vector<16xi32>
      %add3A_2918 = arith.addi %add3A_2908, %all_reduce_population_count3A_2917 : vector<16xi32>
      %reduce_max3A_2919 = arith.constant true
      %reduce_max3A_2920 = vector.broadcast %reduce_max3A_2919 : i1 to vector<16xi1>
      %reduce_max3A_2921 = arith.constant -2147483648 : i32
      %reduce_max3A_2922 = vector.broadcast %reduce_max3A_2921 : i32 to vector<16xi32>
      %reduce_max3A_2923 = arith.xori %add3A_2918, %reduce_max3A_2922 : vector<16xi32>
      %reduce_max3A_2924 = tpu.scan <max>, %reduce_max3A_2923 masked %reduce_max3A_2920 : vector<16xi32>, vector<16xi1> -> vector<16xi32>
      %reduce_max3A_2925 = arith.xori %reduce_max3A_2924, %reduce_max3A_2922 : vector<16xi32>
      %reduce_max3A_2926 = vector.extract %reduce_max3A_2925[15] : i32 from vector<16xi32>
      %add3A_2927 = vector.broadcast %reduce_max3A_2926 : i32 to vector<16xi32>
      %add3A_2928 = arith.addi %broadcast_in_dim3A_1, %add3A_2927 : vector<16xi32>
      %add3A_2929 = vector.broadcast %squeeze3A_2878 : i32 to vector<16xi32>
      %add3A_2930 = arith.addi %broadcast_in_dim3A_1, %add3A_2929 : vector<16xi32>
      tpu.vector_store_idx %arg10[%add3A_2928], %add3A_2930 masked %eq3A_5 : memref<64xi32, #tpu.memory_space<vmem>>[vector<16xi32>], vector<16xi32>, vector<16xi1>
      %slice3A_2931 = vector.extract_strided_slice %get3A_140 {offsets = [1], sizes = [1], strides = [1]} : vector<16xi32> to vector<1xi32>
      %squeeze3A_2932 = vector.extract %slice3A_2931[0] : i32 from vector<1xi32>
      %slice3A_2933 = vector.extract_strided_slice %get3A_148 {offsets = [1], sizes = [1], strides = [1]} : vector<16xi32> to vector<1xi32>
      %squeeze3A_2934 = vector.extract %slice3A_2933[0] : i32 from vector<1xi32>
      %gt3A_2935 = vector.broadcast %squeeze3A_2932 : i32 to vector<16xi32>
      %gt3A_2936 = arith.cmpi sgt, %get3A_134, %gt3A_2935 : vector<16xi32>
      %eq3A_2937 = vector.broadcast %squeeze3A_2932 : i32 to vector<16xi32>
      %eq3A_2938 = arith.cmpi eq, %get3A_134, %eq3A_2937 : vector<16xi32>
      %lt3A_2939 = vector.broadcast %squeeze3A_2934 : i32 to vector<16xi32>
      %lt3A_2940 = arith.cmpi slt, %get3A_142, %lt3A_2939 : vector<16xi32>
      %and3A_2941 = arith.andi %eq3A_2938, %lt3A_2940 : vector<16xi1>
      %or3A_2942 = arith.ori %gt3A_2936, %and3A_2941 : vector<16xi1>
      %all_reduce_population_count3A_2943 = tpu.all_reduce %or3A_2942 {dim = 0 : i64, kind = #tpu.reduction_kind<sum>} : vector<16xi1> -> vector<16xi32>
      %add3A_2944 = arith.addi %broadcast_in_dim3A_1, %all_reduce_population_count3A_2943 : vector<16xi32>
      %gt3A_2945 = vector.broadcast %squeeze3A_2932 : i32 to vector<16xi32>
      %gt3A_2946 = arith.cmpi sgt, %get3A_136, %gt3A_2945 : vector<16xi32>
      %eq3A_2947 = vector.broadcast %squeeze3A_2932 : i32 to vector<16xi32>
      %eq3A_2948 = arith.cmpi eq, %get3A_136, %eq3A_2947 : vector<16xi32>
      %lt3A_2949 = vector.broadcast %squeeze3A_2934 : i32 to vector<16xi32>
      %lt3A_2950 = arith.cmpi slt, %get3A_144, %lt3A_2949 : vector<16xi32>
      %and3A_2951 = arith.andi %eq3A_2948, %lt3A_2950 : vector<16xi1>
      %or3A_2952 = arith.ori %gt3A_2946, %and3A_2951 : vector<16xi1>
      %all_reduce_population_count3A_2953 = tpu.all_reduce %or3A_2952 {dim = 0 : i64, kind = #tpu.reduction_kind<sum>} : vector<16xi1> -> vector<16xi32>
      %add3A_2954 = arith.addi %add3A_2944, %all_reduce_population_count3A_2953 : vector<16xi32>
      %gt3A_2955 = vector.broadcast %squeeze3A_2932 : i32 to vector<16xi32>
      %gt3A_2956 = arith.cmpi sgt, %get3A_138, %gt3A_2955 : vector<16xi32>
      %eq3A_2957 = vector.broadcast %squeeze3A_2932 : i32 to vector<16xi32>
      %eq3A_2958 = arith.cmpi eq, %get3A_138, %eq3A_2957 : vector<16xi32>
      %lt3A_2959 = vector.broadcast %squeeze3A_2934 : i32 to vector<16xi32>
      %lt3A_2960 = arith.cmpi slt, %get3A_146, %lt3A_2959 : vector<16xi32>
      %and3A_2961 = arith.andi %eq3A_2958, %lt3A_2960 : vector<16xi1>
      %or3A_2962 = arith.ori %gt3A_2956, %and3A_2961 : vector<16xi1>
      %all_reduce_population_count3A_2963 = tpu.all_reduce %or3A_2962 {dim = 0 : i64, kind = #tpu.reduction_kind<sum>} : vector<16xi1> -> vector<16xi32>
      %add3A_2964 = arith.addi %add3A_2954, %all_reduce_population_count3A_2963 : vector<16xi32>
      %gt3A_2965 = vector.broadcast %squeeze3A_2932 : i32 to vector<16xi32>
      %gt3A_2966 = arith.cmpi sgt, %get3A_140, %gt3A_2965 : vector<16xi32>
      %eq3A_2967 = vector.broadcast %squeeze3A_2932 : i32 to vector<16xi32>
      %eq3A_2968 = arith.cmpi eq, %get3A_140, %eq3A_2967 : vector<16xi32>
      %lt3A_2969 = vector.broadcast %squeeze3A_2934 : i32 to vector<16xi32>
      %lt3A_2970 = arith.cmpi slt, %get3A_148, %lt3A_2969 : vector<16xi32>
      %and3A_2971 = arith.andi %eq3A_2968, %lt3A_2970 : vector<16xi1>
      %or3A_2972 = arith.ori %gt3A_2966, %and3A_2971 : vector<16xi1>
      %all_reduce_population_count3A_2973 = tpu.all_reduce %or3A_2972 {dim = 0 : i64, kind = #tpu.reduction_kind<sum>} : vector<16xi1> -> vector<16xi32>
      %add3A_2974 = arith.addi %add3A_2964, %all_reduce_population_count3A_2973 : vector<16xi32>
      %reduce_max3A_2975 = arith.constant true
      %reduce_max3A_2976 = vector.broadcast %reduce_max3A_2975 : i1 to vector<16xi1>
      %reduce_max3A_2977 = arith.constant -2147483648 : i32
      %reduce_max3A_2978 = vector.broadcast %reduce_max3A_2977 : i32 to vector<16xi32>
      %reduce_max3A_2979 = arith.xori %add3A_2974, %reduce_max3A_2978 : vector<16xi32>
      %reduce_max3A_2980 = tpu.scan <max>, %reduce_max3A_2979 masked %reduce_max3A_2976 : vector<16xi32>, vector<16xi1> -> vector<16xi32>
      %reduce_max3A_2981 = arith.xori %reduce_max3A_2980, %reduce_max3A_2978 : vector<16xi32>
      %reduce_max3A_2982 = vector.extract %reduce_max3A_2981[15] : i32 from vector<16xi32>
      %add3A_2983 = vector.broadcast %reduce_max3A_2982 : i32 to vector<16xi32>
      %add3A_2984 = arith.addi %broadcast_in_dim3A_1, %add3A_2983 : vector<16xi32>
      %add3A_2985 = vector.broadcast %squeeze3A_2934 : i32 to vector<16xi32>
      %add3A_2986 = arith.addi %broadcast_in_dim3A_1, %add3A_2985 : vector<16xi32>
      tpu.vector_store_idx %arg10[%add3A_2984], %add3A_2986 masked %eq3A_5 : memref<64xi32, #tpu.memory_space<vmem>>[vector<16xi32>], vector<16xi32>, vector<16xi1>
      %slice3A_2987 = vector.extract_strided_slice %get3A_140 {offsets = [2], sizes = [1], strides = [1]} : vector<16xi32> to vector<1xi32>
      %squeeze3A_2988 = vector.extract %slice3A_2987[0] : i32 from vector<1xi32>
      %slice3A_2989 = vector.extract_strided_slice %get3A_148 {offsets = [2], sizes = [1], strides = [1]} : vector<16xi32> to vector<1xi32>
      %squeeze3A_2990 = vector.extract %slice3A_2989[0] : i32 from vector<1xi32>
      %gt3A_2991 = vector.broadcast %squeeze3A_2988 : i32 to vector<16xi32>
      %gt3A_2992 = arith.cmpi sgt, %get3A_134, %gt3A_2991 : vector<16xi32>
      %eq3A_2993 = vector.broadcast %squeeze3A_2988 : i32 to vector<16xi32>
      %eq3A_2994 = arith.cmpi eq, %get3A_134, %eq3A_2993 : vector<16xi32>
      %lt3A_2995 = vector.broadcast %squeeze3A_2990 : i32 to vector<16xi32>
      %lt3A_2996 = arith.cmpi slt, %get3A_142, %lt3A_2995 : vector<16xi32>
      %and3A_2997 = arith.andi %eq3A_2994, %lt3A_2996 : vector<16xi1>
      %or3A_2998 = arith.ori %gt3A_2992, %and3A_2997 : vector<16xi1>
      %all_reduce_population_count3A_2999 = tpu.all_reduce %or3A_2998 {dim = 0 : i64, kind = #tpu.reduction_kind<sum>} : vector<16xi1> -> vector<16xi32>
      %add3A_3000 = arith.addi %broadcast_in_dim3A_1, %all_reduce_population_count3A_2999 : vector<16xi32>
      %gt3A_3001 = vector.broadcast %squeeze3A_2988 : i32 to vector<16xi32>
      %gt3A_3002 = arith.cmpi sgt, %get3A_136, %gt3A_3001 : vector<16xi32>
      %eq3A_3003 = vector.broadcast %squeeze3A_2988 : i32 to vector<16xi32>
      %eq3A_3004 = arith.cmpi eq, %get3A_136, %eq3A_3003 : vector<16xi32>
      %lt3A_3005 = vector.broadcast %squeeze3A_2990 : i32 to vector<16xi32>
      %lt3A_3006 = arith.cmpi slt, %get3A_144, %lt3A_3005 : vector<16xi32>
      %and3A_3007 = arith.andi %eq3A_3004, %lt3A_3006 : vector<16xi1>
      %or3A_3008 = arith.ori %gt3A_3002, %and3A_3007 : vector<16xi1>
      %all_reduce_population_count3A_3009 = tpu.all_reduce %or3A_3008 {dim = 0 : i64, kind = #tpu.reduction_kind<sum>} : vector<16xi1> -> vector<16xi32>
      %add3A_3010 = arith.addi %add3A_3000, %all_reduce_population_count3A_3009 : vector<16xi32>
      %gt3A_3011 = vector.broadcast %squeeze3A_2988 : i32 to vector<16xi32>
      %gt3A_3012 = arith.cmpi sgt, %get3A_138, %gt3A_3011 : vector<16xi32>
      %eq3A_3013 = vector.broadcast %squeeze3A_2988 : i32 to vector<16xi32>
      %eq3A_3014 = arith.cmpi eq, %get3A_138, %eq3A_3013 : vector<16xi32>
      %lt3A_3015 = vector.broadcast %squeeze3A_2990 : i32 to vector<16xi32>
      %lt3A_3016 = arith.cmpi slt, %get3A_146, %lt3A_3015 : vector<16xi32>
      %and3A_3017 = arith.andi %eq3A_3014, %lt3A_3016 : vector<16xi1>
      %or3A_3018 = arith.ori %gt3A_3012, %and3A_3017 : vector<16xi1>
      %all_reduce_population_count3A_3019 = tpu.all_reduce %or3A_3018 {dim = 0 : i64, kind = #tpu.reduction_kind<sum>} : vector<16xi1> -> vector<16xi32>
      %add3A_3020 = arith.addi %add3A_3010, %all_reduce_population_count3A_3019 : vector<16xi32>
      %gt3A_3021 = vector.broadcast %squeeze3A_2988 : i32 to vector<16xi32>
      %gt3A_3022 = arith.cmpi sgt, %get3A_140, %gt3A_3021 : vector<16xi32>
      %eq3A_3023 = vector.broadcast %squeeze3A_2988 : i32 to vector<16xi32>
      %eq3A_3024 = arith.cmpi eq, %get3A_140, %eq3A_3023 : vector<16xi32>
      %lt3A_3025 = vector.broadcast %squeeze3A_2990 : i32 to vector<16xi32>
      %lt3A_3026 = arith.cmpi slt, %get3A_148, %lt3A_3025 : vector<16xi32>
      %and3A_3027 = arith.andi %eq3A_3024, %lt3A_3026 : vector<16xi1>
      %or3A_3028 = arith.ori %gt3A_3022, %and3A_3027 : vector<16xi1>
      %all_reduce_population_count3A_3029 = tpu.all_reduce %or3A_3028 {dim = 0 : i64, kind = #tpu.reduction_kind<sum>} : vector<16xi1> -> vector<16xi32>
      %add3A_3030 = arith.addi %add3A_3020, %all_reduce_population_count3A_3029 : vector<16xi32>
      %reduce_max3A_3031 = arith.constant true
      %reduce_max3A_3032 = vector.broadcast %reduce_max3A_3031 : i1 to vector<16xi1>
      %reduce_max3A_3033 = arith.constant -2147483648 : i32
      %reduce_max3A_3034 = vector.broadcast %reduce_max3A_3033 : i32 to vector<16xi32>
      %reduce_max3A_3035 = arith.xori %add3A_3030, %reduce_max3A_3034 : vector<16xi32>
      %reduce_max3A_3036 = tpu.scan <max>, %reduce_max3A_3035 masked %reduce_max3A_3032 : vector<16xi32>, vector<16xi1> -> vector<16xi32>
      %reduce_max3A_3037 = arith.xori %reduce_max3A_3036, %reduce_max3A_3034 : vector<16xi32>
      %reduce_max3A_3038 = vector.extract %reduce_max3A_3037[15] : i32 from vector<16xi32>
      %add3A_3039 = vector.broadcast %reduce_max3A_3038 : i32 to vector<16xi32>
      %add3A_3040 = arith.addi %broadcast_in_dim3A_1, %add3A_3039 : vector<16xi32>
      %add3A_3041 = vector.broadcast %squeeze3A_2990 : i32 to vector<16xi32>
      %add3A_3042 = arith.addi %broadcast_in_dim3A_1, %add3A_3041 : vector<16xi32>
      tpu.vector_store_idx %arg10[%add3A_3040], %add3A_3042 masked %eq3A_5 : memref<64xi32, #tpu.memory_space<vmem>>[vector<16xi32>], vector<16xi32>, vector<16xi1>
      %slice3A_3043 = vector.extract_strided_slice %get3A_140 {offsets = [3], sizes = [1], strides = [1]} : vector<16xi32> to vector<1xi32>
      %squeeze3A_3044 = vector.extract %slice3A_3043[0] : i32 from vector<1xi32>
      %slice3A_3045 = vector.extract_strided_slice %get3A_148 {offsets = [3], sizes = [1], strides = [1]} : vector<16xi32> to vector<1xi32>
      %squeeze3A_3046 = vector.extract %slice3A_3045[0] : i32 from vector<1xi32>
      %gt3A_3047 = vector.broadcast %squeeze3A_3044 : i32 to vector<16xi32>
      %gt3A_3048 = arith.cmpi sgt, %get3A_134, %gt3A_3047 : vector<16xi32>
      %eq3A_3049 = vector.broadcast %squeeze3A_3044 : i32 to vector<16xi32>
      %eq3A_3050 = arith.cmpi eq, %get3A_134, %eq3A_3049 : vector<16xi32>
      %lt3A_3051 = vector.broadcast %squeeze3A_3046 : i32 to vector<16xi32>
      %lt3A_3052 = arith.cmpi slt, %get3A_142, %lt3A_3051 : vector<16xi32>
      %and3A_3053 = arith.andi %eq3A_3050, %lt3A_3052 : vector<16xi1>
      %or3A_3054 = arith.ori %gt3A_3048, %and3A_3053 : vector<16xi1>
      %all_reduce_population_count3A_3055 = tpu.all_reduce %or3A_3054 {dim = 0 : i64, kind = #tpu.reduction_kind<sum>} : vector<16xi1> -> vector<16xi32>
      %add3A_3056 = arith.addi %broadcast_in_dim3A_1, %all_reduce_population_count3A_3055 : vector<16xi32>
      %gt3A_3057 = vector.broadcast %squeeze3A_3044 : i32 to vector<16xi32>
      %gt3A_3058 = arith.cmpi sgt, %get3A_136, %gt3A_3057 : vector<16xi32>
      %eq3A_3059 = vector.broadcast %squeeze3A_3044 : i32 to vector<16xi32>
      %eq3A_3060 = arith.cmpi eq, %get3A_136, %eq3A_3059 : vector<16xi32>
      %lt3A_3061 = vector.broadcast %squeeze3A_3046 : i32 to vector<16xi32>
      %lt3A_3062 = arith.cmpi slt, %get3A_144, %lt3A_3061 : vector<16xi32>
      %and3A_3063 = arith.andi %eq3A_3060, %lt3A_3062 : vector<16xi1>
      %or3A_3064 = arith.ori %gt3A_3058, %and3A_3063 : vector<16xi1>
      %all_reduce_population_count3A_3065 = tpu.all_reduce %or3A_3064 {dim = 0 : i64, kind = #tpu.reduction_kind<sum>} : vector<16xi1> -> vector<16xi32>
      %add3A_3066 = arith.addi %add3A_3056, %all_reduce_population_count3A_3065 : vector<16xi32>
      %gt3A_3067 = vector.broadcast %squeeze3A_3044 : i32 to vector<16xi32>
      %gt3A_3068 = arith.cmpi sgt, %get3A_138, %gt3A_3067 : vector<16xi32>
      %eq3A_3069 = vector.broadcast %squeeze3A_3044 : i32 to vector<16xi32>
      %eq3A_3070 = arith.cmpi eq, %get3A_138, %eq3A_3069 : vector<16xi32>
      %lt3A_3071 = vector.broadcast %squeeze3A_3046 : i32 to vector<16xi32>
      %lt3A_3072 = arith.cmpi slt, %get3A_146, %lt3A_3071 : vector<16xi32>
      %and3A_3073 = arith.andi %eq3A_3070, %lt3A_3072 : vector<16xi1>
      %or3A_3074 = arith.ori %gt3A_3068, %and3A_3073 : vector<16xi1>
      %all_reduce_population_count3A_3075 = tpu.all_reduce %or3A_3074 {dim = 0 : i64, kind = #tpu.reduction_kind<sum>} : vector<16xi1> -> vector<16xi32>
      %add3A_3076 = arith.addi %add3A_3066, %all_reduce_population_count3A_3075 : vector<16xi32>
      %gt3A_3077 = vector.broadcast %squeeze3A_3044 : i32 to vector<16xi32>
      %gt3A_3078 = arith.cmpi sgt, %get3A_140, %gt3A_3077 : vector<16xi32>
      %eq3A_3079 = vector.broadcast %squeeze3A_3044 : i32 to vector<16xi32>
      %eq3A_3080 = arith.cmpi eq, %get3A_140, %eq3A_3079 : vector<16xi32>
      %lt3A_3081 = vector.broadcast %squeeze3A_3046 : i32 to vector<16xi32>
      %lt3A_3082 = arith.cmpi slt, %get3A_148, %lt3A_3081 : vector<16xi32>
      %and3A_3083 = arith.andi %eq3A_3080, %lt3A_3082 : vector<16xi1>
      %or3A_3084 = arith.ori %gt3A_3078, %and3A_3083 : vector<16xi1>
      %all_reduce_population_count3A_3085 = tpu.all_reduce %or3A_3084 {dim = 0 : i64, kind = #tpu.reduction_kind<sum>} : vector<16xi1> -> vector<16xi32>
      %add3A_3086 = arith.addi %add3A_3076, %all_reduce_population_count3A_3085 : vector<16xi32>
      %reduce_max3A_3087 = arith.constant true
      %reduce_max3A_3088 = vector.broadcast %reduce_max3A_3087 : i1 to vector<16xi1>
      %reduce_max3A_3089 = arith.constant -2147483648 : i32
      %reduce_max3A_3090 = vector.broadcast %reduce_max3A_3089 : i32 to vector<16xi32>
      %reduce_max3A_3091 = arith.xori %add3A_3086, %reduce_max3A_3090 : vector<16xi32>
      %reduce_max3A_3092 = tpu.scan <max>, %reduce_max3A_3091 masked %reduce_max3A_3088 : vector<16xi32>, vector<16xi1> -> vector<16xi32>
      %reduce_max3A_3093 = arith.xori %reduce_max3A_3092, %reduce_max3A_3090 : vector<16xi32>
      %reduce_max3A_3094 = vector.extract %reduce_max3A_3093[15] : i32 from vector<16xi32>
      %add3A_3095 = vector.broadcast %reduce_max3A_3094 : i32 to vector<16xi32>
      %add3A_3096 = arith.addi %broadcast_in_dim3A_1, %add3A_3095 : vector<16xi32>
      %add3A_3097 = vector.broadcast %squeeze3A_3046 : i32 to vector<16xi32>
      %add3A_3098 = arith.addi %broadcast_in_dim3A_1, %add3A_3097 : vector<16xi32>
      tpu.vector_store_idx %arg10[%add3A_3096], %add3A_3098 masked %eq3A_5 : memref<64xi32, #tpu.memory_space<vmem>>[vector<16xi32>], vector<16xi32>, vector<16xi1>
      %slice3A_3099 = vector.extract_strided_slice %get3A_140 {offsets = [4], sizes = [1], strides = [1]} : vector<16xi32> to vector<1xi32>
      %squeeze3A_3100 = vector.extract %slice3A_3099[0] : i32 from vector<1xi32>
      %slice3A_3101 = vector.extract_strided_slice %get3A_148 {offsets = [4], sizes = [1], strides = [1]} : vector<16xi32> to vector<1xi32>
      %squeeze3A_3102 = vector.extract %slice3A_3101[0] : i32 from vector<1xi32>
      %gt3A_3103 = vector.broadcast %squeeze3A_3100 : i32 to vector<16xi32>
      %gt3A_3104 = arith.cmpi sgt, %get3A_134, %gt3A_3103 : vector<16xi32>
      %eq3A_3105 = vector.broadcast %squeeze3A_3100 : i32 to vector<16xi32>
      %eq3A_3106 = arith.cmpi eq, %get3A_134, %eq3A_3105 : vector<16xi32>
      %lt3A_3107 = vector.broadcast %squeeze3A_3102 : i32 to vector<16xi32>
      %lt3A_3108 = arith.cmpi slt, %get3A_142, %lt3A_3107 : vector<16xi32>
      %and3A_3109 = arith.andi %eq3A_3106, %lt3A_3108 : vector<16xi1>
      %or3A_3110 = arith.ori %gt3A_3104, %and3A_3109 : vector<16xi1>
      %all_reduce_population_count3A_3111 = tpu.all_reduce %or3A_3110 {dim = 0 : i64, kind = #tpu.reduction_kind<sum>} : vector<16xi1> -> vector<16xi32>
      %add3A_3112 = arith.addi %broadcast_in_dim3A_1, %all_reduce_population_count3A_3111 : vector<16xi32>
      %gt3A_3113 = vector.broadcast %squeeze3A_3100 : i32 to vector<16xi32>
      %gt3A_3114 = arith.cmpi sgt, %get3A_136, %gt3A_3113 : vector<16xi32>
      %eq3A_3115 = vector.broadcast %squeeze3A_3100 : i32 to vector<16xi32>
      %eq3A_3116 = arith.cmpi eq, %get3A_136, %eq3A_3115 : vector<16xi32>
      %lt3A_3117 = vector.broadcast %squeeze3A_3102 : i32 to vector<16xi32>
      %lt3A_3118 = arith.cmpi slt, %get3A_144, %lt3A_3117 : vector<16xi32>
      %and3A_3119 = arith.andi %eq3A_3116, %lt3A_3118 : vector<16xi1>
      %or3A_3120 = arith.ori %gt3A_3114, %and3A_3119 : vector<16xi1>
      %all_reduce_population_count3A_3121 = tpu.all_reduce %or3A_3120 {dim = 0 : i64, kind = #tpu.reduction_kind<sum>} : vector<16xi1> -> vector<16xi32>
      %add3A_3122 = arith.addi %add3A_3112, %all_reduce_population_count3A_3121 : vector<16xi32>
      %gt3A_3123 = vector.broadcast %squeeze3A_3100 : i32 to vector<16xi32>
      %gt3A_3124 = arith.cmpi sgt, %get3A_138, %gt3A_3123 : vector<16xi32>
      %eq3A_3125 = vector.broadcast %squeeze3A_3100 : i32 to vector<16xi32>
      %eq3A_3126 = arith.cmpi eq, %get3A_138, %eq3A_3125 : vector<16xi32>
      %lt3A_3127 = vector.broadcast %squeeze3A_3102 : i32 to vector<16xi32>
      %lt3A_3128 = arith.cmpi slt, %get3A_146, %lt3A_3127 : vector<16xi32>
      %and3A_3129 = arith.andi %eq3A_3126, %lt3A_3128 : vector<16xi1>
      %or3A_3130 = arith.ori %gt3A_3124, %and3A_3129 : vector<16xi1>
      %all_reduce_population_count3A_3131 = tpu.all_reduce %or3A_3130 {dim = 0 : i64, kind = #tpu.reduction_kind<sum>} : vector<16xi1> -> vector<16xi32>
      %add3A_3132 = arith.addi %add3A_3122, %all_reduce_population_count3A_3131 : vector<16xi32>
      %gt3A_3133 = vector.broadcast %squeeze3A_3100 : i32 to vector<16xi32>
      %gt3A_3134 = arith.cmpi sgt, %get3A_140, %gt3A_3133 : vector<16xi32>
      %eq3A_3135 = vector.broadcast %squeeze3A_3100 : i32 to vector<16xi32>
      %eq3A_3136 = arith.cmpi eq, %get3A_140, %eq3A_3135 : vector<16xi32>
      %lt3A_3137 = vector.broadcast %squeeze3A_3102 : i32 to vector<16xi32>
      %lt3A_3138 = arith.cmpi slt, %get3A_148, %lt3A_3137 : vector<16xi32>
      %and3A_3139 = arith.andi %eq3A_3136, %lt3A_3138 : vector<16xi1>
      %or3A_3140 = arith.ori %gt3A_3134, %and3A_3139 : vector<16xi1>
      %all_reduce_population_count3A_3141 = tpu.all_reduce %or3A_3140 {dim = 0 : i64, kind = #tpu.reduction_kind<sum>} : vector<16xi1> -> vector<16xi32>
      %add3A_3142 = arith.addi %add3A_3132, %all_reduce_population_count3A_3141 : vector<16xi32>
      %reduce_max3A_3143 = arith.constant true
      %reduce_max3A_3144 = vector.broadcast %reduce_max3A_3143 : i1 to vector<16xi1>
      %reduce_max3A_3145 = arith.constant -2147483648 : i32
      %reduce_max3A_3146 = vector.broadcast %reduce_max3A_3145 : i32 to vector<16xi32>
      %reduce_max3A_3147 = arith.xori %add3A_3142, %reduce_max3A_3146 : vector<16xi32>
      %reduce_max3A_3148 = tpu.scan <max>, %reduce_max3A_3147 masked %reduce_max3A_3144 : vector<16xi32>, vector<16xi1> -> vector<16xi32>
      %reduce_max3A_3149 = arith.xori %reduce_max3A_3148, %reduce_max3A_3146 : vector<16xi32>
      %reduce_max3A_3150 = vector.extract %reduce_max3A_3149[15] : i32 from vector<16xi32>
      %add3A_3151 = vector.broadcast %reduce_max3A_3150 : i32 to vector<16xi32>
      %add3A_3152 = arith.addi %broadcast_in_dim3A_1, %add3A_3151 : vector<16xi32>
      %add3A_3153 = vector.broadcast %squeeze3A_3102 : i32 to vector<16xi32>
      %add3A_3154 = arith.addi %broadcast_in_dim3A_1, %add3A_3153 : vector<16xi32>
      tpu.vector_store_idx %arg10[%add3A_3152], %add3A_3154 masked %eq3A_5 : memref<64xi32, #tpu.memory_space<vmem>>[vector<16xi32>], vector<16xi32>, vector<16xi1>
      %slice3A_3155 = vector.extract_strided_slice %get3A_140 {offsets = [5], sizes = [1], strides = [1]} : vector<16xi32> to vector<1xi32>
      %squeeze3A_3156 = vector.extract %slice3A_3155[0] : i32 from vector<1xi32>
      %slice3A_3157 = vector.extract_strided_slice %get3A_148 {offsets = [5], sizes = [1], strides = [1]} : vector<16xi32> to vector<1xi32>
      %squeeze3A_3158 = vector.extract %slice3A_3157[0] : i32 from vector<1xi32>
      %gt3A_3159 = vector.broadcast %squeeze3A_3156 : i32 to vector<16xi32>
      %gt3A_3160 = arith.cmpi sgt, %get3A_134, %gt3A_3159 : vector<16xi32>
      %eq3A_3161 = vector.broadcast %squeeze3A_3156 : i32 to vector<16xi32>
      %eq3A_3162 = arith.cmpi eq, %get3A_134, %eq3A_3161 : vector<16xi32>
      %lt3A_3163 = vector.broadcast %squeeze3A_3158 : i32 to vector<16xi32>
      %lt3A_3164 = arith.cmpi slt, %get3A_142, %lt3A_3163 : vector<16xi32>
      %and3A_3165 = arith.andi %eq3A_3162, %lt3A_3164 : vector<16xi1>
      %or3A_3166 = arith.ori %gt3A_3160, %and3A_3165 : vector<16xi1>
      %all_reduce_population_count3A_3167 = tpu.all_reduce %or3A_3166 {dim = 0 : i64, kind = #tpu.reduction_kind<sum>} : vector<16xi1> -> vector<16xi32>
      %add3A_3168 = arith.addi %broadcast_in_dim3A_1, %all_reduce_population_count3A_3167 : vector<16xi32>
      %gt3A_3169 = vector.broadcast %squeeze3A_3156 : i32 to vector<16xi32>
      %gt3A_3170 = arith.cmpi sgt, %get3A_136, %gt3A_3169 : vector<16xi32>
      %eq3A_3171 = vector.broadcast %squeeze3A_3156 : i32 to vector<16xi32>
      %eq3A_3172 = arith.cmpi eq, %get3A_136, %eq3A_3171 : vector<16xi32>
      %lt3A_3173 = vector.broadcast %squeeze3A_3158 : i32 to vector<16xi32>
      %lt3A_3174 = arith.cmpi slt, %get3A_144, %lt3A_3173 : vector<16xi32>
      %and3A_3175 = arith.andi %eq3A_3172, %lt3A_3174 : vector<16xi1>
      %or3A_3176 = arith.ori %gt3A_3170, %and3A_3175 : vector<16xi1>
      %all_reduce_population_count3A_3177 = tpu.all_reduce %or3A_3176 {dim = 0 : i64, kind = #tpu.reduction_kind<sum>} : vector<16xi1> -> vector<16xi32>
      %add3A_3178 = arith.addi %add3A_3168, %all_reduce_population_count3A_3177 : vector<16xi32>
      %gt3A_3179 = vector.broadcast %squeeze3A_3156 : i32 to vector<16xi32>
      %gt3A_3180 = arith.cmpi sgt, %get3A_138, %gt3A_3179 : vector<16xi32>
      %eq3A_3181 = vector.broadcast %squeeze3A_3156 : i32 to vector<16xi32>
      %eq3A_3182 = arith.cmpi eq, %get3A_138, %eq3A_3181 : vector<16xi32>
      %lt3A_3183 = vector.broadcast %squeeze3A_3158 : i32 to vector<16xi32>
      %lt3A_3184 = arith.cmpi slt, %get3A_146, %lt3A_3183 : vector<16xi32>
      %and3A_3185 = arith.andi %eq3A_3182, %lt3A_3184 : vector<16xi1>
      %or3A_3186 = arith.ori %gt3A_3180, %and3A_3185 : vector<16xi1>
      %all_reduce_population_count3A_3187 = tpu.all_reduce %or3A_3186 {dim = 0 : i64, kind = #tpu.reduction_kind<sum>} : vector<16xi1> -> vector<16xi32>
      %add3A_3188 = arith.addi %add3A_3178, %all_reduce_population_count3A_3187 : vector<16xi32>
      %gt3A_3189 = vector.broadcast %squeeze3A_3156 : i32 to vector<16xi32>
      %gt3A_3190 = arith.cmpi sgt, %get3A_140, %gt3A_3189 : vector<16xi32>
      %eq3A_3191 = vector.broadcast %squeeze3A_3156 : i32 to vector<16xi32>
      %eq3A_3192 = arith.cmpi eq, %get3A_140, %eq3A_3191 : vector<16xi32>
      %lt3A_3193 = vector.broadcast %squeeze3A_3158 : i32 to vector<16xi32>
      %lt3A_3194 = arith.cmpi slt, %get3A_148, %lt3A_3193 : vector<16xi32>
      %and3A_3195 = arith.andi %eq3A_3192, %lt3A_3194 : vector<16xi1>
      %or3A_3196 = arith.ori %gt3A_3190, %and3A_3195 : vector<16xi1>
      %all_reduce_population_count3A_3197 = tpu.all_reduce %or3A_3196 {dim = 0 : i64, kind = #tpu.reduction_kind<sum>} : vector<16xi1> -> vector<16xi32>
      %add3A_3198 = arith.addi %add3A_3188, %all_reduce_population_count3A_3197 : vector<16xi32>
      %reduce_max3A_3199 = arith.constant true
      %reduce_max3A_3200 = vector.broadcast %reduce_max3A_3199 : i1 to vector<16xi1>
      %reduce_max3A_3201 = arith.constant -2147483648 : i32
      %reduce_max3A_3202 = vector.broadcast %reduce_max3A_3201 : i32 to vector<16xi32>
      %reduce_max3A_3203 = arith.xori %add3A_3198, %reduce_max3A_3202 : vector<16xi32>
      %reduce_max3A_3204 = tpu.scan <max>, %reduce_max3A_3203 masked %reduce_max3A_3200 : vector<16xi32>, vector<16xi1> -> vector<16xi32>
      %reduce_max3A_3205 = arith.xori %reduce_max3A_3204, %reduce_max3A_3202 : vector<16xi32>
      %reduce_max3A_3206 = vector.extract %reduce_max3A_3205[15] : i32 from vector<16xi32>
      %add3A_3207 = vector.broadcast %reduce_max3A_3206 : i32 to vector<16xi32>
      %add3A_3208 = arith.addi %broadcast_in_dim3A_1, %add3A_3207 : vector<16xi32>
      %add3A_3209 = vector.broadcast %squeeze3A_3158 : i32 to vector<16xi32>
      %add3A_3210 = arith.addi %broadcast_in_dim3A_1, %add3A_3209 : vector<16xi32>
      tpu.vector_store_idx %arg10[%add3A_3208], %add3A_3210 masked %eq3A_5 : memref<64xi32, #tpu.memory_space<vmem>>[vector<16xi32>], vector<16xi32>, vector<16xi1>
      %slice3A_3211 = vector.extract_strided_slice %get3A_140 {offsets = [6], sizes = [1], strides = [1]} : vector<16xi32> to vector<1xi32>
      %squeeze3A_3212 = vector.extract %slice3A_3211[0] : i32 from vector<1xi32>
      %slice3A_3213 = vector.extract_strided_slice %get3A_148 {offsets = [6], sizes = [1], strides = [1]} : vector<16xi32> to vector<1xi32>
      %squeeze3A_3214 = vector.extract %slice3A_3213[0] : i32 from vector<1xi32>
      %gt3A_3215 = vector.broadcast %squeeze3A_3212 : i32 to vector<16xi32>
      %gt3A_3216 = arith.cmpi sgt, %get3A_134, %gt3A_3215 : vector<16xi32>
      %eq3A_3217 = vector.broadcast %squeeze3A_3212 : i32 to vector<16xi32>
      %eq3A_3218 = arith.cmpi eq, %get3A_134, %eq3A_3217 : vector<16xi32>
      %lt3A_3219 = vector.broadcast %squeeze3A_3214 : i32 to vector<16xi32>
      %lt3A_3220 = arith.cmpi slt, %get3A_142, %lt3A_3219 : vector<16xi32>
      %and3A_3221 = arith.andi %eq3A_3218, %lt3A_3220 : vector<16xi1>
      %or3A_3222 = arith.ori %gt3A_3216, %and3A_3221 : vector<16xi1>
      %all_reduce_population_count3A_3223 = tpu.all_reduce %or3A_3222 {dim = 0 : i64, kind = #tpu.reduction_kind<sum>} : vector<16xi1> -> vector<16xi32>
      %add3A_3224 = arith.addi %broadcast_in_dim3A_1, %all_reduce_population_count3A_3223 : vector<16xi32>
      %gt3A_3225 = vector.broadcast %squeeze3A_3212 : i32 to vector<16xi32>
      %gt3A_3226 = arith.cmpi sgt, %get3A_136, %gt3A_3225 : vector<16xi32>
      %eq3A_3227 = vector.broadcast %squeeze3A_3212 : i32 to vector<16xi32>
      %eq3A_3228 = arith.cmpi eq, %get3A_136, %eq3A_3227 : vector<16xi32>
      %lt3A_3229 = vector.broadcast %squeeze3A_3214 : i32 to vector<16xi32>
      %lt3A_3230 = arith.cmpi slt, %get3A_144, %lt3A_3229 : vector<16xi32>
      %and3A_3231 = arith.andi %eq3A_3228, %lt3A_3230 : vector<16xi1>
      %or3A_3232 = arith.ori %gt3A_3226, %and3A_3231 : vector<16xi1>
      %all_reduce_population_count3A_3233 = tpu.all_reduce %or3A_3232 {dim = 0 : i64, kind = #tpu.reduction_kind<sum>} : vector<16xi1> -> vector<16xi32>
      %add3A_3234 = arith.addi %add3A_3224, %all_reduce_population_count3A_3233 : vector<16xi32>
      %gt3A_3235 = vector.broadcast %squeeze3A_3212 : i32 to vector<16xi32>
      %gt3A_3236 = arith.cmpi sgt, %get3A_138, %gt3A_3235 : vector<16xi32>
      %eq3A_3237 = vector.broadcast %squeeze3A_3212 : i32 to vector<16xi32>
      %eq3A_3238 = arith.cmpi eq, %get3A_138, %eq3A_3237 : vector<16xi32>
      %lt3A_3239 = vector.broadcast %squeeze3A_3214 : i32 to vector<16xi32>
      %lt3A_3240 = arith.cmpi slt, %get3A_146, %lt3A_3239 : vector<16xi32>
      %and3A_3241 = arith.andi %eq3A_3238, %lt3A_3240 : vector<16xi1>
      %or3A_3242 = arith.ori %gt3A_3236, %and3A_3241 : vector<16xi1>
      %all_reduce_population_count3A_3243 = tpu.all_reduce %or3A_3242 {dim = 0 : i64, kind = #tpu.reduction_kind<sum>} : vector<16xi1> -> vector<16xi32>
      %add3A_3244 = arith.addi %add3A_3234, %all_reduce_population_count3A_3243 : vector<16xi32>
      %gt3A_3245 = vector.broadcast %squeeze3A_3212 : i32 to vector<16xi32>
      %gt3A_3246 = arith.cmpi sgt, %get3A_140, %gt3A_3245 : vector<16xi32>
      %eq3A_3247 = vector.broadcast %squeeze3A_3212 : i32 to vector<16xi32>
      %eq3A_3248 = arith.cmpi eq, %get3A_140, %eq3A_3247 : vector<16xi32>
      %lt3A_3249 = vector.broadcast %squeeze3A_3214 : i32 to vector<16xi32>
      %lt3A_3250 = arith.cmpi slt, %get3A_148, %lt3A_3249 : vector<16xi32>
      %and3A_3251 = arith.andi %eq3A_3248, %lt3A_3250 : vector<16xi1>
      %or3A_3252 = arith.ori %gt3A_3246, %and3A_3251 : vector<16xi1>
      %all_reduce_population_count3A_3253 = tpu.all_reduce %or3A_3252 {dim = 0 : i64, kind = #tpu.reduction_kind<sum>} : vector<16xi1> -> vector<16xi32>
      %add3A_3254 = arith.addi %add3A_3244, %all_reduce_population_count3A_3253 : vector<16xi32>
      %reduce_max3A_3255 = arith.constant true
      %reduce_max3A_3256 = vector.broadcast %reduce_max3A_3255 : i1 to vector<16xi1>
      %reduce_max3A_3257 = arith.constant -2147483648 : i32
      %reduce_max3A_3258 = vector.broadcast %reduce_max3A_3257 : i32 to vector<16xi32>
      %reduce_max3A_3259 = arith.xori %add3A_3254, %reduce_max3A_3258 : vector<16xi32>
      %reduce_max3A_3260 = tpu.scan <max>, %reduce_max3A_3259 masked %reduce_max3A_3256 : vector<16xi32>, vector<16xi1> -> vector<16xi32>
      %reduce_max3A_3261 = arith.xori %reduce_max3A_3260, %reduce_max3A_3258 : vector<16xi32>
      %reduce_max3A_3262 = vector.extract %reduce_max3A_3261[15] : i32 from vector<16xi32>
      %add3A_3263 = vector.broadcast %reduce_max3A_3262 : i32 to vector<16xi32>
      %add3A_3264 = arith.addi %broadcast_in_dim3A_1, %add3A_3263 : vector<16xi32>
      %add3A_3265 = vector.broadcast %squeeze3A_3214 : i32 to vector<16xi32>
      %add3A_3266 = arith.addi %broadcast_in_dim3A_1, %add3A_3265 : vector<16xi32>
      tpu.vector_store_idx %arg10[%add3A_3264], %add3A_3266 masked %eq3A_5 : memref<64xi32, #tpu.memory_space<vmem>>[vector<16xi32>], vector<16xi32>, vector<16xi1>
      %slice3A_3267 = vector.extract_strided_slice %get3A_140 {offsets = [7], sizes = [1], strides = [1]} : vector<16xi32> to vector<1xi32>
      %squeeze3A_3268 = vector.extract %slice3A_3267[0] : i32 from vector<1xi32>
      %slice3A_3269 = vector.extract_strided_slice %get3A_148 {offsets = [7], sizes = [1], strides = [1]} : vector<16xi32> to vector<1xi32>
      %squeeze3A_3270 = vector.extract %slice3A_3269[0] : i32 from vector<1xi32>
      %gt3A_3271 = vector.broadcast %squeeze3A_3268 : i32 to vector<16xi32>
      %gt3A_3272 = arith.cmpi sgt, %get3A_134, %gt3A_3271 : vector<16xi32>
      %eq3A_3273 = vector.broadcast %squeeze3A_3268 : i32 to vector<16xi32>
      %eq3A_3274 = arith.cmpi eq, %get3A_134, %eq3A_3273 : vector<16xi32>
      %lt3A_3275 = vector.broadcast %squeeze3A_3270 : i32 to vector<16xi32>
      %lt3A_3276 = arith.cmpi slt, %get3A_142, %lt3A_3275 : vector<16xi32>
      %and3A_3277 = arith.andi %eq3A_3274, %lt3A_3276 : vector<16xi1>
      %or3A_3278 = arith.ori %gt3A_3272, %and3A_3277 : vector<16xi1>
      %all_reduce_population_count3A_3279 = tpu.all_reduce %or3A_3278 {dim = 0 : i64, kind = #tpu.reduction_kind<sum>} : vector<16xi1> -> vector<16xi32>
      %add3A_3280 = arith.addi %broadcast_in_dim3A_1, %all_reduce_population_count3A_3279 : vector<16xi32>
      %gt3A_3281 = vector.broadcast %squeeze3A_3268 : i32 to vector<16xi32>
      %gt3A_3282 = arith.cmpi sgt, %get3A_136, %gt3A_3281 : vector<16xi32>
      %eq3A_3283 = vector.broadcast %squeeze3A_3268 : i32 to vector<16xi32>
      %eq3A_3284 = arith.cmpi eq, %get3A_136, %eq3A_3283 : vector<16xi32>
      %lt3A_3285 = vector.broadcast %squeeze3A_3270 : i32 to vector<16xi32>
      %lt3A_3286 = arith.cmpi slt, %get3A_144, %lt3A_3285 : vector<16xi32>
      %and3A_3287 = arith.andi %eq3A_3284, %lt3A_3286 : vector<16xi1>
      %or3A_3288 = arith.ori %gt3A_3282, %and3A_3287 : vector<16xi1>
      %all_reduce_population_count3A_3289 = tpu.all_reduce %or3A_3288 {dim = 0 : i64, kind = #tpu.reduction_kind<sum>} : vector<16xi1> -> vector<16xi32>
      %add3A_3290 = arith.addi %add3A_3280, %all_reduce_population_count3A_3289 : vector<16xi32>
      %gt3A_3291 = vector.broadcast %squeeze3A_3268 : i32 to vector<16xi32>
      %gt3A_3292 = arith.cmpi sgt, %get3A_138, %gt3A_3291 : vector<16xi32>
      %eq3A_3293 = vector.broadcast %squeeze3A_3268 : i32 to vector<16xi32>
      %eq3A_3294 = arith.cmpi eq, %get3A_138, %eq3A_3293 : vector<16xi32>
      %lt3A_3295 = vector.broadcast %squeeze3A_3270 : i32 to vector<16xi32>
      %lt3A_3296 = arith.cmpi slt, %get3A_146, %lt3A_3295 : vector<16xi32>
      %and3A_3297 = arith.andi %eq3A_3294, %lt3A_3296 : vector<16xi1>
      %or3A_3298 = arith.ori %gt3A_3292, %and3A_3297 : vector<16xi1>
      %all_reduce_population_count3A_3299 = tpu.all_reduce %or3A_3298 {dim = 0 : i64, kind = #tpu.reduction_kind<sum>} : vector<16xi1> -> vector<16xi32>
      %add3A_3300 = arith.addi %add3A_3290, %all_reduce_population_count3A_3299 : vector<16xi32>
      %gt3A_3301 = vector.broadcast %squeeze3A_3268 : i32 to vector<16xi32>
      %gt3A_3302 = arith.cmpi sgt, %get3A_140, %gt3A_3301 : vector<16xi32>
      %eq3A_3303 = vector.broadcast %squeeze3A_3268 : i32 to vector<16xi32>
      %eq3A_3304 = arith.cmpi eq, %get3A_140, %eq3A_3303 : vector<16xi32>
      %lt3A_3305 = vector.broadcast %squeeze3A_3270 : i32 to vector<16xi32>
      %lt3A_3306 = arith.cmpi slt, %get3A_148, %lt3A_3305 : vector<16xi32>
      %and3A_3307 = arith.andi %eq3A_3304, %lt3A_3306 : vector<16xi1>
      %or3A_3308 = arith.ori %gt3A_3302, %and3A_3307 : vector<16xi1>
      %all_reduce_population_count3A_3309 = tpu.all_reduce %or3A_3308 {dim = 0 : i64, kind = #tpu.reduction_kind<sum>} : vector<16xi1> -> vector<16xi32>
      %add3A_3310 = arith.addi %add3A_3300, %all_reduce_population_count3A_3309 : vector<16xi32>
      %reduce_max3A_3311 = arith.constant true
      %reduce_max3A_3312 = vector.broadcast %reduce_max3A_3311 : i1 to vector<16xi1>
      %reduce_max3A_3313 = arith.constant -2147483648 : i32
      %reduce_max3A_3314 = vector.broadcast %reduce_max3A_3313 : i32 to vector<16xi32>
      %reduce_max3A_3315 = arith.xori %add3A_3310, %reduce_max3A_3314 : vector<16xi32>
      %reduce_max3A_3316 = tpu.scan <max>, %reduce_max3A_3315 masked %reduce_max3A_3312 : vector<16xi32>, vector<16xi1> -> vector<16xi32>
      %reduce_max3A_3317 = arith.xori %reduce_max3A_3316, %reduce_max3A_3314 : vector<16xi32>
      %reduce_max3A_3318 = vector.extract %reduce_max3A_3317[15] : i32 from vector<16xi32>
      %add3A_3319 = vector.broadcast %reduce_max3A_3318 : i32 to vector<16xi32>
      %add3A_3320 = arith.addi %broadcast_in_dim3A_1, %add3A_3319 : vector<16xi32>
      %add3A_3321 = vector.broadcast %squeeze3A_3270 : i32 to vector<16xi32>
      %add3A_3322 = arith.addi %broadcast_in_dim3A_1, %add3A_3321 : vector<16xi32>
      tpu.vector_store_idx %arg10[%add3A_3320], %add3A_3322 masked %eq3A_5 : memref<64xi32, #tpu.memory_space<vmem>>[vector<16xi32>], vector<16xi32>, vector<16xi1>
      %slice3A_3323 = vector.extract_strided_slice %get3A_140 {offsets = [8], sizes = [1], strides = [1]} : vector<16xi32> to vector<1xi32>
      %squeeze3A_3324 = vector.extract %slice3A_3323[0] : i32 from vector<1xi32>
      %slice3A_3325 = vector.extract_strided_slice %get3A_148 {offsets = [8], sizes = [1], strides = [1]} : vector<16xi32> to vector<1xi32>
      %squeeze3A_3326 = vector.extract %slice3A_3325[0] : i32 from vector<1xi32>
      %gt3A_3327 = vector.broadcast %squeeze3A_3324 : i32 to vector<16xi32>
      %gt3A_3328 = arith.cmpi sgt, %get3A_134, %gt3A_3327 : vector<16xi32>
      %eq3A_3329 = vector.broadcast %squeeze3A_3324 : i32 to vector<16xi32>
      %eq3A_3330 = arith.cmpi eq, %get3A_134, %eq3A_3329 : vector<16xi32>
      %lt3A_3331 = vector.broadcast %squeeze3A_3326 : i32 to vector<16xi32>
      %lt3A_3332 = arith.cmpi slt, %get3A_142, %lt3A_3331 : vector<16xi32>
      %and3A_3333 = arith.andi %eq3A_3330, %lt3A_3332 : vector<16xi1>
      %or3A_3334 = arith.ori %gt3A_3328, %and3A_3333 : vector<16xi1>
      %all_reduce_population_count3A_3335 = tpu.all_reduce %or3A_3334 {dim = 0 : i64, kind = #tpu.reduction_kind<sum>} : vector<16xi1> -> vector<16xi32>
      %add3A_3336 = arith.addi %broadcast_in_dim3A_1, %all_reduce_population_count3A_3335 : vector<16xi32>
      %gt3A_3337 = vector.broadcast %squeeze3A_3324 : i32 to vector<16xi32>
      %gt3A_3338 = arith.cmpi sgt, %get3A_136, %gt3A_3337 : vector<16xi32>
      %eq3A_3339 = vector.broadcast %squeeze3A_3324 : i32 to vector<16xi32>
      %eq3A_3340 = arith.cmpi eq, %get3A_136, %eq3A_3339 : vector<16xi32>
      %lt3A_3341 = vector.broadcast %squeeze3A_3326 : i32 to vector<16xi32>
      %lt3A_3342 = arith.cmpi slt, %get3A_144, %lt3A_3341 : vector<16xi32>
      %and3A_3343 = arith.andi %eq3A_3340, %lt3A_3342 : vector<16xi1>
      %or3A_3344 = arith.ori %gt3A_3338, %and3A_3343 : vector<16xi1>
      %all_reduce_population_count3A_3345 = tpu.all_reduce %or3A_3344 {dim = 0 : i64, kind = #tpu.reduction_kind<sum>} : vector<16xi1> -> vector<16xi32>
      %add3A_3346 = arith.addi %add3A_3336, %all_reduce_population_count3A_3345 : vector<16xi32>
      %gt3A_3347 = vector.broadcast %squeeze3A_3324 : i32 to vector<16xi32>
      %gt3A_3348 = arith.cmpi sgt, %get3A_138, %gt3A_3347 : vector<16xi32>
      %eq3A_3349 = vector.broadcast %squeeze3A_3324 : i32 to vector<16xi32>
      %eq3A_3350 = arith.cmpi eq, %get3A_138, %eq3A_3349 : vector<16xi32>
      %lt3A_3351 = vector.broadcast %squeeze3A_3326 : i32 to vector<16xi32>
      %lt3A_3352 = arith.cmpi slt, %get3A_146, %lt3A_3351 : vector<16xi32>
      %and3A_3353 = arith.andi %eq3A_3350, %lt3A_3352 : vector<16xi1>
      %or3A_3354 = arith.ori %gt3A_3348, %and3A_3353 : vector<16xi1>
      %all_reduce_population_count3A_3355 = tpu.all_reduce %or3A_3354 {dim = 0 : i64, kind = #tpu.reduction_kind<sum>} : vector<16xi1> -> vector<16xi32>
      %add3A_3356 = arith.addi %add3A_3346, %all_reduce_population_count3A_3355 : vector<16xi32>
      %gt3A_3357 = vector.broadcast %squeeze3A_3324 : i32 to vector<16xi32>
      %gt3A_3358 = arith.cmpi sgt, %get3A_140, %gt3A_3357 : vector<16xi32>
      %eq3A_3359 = vector.broadcast %squeeze3A_3324 : i32 to vector<16xi32>
      %eq3A_3360 = arith.cmpi eq, %get3A_140, %eq3A_3359 : vector<16xi32>
      %lt3A_3361 = vector.broadcast %squeeze3A_3326 : i32 to vector<16xi32>
      %lt3A_3362 = arith.cmpi slt, %get3A_148, %lt3A_3361 : vector<16xi32>
      %and3A_3363 = arith.andi %eq3A_3360, %lt3A_3362 : vector<16xi1>
      %or3A_3364 = arith.ori %gt3A_3358, %and3A_3363 : vector<16xi1>
      %all_reduce_population_count3A_3365 = tpu.all_reduce %or3A_3364 {dim = 0 : i64, kind = #tpu.reduction_kind<sum>} : vector<16xi1> -> vector<16xi32>
      %add3A_3366 = arith.addi %add3A_3356, %all_reduce_population_count3A_3365 : vector<16xi32>
      %reduce_max3A_3367 = arith.constant true
      %reduce_max3A_3368 = vector.broadcast %reduce_max3A_3367 : i1 to vector<16xi1>
      %reduce_max3A_3369 = arith.constant -2147483648 : i32
      %reduce_max3A_3370 = vector.broadcast %reduce_max3A_3369 : i32 to vector<16xi32>
      %reduce_max3A_3371 = arith.xori %add3A_3366, %reduce_max3A_3370 : vector<16xi32>
      %reduce_max3A_3372 = tpu.scan <max>, %reduce_max3A_3371 masked %reduce_max3A_3368 : vector<16xi32>, vector<16xi1> -> vector<16xi32>
      %reduce_max3A_3373 = arith.xori %reduce_max3A_3372, %reduce_max3A_3370 : vector<16xi32>
      %reduce_max3A_3374 = vector.extract %reduce_max3A_3373[15] : i32 from vector<16xi32>
      %add3A_3375 = vector.broadcast %reduce_max3A_3374 : i32 to vector<16xi32>
      %add3A_3376 = arith.addi %broadcast_in_dim3A_1, %add3A_3375 : vector<16xi32>
      %add3A_3377 = vector.broadcast %squeeze3A_3326 : i32 to vector<16xi32>
      %add3A_3378 = arith.addi %broadcast_in_dim3A_1, %add3A_3377 : vector<16xi32>
      tpu.vector_store_idx %arg10[%add3A_3376], %add3A_3378 masked %eq3A_5 : memref<64xi32, #tpu.memory_space<vmem>>[vector<16xi32>], vector<16xi32>, vector<16xi1>
      %slice3A_3379 = vector.extract_strided_slice %get3A_140 {offsets = [9], sizes = [1], strides = [1]} : vector<16xi32> to vector<1xi32>
      %squeeze3A_3380 = vector.extract %slice3A_3379[0] : i32 from vector<1xi32>
      %slice3A_3381 = vector.extract_strided_slice %get3A_148 {offsets = [9], sizes = [1], strides = [1]} : vector<16xi32> to vector<1xi32>
      %squeeze3A_3382 = vector.extract %slice3A_3381[0] : i32 from vector<1xi32>
      %gt3A_3383 = vector.broadcast %squeeze3A_3380 : i32 to vector<16xi32>
      %gt3A_3384 = arith.cmpi sgt, %get3A_134, %gt3A_3383 : vector<16xi32>
      %eq3A_3385 = vector.broadcast %squeeze3A_3380 : i32 to vector<16xi32>
      %eq3A_3386 = arith.cmpi eq, %get3A_134, %eq3A_3385 : vector<16xi32>
      %lt3A_3387 = vector.broadcast %squeeze3A_3382 : i32 to vector<16xi32>
      %lt3A_3388 = arith.cmpi slt, %get3A_142, %lt3A_3387 : vector<16xi32>
      %and3A_3389 = arith.andi %eq3A_3386, %lt3A_3388 : vector<16xi1>
      %or3A_3390 = arith.ori %gt3A_3384, %and3A_3389 : vector<16xi1>
      %all_reduce_population_count3A_3391 = tpu.all_reduce %or3A_3390 {dim = 0 : i64, kind = #tpu.reduction_kind<sum>} : vector<16xi1> -> vector<16xi32>
      %add3A_3392 = arith.addi %broadcast_in_dim3A_1, %all_reduce_population_count3A_3391 : vector<16xi32>
      %gt3A_3393 = vector.broadcast %squeeze3A_3380 : i32 to vector<16xi32>
      %gt3A_3394 = arith.cmpi sgt, %get3A_136, %gt3A_3393 : vector<16xi32>
      %eq3A_3395 = vector.broadcast %squeeze3A_3380 : i32 to vector<16xi32>
      %eq3A_3396 = arith.cmpi eq, %get3A_136, %eq3A_3395 : vector<16xi32>
      %lt3A_3397 = vector.broadcast %squeeze3A_3382 : i32 to vector<16xi32>
      %lt3A_3398 = arith.cmpi slt, %get3A_144, %lt3A_3397 : vector<16xi32>
      %and3A_3399 = arith.andi %eq3A_3396, %lt3A_3398 : vector<16xi1>
      %or3A_3400 = arith.ori %gt3A_3394, %and3A_3399 : vector<16xi1>
      %all_reduce_population_count3A_3401 = tpu.all_reduce %or3A_3400 {dim = 0 : i64, kind = #tpu.reduction_kind<sum>} : vector<16xi1> -> vector<16xi32>
      %add3A_3402 = arith.addi %add3A_3392, %all_reduce_population_count3A_3401 : vector<16xi32>
      %gt3A_3403 = vector.broadcast %squeeze3A_3380 : i32 to vector<16xi32>
      %gt3A_3404 = arith.cmpi sgt, %get3A_138, %gt3A_3403 : vector<16xi32>
      %eq3A_3405 = vector.broadcast %squeeze3A_3380 : i32 to vector<16xi32>
      %eq3A_3406 = arith.cmpi eq, %get3A_138, %eq3A_3405 : vector<16xi32>
      %lt3A_3407 = vector.broadcast %squeeze3A_3382 : i32 to vector<16xi32>
      %lt3A_3408 = arith.cmpi slt, %get3A_146, %lt3A_3407 : vector<16xi32>
      %and3A_3409 = arith.andi %eq3A_3406, %lt3A_3408 : vector<16xi1>
      %or3A_3410 = arith.ori %gt3A_3404, %and3A_3409 : vector<16xi1>
      %all_reduce_population_count3A_3411 = tpu.all_reduce %or3A_3410 {dim = 0 : i64, kind = #tpu.reduction_kind<sum>} : vector<16xi1> -> vector<16xi32>
      %add3A_3412 = arith.addi %add3A_3402, %all_reduce_population_count3A_3411 : vector<16xi32>
      %gt3A_3413 = vector.broadcast %squeeze3A_3380 : i32 to vector<16xi32>
      %gt3A_3414 = arith.cmpi sgt, %get3A_140, %gt3A_3413 : vector<16xi32>
      %eq3A_3415 = vector.broadcast %squeeze3A_3380 : i32 to vector<16xi32>
      %eq3A_3416 = arith.cmpi eq, %get3A_140, %eq3A_3415 : vector<16xi32>
      %lt3A_3417 = vector.broadcast %squeeze3A_3382 : i32 to vector<16xi32>
      %lt3A_3418 = arith.cmpi slt, %get3A_148, %lt3A_3417 : vector<16xi32>
      %and3A_3419 = arith.andi %eq3A_3416, %lt3A_3418 : vector<16xi1>
      %or3A_3420 = arith.ori %gt3A_3414, %and3A_3419 : vector<16xi1>
      %all_reduce_population_count3A_3421 = tpu.all_reduce %or3A_3420 {dim = 0 : i64, kind = #tpu.reduction_kind<sum>} : vector<16xi1> -> vector<16xi32>
      %add3A_3422 = arith.addi %add3A_3412, %all_reduce_population_count3A_3421 : vector<16xi32>
      %reduce_max3A_3423 = arith.constant true
      %reduce_max3A_3424 = vector.broadcast %reduce_max3A_3423 : i1 to vector<16xi1>
      %reduce_max3A_3425 = arith.constant -2147483648 : i32
      %reduce_max3A_3426 = vector.broadcast %reduce_max3A_3425 : i32 to vector<16xi32>
      %reduce_max3A_3427 = arith.xori %add3A_3422, %reduce_max3A_3426 : vector<16xi32>
      %reduce_max3A_3428 = tpu.scan <max>, %reduce_max3A_3427 masked %reduce_max3A_3424 : vector<16xi32>, vector<16xi1> -> vector<16xi32>
      %reduce_max3A_3429 = arith.xori %reduce_max3A_3428, %reduce_max3A_3426 : vector<16xi32>
      %reduce_max3A_3430 = vector.extract %reduce_max3A_3429[15] : i32 from vector<16xi32>
      %add3A_3431 = vector.broadcast %reduce_max3A_3430 : i32 to vector<16xi32>
      %add3A_3432 = arith.addi %broadcast_in_dim3A_1, %add3A_3431 : vector<16xi32>
      %add3A_3433 = vector.broadcast %squeeze3A_3382 : i32 to vector<16xi32>
      %add3A_3434 = arith.addi %broadcast_in_dim3A_1, %add3A_3433 : vector<16xi32>
      tpu.vector_store_idx %arg10[%add3A_3432], %add3A_3434 masked %eq3A_5 : memref<64xi32, #tpu.memory_space<vmem>>[vector<16xi32>], vector<16xi32>, vector<16xi1>
      %slice3A_3435 = vector.extract_strided_slice %get3A_140 {offsets = [10], sizes = [1], strides = [1]} : vector<16xi32> to vector<1xi32>
      %squeeze3A_3436 = vector.extract %slice3A_3435[0] : i32 from vector<1xi32>
      %slice3A_3437 = vector.extract_strided_slice %get3A_148 {offsets = [10], sizes = [1], strides = [1]} : vector<16xi32> to vector<1xi32>
      %squeeze3A_3438 = vector.extract %slice3A_3437[0] : i32 from vector<1xi32>
      %gt3A_3439 = vector.broadcast %squeeze3A_3436 : i32 to vector<16xi32>
      %gt3A_3440 = arith.cmpi sgt, %get3A_134, %gt3A_3439 : vector<16xi32>
      %eq3A_3441 = vector.broadcast %squeeze3A_3436 : i32 to vector<16xi32>
      %eq3A_3442 = arith.cmpi eq, %get3A_134, %eq3A_3441 : vector<16xi32>
      %lt3A_3443 = vector.broadcast %squeeze3A_3438 : i32 to vector<16xi32>
      %lt3A_3444 = arith.cmpi slt, %get3A_142, %lt3A_3443 : vector<16xi32>
      %and3A_3445 = arith.andi %eq3A_3442, %lt3A_3444 : vector<16xi1>
      %or3A_3446 = arith.ori %gt3A_3440, %and3A_3445 : vector<16xi1>
      %all_reduce_population_count3A_3447 = tpu.all_reduce %or3A_3446 {dim = 0 : i64, kind = #tpu.reduction_kind<sum>} : vector<16xi1> -> vector<16xi32>
      %add3A_3448 = arith.addi %broadcast_in_dim3A_1, %all_reduce_population_count3A_3447 : vector<16xi32>
      %gt3A_3449 = vector.broadcast %squeeze3A_3436 : i32 to vector<16xi32>
      %gt3A_3450 = arith.cmpi sgt, %get3A_136, %gt3A_3449 : vector<16xi32>
      %eq3A_3451 = vector.broadcast %squeeze3A_3436 : i32 to vector<16xi32>
      %eq3A_3452 = arith.cmpi eq, %get3A_136, %eq3A_3451 : vector<16xi32>
      %lt3A_3453 = vector.broadcast %squeeze3A_3438 : i32 to vector<16xi32>
      %lt3A_3454 = arith.cmpi slt, %get3A_144, %lt3A_3453 : vector<16xi32>
      %and3A_3455 = arith.andi %eq3A_3452, %lt3A_3454 : vector<16xi1>
      %or3A_3456 = arith.ori %gt3A_3450, %and3A_3455 : vector<16xi1>
      %all_reduce_population_count3A_3457 = tpu.all_reduce %or3A_3456 {dim = 0 : i64, kind = #tpu.reduction_kind<sum>} : vector<16xi1> -> vector<16xi32>
      %add3A_3458 = arith.addi %add3A_3448, %all_reduce_population_count3A_3457 : vector<16xi32>
      %gt3A_3459 = vector.broadcast %squeeze3A_3436 : i32 to vector<16xi32>
      %gt3A_3460 = arith.cmpi sgt, %get3A_138, %gt3A_3459 : vector<16xi32>
      %eq3A_3461 = vector.broadcast %squeeze3A_3436 : i32 to vector<16xi32>
      %eq3A_3462 = arith.cmpi eq, %get3A_138, %eq3A_3461 : vector<16xi32>
      %lt3A_3463 = vector.broadcast %squeeze3A_3438 : i32 to vector<16xi32>
      %lt3A_3464 = arith.cmpi slt, %get3A_146, %lt3A_3463 : vector<16xi32>
      %and3A_3465 = arith.andi %eq3A_3462, %lt3A_3464 : vector<16xi1>
      %or3A_3466 = arith.ori %gt3A_3460, %and3A_3465 : vector<16xi1>
      %all_reduce_population_count3A_3467 = tpu.all_reduce %or3A_3466 {dim = 0 : i64, kind = #tpu.reduction_kind<sum>} : vector<16xi1> -> vector<16xi32>
      %add3A_3468 = arith.addi %add3A_3458, %all_reduce_population_count3A_3467 : vector<16xi32>
      %gt3A_3469 = vector.broadcast %squeeze3A_3436 : i32 to vector<16xi32>
      %gt3A_3470 = arith.cmpi sgt, %get3A_140, %gt3A_3469 : vector<16xi32>
      %eq3A_3471 = vector.broadcast %squeeze3A_3436 : i32 to vector<16xi32>
      %eq3A_3472 = arith.cmpi eq, %get3A_140, %eq3A_3471 : vector<16xi32>
      %lt3A_3473 = vector.broadcast %squeeze3A_3438 : i32 to vector<16xi32>
      %lt3A_3474 = arith.cmpi slt, %get3A_148, %lt3A_3473 : vector<16xi32>
      %and3A_3475 = arith.andi %eq3A_3472, %lt3A_3474 : vector<16xi1>
      %or3A_3476 = arith.ori %gt3A_3470, %and3A_3475 : vector<16xi1>
      %all_reduce_population_count3A_3477 = tpu.all_reduce %or3A_3476 {dim = 0 : i64, kind = #tpu.reduction_kind<sum>} : vector<16xi1> -> vector<16xi32>
      %add3A_3478 = arith.addi %add3A_3468, %all_reduce_population_count3A_3477 : vector<16xi32>
      %reduce_max3A_3479 = arith.constant true
      %reduce_max3A_3480 = vector.broadcast %reduce_max3A_3479 : i1 to vector<16xi1>
      %reduce_max3A_3481 = arith.constant -2147483648 : i32
      %reduce_max3A_3482 = vector.broadcast %reduce_max3A_3481 : i32 to vector<16xi32>
      %reduce_max3A_3483 = arith.xori %add3A_3478, %reduce_max3A_3482 : vector<16xi32>
      %reduce_max3A_3484 = tpu.scan <max>, %reduce_max3A_3483 masked %reduce_max3A_3480 : vector<16xi32>, vector<16xi1> -> vector<16xi32>
      %reduce_max3A_3485 = arith.xori %reduce_max3A_3484, %reduce_max3A_3482 : vector<16xi32>
      %reduce_max3A_3486 = vector.extract %reduce_max3A_3485[15] : i32 from vector<16xi32>
      %add3A_3487 = vector.broadcast %reduce_max3A_3486 : i32 to vector<16xi32>
      %add3A_3488 = arith.addi %broadcast_in_dim3A_1, %add3A_3487 : vector<16xi32>
      %add3A_3489 = vector.broadcast %squeeze3A_3438 : i32 to vector<16xi32>
      %add3A_3490 = arith.addi %broadcast_in_dim3A_1, %add3A_3489 : vector<16xi32>
      tpu.vector_store_idx %arg10[%add3A_3488], %add3A_3490 masked %eq3A_5 : memref<64xi32, #tpu.memory_space<vmem>>[vector<16xi32>], vector<16xi32>, vector<16xi1>
      %slice3A_3491 = vector.extract_strided_slice %get3A_140 {offsets = [11], sizes = [1], strides = [1]} : vector<16xi32> to vector<1xi32>
      %squeeze3A_3492 = vector.extract %slice3A_3491[0] : i32 from vector<1xi32>
      %slice3A_3493 = vector.extract_strided_slice %get3A_148 {offsets = [11], sizes = [1], strides = [1]} : vector<16xi32> to vector<1xi32>
      %squeeze3A_3494 = vector.extract %slice3A_3493[0] : i32 from vector<1xi32>
      %gt3A_3495 = vector.broadcast %squeeze3A_3492 : i32 to vector<16xi32>
      %gt3A_3496 = arith.cmpi sgt, %get3A_134, %gt3A_3495 : vector<16xi32>
      %eq3A_3497 = vector.broadcast %squeeze3A_3492 : i32 to vector<16xi32>
      %eq3A_3498 = arith.cmpi eq, %get3A_134, %eq3A_3497 : vector<16xi32>
      %lt3A_3499 = vector.broadcast %squeeze3A_3494 : i32 to vector<16xi32>
      %lt3A_3500 = arith.cmpi slt, %get3A_142, %lt3A_3499 : vector<16xi32>
      %and3A_3501 = arith.andi %eq3A_3498, %lt3A_3500 : vector<16xi1>
      %or3A_3502 = arith.ori %gt3A_3496, %and3A_3501 : vector<16xi1>
      %all_reduce_population_count3A_3503 = tpu.all_reduce %or3A_3502 {dim = 0 : i64, kind = #tpu.reduction_kind<sum>} : vector<16xi1> -> vector<16xi32>
      %add3A_3504 = arith.addi %broadcast_in_dim3A_1, %all_reduce_population_count3A_3503 : vector<16xi32>
      %gt3A_3505 = vector.broadcast %squeeze3A_3492 : i32 to vector<16xi32>
      %gt3A_3506 = arith.cmpi sgt, %get3A_136, %gt3A_3505 : vector<16xi32>
      %eq3A_3507 = vector.broadcast %squeeze3A_3492 : i32 to vector<16xi32>
      %eq3A_3508 = arith.cmpi eq, %get3A_136, %eq3A_3507 : vector<16xi32>
      %lt3A_3509 = vector.broadcast %squeeze3A_3494 : i32 to vector<16xi32>
      %lt3A_3510 = arith.cmpi slt, %get3A_144, %lt3A_3509 : vector<16xi32>
      %and3A_3511 = arith.andi %eq3A_3508, %lt3A_3510 : vector<16xi1>
      %or3A_3512 = arith.ori %gt3A_3506, %and3A_3511 : vector<16xi1>
      %all_reduce_population_count3A_3513 = tpu.all_reduce %or3A_3512 {dim = 0 : i64, kind = #tpu.reduction_kind<sum>} : vector<16xi1> -> vector<16xi32>
      %add3A_3514 = arith.addi %add3A_3504, %all_reduce_population_count3A_3513 : vector<16xi32>
      %gt3A_3515 = vector.broadcast %squeeze3A_3492 : i32 to vector<16xi32>
      %gt3A_3516 = arith.cmpi sgt, %get3A_138, %gt3A_3515 : vector<16xi32>
      %eq3A_3517 = vector.broadcast %squeeze3A_3492 : i32 to vector<16xi32>
      %eq3A_3518 = arith.cmpi eq, %get3A_138, %eq3A_3517 : vector<16xi32>
      %lt3A_3519 = vector.broadcast %squeeze3A_3494 : i32 to vector<16xi32>
      %lt3A_3520 = arith.cmpi slt, %get3A_146, %lt3A_3519 : vector<16xi32>
      %and3A_3521 = arith.andi %eq3A_3518, %lt3A_3520 : vector<16xi1>
      %or3A_3522 = arith.ori %gt3A_3516, %and3A_3521 : vector<16xi1>
      %all_reduce_population_count3A_3523 = tpu.all_reduce %or3A_3522 {dim = 0 : i64, kind = #tpu.reduction_kind<sum>} : vector<16xi1> -> vector<16xi32>
      %add3A_3524 = arith.addi %add3A_3514, %all_reduce_population_count3A_3523 : vector<16xi32>
      %gt3A_3525 = vector.broadcast %squeeze3A_3492 : i32 to vector<16xi32>
      %gt3A_3526 = arith.cmpi sgt, %get3A_140, %gt3A_3525 : vector<16xi32>
      %eq3A_3527 = vector.broadcast %squeeze3A_3492 : i32 to vector<16xi32>
      %eq3A_3528 = arith.cmpi eq, %get3A_140, %eq3A_3527 : vector<16xi32>
      %lt3A_3529 = vector.broadcast %squeeze3A_3494 : i32 to vector<16xi32>
      %lt3A_3530 = arith.cmpi slt, %get3A_148, %lt3A_3529 : vector<16xi32>
      %and3A_3531 = arith.andi %eq3A_3528, %lt3A_3530 : vector<16xi1>
      %or3A_3532 = arith.ori %gt3A_3526, %and3A_3531 : vector<16xi1>
      %all_reduce_population_count3A_3533 = tpu.all_reduce %or3A_3532 {dim = 0 : i64, kind = #tpu.reduction_kind<sum>} : vector<16xi1> -> vector<16xi32>
      %add3A_3534 = arith.addi %add3A_3524, %all_reduce_population_count3A_3533 : vector<16xi32>
      %reduce_max3A_3535 = arith.constant true
      %reduce_max3A_3536 = vector.broadcast %reduce_max3A_3535 : i1 to vector<16xi1>
      %reduce_max3A_3537 = arith.constant -2147483648 : i32
      %reduce_max3A_3538 = vector.broadcast %reduce_max3A_3537 : i32 to vector<16xi32>
      %reduce_max3A_3539 = arith.xori %add3A_3534, %reduce_max3A_3538 : vector<16xi32>
      %reduce_max3A_3540 = tpu.scan <max>, %reduce_max3A_3539 masked %reduce_max3A_3536 : vector<16xi32>, vector<16xi1> -> vector<16xi32>
      %reduce_max3A_3541 = arith.xori %reduce_max3A_3540, %reduce_max3A_3538 : vector<16xi32>
      %reduce_max3A_3542 = vector.extract %reduce_max3A_3541[15] : i32 from vector<16xi32>
      %add3A_3543 = vector.broadcast %reduce_max3A_3542 : i32 to vector<16xi32>
      %add3A_3544 = arith.addi %broadcast_in_dim3A_1, %add3A_3543 : vector<16xi32>
      %add3A_3545 = vector.broadcast %squeeze3A_3494 : i32 to vector<16xi32>
      %add3A_3546 = arith.addi %broadcast_in_dim3A_1, %add3A_3545 : vector<16xi32>
      tpu.vector_store_idx %arg10[%add3A_3544], %add3A_3546 masked %eq3A_5 : memref<64xi32, #tpu.memory_space<vmem>>[vector<16xi32>], vector<16xi32>, vector<16xi1>
      %slice3A_3547 = vector.extract_strided_slice %get3A_140 {offsets = [12], sizes = [1], strides = [1]} : vector<16xi32> to vector<1xi32>
      %squeeze3A_3548 = vector.extract %slice3A_3547[0] : i32 from vector<1xi32>
      %slice3A_3549 = vector.extract_strided_slice %get3A_148 {offsets = [12], sizes = [1], strides = [1]} : vector<16xi32> to vector<1xi32>
      %squeeze3A_3550 = vector.extract %slice3A_3549[0] : i32 from vector<1xi32>
      %gt3A_3551 = vector.broadcast %squeeze3A_3548 : i32 to vector<16xi32>
      %gt3A_3552 = arith.cmpi sgt, %get3A_134, %gt3A_3551 : vector<16xi32>
      %eq3A_3553 = vector.broadcast %squeeze3A_3548 : i32 to vector<16xi32>
      %eq3A_3554 = arith.cmpi eq, %get3A_134, %eq3A_3553 : vector<16xi32>
      %lt3A_3555 = vector.broadcast %squeeze3A_3550 : i32 to vector<16xi32>
      %lt3A_3556 = arith.cmpi slt, %get3A_142, %lt3A_3555 : vector<16xi32>
      %and3A_3557 = arith.andi %eq3A_3554, %lt3A_3556 : vector<16xi1>
      %or3A_3558 = arith.ori %gt3A_3552, %and3A_3557 : vector<16xi1>
      %all_reduce_population_count3A_3559 = tpu.all_reduce %or3A_3558 {dim = 0 : i64, kind = #tpu.reduction_kind<sum>} : vector<16xi1> -> vector<16xi32>
      %add3A_3560 = arith.addi %broadcast_in_dim3A_1, %all_reduce_population_count3A_3559 : vector<16xi32>
      %gt3A_3561 = vector.broadcast %squeeze3A_3548 : i32 to vector<16xi32>
      %gt3A_3562 = arith.cmpi sgt, %get3A_136, %gt3A_3561 : vector<16xi32>
      %eq3A_3563 = vector.broadcast %squeeze3A_3548 : i32 to vector<16xi32>
      %eq3A_3564 = arith.cmpi eq, %get3A_136, %eq3A_3563 : vector<16xi32>
      %lt3A_3565 = vector.broadcast %squeeze3A_3550 : i32 to vector<16xi32>
      %lt3A_3566 = arith.cmpi slt, %get3A_144, %lt3A_3565 : vector<16xi32>
      %and3A_3567 = arith.andi %eq3A_3564, %lt3A_3566 : vector<16xi1>
      %or3A_3568 = arith.ori %gt3A_3562, %and3A_3567 : vector<16xi1>
      %all_reduce_population_count3A_3569 = tpu.all_reduce %or3A_3568 {dim = 0 : i64, kind = #tpu.reduction_kind<sum>} : vector<16xi1> -> vector<16xi32>
      %add3A_3570 = arith.addi %add3A_3560, %all_reduce_population_count3A_3569 : vector<16xi32>
      %gt3A_3571 = vector.broadcast %squeeze3A_3548 : i32 to vector<16xi32>
      %gt3A_3572 = arith.cmpi sgt, %get3A_138, %gt3A_3571 : vector<16xi32>
      %eq3A_3573 = vector.broadcast %squeeze3A_3548 : i32 to vector<16xi32>
      %eq3A_3574 = arith.cmpi eq, %get3A_138, %eq3A_3573 : vector<16xi32>
      %lt3A_3575 = vector.broadcast %squeeze3A_3550 : i32 to vector<16xi32>
      %lt3A_3576 = arith.cmpi slt, %get3A_146, %lt3A_3575 : vector<16xi32>
      %and3A_3577 = arith.andi %eq3A_3574, %lt3A_3576 : vector<16xi1>
      %or3A_3578 = arith.ori %gt3A_3572, %and3A_3577 : vector<16xi1>
      %all_reduce_population_count3A_3579 = tpu.all_reduce %or3A_3578 {dim = 0 : i64, kind = #tpu.reduction_kind<sum>} : vector<16xi1> -> vector<16xi32>
      %add3A_3580 = arith.addi %add3A_3570, %all_reduce_population_count3A_3579 : vector<16xi32>
      %gt3A_3581 = vector.broadcast %squeeze3A_3548 : i32 to vector<16xi32>
      %gt3A_3582 = arith.cmpi sgt, %get3A_140, %gt3A_3581 : vector<16xi32>
      %eq3A_3583 = vector.broadcast %squeeze3A_3548 : i32 to vector<16xi32>
      %eq3A_3584 = arith.cmpi eq, %get3A_140, %eq3A_3583 : vector<16xi32>
      %lt3A_3585 = vector.broadcast %squeeze3A_3550 : i32 to vector<16xi32>
      %lt3A_3586 = arith.cmpi slt, %get3A_148, %lt3A_3585 : vector<16xi32>
      %and3A_3587 = arith.andi %eq3A_3584, %lt3A_3586 : vector<16xi1>
      %or3A_3588 = arith.ori %gt3A_3582, %and3A_3587 : vector<16xi1>
      %all_reduce_population_count3A_3589 = tpu.all_reduce %or3A_3588 {dim = 0 : i64, kind = #tpu.reduction_kind<sum>} : vector<16xi1> -> vector<16xi32>
      %add3A_3590 = arith.addi %add3A_3580, %all_reduce_population_count3A_3589 : vector<16xi32>
      %reduce_max3A_3591 = arith.constant true
      %reduce_max3A_3592 = vector.broadcast %reduce_max3A_3591 : i1 to vector<16xi1>
      %reduce_max3A_3593 = arith.constant -2147483648 : i32
      %reduce_max3A_3594 = vector.broadcast %reduce_max3A_3593 : i32 to vector<16xi32>
      %reduce_max3A_3595 = arith.xori %add3A_3590, %reduce_max3A_3594 : vector<16xi32>
      %reduce_max3A_3596 = tpu.scan <max>, %reduce_max3A_3595 masked %reduce_max3A_3592 : vector<16xi32>, vector<16xi1> -> vector<16xi32>
      %reduce_max3A_3597 = arith.xori %reduce_max3A_3596, %reduce_max3A_3594 : vector<16xi32>
      %reduce_max3A_3598 = vector.extract %reduce_max3A_3597[15] : i32 from vector<16xi32>
      %add3A_3599 = vector.broadcast %reduce_max3A_3598 : i32 to vector<16xi32>
      %add3A_3600 = arith.addi %broadcast_in_dim3A_1, %add3A_3599 : vector<16xi32>
      %add3A_3601 = vector.broadcast %squeeze3A_3550 : i32 to vector<16xi32>
      %add3A_3602 = arith.addi %broadcast_in_dim3A_1, %add3A_3601 : vector<16xi32>
      tpu.vector_store_idx %arg10[%add3A_3600], %add3A_3602 masked %eq3A_5 : memref<64xi32, #tpu.memory_space<vmem>>[vector<16xi32>], vector<16xi32>, vector<16xi1>
      %slice3A_3603 = vector.extract_strided_slice %get3A_140 {offsets = [13], sizes = [1], strides = [1]} : vector<16xi32> to vector<1xi32>
      %squeeze3A_3604 = vector.extract %slice3A_3603[0] : i32 from vector<1xi32>
      %slice3A_3605 = vector.extract_strided_slice %get3A_148 {offsets = [13], sizes = [1], strides = [1]} : vector<16xi32> to vector<1xi32>
      %squeeze3A_3606 = vector.extract %slice3A_3605[0] : i32 from vector<1xi32>
      %gt3A_3607 = vector.broadcast %squeeze3A_3604 : i32 to vector<16xi32>
      %gt3A_3608 = arith.cmpi sgt, %get3A_134, %gt3A_3607 : vector<16xi32>
      %eq3A_3609 = vector.broadcast %squeeze3A_3604 : i32 to vector<16xi32>
      %eq3A_3610 = arith.cmpi eq, %get3A_134, %eq3A_3609 : vector<16xi32>
      %lt3A_3611 = vector.broadcast %squeeze3A_3606 : i32 to vector<16xi32>
      %lt3A_3612 = arith.cmpi slt, %get3A_142, %lt3A_3611 : vector<16xi32>
      %and3A_3613 = arith.andi %eq3A_3610, %lt3A_3612 : vector<16xi1>
      %or3A_3614 = arith.ori %gt3A_3608, %and3A_3613 : vector<16xi1>
      %all_reduce_population_count3A_3615 = tpu.all_reduce %or3A_3614 {dim = 0 : i64, kind = #tpu.reduction_kind<sum>} : vector<16xi1> -> vector<16xi32>
      %add3A_3616 = arith.addi %broadcast_in_dim3A_1, %all_reduce_population_count3A_3615 : vector<16xi32>
      %gt3A_3617 = vector.broadcast %squeeze3A_3604 : i32 to vector<16xi32>
      %gt3A_3618 = arith.cmpi sgt, %get3A_136, %gt3A_3617 : vector<16xi32>
      %eq3A_3619 = vector.broadcast %squeeze3A_3604 : i32 to vector<16xi32>
      %eq3A_3620 = arith.cmpi eq, %get3A_136, %eq3A_3619 : vector<16xi32>
      %lt3A_3621 = vector.broadcast %squeeze3A_3606 : i32 to vector<16xi32>
      %lt3A_3622 = arith.cmpi slt, %get3A_144, %lt3A_3621 : vector<16xi32>
      %and3A_3623 = arith.andi %eq3A_3620, %lt3A_3622 : vector<16xi1>
      %or3A_3624 = arith.ori %gt3A_3618, %and3A_3623 : vector<16xi1>
      %all_reduce_population_count3A_3625 = tpu.all_reduce %or3A_3624 {dim = 0 : i64, kind = #tpu.reduction_kind<sum>} : vector<16xi1> -> vector<16xi32>
      %add3A_3626 = arith.addi %add3A_3616, %all_reduce_population_count3A_3625 : vector<16xi32>
      %gt3A_3627 = vector.broadcast %squeeze3A_3604 : i32 to vector<16xi32>
      %gt3A_3628 = arith.cmpi sgt, %get3A_138, %gt3A_3627 : vector<16xi32>
      %eq3A_3629 = vector.broadcast %squeeze3A_3604 : i32 to vector<16xi32>
      %eq3A_3630 = arith.cmpi eq, %get3A_138, %eq3A_3629 : vector<16xi32>
      %lt3A_3631 = vector.broadcast %squeeze3A_3606 : i32 to vector<16xi32>
      %lt3A_3632 = arith.cmpi slt, %get3A_146, %lt3A_3631 : vector<16xi32>
      %and3A_3633 = arith.andi %eq3A_3630, %lt3A_3632 : vector<16xi1>
      %or3A_3634 = arith.ori %gt3A_3628, %and3A_3633 : vector<16xi1>
      %all_reduce_population_count3A_3635 = tpu.all_reduce %or3A_3634 {dim = 0 : i64, kind = #tpu.reduction_kind<sum>} : vector<16xi1> -> vector<16xi32>
      %add3A_3636 = arith.addi %add3A_3626, %all_reduce_population_count3A_3635 : vector<16xi32>
      %gt3A_3637 = vector.broadcast %squeeze3A_3604 : i32 to vector<16xi32>
      %gt3A_3638 = arith.cmpi sgt, %get3A_140, %gt3A_3637 : vector<16xi32>
      %eq3A_3639 = vector.broadcast %squeeze3A_3604 : i32 to vector<16xi32>
      %eq3A_3640 = arith.cmpi eq, %get3A_140, %eq3A_3639 : vector<16xi32>
      %lt3A_3641 = vector.broadcast %squeeze3A_3606 : i32 to vector<16xi32>
      %lt3A_3642 = arith.cmpi slt, %get3A_148, %lt3A_3641 : vector<16xi32>
      %and3A_3643 = arith.andi %eq3A_3640, %lt3A_3642 : vector<16xi1>
      %or3A_3644 = arith.ori %gt3A_3638, %and3A_3643 : vector<16xi1>
      %all_reduce_population_count3A_3645 = tpu.all_reduce %or3A_3644 {dim = 0 : i64, kind = #tpu.reduction_kind<sum>} : vector<16xi1> -> vector<16xi32>
      %add3A_3646 = arith.addi %add3A_3636, %all_reduce_population_count3A_3645 : vector<16xi32>
      %reduce_max3A_3647 = arith.constant true
      %reduce_max3A_3648 = vector.broadcast %reduce_max3A_3647 : i1 to vector<16xi1>
      %reduce_max3A_3649 = arith.constant -2147483648 : i32
      %reduce_max3A_3650 = vector.broadcast %reduce_max3A_3649 : i32 to vector<16xi32>
      %reduce_max3A_3651 = arith.xori %add3A_3646, %reduce_max3A_3650 : vector<16xi32>
      %reduce_max3A_3652 = tpu.scan <max>, %reduce_max3A_3651 masked %reduce_max3A_3648 : vector<16xi32>, vector<16xi1> -> vector<16xi32>
      %reduce_max3A_3653 = arith.xori %reduce_max3A_3652, %reduce_max3A_3650 : vector<16xi32>
      %reduce_max3A_3654 = vector.extract %reduce_max3A_3653[15] : i32 from vector<16xi32>
      %add3A_3655 = vector.broadcast %reduce_max3A_3654 : i32 to vector<16xi32>
      %add3A_3656 = arith.addi %broadcast_in_dim3A_1, %add3A_3655 : vector<16xi32>
      %add3A_3657 = vector.broadcast %squeeze3A_3606 : i32 to vector<16xi32>
      %add3A_3658 = arith.addi %broadcast_in_dim3A_1, %add3A_3657 : vector<16xi32>
      tpu.vector_store_idx %arg10[%add3A_3656], %add3A_3658 masked %eq3A_5 : memref<64xi32, #tpu.memory_space<vmem>>[vector<16xi32>], vector<16xi32>, vector<16xi1>
      %slice3A_3659 = vector.extract_strided_slice %get3A_140 {offsets = [14], sizes = [1], strides = [1]} : vector<16xi32> to vector<1xi32>
      %squeeze3A_3660 = vector.extract %slice3A_3659[0] : i32 from vector<1xi32>
      %slice3A_3661 = vector.extract_strided_slice %get3A_148 {offsets = [14], sizes = [1], strides = [1]} : vector<16xi32> to vector<1xi32>
      %squeeze3A_3662 = vector.extract %slice3A_3661[0] : i32 from vector<1xi32>
      %gt3A_3663 = vector.broadcast %squeeze3A_3660 : i32 to vector<16xi32>
      %gt3A_3664 = arith.cmpi sgt, %get3A_134, %gt3A_3663 : vector<16xi32>
      %eq3A_3665 = vector.broadcast %squeeze3A_3660 : i32 to vector<16xi32>
      %eq3A_3666 = arith.cmpi eq, %get3A_134, %eq3A_3665 : vector<16xi32>
      %lt3A_3667 = vector.broadcast %squeeze3A_3662 : i32 to vector<16xi32>
      %lt3A_3668 = arith.cmpi slt, %get3A_142, %lt3A_3667 : vector<16xi32>
      %and3A_3669 = arith.andi %eq3A_3666, %lt3A_3668 : vector<16xi1>
      %or3A_3670 = arith.ori %gt3A_3664, %and3A_3669 : vector<16xi1>
      %all_reduce_population_count3A_3671 = tpu.all_reduce %or3A_3670 {dim = 0 : i64, kind = #tpu.reduction_kind<sum>} : vector<16xi1> -> vector<16xi32>
      %add3A_3672 = arith.addi %broadcast_in_dim3A_1, %all_reduce_population_count3A_3671 : vector<16xi32>
      %gt3A_3673 = vector.broadcast %squeeze3A_3660 : i32 to vector<16xi32>
      %gt3A_3674 = arith.cmpi sgt, %get3A_136, %gt3A_3673 : vector<16xi32>
      %eq3A_3675 = vector.broadcast %squeeze3A_3660 : i32 to vector<16xi32>
      %eq3A_3676 = arith.cmpi eq, %get3A_136, %eq3A_3675 : vector<16xi32>
      %lt3A_3677 = vector.broadcast %squeeze3A_3662 : i32 to vector<16xi32>
      %lt3A_3678 = arith.cmpi slt, %get3A_144, %lt3A_3677 : vector<16xi32>
      %and3A_3679 = arith.andi %eq3A_3676, %lt3A_3678 : vector<16xi1>
      %or3A_3680 = arith.ori %gt3A_3674, %and3A_3679 : vector<16xi1>
      %all_reduce_population_count3A_3681 = tpu.all_reduce %or3A_3680 {dim = 0 : i64, kind = #tpu.reduction_kind<sum>} : vector<16xi1> -> vector<16xi32>
      %add3A_3682 = arith.addi %add3A_3672, %all_reduce_population_count3A_3681 : vector<16xi32>
      %gt3A_3683 = vector.broadcast %squeeze3A_3660 : i32 to vector<16xi32>
      %gt3A_3684 = arith.cmpi sgt, %get3A_138, %gt3A_3683 : vector<16xi32>
      %eq3A_3685 = vector.broadcast %squeeze3A_3660 : i32 to vector<16xi32>
      %eq3A_3686 = arith.cmpi eq, %get3A_138, %eq3A_3685 : vector<16xi32>
      %lt3A_3687 = vector.broadcast %squeeze3A_3662 : i32 to vector<16xi32>
      %lt3A_3688 = arith.cmpi slt, %get3A_146, %lt3A_3687 : vector<16xi32>
      %and3A_3689 = arith.andi %eq3A_3686, %lt3A_3688 : vector<16xi1>
      %or3A_3690 = arith.ori %gt3A_3684, %and3A_3689 : vector<16xi1>
      %all_reduce_population_count3A_3691 = tpu.all_reduce %or3A_3690 {dim = 0 : i64, kind = #tpu.reduction_kind<sum>} : vector<16xi1> -> vector<16xi32>
      %add3A_3692 = arith.addi %add3A_3682, %all_reduce_population_count3A_3691 : vector<16xi32>
      %gt3A_3693 = vector.broadcast %squeeze3A_3660 : i32 to vector<16xi32>
      %gt3A_3694 = arith.cmpi sgt, %get3A_140, %gt3A_3693 : vector<16xi32>
      %eq3A_3695 = vector.broadcast %squeeze3A_3660 : i32 to vector<16xi32>
      %eq3A_3696 = arith.cmpi eq, %get3A_140, %eq3A_3695 : vector<16xi32>
      %lt3A_3697 = vector.broadcast %squeeze3A_3662 : i32 to vector<16xi32>
      %lt3A_3698 = arith.cmpi slt, %get3A_148, %lt3A_3697 : vector<16xi32>
      %and3A_3699 = arith.andi %eq3A_3696, %lt3A_3698 : vector<16xi1>
      %or3A_3700 = arith.ori %gt3A_3694, %and3A_3699 : vector<16xi1>
      %all_reduce_population_count3A_3701 = tpu.all_reduce %or3A_3700 {dim = 0 : i64, kind = #tpu.reduction_kind<sum>} : vector<16xi1> -> vector<16xi32>
      %add3A_3702 = arith.addi %add3A_3692, %all_reduce_population_count3A_3701 : vector<16xi32>
      %reduce_max3A_3703 = arith.constant true
      %reduce_max3A_3704 = vector.broadcast %reduce_max3A_3703 : i1 to vector<16xi1>
      %reduce_max3A_3705 = arith.constant -2147483648 : i32
      %reduce_max3A_3706 = vector.broadcast %reduce_max3A_3705 : i32 to vector<16xi32>
      %reduce_max3A_3707 = arith.xori %add3A_3702, %reduce_max3A_3706 : vector<16xi32>
      %reduce_max3A_3708 = tpu.scan <max>, %reduce_max3A_3707 masked %reduce_max3A_3704 : vector<16xi32>, vector<16xi1> -> vector<16xi32>
      %reduce_max3A_3709 = arith.xori %reduce_max3A_3708, %reduce_max3A_3706 : vector<16xi32>
      %reduce_max3A_3710 = vector.extract %reduce_max3A_3709[15] : i32 from vector<16xi32>
      %add3A_3711 = vector.broadcast %reduce_max3A_3710 : i32 to vector<16xi32>
      %add3A_3712 = arith.addi %broadcast_in_dim3A_1, %add3A_3711 : vector<16xi32>
      %add3A_3713 = vector.broadcast %squeeze3A_3662 : i32 to vector<16xi32>
      %add3A_3714 = arith.addi %broadcast_in_dim3A_1, %add3A_3713 : vector<16xi32>
      tpu.vector_store_idx %arg10[%add3A_3712], %add3A_3714 masked %eq3A_5 : memref<64xi32, #tpu.memory_space<vmem>>[vector<16xi32>], vector<16xi32>, vector<16xi1>
      %slice3A_3715 = vector.extract_strided_slice %get3A_140 {offsets = [15], sizes = [1], strides = [1]} : vector<16xi32> to vector<1xi32>
      %squeeze3A_3716 = vector.extract %slice3A_3715[0] : i32 from vector<1xi32>
      %slice3A_3717 = vector.extract_strided_slice %get3A_148 {offsets = [15], sizes = [1], strides = [1]} : vector<16xi32> to vector<1xi32>
      %squeeze3A_3718 = vector.extract %slice3A_3717[0] : i32 from vector<1xi32>
      %gt3A_3719 = vector.broadcast %squeeze3A_3716 : i32 to vector<16xi32>
      %gt3A_3720 = arith.cmpi sgt, %get3A_134, %gt3A_3719 : vector<16xi32>
      %eq3A_3721 = vector.broadcast %squeeze3A_3716 : i32 to vector<16xi32>
      %eq3A_3722 = arith.cmpi eq, %get3A_134, %eq3A_3721 : vector<16xi32>
      %lt3A_3723 = vector.broadcast %squeeze3A_3718 : i32 to vector<16xi32>
      %lt3A_3724 = arith.cmpi slt, %get3A_142, %lt3A_3723 : vector<16xi32>
      %and3A_3725 = arith.andi %eq3A_3722, %lt3A_3724 : vector<16xi1>
      %or3A_3726 = arith.ori %gt3A_3720, %and3A_3725 : vector<16xi1>
      %all_reduce_population_count3A_3727 = tpu.all_reduce %or3A_3726 {dim = 0 : i64, kind = #tpu.reduction_kind<sum>} : vector<16xi1> -> vector<16xi32>
      %add3A_3728 = arith.addi %broadcast_in_dim3A_1, %all_reduce_population_count3A_3727 : vector<16xi32>
      %gt3A_3729 = vector.broadcast %squeeze3A_3716 : i32 to vector<16xi32>
      %gt3A_3730 = arith.cmpi sgt, %get3A_136, %gt3A_3729 : vector<16xi32>
      %eq3A_3731 = vector.broadcast %squeeze3A_3716 : i32 to vector<16xi32>
      %eq3A_3732 = arith.cmpi eq, %get3A_136, %eq3A_3731 : vector<16xi32>
      %lt3A_3733 = vector.broadcast %squeeze3A_3718 : i32 to vector<16xi32>
      %lt3A_3734 = arith.cmpi slt, %get3A_144, %lt3A_3733 : vector<16xi32>
      %and3A_3735 = arith.andi %eq3A_3732, %lt3A_3734 : vector<16xi1>
      %or3A_3736 = arith.ori %gt3A_3730, %and3A_3735 : vector<16xi1>
      %all_reduce_population_count3A_3737 = tpu.all_reduce %or3A_3736 {dim = 0 : i64, kind = #tpu.reduction_kind<sum>} : vector<16xi1> -> vector<16xi32>
      %add3A_3738 = arith.addi %add3A_3728, %all_reduce_population_count3A_3737 : vector<16xi32>
      %gt3A_3739 = vector.broadcast %squeeze3A_3716 : i32 to vector<16xi32>
      %gt3A_3740 = arith.cmpi sgt, %get3A_138, %gt3A_3739 : vector<16xi32>
      %eq3A_3741 = vector.broadcast %squeeze3A_3716 : i32 to vector<16xi32>
      %eq3A_3742 = arith.cmpi eq, %get3A_138, %eq3A_3741 : vector<16xi32>
      %lt3A_3743 = vector.broadcast %squeeze3A_3718 : i32 to vector<16xi32>
      %lt3A_3744 = arith.cmpi slt, %get3A_146, %lt3A_3743 : vector<16xi32>
      %and3A_3745 = arith.andi %eq3A_3742, %lt3A_3744 : vector<16xi1>
      %or3A_3746 = arith.ori %gt3A_3740, %and3A_3745 : vector<16xi1>
      %all_reduce_population_count3A_3747 = tpu.all_reduce %or3A_3746 {dim = 0 : i64, kind = #tpu.reduction_kind<sum>} : vector<16xi1> -> vector<16xi32>
      %add3A_3748 = arith.addi %add3A_3738, %all_reduce_population_count3A_3747 : vector<16xi32>
      %gt3A_3749 = vector.broadcast %squeeze3A_3716 : i32 to vector<16xi32>
      %gt3A_3750 = arith.cmpi sgt, %get3A_140, %gt3A_3749 : vector<16xi32>
      %eq3A_3751 = vector.broadcast %squeeze3A_3716 : i32 to vector<16xi32>
      %eq3A_3752 = arith.cmpi eq, %get3A_140, %eq3A_3751 : vector<16xi32>
      %lt3A_3753 = vector.broadcast %squeeze3A_3718 : i32 to vector<16xi32>
      %lt3A_3754 = arith.cmpi slt, %get3A_148, %lt3A_3753 : vector<16xi32>
      %and3A_3755 = arith.andi %eq3A_3752, %lt3A_3754 : vector<16xi1>
      %or3A_3756 = arith.ori %gt3A_3750, %and3A_3755 : vector<16xi1>
      %all_reduce_population_count3A_3757 = tpu.all_reduce %or3A_3756 {dim = 0 : i64, kind = #tpu.reduction_kind<sum>} : vector<16xi1> -> vector<16xi32>
      %add3A_3758 = arith.addi %add3A_3748, %all_reduce_population_count3A_3757 : vector<16xi32>
      %reduce_max3A_3759 = arith.constant true
      %reduce_max3A_3760 = vector.broadcast %reduce_max3A_3759 : i1 to vector<16xi1>
      %reduce_max3A_3761 = arith.constant -2147483648 : i32
      %reduce_max3A_3762 = vector.broadcast %reduce_max3A_3761 : i32 to vector<16xi32>
      %reduce_max3A_3763 = arith.xori %add3A_3758, %reduce_max3A_3762 : vector<16xi32>
      %reduce_max3A_3764 = tpu.scan <max>, %reduce_max3A_3763 masked %reduce_max3A_3760 : vector<16xi32>, vector<16xi1> -> vector<16xi32>
      %reduce_max3A_3765 = arith.xori %reduce_max3A_3764, %reduce_max3A_3762 : vector<16xi32>
      %reduce_max3A_3766 = vector.extract %reduce_max3A_3765[15] : i32 from vector<16xi32>
      %add3A_3767 = vector.broadcast %reduce_max3A_3766 : i32 to vector<16xi32>
      %add3A_3768 = arith.addi %broadcast_in_dim3A_1, %add3A_3767 : vector<16xi32>
      %add3A_3769 = vector.broadcast %squeeze3A_3718 : i32 to vector<16xi32>
      %add3A_3770 = arith.addi %broadcast_in_dim3A_1, %add3A_3769 : vector<16xi32>
      tpu.vector_store_idx %arg10[%add3A_3768], %add3A_3770 masked %eq3A_5 : memref<64xi32, #tpu.memory_space<vmem>>[vector<16xi32>], vector<16xi32>, vector<16xi1>
      "tpu.region"() ({
        %run_scoped3A = tpu.sem_alloc : memref<!tpu.dma_semaphore, #tpu.memory_space<semaphore_mem>>
        %dma_start3A = arith.constant 0 : i32
        %dma_start3A_3771 = tpu.memref_slice %arg3[%add3A_14, %dma_start3A] : memref<1024x32768xf32, #tpu.memory_space<hbm>> -> memref<1x32768xf32, #tpu.memory_space<hbm>>
        %dma_start3A_3772 = tpu.memref_squeeze %dma_start3A_3771 : memref<1x32768xf32, #tpu.memory_space<hbm>> -> memref<32768xf32, #tpu.memory_space<hbm>>
        %dma_start3A_3773 = arith.constant 0 : i32
        %dma_start3A_3774 = tpu.memref_slice %arg3[%add3A_14, %dma_start3A_3773] : memref<1024x32768xf32, #tpu.memory_space<hbm>> -> memref<1x32768xf32, #tpu.memory_space<hbm>>
        %dma_start3A_3775 = tpu.memref_squeeze %dma_start3A_3774 : memref<1x32768xf32, #tpu.memory_space<hbm>> -> memref<32768xf32, #tpu.memory_space<hbm>>
        tpu.enqueue_dma source(%arg5 : memref<32768xf32, #tpu.memory_space<vmem>>) target(%dma_start3A_3775 : memref<32768xf32, #tpu.memory_space<hbm>>) target_semaphore(%run_scoped3A : memref<!tpu.dma_semaphore, #tpu.memory_space<semaphore_mem>>)
        %dma_wait3A = arith.constant 0 : i32
        %dma_wait3A_3776 = tpu.memref_slice %arg3[%add3A_14, %dma_wait3A] : memref<1024x32768xf32, #tpu.memory_space<hbm>> -> memref<1x32768xf32, #tpu.memory_space<hbm>>
        %dma_wait3A_3777 = tpu.memref_squeeze %dma_wait3A_3776 : memref<1x32768xf32, #tpu.memory_space<hbm>> -> memref<32768xf32, #tpu.memory_space<hbm>>
        %dma_wait3A_3778 = arith.constant 0 : i32
        %dma_wait3A_3779 = tpu.memref_slice %arg3[%add3A_14, %dma_wait3A_3778] : memref<1024x32768xf32, #tpu.memory_space<hbm>> -> memref<1x32768xf32, #tpu.memory_space<hbm>>
        %dma_wait3A_3780 = tpu.memref_squeeze %dma_wait3A_3779 : memref<1x32768xf32, #tpu.memory_space<hbm>> -> memref<32768xf32, #tpu.memory_space<hbm>>
        tpu.wait_dma2 semaphore(%run_scoped3A : memref<!tpu.dma_semaphore, #tpu.memory_space<semaphore_mem>>) src(%arg5 : memref<32768xf32, #tpu.memory_space<vmem>>) dst(%dma_wait3A_3780 : memref<32768xf32, #tpu.memory_space<hbm>>)
        tpu.yield
      }) : () -> ()
      "tpu.region"() ({
        %run_scoped3A = tpu.sem_alloc : memref<!tpu.dma_semaphore, #tpu.memory_space<semaphore_mem>>
        %dma_start3A = arith.constant 0 : i32
        %dma_start3A_3771 = tpu.memref_slice %arg4[%add3A_14, %dma_start3A] : memref<1024x64xi32, #tpu.memory_space<hbm>> -> memref<1x64xi32, #tpu.memory_space<hbm>>
        %dma_start3A_3772 = tpu.memref_squeeze %dma_start3A_3771 : memref<1x64xi32, #tpu.memory_space<hbm>> -> memref<64xi32, #tpu.memory_space<hbm>>
        %dma_start3A_3773 = arith.constant 0 : i32
        %dma_start3A_3774 = tpu.memref_slice %arg4[%add3A_14, %dma_start3A_3773] : memref<1024x64xi32, #tpu.memory_space<hbm>> -> memref<1x64xi32, #tpu.memory_space<hbm>>
        %dma_start3A_3775 = tpu.memref_squeeze %dma_start3A_3774 : memref<1x64xi32, #tpu.memory_space<hbm>> -> memref<64xi32, #tpu.memory_space<hbm>>
        tpu.enqueue_dma source(%arg10 : memref<64xi32, #tpu.memory_space<vmem>>) target(%dma_start3A_3775 : memref<64xi32, #tpu.memory_space<hbm>>) target_semaphore(%run_scoped3A : memref<!tpu.dma_semaphore, #tpu.memory_space<semaphore_mem>>)
        %dma_wait3A = arith.constant 0 : i32
        %dma_wait3A_3776 = tpu.memref_slice %arg4[%add3A_14, %dma_wait3A] : memref<1024x64xi32, #tpu.memory_space<hbm>> -> memref<1x64xi32, #tpu.memory_space<hbm>>
        %dma_wait3A_3777 = tpu.memref_squeeze %dma_wait3A_3776 : memref<1x64xi32, #tpu.memory_space<hbm>> -> memref<64xi32, #tpu.memory_space<hbm>>
        %dma_wait3A_3778 = arith.constant 0 : i32
        %dma_wait3A_3779 = tpu.memref_slice %arg4[%add3A_14, %dma_wait3A_3778] : memref<1024x64xi32, #tpu.memory_space<hbm>> -> memref<1x64xi32, #tpu.memory_space<hbm>>
        %dma_wait3A_3780 = tpu.memref_squeeze %dma_wait3A_3779 : memref<1x64xi32, #tpu.memory_space<hbm>> -> memref<64xi32, #tpu.memory_space<hbm>>
        tpu.wait_dma2 semaphore(%run_scoped3A : memref<!tpu.dma_semaphore, #tpu.memory_space<semaphore_mem>>) src(%arg10 : memref<64xi32, #tpu.memory_space<vmem>>) dst(%dma_wait3A_3780 : memref<64xi32, #tpu.memory_space<hbm>>)
        tpu.yield
      }) : () -> ()
    }
    %scan3A_10 = arith.constant 32 : i32
    return
  }
}

</mosaic_0001>

<sc_bundles>
// kernel: _run.3.cloned.1.call-start
scs
__scs_entry_jumppad:
0x0: {  	(pc) =	sbr.rel $0x88, $3  }
0x1: {  	(tag) =	ssettag $0x0;
	lr =	simm.s32 $0x1  }
0x2: {  	[smem:$0x3FA0] =	sst lr;
	_ =	strace $0xD0000000  }
0x3: {  	_ = 	snop  }
0x4: {  	_ = 	snop  }
0x5: {  	_ = 	snop  }
0x6: {  	_ = 	snop  }
0x7: {  	_ = 	snop  }
__scs_overlays_trampoline_lowered:
0x8: {  	[smem:$0x3FAF] =	sst s0  }
0x9: {  	[smem:$0x3FB0] =	sst s1  }
0xa: {  	[smem:$0x3FB1] =	sst s2  }
0xb: {  	[smem:$0x3FB2] =	sst s3  }
0xc: {  	[smem:$0x3FB3] =	sst s4  }
0xd: {  	[smem:$0x3FB4] =	sst s5  }
0xe: {  	[smem:$0x3FB5] =	sst s6  }
0xf: {  	[smem:$0x3FB6] =	sst s7  }
0x10: {  	[smem:$0x3FB7] =	sst s8  }
0x11: {  	[smem:$0x3FB8] =	sst s9;
	s0 =	simm.s32 @!p0 $0x0  }
0x12: {  	s1 =	sld [smem:$0x3F9E];
	s0 =	simm.s32 @p0 $0x1  }
0x13: {  	[smem:$0x3FB9] =	sst s0;
	s0 =	simm.s32 @!p1 $0x0  }
0x14: {  	s2 =	sld [smem:$0x3F9D];
	s0 =	simm.s32 @p1 $0x1  }
0x15: {  	[smem:$0x3FBA] =	sst s0;
	s0 =	simm.s32 @!p2 $0x0  }
0x16: {  	s3 =	sld [smem:$0x3FDB];
	s0 =	simm.s32 @p2 $0x1  }
0x17: {  	s4 =	simm.s32 $0x1BF5;
	[smem:$0x3FBC] =	sst s0  }
0x18: {  	s0 =	sld [smem:$0x3F9F];
	_ =	swait.ge [sflag:s4], $0x0  }
0x19: {  	s7 =	sld [smem:$0x3FA0]  }
0x1a: {  	s8 =	sadd.s32 $0xFFFFE003, lr  }
0x1b: {  	s9 =	sadd.s32 $0xFFFFFEF7, lr;
	s5 =	simm.s32 $0xFFFFFFFF;
	p2 =	slt.u32 s8, $0xFFFFF086  }
0x1c: {  	p1 =	slt.u32 s9, $0xF7A;
	s5 =	simm.s32 @!p2 $0x0  }
0x1d: {  	s5 =	simm.s32 @p1 $0x1;
	p0 =	seq.s32 s7, s2  }
0x1e: {  	s7 =	smul.u32 @!p0 $0xF7A, s2;
	p2 =	seq.s32 @!p0 s5, $0x0  }
0x1f: {  	s9 =	smul.u32 $0xF7A, s1;
	s8 =	simm.s32 @!p0 $0x1BF5;
	p2 =	por !p2, p0  }
0x20: {  	[sflag:s8] =	ssyncset.s32 @!p0 $0xFFFFF086;
	s6 =	sadd.s32 @!p0 s3, s7;
	s7 =	simm.s32 @!p0 $0x108  }
0x21: {  	s3 =	sadd.s32 s3, s9;
	s6 =	sadd.s32 @!p0 $0x88, s6;
	s7 =	simm.s32 @p2 $0x1082  }
0x22: {  	[simem:s7], [sflag:s8] =	dma.local @!p0 [hbm:s6], $0xF7A  }
0x23: {  	s9 =	sor.u32 $0xD0000000, s2;
	s6 =	simm.s32 $0x108;
	_ =	swait.ge @!p0 [sflag:s8], $0x0  }
0x24: {  	s3 =	sadd.s32 $0x88, s3;
	s6 =	simm.s32 @!p1 $0x1082;
	[sflag:s4] =	ssyncset.s32 $0xFFFFF086  }
0x25: {  	[simem:s6], [sflag:s4] =	dma.local [hbm:s3], $0xF7A  }
0x26: {  	[smem:$0x3FA0] =	sst s1;
	(tag) =	ssettag s2;
	_ =	strace s9  }
0x27: {  	s1 =	sld [smem:$0x3FB0]  }
0x28: {  	s2 =	sld [smem:$0x3FB1]  }
0x29: {  	s4 =	sld [smem:$0x3FB3]  }
0x2a: {  	p0 =	seq.s32 s5, $0x0;
	s5 =	sld [smem:$0x3FB4]  }
0x2b: {  	s6 =	sld [smem:$0x3FB5]  }
0x2c: {  	s7 =	sld [smem:$0x3FB6]  }
0x2d: {  	s3 =	simm.s32 $0x108;
	s8 =	sld [smem:$0x3FB7]  }
0x2e: {  	s3 =	simm.s32 @!p0 $0x1082;
	s9 =	sld [smem:$0x3FB8]  }
0x2f: {  	lr =	sadd.s32 s0, s3;
	s0 =	sld [smem:$0x3FAF]  }
0x30: {  	s3 =	sld [smem:$0x3FB2]  }
0x31: {  	[smem:$0x3FBB] =	sst s10  }
0x32: {  	s10 =	sld [smem:$0x3FB9];
	_ =	sdelay $0x3  }
0x33: {  	p0 =	seq.s32 s10, $0x1;
	s10 =	sld [smem:$0x3FBB];
	_ =	sdelay $0x3  }
0x34: {  	[smem:$0x3FBB] =	sst s10  }
0x35: {  	s10 =	sld [smem:$0x3FBA];
	_ =	sdelay $0x3  }
0x36: {  	p1 =	seq.s32 s10, $0x1;
	s10 =	sld [smem:$0x3FBB];
	_ =	sdelay $0x3  }
0x37: {  	[smem:$0x3FBB] =	sst s10  }
0x38: {  	s10 =	sld [smem:$0x3FBC]  }
0x39: {  	_ = 	snop;
	(pc) =	sbr.ind lr, $3  }
0x3a: {  	_ = 	snop  }
0x3b: {  	_ = 	snop  }
0x3c: {  	p2 =	seq.s32 s10, $0x1;
	s10 =	sld [smem:$0x3FBB]  }
0x3d: {  	_ =	shalt  }
0x3e: {  	_ =	shalt  }
0x3f: {  	_ =	shalt  }
0x40: {  	_ =	shalt  }
0x41: {  	_ =	shalt  }
0x42: {  	_ =	shalt  }
0x43: {  	_ =	shalt  }
0x44: {  	_ =	shalt  }
0x45: {  	_ =	shalt  }
0x46: {  	_ =	shalt  }
0x47: {  	_ =	shalt  }
0x48: {  	_ =	shalt  }
0x49: {  	_ =	shalt  }
0x4a: {  	_ =	shalt  }
0x4b: {  	_ =	shalt  }
0x4c: {  	_ =	shalt  }
0x4d: {  	_ =	shalt  }
0x4e: {  	_ =	shalt  }
0x4f: {  	_ =	shalt  }
0x50: {  	_ =	shalt  }
0x51: {  	_ =	shalt  }
0x52: {  	_ =	shalt  }
0x53: {  	_ =	shalt  }
0x54: {  	_ =	shalt  }
0x55: {  	_ =	shalt  }
0x56: {  	_ =	shalt  }
0x57: {  	_ =	shalt  }
0x58: {  	_ =	shalt  }
0x59: {  	_ =	shalt  }
0x5a: {  	_ =	shalt  }
0x5b: {  	_ =	shalt  }
0x5c: {  	_ =	shalt  }
0x5d: {  	_ =	shalt  }
0x5e: {  	_ =	shalt  }
0x5f: {  	_ =	shalt  }
0x60: {  	_ =	shalt  }
0x61: {  	_ =	shalt  }
0x62: {  	_ =	shalt  }
0x63: {  	_ =	shalt  }
0x64: {  	_ =	shalt  }
0x65: {  	_ =	shalt  }
0x66: {  	_ =	shalt  }
0x67: {  	_ =	shalt  }
0x68: {  	_ =	shalt  }
0x69: {  	_ =	shalt  }
0x6a: {  	_ =	shalt  }
0x6b: {  	_ =	shalt  }
0x6c: {  	_ =	shalt  }
0x6d: {  	_ =	shalt  }
0x6e: {  	_ =	shalt  }
0x6f: {  	_ =	shalt  }
0x70: {  	_ =	shalt  }
0x71: {  	_ =	shalt  }
0x72: {  	_ =	shalt  }
0x73: {  	_ =	shalt  }
0x74: {  	_ =	shalt  }
0x75: {  	_ =	shalt  }
0x76: {  	_ =	shalt  }
0x77: {  	_ =	shalt  }
0x78: {  	_ =	shalt  }
0x79: {  	_ =	shalt  }
0x7a: {  	_ =	shalt  }
0x7b: {  	_ =	shalt  }
0x7c: {  	_ =	shalt  }
0x7d: {  	_ =	shalt  }
0x7e: {  	_ =	shalt  }
0x7f: {  	_ =	shalt  }
0x80: {  	_ =	shalt  }
0x81: {  	_ =	shalt  }
0x82: {  	_ =	shalt  }
0x83: {  	_ =	shalt  }
0x84: {  	_ =	shalt  }
0x85: {  	_ =	shalt  }
0x86: {  	_ =	shalt  }
0x87: {  	_ =	shalt  }
.Lfunc_end0:
.L_simem_size_0:
called_computation_lowered:
.L_overlay_start_0:
0x88: {  	s2 =	sld [smem:$0x3FD9]  }
0x89: {  	s3 =	sld [smem:$0x3FFE];
	_ =	sdelay $0x1  }
0x8a: {  	s1 =	srdreg.scid  }
0x8b: {  	s0 =	sand.u32 $0x1, s1  }
0x8c: {  	s14 =	sshll.u32 s0, $0xA;
	s2 =	sadd.s32 s3, s2  }
0x8d: {  	s2 =	sadd.s32 s2, s14  }
0x8e: {  	[smem:$0x3FC7] =	sst s2  }
0x8f: {  	_ = 	snop  }
0x90: {  	s2 =	sld [smem:$0x3FD0];
	_ =	sdelay $0x2  }
0x91: {  	s4 =	simm.s32 $0xA;
	s5 =	simm.s32 $0x10;
	s15 =	sld [smem:$0x3FC9]  }
0x92: {  	[smem:s5], [sflag:s4] =	dma.local [hbm:s2], $0x1  }
0x93: {  	_ =	swait.eq [sflag:s4], $0x1  }
0x94: {  	[sflag:s4] =	ssyncset.done $0x0  }
0x95: {  	[sflag:s4] =	ssyncadd.s32 $0xFFFFFFFF  }
0x96: {  	s16 =	sld [smem:$0x10];
	(tm) =	ssettm $0x1  }
0x97: {  	s17 =	sld [smem:$0x3FFB];
	_ =	sdelay $0x3  }
0x98: {  	_ =	strace s17  }
0x99: {  	s4 =	sld [smem:$0x3FFC];
	_ =	sdelay $0x3  }
0x9a: {  	_ =	strace s4  }
0x9b: {  	s4 =	sld [smem:$0x3FFD];
	_ =	sdelay $0x3  }
0x9c: {  	_ =	strace s4  }
0x9d: {  	_ =	strace $0x8FFFFFFF  }
0x9e: {  	s18 =	sld [smem:$0x3FDB];
	_ =	sdelay $0x1  }
0x9f: {  	s19 =	simm.s32 $_scs_section_size  }
0xa0: {  	s6 =	simm.s32 $_size__tile_overlayer_lowered;
	s7 =	simm.s32 $_tile_overlayer_lowered  }
0xa1: {  	s22 =	simm.s32 $0x1BFF;
	s21 =	sshll.u32 s7, $0x1;
	s4 =	sadd.s32 s19, s18  }
0xa2: {  	s8 =	simm.s32 $0x0;
	s20 =	sshll.u32 s6, $0x1;
	s6 =	sadd.s32 s21, s4  }
0xa3: {  	[timem:s8], [sflag:s22] =	dma.local [hbm:s6], s20  }
0xa4: {  	_ =	swait.ge [sflag:s22], s20  }
0xa5: {  	s5 =	ssub.s32 $0x0, s20;
	[sflag:s22] =	ssyncset.done $0x0  }
0xa6: {  	[sflag:s22] =	ssyncadd.s32 s5;
	_ =	sdelay $0x1  }
0xa7: {  	s23 =	simm.s32 $0x1B8B  }
0xa8: {  	_ =	swait.ge [sflag:s23], $0x1  }
0xa9: {  	[sflag:s23] =	ssyncset.done $0x0  }
0xaa: {  	s25 =	simm.s32 $0x1B8E;
	s24 =	sld [smem:$0x3FFE];
	[sflag:s23] =	ssyncadd.s32 $0xFFFFFFFF  }
0xab: {  	s26 =	simm.s32 $execute0_lowered;
	[smem:$0x3FD2] =	sst s25  }
0xac: {  	s6 =	sshll.u32 s26, $0x1;
	_ =	strace $0x80000046;
	[dreg:$0x1] =	wrdreg $0xFFFFFFFF  }
0xad: {  	s28 =	simm.s32 $_size_execute0_lowered;
	s4 =	sadd.s32 s4, s6;
	[dreg:$0x0] =	wrdreg $0x0  }
0xae: {  	s6 =	sshll.u32 s28, $0x1;
	[dreg:$0x2] =	wrdreg s4  }
0xaf: {  	[dreg:$0x3] =	wrdreg s6  }
0xb0: {  	[dreg:$0x4] =	wrdreg $0xC0  }
0xb1: {  	_ =	task [dreg:s8], $0x5FFFF  }
0xb2: {  	[dreg:$0x1] =	wrdreg $0xFFFFFFFF  }
0xb3: {  	[dreg:$0x0] =	wrdreg $0x60  }
0xb4: {  	[dreg:$0x2] =	wrdreg s15  }
0xb5: {  	[dreg:$0x3] =	wrdreg s16  }
0xb6: {  	[dreg:$0x4] =	wrdreg s24  }
0xb7: {  	[dreg:$0x5] =	wrdreg $0x9  }
0xb8: {  	_ =	task.clear_ibuf [dreg:s8], $0x6FFFF;
	_ =	strace $0x90000046  }
0xb9: {  	s29 =	simm.s32 $0x9;
	_ =	strace $0x80000048  }
0xba: {  	_ =	swait.ge [sflag:s29], $0x1  }
0xbb: {  	[sflag:s29] =	ssyncadd.s32 $0xFFFFFFFF  }
0xbc: {  	_ =	strace $0x90000048  }
0xbd: {  	_ =	sfence  }
0xbe: {  	s30 =	sld [smem:$0x0];
	_ =	sdelay $0x2  }
0xbf: {  	s31 =	sshll.u32 s1, $0xD;
	s1 =	sshrl.u32 s1, $0x2  }
0xc0: {  	s3 =	sand.u32 $0x4000, s31;
	s1 =	sadd.s32 s1, s30  }
0xc1: {  	s0 =	sor.u32 s3, s0;
	s1 =	sshll.u32 s1, $0x11  }
0xc2: {  	s0 =	sor.u32 s1, s0  }
0xc3: {  	s0 =	sadd.s32 $0x8F2B, s0  }
0xc4: {  	[sflag:s0] =	ssyncadd.remote.s32 $0x1  }
0xc5: {  	_ =	sfence.sel $0xFFFF  }
0xc6: {  	[dreg:$0x0] =	wrdreg $0xFFFFFFFF;
	(pc) =	sbr.abs _section_cstart, $3  }
0xc7: {  	[dreg:$0x1] =	wrdreg $0xFFFFFFFF  }
0xc8: {  	_ =	task.clear_ibuf [dreg:s8], $0x2FFFF;
	_ =	strace $0x9FFFFFFF  }
0xc9: {  	(tm) =	ssettm $0x7FFFFFFF  }
tec
execute0_lowered:
.L_overlay_start_1:
0x0: {  	(tag) =	ssettag $0x1  }
0x1: {  	s0 =	rddreg [dreg:$0x2];
	s3 =	simm.s32 $0x0;
	s1 =	srdreg.scid  }
0x2: {  	s5 =	stileid.u32;
	s10 =	simm.s32 $0x1;
	s11 =	simm.s32 $0x80000000  }
0x3: {  	s12 =	simm.s32 $0x18100;
	s13 =	simm.s32 $0x18180;
	s14 =	simm.s32 $0x18200  }
0x4: {  	[smem:$0x7FF] =	sst s3;
	s1 =	sand.u32 $0x1, s1;
	s5 =	sshll.u32 s5, $0x6  }
.Ltmp0:
0x5: {  	s0 =	sadd.s32 $0x800, s0;
	s2 =	ssub.s32 $0x2, s1;
	(pc) =	sbr.rel .LBB2_1-.Ltmp0, $4  }
0x6: {  	_ =	strace $0x80000047;
	s1 =	sshll.u32 s1, $0x5;
	s4 =	sshrl.u32 s2, $0x1  }
0x7: {  	[dreg:$0x4] =	wrdreg s0;
	s1 =	sor.u32 s1, s5;
	s31 =	ssub.s32 s2, s4  }
0x8: {  	v0 =	vlaneseq.u32;
	v1 =	vimm.f32 $0.0e+00;
	v5 =	vimm.s32 $0x0;
	[dreg:$0x5] =	wrdreg s1;
	s2 =	simm.s32 $0x80;
	s0 =	smax.u32 s31, $0x1  }
0x9: {  	v2 =	vor.u32 $0x10, v0;
	v3 =	vor.u32 $0x20, v0;
	v4 =	vor.u32 $0x30, v0;
	s4 =	simm.s32 $0x400;
	s1 =	simm.s32 $0x0;
	[dreg:$0x6] =	wrdreg s0  }
.LBB2_27:
0xa: {  	s1 =	rddreg [dreg:$0x7]  }
0xb: {  	s0 =	rddreg [dreg:$0x6];
	s1 =	sadd.s32 $0x1, s1  }
0xc: {  	p0 =	sne.s32 s1, s0  }
.Ltmp1:
0xd: {  	_ = 	snop;
	(pc) =	sbr.rel @!p0 .LBB2_28-.Ltmp1, $1  }
0xe: {  	_ =	sdelay $0x3  }
.LBB2_1:
.Ltmp2:
0xf: {  	(pc) =	sbr.rel .LBB2_2-.Ltmp2, $2  }
0x10: {  	_ =	sdelay $0x2  }
0x11: {  	[dreg:$0x7] =	wrdreg s1;
	s16 =	simm.s32 $0x0  }
.LBB2_20:
0x12: {  	s4 =	simm.s32 $0x0;
	v10 =	vimm.s32 $0x0;
	s2 =	simm.s32 $0x10080  }
.LBB2_25:
0x13: {  	s4 =	sadd.s32 @p0 $0x10, s4  }
0x14: {  	s0 =	smov.u32 @p0 s4  }
0x15: {  	v12 =	vor.u32 s0, v0  }
0x16: {  	vm1 =	veq.s32 v9, v7;
	vm0 =	vlt.s32 v12, v6  }
0x17: {  	vm1 =	vmand vm0, vm1  }
0x18: {  	v6 =	vsel vm1, $0x1, v5  }
0x19: {  	(xrf0) =	vadd.scan.msk.s32 $0xffff, v6;
	_ =	sdelay $0x5  }
0x1a: {  	v6, _, _ =	vpop (xrf0)  }
0x1b: {  	v6 =	vadd.s32 v6, v11  }
0x1c: {  	v6 =	vadd.s32 $0xFFFFFFFF, v6  }
0x1d: {  	vm2 =	vgt.s32 v9, v7;
	vm3 =	vlt.s32 v6, v8  }
0x1e: {  	vm0 =	vmand vm0, vm2;
	vm1 =	vmand vm1, vm3  }
0x1f: {  	vm0 =	vmor vm0, vm1  }
0x20: {  	v6 =	vsel vm0, $0x1, v5  }
0x21: {  	(xrf0) =	vadd.scan.msk.s32 $0xffff, v6;
	_ =	sdelay $0x5  }
0x22: {  	v6, _, _ =	vpop (xrf0)  }
0x23: {  	s0 =	sadd.s32 @p0 $0x10, s2;
	v6 =	vadd.s32 v6, v10  }
0x24: {  	s1 =	smov.u32 @p0 s0;
	v6 =	vadd.s32 $0xFFFFFFFF, v6  }
0x25: {  	v7 =	vld [tilespmem:s1+$0x0];
	_ =	sdelay $0x3  }
0x26: {  	[tilespmem:v6+s12+$0x0] =	vst.idx.msk vm0, v9  }
0x27: {  	[tilespmem:v6+s13+$0x0] =	vst.idx.msk vm0, v7  }
.LBB2_26:
0x28: {  	v12 =	vld [tilespmem:$0x18100]  }
0x29: {  	v16 =	vld [tilespmem:$0x18180];
	_ =	sdelay $0x3  }
0x2a: {  	v10 =	vld [tilespmem:$0x18110]  }
0x2b: {  	v9 =	vld [tilespmem:$0x18120];
	v13 =	vbroadcast v12, $0x0;
	v22 =	vbroadcast v16, $0x0  }
0x2c: {  	v18 =	vld [tilespmem:$0x18190];
	v14 =	vbroadcast v12, $0x1;
	v23 =	vbroadcast v16, $0x1  }
0x2d: {  	v20 =	vld [tilespmem:$0x181A0];
	v56 =	vbroadcast v12, $0x2;
	v24 =	vbroadcast v16, $0x2  }
0x2e: {  	v11 =	vld [tilespmem:$0x18130];
	v57 =	vbroadcast v12, $0x3;
	v6 =	vbroadcast v16, $0x3  }
0x2f: {  	v19 =	vld [tilespmem:$0x181B0];
	v58 =	vbroadcast v12, $0x4;
	v59 =	vbroadcast v12, $0x5  }
0x30: {  	v60 =	vbroadcast v12, $0x6;
	v61 =	vbroadcast v12, $0x7;
	vm0 =	veq.s32 v12, v13  }
0x31: {  	vm1 =	vlt.s32 v16, v22;
	vm2 =	vgt.s32 v12, v13;
	vm13 =	vgt.s32 v10, v13  }
0x32: {  	vm14 =	veq.s32 v10, v13;
	vm3 =	vlt.s32 v18, v22;
	vm4 =	veq.s32 v9, v13  }
0x33: {  	vm5 =	vlt.s32 v20, v22;
	vm15 =	vgt.s32 v9, v13;
	vm7 =	veq.s32 v11, v13  }
0x34: {  	vm8 =	vlt.s32 v19, v22;
	vm9 =	vgt.s32 v11, v13;
	vm10 =	vgt.s32 v12, v14  }
0x35: {  	vm11 =	veq.s32 v12, v14;
	vm12 =	vlt.s32 v16, v23;
	vm0 =	vmand vm0, vm1  }
0x36: {  	vm4 =	vmand vm4, vm5;
	vm0 =	vmor vm2, vm0;
	vm2 =	vmand vm14, vm3  }
0x37: {  	vm6 =	vmor vm15, vm4;
	vm14 =	vlt.s32 v18, v23;
	vm15 =	vgt.s32 v10, v14  }
0x38: {  	v8 =	vmpcnt.ones.xlane vm0;
	vm5 =	vmor vm13, vm2;
	v21 =	vmpcnt.ones.xlane vm6  }
0x39: {  	vm0 =	vmand vm7, vm8;
	vm13 =	veq.s32 v10, v14;
	vm2 =	vmand vm11, vm12  }
0x3a: {  	vm7 =	vgt.s32 v9, v14;
	vm8 =	veq.s32 v9, v14;
	vm11 =	veq.s32 v11, v14  }
0x3b: {  	vm12 =	vlt.s32 v19, v23;
	v15 =	vmpcnt.ones.xlane vm5;
	vm0 =	vmor vm9, vm0  }
0x3c: {  	vm4 =	vmand vm13, vm14;
	vm5 =	vmor vm10, vm2;
	vm9 =	vlt.s32 v20, v23  }
0x3d: {  	vm10 =	vgt.s32 v11, v14;
	vm13 =	veq.s32 v12, v56;
	vm14 =	vlt.s32 v16, v24  }
0x3e: {  	vm2 =	vmand vm11, vm12;
	vm11 =	vlt.s32 v18, v24;
	vm12 =	veq.s32 v9, v56  }
0x3f: {  	v25 =	vmpcnt.ones.xlane vm0;
	vm6 =	vmor vm15, vm4;
	v17 =	vmpcnt.ones.xlane vm5  }
0x40: {  	vm1 =	vmand vm8, vm9;
	vm15 =	vgt.s32 v12, v56;
	vm4 =	vmand vm13, vm14  }
0x41: {  	vm9 =	vgt.s32 v10, v56;
	vm13 =	vlt.s32 v20, v24;
	vm14 =	vgt.s32 v9, v56  }
0x42: {  	vm5 =	vlt.s32 v19, v24;
	v26 =	vmpcnt.ones.xlane vm6;
	vm0 =	vmor vm7, vm1  }
0x43: {  	vm7 =	vmor vm10, vm2;
	vm8 =	vmor vm15, vm4;
	vm10 =	veq.s32 v10, v56  }
0x44: {  	vm2 =	vmand vm12, vm13;
	vm4 =	veq.s32 v11, v56;
	vm6 =	vgt.s32 v11, v56  }
0x45: {  	vm12 =	vlt.s32 v18, v6;
	vm13 =	veq.s32 v9, v57;
	v27 =	vmpcnt.ones.xlane vm0  }
0x46: {  	v28 =	vmpcnt.ones.xlane vm7;
	v32 =	vmpcnt.ones.xlane vm8;
	vm1 =	vmand vm10, vm11  }
0x47: {  	vm15 =	vmor vm14, vm2;
	vm7 =	veq.s32 v12, v57;
	vm8 =	vlt.s32 v16, v6  }
0x48: {  	vm10 =	vgt.s32 v10, v57;
	vm11 =	veq.s32 v10, v57;
	vm14 =	vlt.s32 v20, v6  }
0x49: {  	vm0 =	vmor vm9, vm1;
	v39 =	vmpcnt.ones.xlane vm15;
	vm1 =	vmand vm4, vm5  }
0x4a: {  	vm9 =	vgt.s32 v12, v57;
	vm2 =	vmand vm11, vm12;
	vm15 =	vgt.s32 v9, v57  }
0x4b: {  	vm4 =	vmand vm13, vm14;
	vm11 =	veq.s32 v12, v58;
	vm13 =	veq.s32 v10, v58  }
0x4c: {  	v37 =	vmpcnt.ones.xlane vm0;
	vm0 =	vmor vm6, vm1;
	vm1 =	vmand vm7, vm8  }
0x4d: {  	vm5 =	vmor vm10, vm2;
	vm7 =	veq.s32 v11, v57;
	vm8 =	vlt.s32 v19, v6  }
0x4e: {  	[tilespmem:$0x1FB40] =	vst v6;
	v6 =	vbroadcast v16, $0x4;
	v50 =	vmpcnt.ones.xlane vm0;
	vm0 =	vmor vm9, vm1  }
0x4f: {  	vm9 =	vgt.s32 v11, v57;
	v51 =	vmpcnt.ones.xlane vm0;
	vm0 =	vmand vm7, vm8  }
0x50: {  	vm6 =	vmor vm15, vm4;
	vm12 =	vlt.s32 v16, v6;
	vm0 =	vmor vm9, vm0  }
0x51: {  	vm10 =	vgt.s32 v12, v58;
	vm2 =	vmand vm11, vm12;
	v7 =	vmpcnt.ones.xlane vm0  }
0x52: {  	v63 =	vmpcnt.ones.xlane vm5;
	vm14 =	vlt.s32 v18, v6;
	vm5 =	vmor vm10, vm2  }
0x53: {  	vm15 =	vgt.s32 v10, v58;
	vm4 =	vmand vm13, vm14;
	[tilespmem:$0x1EFB0] =	vst v7;
	v7 =	vmpcnt.ones.xlane vm5  }
0x54: {  	v62 =	vbroadcast v12, $0x8;
	v52 =	vmpcnt.ones.xlane vm6;
	vm6 =	vmor vm15, vm4  }
0x55: {  	vm8 =	veq.s32 v9, v58;
	vm9 =	vlt.s32 v20, v6;
	[tilespmem:$0x1EF80] =	vst v7;
	v7 =	vmpcnt.ones.xlane vm6  }
0x56: {  	vm7 =	vgt.s32 v9, v58;
	vm11 =	veq.s32 v11, v58;
	vm1 =	vmand vm8, vm9  }
0x57: {  	vm12 =	vlt.s32 v19, v6;
	vm0 =	vmor vm7, vm1;
	[tilespmem:$0x1EF90] =	vst v7;
	v7 =	vbroadcast v16, $0x5  }
0x58: {  	[tilespmem:$0x1FB50] =	vst v6;
	vm10 =	vgt.s32 v11, v58;
	vm2 =	vmand vm11, vm12;
	v6 =	vmpcnt.ones.xlane vm0  }
0x59: {  	vm13 =	veq.s32 v12, v59;
	vm7 =	vmor vm10, vm2;
	vm14 =	vlt.s32 v16, v7  }
0x5a: {  	vm15 =	vgt.s32 v12, v59;
	[tilespmem:$0x1EFA0] =	vst v6;
	v6 =	vmpcnt.ones.xlane vm7;
	vm4 =	vmand vm13, vm14  }
0x5b: {  	vm10 =	veq.s32 v10, v59;
	vm11 =	vlt.s32 v18, v7;
	vm8 =	vmor vm15, vm4  }
0x5c: {  	vm9 =	vgt.s32 v10, v59;
	[tilespmem:$0x1EFC0] =	vst v6;
	vm1 =	vmand vm10, vm11;
	v6 =	vmpcnt.ones.xlane vm8  }
0x5d: {  	v29 =	vbroadcast v12, $0x9;
	v30 =	vbroadcast v12, $0xA;
	vm0 =	vmor vm9, vm1  }
0x5e: {  	vm12 =	veq.s32 v9, v59;
	vm13 =	vlt.s32 v20, v7;
	[tilespmem:$0x1EFE0] =	vst v6;
	v6 =	vmpcnt.ones.xlane vm0  }
0x5f: {  	vm5 =	vlt.s32 v19, v7;
	vm14 =	vgt.s32 v9, v59;
	vm2 =	vmand vm12, vm13  }
0x60: {  	vm4 =	veq.s32 v11, v59;
	vm15 =	vmor vm14, vm2;
	[tilespmem:$0x1EFF0] =	vst v6;
	v6 =	vbroadcast v16, $0x6  }
0x61: {  	vm6 =	vgt.s32 v11, v59;
	[tilespmem:$0x1FBA0] =	vst v7;
	vm1 =	vmand vm4, vm5;
	v7 =	vmpcnt.ones.xlane vm15  }
0x62: {  	vm7 =	veq.s32 v12, v60;
	vm0 =	vmor vm6, vm1;
	vm8 =	vlt.s32 v16, v6  }
0x63: {  	vm9 =	vgt.s32 v12, v60;
	[tilespmem:$0x1F020] =	vst v7;
	v7 =	vmpcnt.ones.xlane vm0;
	vm1 =	vmand vm7, vm8  }
0x64: {  	vm11 =	veq.s32 v10, v60;
	vm12 =	vlt.s32 v18, v6;
	vm0 =	vmor vm9, vm1  }
0x65: {  	vm10 =	vgt.s32 v10, v60;
	[tilespmem:$0x1F040] =	vst v7;
	vm2 =	vmand vm11, vm12;
	v7 =	vmpcnt.ones.xlane vm0  }
0x66: {  	vm13 =	veq.s32 v9, v60;
	vm14 =	vlt.s32 v20, v6;
	vm5 =	vmor vm10, vm2  }
0x67: {  	vm15 =	vgt.s32 v9, v60;
	vm4 =	vmand vm13, vm14;
	[tilespmem:$0x1F000] =	vst v7;
	v7 =	vmpcnt.ones.xlane vm5  }
0x68: {  	v31 =	vbroadcast v12, $0xB;
	v33 =	vbroadcast v12, $0xC;
	vm6 =	vmor vm15, vm4  }
0x69: {  	v34 =	vbroadcast v12, $0xD;
	[tilespmem:$0x1F010] =	vst v7;
	v7 =	vmpcnt.ones.xlane vm6  }
0x6a: {  	v35 =	vbroadcast v12, $0xE;
	vm7 =	veq.s32 v11, v60;
	vm8 =	vlt.s32 v19, v6  }
0x6b: {  	vm11 =	veq.s32 v12, v61;
	vm13 =	veq.s32 v10, v61;
	[tilespmem:$0x1F030] =	vst v7;
	v7 =	vbroadcast v16, $0x7  }
0x6c: {  	vm9 =	vgt.s32 v11, v60;
	vm10 =	vgt.s32 v12, v61;
	vm0 =	vmand vm7, vm8  }
0x6d: {  	vm15 =	vgt.s32 v10, v61;
	vm0 =	vmor vm9, vm0;
	vm12 =	vlt.s32 v16, v7  }
0x6e: {  	[tilespmem:$0x1FBD0] =	vst v6;
	vm9 =	vgt.s32 v9, v61;
	v6 =	vmpcnt.ones.xlane vm0;
	vm2 =	vmand vm11, vm12  }
0x6f: {  	vm5 =	vgt.s32 v10, v29;
	vm14 =	vlt.s32 v18, v7;
	vm7 =	vmor vm10, vm2  }
0x70: {  	[tilespmem:$0x1F050] =	vst v6;
	vm4 =	vmand vm13, vm14;
	vm11 =	vlt.s32 v20, v7;
	v6 =	vmpcnt.ones.xlane vm7  }
0x71: {  	vm12 =	vgt.s32 v11, v61;
	vm13 =	veq.s32 v11, v61;
	vm8 =	vmor vm15, vm4  }
0x72: {  	vm14 =	vlt.s32 v19, v7;
	vm10 =	veq.s32 v9, v61;
	[tilespmem:$0x1F060] =	vst v6;
	v6 =	vmpcnt.ones.xlane vm8  }
0x73: {  	vm15 =	veq.s32 v12, v62;
	vm2 =	vmand vm13, vm14;
	vm1 =	vmand vm10, vm11  }
0x74: {  	vm13 =	veq.s32 v10, v62;
	vm0 =	vmor vm9, vm1;
	[tilespmem:$0x1F070] =	vst v6;
	v6 =	vbroadcast v16, $0x8  }
0x75: {  	[tilespmem:$0x1FC00] =	vst v7;
	vm10 =	vmor vm12, vm2;
	vm12 =	vgt.s32 v10, v62;
	v7 =	vmpcnt.ones.xlane vm0  }
0x76: {  	vm7 =	vgt.s32 v9, v62;
	vm9 =	vgt.s32 v12, v62;
	vm8 =	vlt.s32 v16, v6  }
0x77: {  	[tilespmem:$0x1F0C0] =	vst v7;
	v7 =	vmpcnt.ones.xlane vm10;
	vm14 =	vlt.s32 v18, v6;
	vm4 =	vmand vm15, vm8  }
0x78: {  	[tilespmem:$0x1FC90] =	vst v6;
	vm6 =	vlt.s32 v20, v6;
	vm10 =	vlt.s32 v19, v6;
	vm11 =	vmor vm9, vm4  }
0x79: {  	[tilespmem:$0x1F0F0] =	vst v7;
	v6 =	vbroadcast v16, $0x9;
	vm1 =	vmand vm13, vm14;
	v7 =	vmpcnt.ones.xlane vm11  }
0x7a: {  	vm15 =	veq.s32 v9, v62;
	vm14 =	vgt.s32 v12, v29;
	vm0 =	vmor vm12, vm1  }
0x7b: {  	vm2 =	vmand vm15, vm6;
	vm9 =	veq.s32 v11, v62;
	[tilespmem:$0x1F080] =	vst v7;
	v7 =	vmpcnt.ones.xlane vm0  }
0x7c: {  	vm12 =	veq.s32 v12, v29;
	vm13 =	vlt.s32 v16, v6;
	vm8 =	vmor vm7, vm2  }
0x7d: {  	vm11 =	vgt.s32 v11, v62;
	vm1 =	vmand vm9, vm10;
	[tilespmem:$0x1F090] =	vst v7;
	v7 =	vmpcnt.ones.xlane vm8  }
0x7e: {  	vm15 =	veq.s32 v10, v29;
	vm4 =	vlt.s32 v18, v6;
	vm0 =	vmor vm11, vm1  }
0x7f: {  	vm6 =	veq.s32 v9, v29;
	vm1 =	vmand vm12, vm13;
	[tilespmem:$0x1F0D0] =	vst v7;
	v7 =	vmpcnt.ones.xlane vm0  }
0x80: {  	vm7 =	vlt.s32 v20, v6;
	vm9 =	vgt.s32 v11, v29;
	vm0 =	vmor vm14, vm1  }
0x81: {  	vm10 =	veq.s32 v11, v29;
	vm1 =	vmand vm15, vm4;
	[tilespmem:$0x1F100] =	vst v7;
	v7 =	vmpcnt.ones.xlane vm0  }
0x82: {  	vm11 =	vlt.s32 v19, v6;
	vm12 =	veq.s32 v12, v30;
	vm0 =	vmor vm5, vm1  }
0x83: {  	vm8 =	vgt.s32 v9, v29;
	vm1 =	vmand vm6, vm7;
	[tilespmem:$0x1F0A0] =	vst v7;
	v7 =	vmpcnt.ones.xlane vm0  }
0x84: {  	[tilespmem:$0x1FCC0] =	vst v6;
	vm2 =	vmand vm10, vm11;
	vm14 =	vgt.s32 v12, v30;
	vm0 =	vmor vm8, vm1  }
0x85: {  	vm15 =	vgt.s32 v10, v30;
	v6 =	vmpcnt.ones.xlane vm0;
	[tilespmem:$0x1F0B0] =	vst v7;
	v7 =	vbroadcast v16, $0xA  }
0x86: {  	vm4 =	veq.s32 v10, v30;
	vm7 =	veq.s32 v9, v30;
	vm1 =	vmor vm9, vm2  }
0x87: {  	vm9 =	veq.s32 v12, v31;
	[tilespmem:$0x1F0E0] =	vst v6;
	v6 =	vmpcnt.ones.xlane vm1;
	vm13 =	vlt.s32 v16, v7  }
0x88: {  	vm5 =	vlt.s32 v18, v7;
	vm8 =	vlt.s32 v19, v7;
	vm3 =	vmand vm12, vm13  }
0x89: {  	[tilespmem:$0x1FCF0] =	vst v7;
	vm1 =	vmand vm4, vm5;
	vm12 =	vlt.s32 v20, v7;
	vm13 =	vgt.s32 v9, v30  }
0x8a: {  	[tilespmem:$0x1F110] =	vst v6;
	v6 =	vbroadcast v16, $0xB;
	vm5 =	veq.s32 v11, v30;
	v7 =	vimm.s32 $0x0  }
0x8b: {  	vm6 =	vmor vm14, vm3;
	vm10 =	vmor vm15, vm1;
	vm14 =	vmand vm7, vm12  }
0x8c: {  	vm15 =	vgt.s32 v11, v30;
	vm1 =	vmand vm5, vm8;
	vm5 =	vgt.s32 v12, v31  }
0x8d: {  	vm12 =	veq.s32 v9, v31;
	vm7 =	vmor vm13, vm14;
	vm11 =	vlt.s32 v16, v6  }
0x8e: {  	vm13 =	vmor vm15, vm1;
	vm14 =	vlt.s32 v20, v6;
	vm15 =	vgt.s32 v9, v31  }
0x8f: {  	vm8 =	vmand vm9, vm11;
	vm9 =	veq.s32 v10, v31;
	vm11 =	vlt.s32 v18, v6  }
0x90: {  	vm4 =	vmand vm12, vm14;
	vm14 =	veq.s32 v10, v33;
	vm0 =	vmor vm5, vm8  }
0x91: {  	vm1 =	vmand vm9, vm11;
	vm5 =	vgt.s32 v11, v31;
	vm8 =	veq.s32 v11, v31  }
0x92: {  	[tilespmem:$0x1FD10] =	vst v6;
	vm9 =	vlt.s32 v19, v6;
	v6 =	vbroadcast v16, $0xC;
	vm12 =	vmor vm15, vm4  }
0x93: {  	vm4 =	vgt.s32 v10, v33;
	v7 =	vsel vm0, $0xFFFFFFFF, v7;
	vm0 =	vgt.s32 v10, v31  }
0x94: {  	vm8 =	vmand vm8, vm9;
	vm9 =	veq.s32 v12, v33;
	vm3 =	vmor vm0, vm1  }
0x95: {  	[tilespmem:$0x1EC10] =	vst v7;
	vm8 =	vmor vm5, vm8;
	v7 =	vimm.s32 $0x0;
	vm1 =	vgt.s32 v12, v33  }
0x96: {  	vm11 =	vlt.s32 v16, v6;
	vm15 =	vlt.s32 v18, v6;
	vm0 =	veq.s32 v11, v33  }
0x97: {  	v7 =	vsel vm8, $0xFFFFFFFF, v7;
	vm2 =	vmand vm9, vm11;
	vm11 =	vmand vm14, vm15  }
0x98: {  	vm14 =	veq.s32 v9, v33;
	vm15 =	vlt.s32 v20, v6;
	vm8 =	vmor vm1, vm2  }
0x99: {  	[tilespmem:$0x1EC20] =	vst v7;
	vm9 =	vmor vm4, vm11;
	vm1 =	vgt.s32 v9, v33;
	v7 =	vbroadcast v16, $0xD  }
0x9a: {  	vm2 =	vmand vm14, vm15;
	vm11 =	vlt.s32 v19, v6;
	vm4 =	veq.s32 v12, v34  }
0x9b: {  	[tilespmem:$0x1FD20] =	vst v6;
	vm15 =	vgt.s32 v11, v33;
	v6 =	vimm.s32 $0x0;
	vm5 =	vmand vm0, vm11  }
0x9c: {  	vm0 =	vgt.s32 v12, v34;
	vm14 =	vlt.s32 v16, v7;
	vm5 =	vmor vm15, vm5  }
0x9d: {  	vm11 =	vmand vm4, vm14;
	vm4 =	vmor vm1, vm2;
	vm1 =	vlt.s32 v18, v7  }
0x9e: {  	vm2 =	vlt.s32 v19, v7;
	vm15 =	vmor vm0, vm11;
	vm0 =	veq.s32 v10, v34  }
0x9f: {  	vm11 =	vgt.s32 v10, v34;
	v6 =	vsel vm15, $0xFFFFFFFF, v6;
	vm14 =	vmand vm0, vm1  }
0xa0: {  	[tilespmem:$0x1FD50] =	vst v7;
	vm1 =	veq.s32 v9, v34;
	vm0 =	vlt.s32 v20, v7;
	v7 =	vmpcnt.ones.xlane vm6  }
0xa1: {  	vm6 =	vgt.s32 v9, v34;
	vm15 =	vmor vm11, vm14;
	vm14 =	vmand vm1, vm0  }
0xa2: {  	[tilespmem:$0x1EC30] =	vst v6;
	vm1 =	veq.s32 v11, v34;
	v6 =	vbroadcast v16, $0xE;
	vm11 =	vgt.s32 v11, v34  }
0xa3: {  	vm2 =	vmand vm1, vm2;
	[tilespmem:$0x1F120] =	vst v7;
	vm1 =	veq.s32 v12, v35;
	v7 =	vmpcnt.ones.xlane vm10  }
0xa4: {  	vm14 =	vmor vm6, vm14;
	vm10 =	veq.s32 v10, v35;
	vm0 =	vlt.s32 v16, v6  }
0xa5: {  	vm6 =	vmor vm11, vm2;
	vm11 =	vlt.s32 v18, v6;
	[tilespmem:$0x1F130] =	vst v7;
	v7 =	vmpcnt.ones.xlane vm7  }
0xa6: {  	vm0 =	vmand vm1, vm0;
	vm1 =	vmand vm10, vm11;
	vm7 =	vgt.s32 v10, v35  }
0xa7: {  	vm7 =	vmor vm7, vm1;
	[tilespmem:$0x1F160] =	vst v7;
	v7 =	vimm.s32 $0x0  }
0xa8: {  	[tilespmem:$0x1FD90] =	vst v6;
	v7 =	vsel vm7, $0xFFFFFFFF, v7  }
0xa9: {  	vm11 =	vlt.s32 v20, v6;
	[tilespmem:$0x1EC40] =	vst v7;
	v7 =	vmpcnt.ones.xlane vm13;
	vm13 =	vlt.s32 v19, v6;
	v6 =	vld [tilespmem:$0x1EC10];
	_ =	sdelay $0x2  }
0xaa: {  	vm2 =	vgt.s32 v12, v35  }
0xab: {  	v36 =	vbroadcast v12, $0xF;
	vm10 =	veq.s32 v9, v35;
	vm2 =	vmor vm2, vm0  }
0xac: {  	vm0 =	vmand vm10, vm11;
	vm10 =	veq.s32 v11, v35;
	vm11 =	vnez.u8 v6  }
0xad: {  	vm1 =	vgt.s32 v11, v35;
	vm7 =	vgt.s32 v9, v35;
	v6 =	vmpcnt.ones.xlane vm11  }
0xae: {  	vm7 =	vmor vm7, vm0;
	vm0 =	vmand vm10, vm13;
	[tilespmem:$0x1F180] =	vst v7;
	v7 =	vbroadcast v16, $0xF  }
0xaf: {  	vm10 =	veq.s32 v12, v36;
	vm0 =	vmor vm1, vm0;
	[tilespmem:$0x1F140] =	vst v6;
	v6 =	vimm.s32 $0x0  }
0xb0: {  	vm1 =	vgt.s32 v12, v36;
	vm13 =	vlt.s32 v16, v7;
	v6 =	vsel vm0, $0xFFFFFFFF, v6  }
0xb1: {  	vm11 =	vlt.s32 v20, v7;
	vm0 =	vmand vm10, vm13;
	[tilespmem:$0x1EC50] =	vst v6;
	v6 =	vmpcnt.ones.xlane vm3  }
0xb2: {  	vm13 =	vlt.s32 v18, v7;
	vm3 =	veq.s32 v10, v36;
	vm10 =	vmor vm1, vm0  }
0xb3: {  	vm0 =	vmand vm3, vm13;
	vm3 =	veq.s32 v9, v36;
	[tilespmem:$0x1F150] =	vst v6;
	v6 =	vmpcnt.ones.xlane vm12  }
0xb4: {  	vm13 =	vgt.s32 v10, v36;
	vm11 =	vmand vm3, vm11;
	vm12 =	vgt.s32 v9, v36  }
0xb5: {  	vm13 =	vmor vm13, vm0;
	vm0 =	vmor vm12, vm11;
	[tilespmem:$0x1F170] =	vst v6;
	v6 =	vimm.s32 $0x0  }
0xb6: {  	v6 =	vsel vm0, $0xFFFFFFFF, v6  }
0xb7: {  	[tilespmem:$0x1EC60] =	vst v6;
	v6 =	vld [tilespmem:$0x1EC20];
	_ =	sdelay $0x4  }
0xb8: {  	vm11 =	vnez.u8 v6  }
0xb9: {  	v6 =	vmpcnt.ones.xlane vm11;
	_ =	sdelay $0x1  }
0xba: {  	v38 =	vbroadcast v10, $0x0;
	[tilespmem:$0x1F190] =	vst v6;
	v6 =	vmpcnt.ones.xlane vm8  }
0xbb: {  	[tilespmem:$0x1FDC0] =	vst v7;
	vm1 =	vlt.s32 v19, v7;
	v7 =	vmpcnt.ones.xlane vm9  }
0xbc: {  	vm9 =	veq.s32 v10, v38;
	[tilespmem:$0x1F1A0] =	vst v6;
	v6 =	vbroadcast v18, $0x0  }
0xbd: {  	[tilespmem:$0x1F1B0] =	vst v7;
	vm3 =	veq.s32 v12, v38;
	v7 =	vimm.s32 $0x0;
	vm0 =	veq.s32 v11, v36  }
0xbe: {  	vm0 =	vmand vm0, vm1;
	vm8 =	vlt.s32 v16, v6;
	vm12 =	vlt.s32 v18, v6  }
0xbf: {  	vm11 =	vgt.s32 v10, v38;
	vm1 =	vmand vm3, vm8;
	vm3 =	vmand vm9, vm12  }
0xc0: {  	vm8 =	vgt.s32 v11, v36;
	vm12 =	vgt.s32 v12, v38;
	vm9 =	vlt.s32 v20, v6  }
0xc1: {  	vm0 =	vmor vm8, vm0;
	vm12 =	vmor vm12, vm1;
	vm8 =	veq.s32 v9, v38  }
0xc2: {  	[tilespmem:$0x1FDE0] =	vst v6;
	vm11 =	vmor vm11, vm3;
	vm1 =	vmand vm8, vm9;
	vm8 =	vlt.s32 v19, v6;
	v6 =	vld [tilespmem:$0x1EC30]  }
0xc3: {  	v7 =	vsel vm11, $0xFFFFFFFF, v7  }
0xc4: {  	[tilespmem:$0x1EC70] =	vst v7;
	v7 =	vmpcnt.ones.xlane vm4  }
0xc5: {  	v40 =	vbroadcast v10, $0x1  }
0xc6: {  	vm11 =	veq.s32 v11, v38;
	vm4 =	vgt.s32 v9, v38;
	[tilespmem:$0x1F1E0] =	vst v7;
	v7 =	vmpcnt.ones.xlane vm5  }
0xc7: {  	vm3 =	vmand vm11, vm8;
	vm1 =	vmor vm4, vm1;
	vm9 =	vnez.u8 v6  }
0xc8: {  	vm5 =	vgt.s32 v11, v38;
	[tilespmem:$0x1F200] =	vst v7;
	v7 =	vbroadcast v18, $0x1;
	v6 =	vmpcnt.ones.xlane vm9  }
0xc9: {  	vm3 =	vmor vm5, vm3;
	vm5 =	vgt.s32 v12, v40;
	vm9 =	veq.s32 v12, v40  }
0xca: {  	vm11 =	vlt.s32 v16, v7;
	vm8 =	vlt.s32 v20, v7;
	[tilespmem:$0x1F1C0] =	vst v6;
	v6 =	vimm.s32 $0x0  }
0xcb: {  	v6 =	vsel vm3, $0xFFFFFFFF, v6;
	vm3 =	vmand vm9, vm11;
	vm11 =	veq.s32 v10, v40  }
0xcc: {  	vm9 =	vgt.s32 v10, v40;
	[tilespmem:$0x1EC80] =	vst v6;
	v6 =	vmpcnt.ones.xlane vm15;
	vm15 =	vlt.s32 v18, v7  }
0xcd: {  	vm4 =	vmand vm11, vm15;
	vm11 =	veq.s32 v9, v40;
	vm15 =	veq.s32 v11, v40  }
0xce: {  	[tilespmem:$0x1F1D0] =	vst v6;
	v6 =	vmpcnt.ones.xlane vm14;
	vm14 =	vmor vm5, vm3;
	vm9 =	vmor vm9, vm4  }
0xcf: {  	[tilespmem:$0x1FDF0] =	vst v7;
	vm3 =	vmand vm11, vm8;
	vm5 =	vgt.s32 v9, v40;
	vm4 =	vlt.s32 v19, v7  }
0xd0: {  	v7 =	vmpcnt.ones.xlane vm2;
	vm2 =	vgt.s32 v11, v40;
	[tilespmem:$0x1F1F0] =	vst v6;
	v6 =	vimm.s32 $0x0  }
0xd1: {  	v6 =	vsel vm9, $0xFFFFFFFF, v6;
	vm9 =	vmor vm5, vm3;
	vm3 =	vmand vm15, vm4  }
0xd2: {  	[tilespmem:$0x1F240] =	vst v7;
	v7 =	vimm.s32 $0x0;
	vm2 =	vmor vm2, vm3  }
0xd3: {  	[tilespmem:$0x1EC90] =	vst v6;
	v7 =	vsel vm2, $0xFFFFFFFF, v7  }
0xd4: {  	v6 =	vmpcnt.ones.xlane vm6;
	[tilespmem:$0x1ECA0] =	vst v7;
	v7 =	vld [tilespmem:$0x1EC40];
	_ =	sdelay $0x1  }
0xd5: {  	v41 =	vbroadcast v10, $0x2;
	[tilespmem:$0x1F210] =	vst v6;
	v6 =	vbroadcast v18, $0x2;
	_ =	sdelay $0x1  }
0xd6: {  	vm11 =	veq.s32 v12, v41;
	vm15 =	vlt.s32 v16, v6  }
0xd7: {  	vm5 =	veq.s32 v10, v41;
	vm2 =	vmand vm11, vm15;
	vm8 =	vnez.u8 v7  }
0xd8: {  	vm11 =	vgt.s32 v12, v41;
	vm15 =	vlt.s32 v18, v6;
	v7 =	vmpcnt.ones.xlane vm8  }
0xd9: {  	vm11 =	vmor vm11, vm2;
	vm2 =	vmand vm5, vm15  }
0xda: {  	vm5 =	veq.s32 v9, v41;
	vm15 =	vlt.s32 v20, v6;
	[tilespmem:$0x1F250] =	vst v7;
	v7 =	vmpcnt.ones.xlane vm7  }
0xdb: {  	vm3 =	vgt.s32 v10, v41;
	vm8 =	vmand vm5, vm15;
	vm15 =	vgt.s32 v9, v41  }
0xdc: {  	vm4 =	vmor vm3, vm2;
	vm2 =	vmor vm15, vm8;
	[tilespmem:$0x1F260] =	vst v7;
	v7 =	vimm.s32 $0x0  }
0xdd: {  	v7 =	vsel vm2, $0xFFFFFFFF, v7  }
0xde: {  	[tilespmem:$0x1ECB0] =	vst v7;
	v7 =	vld [tilespmem:$0x1EC50];
	_ =	sdelay $0x4  }
0xdf: {  	vm7 =	vnez.u8 v7  }
0xe0: {  	v7 =	vmpcnt.ones.xlane vm7  }
0xe1: {  	v42 =	vbroadcast v10, $0x3  }
0xe2: {  	[tilespmem:$0x1F290] =	vst v7;
	v7 =	vmpcnt.ones.xlane vm10  }
0xe3: {  	vm6 =	veq.s32 v12, v42  }
0xe4: {  	vm5 =	vlt.s32 v19, v6;
	vm2 =	veq.s32 v11, v41;
	[tilespmem:$0x1F270] =	vst v7;
	v7 =	vbroadcast v18, $0x3  }
0xe5: {  	[tilespmem:$0x1FE10] =	vst v6;
	vm3 =	vgt.s32 v10, v42;
	v6 =	vmpcnt.ones.xlane vm13;
	vm2 =	vmand vm2, vm5  }
0xe6: {  	vm10 =	veq.s32 v10, v42;
	vm7 =	vlt.s32 v16, v7;
	vm8 =	vlt.s32 v18, v7  }
0xe7: {  	vm5 =	vmand vm6, vm7;
	vm6 =	vmand vm10, vm8;
	vm10 =	vgt.s32 v12, v42  }
0xe8: {  	[tilespmem:$0x1F280] =	vst v6;
	v6 =	vimm.s32 $0x0;
	vm13 =	vmor vm10, vm5;
	vm10 =	vmor vm3, vm6  }
0xe9: {  	v6 =	vsel vm10, $0xFFFFFFFF, v6  }
0xea: {  	[tilespmem:$0x1ECC0] =	vst v6;
	v6 =	vld [tilespmem:$0x1EC60];
	_ =	sdelay $0x3  }
0xeb: {  	vm3 =	vlt.s32 v19, v7  }
0xec: {  	[tilespmem:$0x1FE30] =	vst v7;
	vm10 =	vlt.s32 v20, v7;
	v7 =	vmpcnt.ones.xlane vm12;
	vm15 =	vnez.u8 v6  }
0xed: {  	v6 =	vmpcnt.ones.xlane vm15  }
0xee: {  	[tilespmem:$0x1F2B0] =	vst v7  }
0xef: {  	v7 =	vld [tilespmem:$0x1EC70];
	[tilespmem:$0x1F2A0] =	vst v6;
	v6 =	vmpcnt.ones.xlane vm0  }
0xf0: {  	v43 =	vbroadcast v10, $0x4;
	vm7 =	vgt.s32 v11, v41  }
0xf1: {  	vm8 =	vmor vm7, vm2;
	vm2 =	veq.s32 v9, v42;
	[tilespmem:$0x1F300] =	vst v6;
	v6 =	vbroadcast v18, $0x4  }
0xf2: {  	vm12 =	veq.s32 v12, v43;
	vm5 =	vmand vm2, vm10;
	vm15 =	veq.s32 v11, v42  }
0xf3: {  	vm6 =	vmand vm15, vm3;
	vm0 =	vgt.s32 v9, v42;
	vm15 =	vlt.s32 v16, v6  }
0xf4: {  	vm3 =	vmor vm0, vm5;
	vm5 =	vmand vm12, vm15;
	vm15 =	vnez.u8 v7  }
0xf5: {  	v7 =	vmpcnt.ones.xlane vm15  }
0xf6: {  	vm10 =	vgt.s32 v11, v42  }
0xf7: {  	vm0 =	veq.s32 v10, v43;
	vm2 =	vlt.s32 v18, v6;
	[tilespmem:$0x1F2C0] =	vst v7;
	v7 =	vmpcnt.ones.xlane vm1  }
0xf8: {  	vm7 =	vgt.s32 v10, v43;
	vm10 =	vmor vm10, vm6;
	vm6 =	vmand vm0, vm2  }
0xf9: {  	vm7 =	vmor vm7, vm6;
	[tilespmem:$0x1F2D0] =	vst v7;
	v7 =	vimm.s32 $0x0  }
0xfa: {  	v7 =	vsel vm7, $0xFFFFFFFF, v7  }
0xfb: {  	[tilespmem:$0x1ECD0] =	vst v7;
	v7 =	vld [tilespmem:$0x1EC80];
	_ =	sdelay $0x3  }
0xfc: {  	vm12 =	veq.s32 v9, v43;
	vm0 =	vlt.s32 v20, v6  }
0xfd: {  	vm0 =	vmand vm12, vm0;
	vm12 =	vnez.u8 v7  }
0xfe: {  	[tilespmem:$0x1FE50] =	vst v6;
	v7 =	vmpcnt.ones.xlane vm12;
	vm12 =	vlt.s32 v19, v6;
	v6 =	vmpcnt.ones.xlane vm14;
	_ =	sdelay $0x1  }
0xff: {  	[tilespmem:$0x1F2E0] =	vst v6;
	v6 =	vld [tilespmem:$0x1EC90]  }
0x100: {  	v44 =	vbroadcast v10, $0x5;
	vm2 =	veq.s32 v11, v43;
	vm1 =	vgt.s32 v12, v43  }
0x101: {  	vm15 =	vmor vm1, vm5;
	vm1 =	vgt.s32 v9, v43;
	[tilespmem:$0x1F310] =	vst v7;
	v7 =	vbroadcast v18, $0x5  }
0x102: {  	vm6 =	vmor vm1, vm0;
	vm1 =	vgt.s32 v11, v43;
	vm0 =	vmand vm2, vm12  }
0x103: {  	vm5 =	veq.s32 v12, v44;
	vm7 =	vmor vm1, vm0;
	vm2 =	vlt.s32 v16, v7  }
0x104: {  	vm1 =	vgt.s32 v12, v44;
	vm0 =	vmand vm5, vm2;
	vm14 =	vnez.u8 v6  }
0x105: {  	vm5 =	veq.s32 v10, v44;
	vm2 =	vlt.s32 v18, v7;
	v6 =	vmpcnt.ones.xlane vm14  }
0x106: {  	vm12 =	vmor vm1, vm0;
	vm0 =	vmand vm5, vm2  }
0x107: {  	vm2 =	vlt.s32 v20, v7;
	[tilespmem:$0x1F2F0] =	vst v6;
	v6 =	vmpcnt.ones.xlane vm9;
	vm9 =	veq.s32 v9, v44  }
0x108: {  	vm5 =	vgt.s32 v10, v44;
	vm14 =	vgt.s32 v9, v44;
	vm9 =	vmand vm9, vm2  }
0x109: {  	vm5 =	vmor vm5, vm0;
	[tilespmem:$0x1F320] =	vst v6;
	vm0 =	vmor vm14, vm9;
	v6 =	vimm.s32 $0x0  }
0x10a: {  	v6 =	vsel vm0, $0xFFFFFFFF, v6  }
0x10b: {  	[tilespmem:$0x1ECE0] =	vst v6;
	v6 =	vld [tilespmem:$0x1ECA0];
	_ =	sdelay $0x4  }
0x10c: {  	vm9 =	vnez.u8 v6  }
0x10d: {  	v6 =	vmpcnt.ones.xlane vm9;
	_ =	sdelay $0x1  }
0x10e: {  	[tilespmem:$0x1F370] =	vst v6;
	v6 =	vmpcnt.ones.xlane vm11  }
0x10f: {  	v45 =	vbroadcast v10, $0x6  }
0x110: {  	vm1 =	vlt.s32 v19, v7;
	vm0 =	veq.s32 v11, v44;
	[tilespmem:$0x1F330] =	vst v6;
	v6 =	vbroadcast v18, $0x6  }
0x111: {  	[tilespmem:$0x1FE70] =	vst v7;
	v7 =	vmpcnt.ones.xlane vm4;
	vm4 =	veq.s32 v12, v45;
	vm2 =	vmand vm0, vm1  }
0x112: {  	vm11 =	veq.s32 v10, v45;
	vm9 =	vlt.s32 v16, v6;
	vm14 =	vlt.s32 v18, v6  }
0x113: {  	vm0 =	vgt.s32 v10, v45;
	vm1 =	vmand vm4, vm9;
	vm9 =	vmand vm11, vm14  }
0x114: {  	[tilespmem:$0x1F340] =	vst v7;
	v7 =	vimm.s32 $0x0;
	vm0 =	vmor vm0, vm9  }
0x115: {  	v7 =	vsel vm0, $0xFFFFFFFF, v7  }
0x116: {  	[tilespmem:$0x1ECF0] =	vst v7;
	v7 =	vld [tilespmem:$0x1ECB0];
	_ =	sdelay $0x4  }
0x117: {  	vm9 =	vnez.u8 v7  }
0x118: {  	vm11 =	veq.s32 v9, v45;
	v7 =	vmpcnt.ones.xlane vm9;
	vm9 =	vlt.s32 v20, v6  }
0x119: {  	[tilespmem:$0x1FE90] =	vst v6;
	vm4 =	vgt.s32 v11, v44;
	vm0 =	vmand vm11, vm9;
	vm11 =	veq.s32 v11, v45  }
0x11a: {  	[tilespmem:$0x1F380] =	vst v7;
	v7 =	vmpcnt.ones.xlane vm8;
	vm8 =	vlt.s32 v19, v6;
	v6 =	vmpcnt.ones.xlane vm13  }
0x11b: {  	vm4 =	vmor vm4, vm2;
	vm2 =	vmand vm11, vm8;
	vm8 =	vgt.s32 v11, v45  }
0x11c: {  	[tilespmem:$0x1F350] =	vst v6;
	vm9 =	vmor vm8, vm2;
	v6 =	vimm.s32 $0x0  }
0x11d: {  	v6 =	vsel vm9, $0xFFFFFFFF, v6  }
0x11e: {  	[tilespmem:$0x1ED00] =	vst v6;
	v6 =	vld [tilespmem:$0x1ECC0]  }
0x11f: {  	v46 =	vbroadcast v10, $0x7;
	vm14 =	vgt.s32 v12, v45  }
0x120: {  	vm14 =	vmor vm14, vm1;
	vm1 =	vgt.s32 v9, v45;
	[tilespmem:$0x1F3A0] =	vst v7;
	v7 =	vbroadcast v18, $0x7  }
0x121: {  	vm1 =	vmor vm1, vm0  }
0x122: {  	vm11 =	veq.s32 v12, v46;
	vm2 =	veq.s32 v10, v46;
	vm13 =	vlt.s32 v16, v7  }
0x123: {  	vm0 =	vmand vm11, vm13;
	vm13 =	vlt.s32 v18, v7;
	vm11 =	vnez.u8 v6  }
0x124: {  	vm8 =	vgt.s32 v10, v46;
	vm2 =	vmand vm2, vm13;
	v6 =	vmpcnt.ones.xlane vm11  }
0x125: {  	vm13 =	vlt.s32 v20, v7;
	vm2 =	vmor vm8, vm2;
	vm8 =	vgt.s32 v9, v46  }
0x126: {  	vm11 =	veq.s32 v9, v46;
	[tilespmem:$0x1F360] =	vst v6;
	v6 =	vmpcnt.ones.xlane vm3;
	vm3 =	vgt.s32 v12, v46  }
0x127: {  	[tilespmem:$0x1FEA0] =	vst v7;
	vm9 =	vmor vm3, vm0;
	vm3 =	vmand vm11, vm13;
	vm11 =	veq.s32 v11, v46  }
0x128: {  	vm0 =	vlt.s32 v19, v7;
	v7 =	vmpcnt.ones.xlane vm15;
	[tilespmem:$0x1F390] =	vst v6;
	v6 =	vmpcnt.ones.xlane vm10  }
0x129: {  	vm10 =	vmor vm8, vm3;
	vm3 =	vmand vm11, vm0;
	vm0 =	vgt.s32 v11, v46  }
0x12a: {  	[tilespmem:$0x1F3C0] =	vst v7;
	vm8 =	vmor vm0, vm3;
	v7 =	vimm.s32 $0x0  }
0x12b: {  	v7 =	vsel vm8, $0xFFFFFFFF, v7  }
0x12c: {  	[tilespmem:$0x1ED10] =	vst v7;
	v7 =	vld [tilespmem:$0x1ECD0];
	_ =	sdelay $0x1  }
0x12d: {  	v47 =	vbroadcast v10, $0x8  }
0x12e: {  	[tilespmem:$0x1F3B0] =	vst v6;
	v6 =	vbroadcast v18, $0x8  }
0x12f: {  	vm11 =	veq.s32 v12, v47;
	vm8 =	vgt.s32 v12, v47  }
0x130: {  	vm13 =	vlt.s32 v16, v6;
	vm0 =	vlt.s32 v18, v6;
	vm15 =	vnez.u8 v7  }
0x131: {  	vm3 =	vmand vm11, vm13;
	vm13 =	veq.s32 v10, v47;
	v7 =	vmpcnt.ones.xlane vm15  }
0x132: {  	vm11 =	vmor vm8, vm3;
	vm3 =	vmand vm13, vm0;
	vm0 =	vgt.s32 v10, v47  }
0x133: {  	vm8 =	veq.s32 v9, v47;
	vm13 =	vlt.s32 v20, v6;
	[tilespmem:$0x1F3D0] =	vst v7;
	v7 =	vmpcnt.ones.xlane vm6  }
0x134: {  	vm3 =	vmor vm0, vm3;
	vm0 =	vmand vm8, vm13;
	vm13 =	vgt.s32 v9, v47  }
0x135: {  	vm15 =	vmor vm13, vm0;
	[tilespmem:$0x1F400] =	vst v7;
	v7 =	vimm.s32 $0x0  }
0x136: {  	v7 =	vsel vm15, $0xFFFFFFFF, v7  }
0x137: {  	[tilespmem:$0x1ED20] =	vst v7;
	v7 =	vmpcnt.ones.xlane vm7;
	_ =	sdelay $0x1  }
0x138: {  	[tilespmem:$0x1F420] =	vst v7;
	v7 =	vmpcnt.ones.xlane vm12  }
0x139: {  	v48 =	vbroadcast v10, $0x9  }
0x13a: {  	vm6 =	veq.s32 v11, v47;
	vm7 =	vlt.s32 v19, v6;
	[tilespmem:$0x1F3E0] =	vst v7;
	v7 =	vbroadcast v18, $0x9  }
0x13b: {  	[tilespmem:$0x1FED0] =	vst v6;
	v6 =	vmpcnt.ones.xlane vm5;
	vm5 =	veq.s32 v12, v48;
	vm6 =	vmand vm6, vm7  }
0x13c: {  	vm12 =	veq.s32 v10, v48;
	vm8 =	vlt.s32 v16, v7;
	vm0 =	vlt.s32 v18, v7  }
0x13d: {  	vm7 =	vmand vm5, vm8;
	vm8 =	vmand vm12, vm0;
	vm0 =	vgt.s32 v10, v48  }
0x13e: {  	[tilespmem:$0x1F3F0] =	vst v6;
	v6 =	vimm.s32 $0x0;
	vm8 =	vmor vm0, vm8  }
0x13f: {  	v6 =	vsel vm8, $0xFFFFFFFF, v6  }
0x140: {  	[tilespmem:$0x1ED30] =	vst v6;
	v6 =	vld [tilespmem:$0x1ECE0];
	_ =	sdelay $0x2  }
0x141: {  	vm15 =	veq.s32 v9, v48;
	vm5 =	vgt.s32 v11, v47;
	vm12 =	vgt.s32 v12, v48  }
0x142: {  	vm5 =	vmor vm5, vm6;
	vm13 =	vmor vm12, vm7;
	vm0 =	vlt.s32 v20, v7  }
0x143: {  	vm6 =	vmand vm15, vm0;
	vm15 =	vlt.s32 v19, v7;
	vm12 =	vnez.u8 v6  }
0x144: {  	[tilespmem:$0x1FEF0] =	vst v7;
	v7 =	vmpcnt.ones.xlane vm14;
	v6 =	vmpcnt.ones.xlane vm12;
	vm12 =	veq.s32 v11, v48  }
0x145: {  	vm0 =	vgt.s32 v11, v48;
	vm7 =	vmand vm12, vm15  }
0x146: {  	[tilespmem:$0x1F450] =	vst v7;
	v7 =	vimm.s32 $0x0;
	vm8 =	vmor vm0, vm7  }
0x147: {  	v7 =	vsel vm8, $0xFFFFFFFF, v7  }
0x148: {  	[tilespmem:$0x1ED40] =	vst v7;
	v7 =	vld [tilespmem:$0x1ECF0];
	_ =	sdelay $0x2  }
0x149: {  	[tilespmem:$0x1F410] =	vst v6;
	v6 =	vmpcnt.ones.xlane vm4  }
0x14a: {  	v49 =	vbroadcast v10, $0xA  }
0x14b: {  	[tilespmem:$0x1F430] =	vst v6;
	v6 =	vbroadcast v18, $0xA;
	vm15 =	vnez.u8 v7  }
0x14c: {  	vm12 =	veq.s32 v12, v49;
	vm4 =	vgt.s32 v9, v48;
	v7 =	vmpcnt.ones.xlane vm15  }
0x14d: {  	vm7 =	veq.s32 v10, v49;
	vm4 =	vmor vm4, vm6;
	vm14 =	vlt.s32 v16, v6  }
0x14e: {  	vm0 =	vlt.s32 v18, v6;
	vm6 =	vmand vm12, vm14;
	[tilespmem:$0x1F460] =	vst v7;
	v7 =	vmpcnt.ones.xlane vm1  }
0x14f: {  	vm7 =	vmand vm7, vm0;
	vm12 =	vgt.s32 v10, v49;
	vm1 =	vgt.s32 v12, v49  }
0x150: {  	vm15 =	vmor vm1, vm6;
	vm6 =	vmor vm12, vm7;
	[tilespmem:$0x1F470] =	vst v7;
	v7 =	vimm.s32 $0x0  }
0x151: {  	v7 =	vsel vm6, $0xFFFFFFFF, v7  }
0x152: {  	[tilespmem:$0x1ED50] =	vst v7;
	v7 =	vld [tilespmem:$0x1ED00]  }
0x153: {  	vm8 =	vlt.s32 v20, v6;
	vm14 =	veq.s32 v9, v49  }
0x154: {  	vm0 =	vmand vm14, vm8;
	vm1 =	vgt.s32 v9, v49  }
0x155: {  	[tilespmem:$0x1FF10] =	vst v6;
	vm8 =	vlt.s32 v19, v6;
	v6 =	vimm.s32 $0x0;
	vm0 =	vmor vm1, vm0  }
0x156: {  	v6 =	vsel vm0, $0xFFFFFFFF, v6  }
0x157: {  	v53 =	vbroadcast v10, $0xB;
	[tilespmem:$0x1ED60] =	vst v6;
	v6 =	vmpcnt.ones.xlane vm9;
	vm7 =	vnez.u8 v7  }
0x158: {  	v7 =	vmpcnt.ones.xlane vm7  }
0x159: {  	vm14 =	vgt.s32 v12, v53;
	vm9 =	veq.s32 v12, v53;
	[tilespmem:$0x1F480] =	vst v6  }
0x15a: {  	v6 =	vmpcnt.ones.xlane vm2;
	vm7 =	veq.s32 v11, v49;
	[tilespmem:$0x1F4A0] =	vst v7;
	v7 =	vbroadcast v18, $0xB  }
0x15b: {  	vm2 =	veq.s32 v10, v53;
	vm6 =	vmand vm7, vm8;
	vm7 =	vgt.s32 v11, v49  }
0x15c: {  	vm7 =	vmor vm7, vm6;
	vm12 =	vlt.s32 v16, v7;
	vm6 =	vlt.s32 v18, v7  }
0x15d: {  	[tilespmem:$0x1F490] =	vst v6;
	v6 =	vmpcnt.ones.xlane vm10;
	vm12 =	vmand vm9, vm12;
	vm0 =	vmand vm2, vm6  }
0x15e: {  	vm2 =	veq.s32 v9, v53;
	vm12 =	vmor vm14, vm12;
	vm14 =	vlt.s32 v20, v7  }
0x15f: {  	vm6 =	vgt.s32 v10, v53;
	vm9 =	vgt.s32 v9, v53;
	vm8 =	vmand vm2, vm14  }
0x160: {  	[tilespmem:$0x1F4B0] =	vst v6;
	v6 =	vimm.s32 $0x0;
	vm6 =	vmor vm6, vm0;
	vm0 =	vmor vm9, vm8  }
0x161: {  	v6 =	vsel vm0, $0xFFFFFFFF, v6  }
0x162: {  	[tilespmem:$0x1ED70] =	vst v6;
	v6 =	vld [tilespmem:$0x1ED10];
	_ =	sdelay $0x4  }
0x163: {  	vm10 =	vnez.u8 v6  }
0x164: {  	v6 =	vmpcnt.ones.xlane vm10;
	_ =	sdelay $0x1  }
0x165: {  	[tilespmem:$0x1F4E0] =	vst v6;
	v6 =	vmpcnt.ones.xlane vm11  }
0x166: {  	v54 =	vbroadcast v10, $0xC  }
0x167: {  	vm2 =	vlt.s32 v19, v7;
	vm0 =	veq.s32 v11, v53;
	[tilespmem:$0x1F4C0] =	vst v6;
	v6 =	vbroadcast v18, $0xC  }
0x168: {  	[tilespmem:$0x1FF20] =	vst v7;
	v7 =	vmpcnt.ones.xlane vm3;
	vm3 =	veq.s32 v12, v54;
	vm0 =	vmand vm0, vm2  }
0x169: {  	vm10 =	veq.s32 v10, v54;
	vm9 =	vlt.s32 v16, v6;
	vm14 =	vlt.s32 v18, v6  }
0x16a: {  	vm11 =	vgt.s32 v10, v54;
	vm2 =	vmand vm3, vm9;
	vm3 =	vmand vm10, vm14  }
0x16b: {  	[tilespmem:$0x1F4D0] =	vst v7;
	v7 =	vimm.s32 $0x0;
	vm10 =	vmor vm11, vm3  }
0x16c: {  	v7 =	vsel vm10, $0xFFFFFFFF, v7  }
0x16d: {  	[tilespmem:$0x1ED80] =	vst v7;
	v7 =	vld [tilespmem:$0x1ED20];
	_ =	sdelay $0x3  }
0x16e: {  	vm8 =	veq.s32 v9, v54;
	vm14 =	vgt.s32 v12, v54;
	vm9 =	vlt.s32 v20, v6  }
0x16f: {  	vm14 =	vmor vm14, vm2;
	vm10 =	veq.s32 v11, v54;
	vm11 =	vnez.u8 v7  }
0x170: {  	[tilespmem:$0x1FF30] =	vst v6;
	v7 =	vmpcnt.ones.xlane vm11;
	vm11 =	vlt.s32 v19, v6;
	v6 =	vmpcnt.ones.xlane vm13  }
0x171: {  	vm2 =	vmand vm8, vm9;
	vm9 =	vgt.s32 v11, v54;
	vm3 =	vmand vm10, vm11  }
0x172: {  	[tilespmem:$0x1F510] =	vst v6;
	vm10 =	vmor vm9, vm3;
	v6 =	vimm.s32 $0x0  }
0x173: {  	[tilespmem:$0x1F4F0] =	vst v7;
	v6 =	vsel vm10, $0xFFFFFFFF, v6  }
0x174: {  	v7 =	vmpcnt.ones.xlane vm5;
	[tilespmem:$0x1ED90] =	vst v6;
	v6 =	vld [tilespmem:$0x1ED30]  }
0x175: {  	v55 =	vbroadcast v10, $0xD  }
0x176: {  	vm1 =	vgt.s32 v11, v53;
	[tilespmem:$0x1F500] =	vst v7;
	v7 =	vbroadcast v18, $0xD  }
0x177: {  	vm1 =	vmor vm1, vm0;
	vm13 =	vgt.s32 v9, v54;
	vm11 =	veq.s32 v12, v55  }
0x178: {  	vm13 =	vmor vm13, vm2;
	vm8 =	vlt.s32 v16, v7;
	vm9 =	vlt.s32 v18, v7  }
0x179: {  	vm0 =	vmand vm11, vm8;
	vm8 =	veq.s32 v10, v55;
	vm5 =	vnez.u8 v6  }
0x17a: {  	vm2 =	vgt.s32 v12, v55;
	vm3 =	vmand vm8, vm9;
	v6 =	vmpcnt.ones.xlane vm5  }
0x17b: {  	vm9 =	vlt.s32 v20, v7;
	vm8 =	vmor vm2, vm0;
	vm5 =	veq.s32 v9, v55  }
0x17c: {  	vm0 =	vmand vm5, vm9;
	[tilespmem:$0x1F520] =	vst v6;
	v6 =	vmpcnt.ones.xlane vm4;
	vm4 =	vgt.s32 v10, v55  }
0x17d: {  	[tilespmem:$0x1FF40] =	vst v7;
	vm5 =	veq.s32 v11, v55;
	vm10 =	vmor vm4, vm3;
	vm3 =	vgt.s32 v9, v55  }
0x17e: {  	vm4 =	vlt.s32 v19, v7;
	v7 =	vmpcnt.ones.xlane vm15;
	[tilespmem:$0x1F550] =	vst v6;
	v6 =	vimm.s32 $0x0  }
0x17f: {  	vm2 =	vmor vm3, vm0;
	vm0 =	vmand vm5, vm4;
	vm3 =	vgt.s32 v11, v55  }
0x180: {  	v6 =	vsel vm10, $0xFFFFFFFF, v6;
	[tilespmem:$0x1F530] =	vst v7;
	vm0 =	vmor vm3, vm0;
	v7 =	vimm.s32 $0x0  }
0x181: {  	[tilespmem:$0x1EDA0] =	vst v6;
	v6 =	vld [tilespmem:$0x1ED40];
	v7 =	vsel vm0, $0xFFFFFFFF, v7  }
0x182: {  	[tilespmem:$0x1EDB0] =	vst v7;
	v7 =	vld [tilespmem:$0x1ED50];
	_ =	sdelay $0x3  }
0x183: {  	vm11 =	vnez.u8 v6  }
0x184: {  	v6 =	vmpcnt.ones.xlane vm11;
	vm11 =	vnez.u8 v7  }
0x185: {  	v7 =	vmpcnt.ones.xlane vm11;
	_ =	sdelay $0x1  }
0x186: {  	[tilespmem:$0x1F540] =	vst v7;
	v7 =	vld [tilespmem:$0x1ED60]  }
0x187: {  	v56 =	vbroadcast v10, $0xE;
	[tilespmem:$0x1F570] =	vst v6;
	v6 =	vbroadcast v18, $0xE;
	_ =	sdelay $0x1  }
0x188: {  	vm15 =	veq.s32 v12, v56;
	vm5 =	veq.s32 v9, v56;
	vm4 =	vlt.s32 v16, v6  }
0x189: {  	vm3 =	vgt.s32 v12, v56;
	vm0 =	vmand vm15, vm4;
	vm15 =	veq.s32 v10, v56  }
0x18a: {  	vm4 =	vlt.s32 v18, v6;
	vm11 =	vmor vm3, vm0;
	vm10 =	vnez.u8 v7  }
0x18b: {  	vm0 =	vmand vm15, vm4;
	vm15 =	vlt.s32 v20, v6;
	v7 =	vmpcnt.ones.xlane vm10  }
0x18c: {  	vm9 =	vgt.s32 v9, v56;
	vm3 =	vgt.s32 v10, v56;
	vm15 =	vmand vm5, vm15  }
0x18d: {  	vm3 =	vmor vm3, vm0;
	vm0 =	vmor vm9, vm15;
	[tilespmem:$0x1F560] =	vst v7;
	v7 =	vimm.s32 $0x0  }
0x18e: {  	v7 =	vsel vm0, $0xFFFFFFFF, v7  }
0x18f: {  	[tilespmem:$0x1EDC0] =	vst v7;
	v7 =	vmpcnt.ones.xlane vm7;
	_ =	sdelay $0x1  }
0x190: {  	[tilespmem:$0x1F580] =	vst v7;
	v7 =	vmpcnt.ones.xlane vm12  }
0x191: {  	v57 =	vbroadcast v10, $0xF;
	[tilespmem:$0x1FF50] =	vst v6  }
0x192: {  	vm5 =	vlt.s32 v19, v6;
	v6 =	vmpcnt.ones.xlane vm6;
	[tilespmem:$0x1F590] =	vst v7;
	v7 =	vbroadcast v18, $0xF  }
0x193: {  	vm6 =	veq.s32 v12, v57;
	vm9 =	veq.s32 v10, v57;
	vm0 =	veq.s32 v11, v56  }
0x194: {  	vm0 =	vmand vm0, vm5;
	vm7 =	vlt.s32 v16, v7;
	vm10 =	vlt.s32 v18, v7  }
0x195: {  	vm12 =	vgt.s32 v10, v57;
	vm5 =	vmand vm6, vm7;
	vm7 =	vmand vm9, vm10  }
0x196: {  	[tilespmem:$0x1F5A0] =	vst v6;
	v6 =	vimm.s32 $0x0;
	vm7 =	vmor vm12, vm7  }
0x197: {  	v6 =	vsel vm7, $0xFFFFFFFF, v6  }
0x198: {  	[tilespmem:$0x1EDD0] =	vst v6;
	v6 =	vld [tilespmem:$0x1ED70];
	_ =	sdelay $0x3  }
0x199: {  	vm9 =	vgt.s32 v12, v57  }
0x19a: {  	vm10 =	vmor vm9, vm5;
	vm9 =	vnez.u8 v6  }
0x19b: {  	v6 =	vmpcnt.ones.xlane vm9;
	_ =	sdelay $0x1  }
0x19c: {  	[tilespmem:$0x1F5B0] =	vst v6;
	v6 =	vmpcnt.ones.xlane vm1;
	_ =	sdelay $0x1  }
0x19d: {  	[tilespmem:$0x1F5E0] =	vst v6;
	v6 =	vmpcnt.ones.xlane vm14;
	_ =	sdelay $0x1  }
0x19e: {  	[tilespmem:$0x1F5C0] =	vst v6;
	v6 =	vld [tilespmem:$0x1ED80];
	_ =	sdelay $0x2  }
0x19f: {  	v58 =	vbroadcast v9, $0x0  }
0x1a0: {  	vm15 =	vlt.s32 v20, v7;
	vm6 =	vgt.s32 v11, v56;
	vm12 =	veq.s32 v9, v57  }
0x1a1: {  	vm6 =	vmor vm6, vm0;
	vm0 =	vmand vm12, vm15;
	vm15 =	vnez.u8 v6  }
0x1a2: {  	v29 =	vbroadcast v20, $0x0;
	vm7 =	vgt.s32 v9, v57;
	v6 =	vmpcnt.ones.xlane vm15  }
0x1a3: {  	vm4 =	vmor vm7, vm0  }
0x1a4: {  	vm7 =	veq.s32 v10, v58;
	vm0 =	vlt.s32 v18, v29;
	[tilespmem:$0x1F5D0] =	vst v6;
	v6 =	vmpcnt.ones.xlane vm13  }
0x1a5: {  	vm7 =	vmand vm7, vm0;
	vm13 =	vgt.s32 v10, v58  }
0x1a6: {  	vm13 =	vmor vm13, vm7;
	[tilespmem:$0x1F5F0] =	vst v6;
	v6 =	vimm.s32 $0x0  }
0x1a7: {  	v6 =	vsel vm13, $0xFFFFFFFF, v6  }
0x1a8: {  	[tilespmem:$0x1EDE0] =	vst v6;
	v6 =	vld [tilespmem:$0x1ED90]  }
0x1a9: {  	vm12 =	vlt.s32 v19, v7;
	vm9 =	veq.s32 v11, v57  }
0x1aa: {  	vm5 =	vlt.s32 v20, v29;
	vm1 =	vmand vm9, vm12  }
0x1ab: {  	vm9 =	vgt.s32 v11, v57;
	vm12 =	veq.s32 v12, v58;
	vm14 =	vlt.s32 v16, v29  }
0x1ac: {  	vm9 =	vmor vm9, vm1;
	vm1 =	vmand vm12, vm14;
	vm14 =	veq.s32 v9, v58  }
0x1ad: {  	vm0 =	vmand vm14, vm5;
	vm14 =	vnez.u8 v6  }
0x1ae: {  	v6 =	vmpcnt.ones.xlane vm14;
	_ =	sdelay $0x1  }
0x1af: {  	[tilespmem:$0x1F600] =	vst v6;
	v6 =	vmpcnt.ones.xlane vm8;
	_ =	sdelay $0x1  }
0x1b0: {  	v59 =	vbroadcast v9, $0x1;
	[tilespmem:$0x1F610] =	vst v6;
	v6 =	vld [tilespmem:$0x1EDA0]  }
0x1b1: {  	v60 =	vbroadcast v20, $0x1;
	vm12 =	vgt.s32 v12, v58;
	vm5 =	vlt.s32 v19, v29  }
0x1b2: {  	vm15 =	vmor vm12, vm1;
	vm1 =	vgt.s32 v9, v58;
	vm7 =	veq.s32 v11, v58  }
0x1b3: {  	vm13 =	vmor vm1, vm0;
	vm0 =	vmand vm7, vm5;
	vm5 =	vgt.s32 v11, v58  }
0x1b4: {  	vm12 =	vlt.s32 v16, v60;
	vm1 =	vgt.s32 v12, v59;
	vm7 =	vmor vm5, vm0  }
0x1b5: {  	vm5 =	vlt.s32 v18, v60;
	vm8 =	veq.s32 v12, v59;
	vm14 =	vnez.u8 v6  }
0x1b6: {  	vm0 =	vmand vm8, vm12;
	vm8 =	veq.s32 v10, v59;
	v6 =	vmpcnt.ones.xlane vm14  }
0x1b7: {  	vm12 =	vmor vm1, vm0;
	vm0 =	vmand vm8, vm5  }
0x1b8: {  	vm8 =	veq.s32 v9, v59;
	[tilespmem:$0x1F620] =	vst v6;
	v6 =	vmpcnt.ones.xlane vm2;
	vm2 =	vlt.s32 v20, v60  }
0x1b9: {  	vm5 =	vgt.s32 v10, v59;
	vm14 =	vgt.s32 v9, v59;
	vm8 =	vmand vm8, vm2  }
0x1ba: {  	vm5 =	vmor vm5, vm0;
	[tilespmem:$0x1F630] =	vst v6;
	vm0 =	vmor vm14, vm8;
	v6 =	vimm.s32 $0x0  }
0x1bb: {  	v6 =	vsel vm0, $0xFFFFFFFF, v6  }
0x1bc: {  	[tilespmem:$0x1EDF0] =	vst v6;
	v6 =	vld [tilespmem:$0x1EDB0];
	_ =	sdelay $0x4  }
0x1bd: {  	vm8 =	vnez.u8 v6  }
0x1be: {  	v6 =	vmpcnt.ones.xlane vm8;
	_ =	sdelay $0x1  }
0x1bf: {  	[tilespmem:$0x1F640] =	vst v6;
	v6 =	vmpcnt.ones.xlane vm11  }
0x1c0: {  	[tilespmem:$0x1FFB0] =	vst v29;
	v29 =	vbroadcast v9, $0x2  }
0x1c1: {  	vm1 =	vlt.s32 v19, v60;
	vm0 =	veq.s32 v11, v59;
	[tilespmem:$0x1F680] =	vst v6;
	v6 =	vbroadcast v20, $0x2  }
0x1c2: {  	[tilespmem:$0x1FF60] =	vst v7;
	v7 =	vmpcnt.ones.xlane vm3;
	vm3 =	veq.s32 v12, v29;
	vm2 =	vmand vm0, vm1  }
0x1c3: {  	vm11 =	veq.s32 v10, v29;
	vm8 =	vlt.s32 v16, v6;
	vm14 =	vlt.s32 v18, v6  }
0x1c4: {  	vm0 =	vgt.s32 v10, v29;
	vm3 =	vmand vm3, vm8;
	vm8 =	vmand vm11, vm14  }
0x1c5: {  	[tilespmem:$0x1F690] =	vst v7;
	v7 =	vimm.s32 $0x0;
	vm0 =	vmor vm0, vm8  }
0x1c6: {  	v7 =	vsel vm0, $0xFFFFFFFF, v7  }
0x1c7: {  	[tilespmem:$0x1EE00] =	vst v7;
	v7 =	vld [tilespmem:$0x1EDC0];
	_ =	sdelay $0x4  }
0x1c8: {  	vm8 =	vnez.u8 v7  }
0x1c9: {  	vm11 =	veq.s32 v9, v29;
	v7 =	vmpcnt.ones.xlane vm8;
	vm8 =	vlt.s32 v20, v6  }
0x1ca: {  	vm1 =	vgt.s32 v11, v59;
	[tilespmem:$0x1FFF0] =	vst v6;
	vm0 =	vmand vm11, vm8;
	vm11 =	veq.s32 v11, v29  }
0x1cb: {  	[tilespmem:$0x1F6B0] =	vst v7;
	v7 =	vmpcnt.ones.xlane vm6;
	vm6 =	vlt.s32 v19, v6;
	v6 =	vmpcnt.ones.xlane vm10  }
0x1cc: {  	vm1 =	vmor vm1, vm2;
	vm8 =	vgt.s32 v11, v29;
	vm2 =	vmand vm11, vm6  }
0x1cd: {  	[tilespmem:$0x1F6D0] =	vst v6;
	vm8 =	vmor vm8, vm2;
	v6 =	vimm.s32 $0x0  }
0x1ce: {  	v6 =	vsel vm8, $0xFFFFFFFF, v6  }
0x1cf: {  	[tilespmem:$0x1EE10] =	vst v6;
	v6 =	vld [tilespmem:$0x1EDD0];
	_ =	sdelay $0x3  }
0x1d0: {  	v61 =	vbroadcast v20, $0x3;
	v30 =	vbroadcast v9, $0x3;
	vm14 =	vgt.s32 v12, v29  }
0x1d1: {  	vm14 =	vmor vm14, vm3;
	vm3 =	vgt.s32 v9, v29;
	vm8 =	vnez.u8 v6  }
0x1d2: {  	vm10 =	veq.s32 v12, v30;
	vm11 =	vlt.s32 v16, v61;
	v6 =	vmpcnt.ones.xlane vm8  }
0x1d3: {  	vm6 =	vmor vm3, vm0;
	vm3 =	vgt.s32 v12, v30;
	vm0 =	vmand vm10, vm11  }
0x1d4: {  	vm10 =	veq.s32 v10, v30;
	vm11 =	vlt.s32 v18, v61;
	[tilespmem:$0x1F6E0] =	vst v6;
	v6 =	vmpcnt.ones.xlane vm4  }
0x1d5: {  	vm2 =	vmand vm10, vm11;
	vm10 =	veq.s32 v9, v30;
	vm11 =	vlt.s32 v20, v61  }
0x1d6: {  	vm8 =	vmor vm3, vm0;
	vm3 =	vmand vm10, vm11;
	[tilespmem:$0x1F6F0] =	vst v6;
	v6 =	vmpcnt.ones.xlane vm9  }
0x1d7: {  	vm10 =	veq.s32 v11, v30;
	vm0 =	vlt.s32 v19, v61;
	vm4 =	vgt.s32 v10, v30  }
0x1d8: {  	vm2 =	vmor vm4, vm2;
	vm4 =	vgt.s32 v9, v30;
	[tilespmem:$0x1F720] =	vst v6;
	v6 =	vmpcnt.ones.xlane vm15  }
0x1d9: {  	vm9 =	vmor vm4, vm3;
	vm3 =	vmand vm10, vm0;
	vm0 =	vgt.s32 v11, v30  }
0x1da: {  	vm4 =	vmor vm0, vm3;
	[tilespmem:$0x1F700] =	vst v6;
	v6 =	vimm.s32 $0x0  }
0x1db: {  	v6 =	vsel vm4, $0xFFFFFFFF, v6  }
0x1dc: {  	[tilespmem:$0x1EE20] =	vst v6;
	v6 =	vld [tilespmem:$0x1EDE0];
	_ =	sdelay $0x1  }
0x1dd: {  	v31 =	vbroadcast v9, $0x4;
	v59 =	vbroadcast v20, $0x4;
	_ =	sdelay $0x1  }
0x1de: {  	vm10 =	veq.s32 v12, v31;
	vm15 =	vlt.s32 v16, v59  }
0x1df: {  	vm0 =	vlt.s32 v18, v59;
	vm3 =	vmand vm10, vm15;
	vm15 =	vnez.u8 v6  }
0x1e0: {  	vm10 =	veq.s32 v10, v31;
	vm4 =	vgt.s32 v12, v31;
	v6 =	vmpcnt.ones.xlane vm15  }
0x1e1: {  	vm11 =	vmor vm4, vm3;
	vm3 =	vmand vm10, vm0;
	vm0 =	vgt.s32 v10, v31  }
0x1e2: {  	vm10 =	veq.s32 v9, v31;
	[tilespmem:$0x1F710] =	vst v6;
	v6 =	vmpcnt.ones.xlane vm13;
	vm13 =	vlt.s32 v20, v59  }
0x1e3: {  	vm3 =	vmor vm0, vm3;
	vm0 =	vmand vm10, vm13;
	vm13 =	vgt.s32 v9, v31  }
0x1e4: {  	[tilespmem:$0x1F730] =	vst v6;
	vm15 =	vmor vm13, vm0;
	v6 =	vimm.s32 $0x0  }
0x1e5: {  	v6 =	vsel vm15, $0xFFFFFFFF, v6  }
0x1e6: {  	v58 =	vbroadcast v20, $0x5;
	[tilespmem:$0x1EE30] =	vst v6;
	v6 =	vmpcnt.ones.xlane vm7  }
0x1e7: {  	v33 =	vbroadcast v9, $0x5;
	vm4 =	veq.s32 v11, v31  }
0x1e8: {  	vm10 =	vlt.s32 v16, v58;
	vm7 =	vlt.s32 v19, v59;
	[tilespmem:$0x1F740] =	vst v6;
	v6 =	vmpcnt.ones.xlane vm12  }
0x1e9: {  	vm0 =	vlt.s32 v18, v58;
	vm4 =	vmand vm4, vm7;
	vm12 =	veq.s32 v10, v33  }
0x1ea: {  	vm7 =	vmand vm12, vm0;
	[tilespmem:$0x1F750] =	vst v6;
	v6 =	vmpcnt.ones.xlane vm5;
	vm5 =	veq.s32 v12, v33  }
0x1eb: {  	vm0 =	vgt.s32 v10, v33;
	vm5 =	vmand vm5, vm10;
	vm10 =	vgt.s32 v11, v31  }
0x1ec: {  	[tilespmem:$0x1F760] =	vst v6;
	vm4 =	vmor vm10, vm4;
	vm10 =	vmor vm0, vm7;
	v6 =	vimm.s32 $0x0  }
0x1ed: {  	v6 =	vsel vm10, $0xFFFFFFFF, v6  }
0x1ee: {  	[tilespmem:$0x1EE40] =	vst v6;
	v6 =	vld [tilespmem:$0x1EDF0];
	_ =	sdelay $0x3  }
0x1ef: {  	vm12 =	vgt.s32 v12, v33  }
0x1f0: {  	vm13 =	vmor vm12, vm5;
	vm12 =	vnez.u8 v6  }
0x1f1: {  	v6 =	vmpcnt.ones.xlane vm12;
	_ =	sdelay $0x1  }
0x1f2: {  	[tilespmem:$0x1F770] =	vst v6;
	v6 =	vmpcnt.ones.xlane vm1;
	_ =	sdelay $0x1  }
0x1f3: {  	[tilespmem:$0x1F7A0] =	vst v6;
	v6 =	vmpcnt.ones.xlane vm14;
	_ =	sdelay $0x1  }
0x1f4: {  	[tilespmem:$0x1F780] =	vst v6;
	v6 =	vld [tilespmem:$0x1EE00];
	_ =	sdelay $0x1  }
0x1f5: {  	v34 =	vbroadcast v9, $0x6  }
0x1f6: {  	v57 =	vbroadcast v20, $0x6;
	vm15 =	veq.s32 v9, v33;
	vm0 =	vlt.s32 v20, v58  }
0x1f7: {  	vm5 =	vmand vm15, vm0;
	vm10 =	veq.s32 v11, v33;
	vm12 =	vlt.s32 v19, v58  }
0x1f8: {  	vm0 =	vlt.s32 v18, v57;
	vm7 =	vmand vm10, vm12;
	vm15 =	vnez.u8 v6  }
0x1f9: {  	vm10 =	vgt.s32 v11, v33;
	vm12 =	veq.s32 v12, v34;
	v6 =	vmpcnt.ones.xlane vm15  }
0x1fa: {  	vm1 =	vgt.s32 v9, v33;
	vm10 =	vmor vm10, vm7;
	vm7 =	veq.s32 v10, v34  }
0x1fb: {  	vm1 =	vmor vm1, vm5;
	vm14 =	vlt.s32 v16, v57;
	[tilespmem:$0x1F790] =	vst v6;
	v6 =	vmpcnt.ones.xlane vm6  }
0x1fc: {  	vm7 =	vmand vm7, vm0;
	vm5 =	vmand vm12, vm14;
	vm12 =	vgt.s32 v10, v34  }
0x1fd: {  	vm12 =	vmor vm12, vm7;
	[tilespmem:$0x1F7B0] =	vst v6;
	v6 =	vimm.s32 $0x0  }
0x1fe: {  	v6 =	vsel vm12, $0xFFFFFFFF, v6  }
0x1ff: {  	[tilespmem:$0x1EE50] =	vst v6;
	v6 =	vld [tilespmem:$0x1EE10];
	_ =	sdelay $0x2  }
0x200: {  	v35 =	vbroadcast v9, $0x7;
	vm0 =	vlt.s32 v20, v57;
	vm14 =	veq.s32 v9, v34  }
0x201: {  	v56 =	vbroadcast v20, $0x7;
	vm0 =	vmand vm14, vm0;
	vm6 =	vgt.s32 v12, v34  }
0x202: {  	vm7 =	veq.s32 v11, v34;
	vm15 =	vmor vm6, vm5;
	vm14 =	vnez.u8 v6  }
0x203: {  	vm5 =	vgt.s32 v9, v34;
	vm12 =	vlt.s32 v19, v57;
	v6 =	vmpcnt.ones.xlane vm14  }
0x204: {  	vm6 =	vmor vm5, vm0;
	vm5 =	vgt.s32 v11, v34;
	vm0 =	vmand vm7, vm12  }
0x205: {  	vm12 =	vlt.s32 v16, v56;
	vm7 =	vmor vm5, vm0;
	[tilespmem:$0x1F7E0] =	vst v6;
	v6 =	vmpcnt.ones.xlane vm8  }
0x206: {  	vm5 =	veq.s32 v10, v35;
	vm14 =	vgt.s32 v12, v35;
	vm8 =	veq.s32 v12, v35  }
0x207: {  	vm12 =	vmand vm8, vm12;
	vm8 =	vlt.s32 v18, v56;
	[tilespmem:$0x1F7C0] =	vst v6;
	v6 =	vmpcnt.ones.xlane vm2  }
0x208: {  	vm12 =	vmor vm14, vm12;
	vm0 =	vmand vm5, vm8  }
0x209: {  	vm8 =	veq.s32 v9, v35;
	vm14 =	vlt.s32 v20, v56;
	[tilespmem:$0x1F7D0] =	vst v6;
	v6 =	vmpcnt.ones.xlane vm9  }
0x20a: {  	vm5 =	vgt.s32 v10, v35;
	vm14 =	vmand vm8, vm14;
	vm8 =	vgt.s32 v9, v35  }
0x20b: {  	vm5 =	vmor vm5, vm0;
	vm0 =	vmor vm8, vm14;
	[tilespmem:$0x1F7F0] =	vst v6;
	v6 =	vimm.s32 $0x0  }
0x20c: {  	v6 =	vsel vm0, $0xFFFFFFFF, v6  }
0x20d: {  	[tilespmem:$0x1EE60] =	vst v6;
	v6 =	vld [tilespmem:$0x1EE20];
	_ =	sdelay $0x4  }
0x20e: {  	vm9 =	vnez.u8 v6  }
0x20f: {  	v6 =	vmpcnt.ones.xlane vm9  }
0x210: {  	v36 =	vbroadcast v9, $0x8;
	v55 =	vbroadcast v20, $0x8  }
0x211: {  	vm2 =	vlt.s32 v19, v56;
	vm0 =	veq.s32 v11, v35;
	[tilespmem:$0x1F800] =	vst v6;
	v6 =	vmpcnt.ones.xlane vm11  }
0x212: {  	vm8 =	vlt.s32 v16, v55;
	vm14 =	vlt.s32 v18, v55;
	vm0 =	vmand vm0, vm2  }
0x213: {  	vm9 =	veq.s32 v10, v36;
	[tilespmem:$0x1F810] =	vst v6;
	v6 =	vmpcnt.ones.xlane vm3;
	vm3 =	veq.s32 v12, v36  }
0x214: {  	vm11 =	vgt.s32 v10, v36;
	vm2 =	vmand vm3, vm8;
	vm3 =	vmand vm9, vm14  }
0x215: {  	[tilespmem:$0x1F820] =	vst v6;
	vm11 =	vmor vm11, vm3;
	v6 =	vimm.s32 $0x0  }
0x216: {  	v6 =	vsel vm11, $0xFFFFFFFF, v6  }
0x217: {  	[tilespmem:$0x1EE70] =	vst v6;
	v6 =	vld [tilespmem:$0x1EE30];
	_ =	sdelay $0x3  }
0x218: {  	vm8 =	vgt.s32 v11, v35  }
0x219: {  	vm0 =	vmor vm8, vm0;
	vm8 =	vnez.u8 v6  }
0x21a: {  	v6 =	vmpcnt.ones.xlane vm8;
	_ =	sdelay $0x1  }
0x21b: {  	[tilespmem:$0x1F830] =	vst v6;
	v6 =	vmpcnt.ones.xlane vm4;
	_ =	sdelay $0x1  }
0x21c: {  	[tilespmem:$0x1F860] =	vst v6;
	v6 =	vmpcnt.ones.xlane vm13;
	_ =	sdelay $0x1  }
0x21d: {  	v38 =	vbroadcast v9, $0x9;
	[tilespmem:$0x1F840] =	vst v6;
	v6 =	vld [tilespmem:$0x1EE40]  }
0x21e: {  	vm14 =	vgt.s32 v12, v36;
	vm9 =	veq.s32 v9, v36;
	vm11 =	vlt.s32 v20, v55  }
0x21f: {  	v54 =	vbroadcast v20, $0x9;
	vm14 =	vmor vm14, vm2;
	vm2 =	vmand vm9, vm11  }
0x220: {  	vm9 =	vlt.s32 v19, v55;
	vm11 =	veq.s32 v12, v38;
	vm8 =	veq.s32 v11, v36  }
0x221: {  	vm3 =	vmand vm8, vm9;
	vm8 =	vgt.s32 v11, v36;
	vm13 =	vlt.s32 v16, v54  }
0x222: {  	vm9 =	vmor vm8, vm3;
	vm3 =	vmand vm11, vm13;
	vm11 =	vnez.u8 v6  }
0x223: {  	vm4 =	vgt.s32 v9, v36;
	v6 =	vmpcnt.ones.xlane vm11  }
0x224: {  	vm2 =	vmor vm4, vm2;
	vm4 =	veq.s32 v10, v38;
	vm13 =	vlt.s32 v18, v54  }
0x225: {  	vm8 =	vgt.s32 v10, v38;
	vm4 =	vmand vm4, vm13;
	[tilespmem:$0x1F850] =	vst v6;
	v6 =	vmpcnt.ones.xlane vm1  }
0x226: {  	vm13 =	vlt.s32 v20, v54;
	vm4 =	vmor vm8, vm4  }
0x227: {  	vm11 =	veq.s32 v9, v38;
	vm1 =	vgt.s32 v12, v38;
	[tilespmem:$0x1F870] =	vst v6;
	v6 =	vmpcnt.ones.xlane vm10  }
0x228: {  	vm8 =	vgt.s32 v9, v38;
	vm3 =	vmor vm1, vm3;
	vm1 =	vmand vm11, vm13  }
0x229: {  	vm11 =	veq.s32 v11, v38;
	vm13 =	vlt.s32 v19, v54;
	[tilespmem:$0x1F880] =	vst v6;
	v6 =	vmpcnt.ones.xlane vm15  }
0x22a: {  	vm10 =	vmor vm8, vm1;
	vm1 =	vmand vm11, vm13;
	vm8 =	vgt.s32 v11, v38  }
0x22b: {  	vm1 =	vmor vm8, vm1;
	[tilespmem:$0x1F890] =	vst v6;
	v6 =	vimm.s32 $0x0  }
0x22c: {  	v6 =	vsel vm1, $0xFFFFFFFF, v6  }
0x22d: {  	[tilespmem:$0x1EE80] =	vst v6;
	v6 =	vld [tilespmem:$0x1EE50];
	_ =	sdelay $0x1  }
0x22e: {  	v40 =	vbroadcast v9, $0xA;
	v53 =	vbroadcast v20, $0xA;
	_ =	sdelay $0x1  }
0x22f: {  	vm11 =	veq.s32 v12, v40;
	vm13 =	vlt.s32 v16, v53  }
0x230: {  	vm1 =	vmand vm11, vm13;
	vm13 =	vnez.u8 v6  }
0x231: {  	vm8 =	vgt.s32 v12, v40;
	vm15 =	vlt.s32 v18, v53;
	v6 =	vmpcnt.ones.xlane vm13  }
0x232: {  	vm11 =	vmor vm8, vm1;
	vm8 =	veq.s32 v9, v40;
	vm13 =	veq.s32 v10, v40  }
0x233: {  	vm1 =	vmand vm13, vm15;
	vm13 =	vlt.s32 v20, v53;
	[tilespmem:$0x1F8A0] =	vst v6;
	v6 =	vmpcnt.ones.xlane vm6  }
0x234: {  	vm6 =	vgt.s32 v10, v40;
	vm15 =	vmand vm8, vm13;
	vm13 =	vgt.s32 v9, v40  }
0x235: {  	vm1 =	vmor vm6, vm1;
	vm6 =	vmor vm13, vm15;
	[tilespmem:$0x1F8B0] =	vst v6;
	v6 =	vimm.s32 $0x0  }
0x236: {  	v6 =	vsel vm6, $0xFFFFFFFF, v6  }
0x237: {  	v49 =	vbroadcast v20, $0xB;
	[tilespmem:$0x1EE90] =	vst v6;
	v6 =	vmpcnt.ones.xlane vm7  }
0x238: {  	v41 =	vbroadcast v9, $0xB  }
0x239: {  	vm8 =	vlt.s32 v16, v49;
	vm13 =	vlt.s32 v18, v49;
	[tilespmem:$0x1F8C0] =	vst v6;
	v6 =	vmpcnt.ones.xlane vm12  }
0x23a: {  	vm15 =	vgt.s32 v10, v41;
	vm6 =	veq.s32 v11, v40;
	vm7 =	vlt.s32 v19, v53  }
0x23b: {  	vm12 =	veq.s32 v10, v41;
	[tilespmem:$0x1F8D0] =	vst v6;
	v6 =	vmpcnt.ones.xlane vm5;
	vm5 =	veq.s32 v12, v41  }
0x23c: {  	vm6 =	vmand vm6, vm7;
	vm7 =	vmand vm5, vm8;
	vm8 =	vmand vm12, vm13  }
0x23d: {  	[tilespmem:$0x1F8E0] =	vst v6;
	vm15 =	vmor vm15, vm8;
	v6 =	vimm.s32 $0x0  }
0x23e: {  	v6 =	vsel vm15, $0xFFFFFFFF, v6  }
0x23f: {  	[tilespmem:$0x1EEA0] =	vst v6;
	v6 =	vld [tilespmem:$0x1EE60];
	_ =	sdelay $0x3  }
0x240: {  	vm12 =	vgt.s32 v12, v41  }
0x241: {  	vm13 =	vmor vm12, vm7;
	vm12 =	vnez.u8 v6  }
0x242: {  	v6 =	vmpcnt.ones.xlane vm12;
	_ =	sdelay $0x1  }
0x243: {  	[tilespmem:$0x1F8F0] =	vst v6;
	v6 =	vmpcnt.ones.xlane vm0;
	_ =	sdelay $0x1  }
0x244: {  	[tilespmem:$0x1F920] =	vst v6;
	v6 =	vmpcnt.ones.xlane vm14;
	_ =	sdelay $0x1  }
0x245: {  	v42 =	vbroadcast v9, $0xC;
	[tilespmem:$0x1F900] =	vst v6;
	v6 =	vld [tilespmem:$0x1EE70]  }
0x246: {  	v43 =	vbroadcast v9, $0xD;
	v48 =	vbroadcast v20, $0xC;
	vm5 =	vgt.s32 v11, v40  }
0x247: {  	vm5 =	vmor vm5, vm6;
	vm15 =	veq.s32 v9, v41;
	vm12 =	vlt.s32 v20, v49  }
0x248: {  	vm6 =	vmand vm15, vm12;
	vm15 =	veq.s32 v11, v41;
	vm12 =	vlt.s32 v19, v49  }
0x249: {  	vm0 =	vmand vm15, vm12;
	vm12 =	veq.s32 v12, v42;
	vm14 =	vlt.s32 v16, v48  }
0x24a: {  	vm7 =	vgt.s32 v9, v41;
	vm15 =	vmand vm12, vm14;
	vm14 =	vnez.u8 v6  }
0x24b: {  	vm8 =	vgt.s32 v11, v41;
	vm7 =	vmor vm7, vm6;
	v6 =	vmpcnt.ones.xlane vm14  }
0x24c: {  	vm6 =	veq.s32 v10, v42;
	vm8 =	vmor vm8, vm0;
	vm0 =	vlt.s32 v18, v48  }
0x24d: {  	vm6 =	vmand vm6, vm0;
	vm12 =	vgt.s32 v10, v42;
	[tilespmem:$0x1F910] =	vst v6;
	v6 =	vmpcnt.ones.xlane vm2  }
0x24e: {  	v47 =	vbroadcast v20, $0xD;
	vm0 =	vlt.s32 v20, v48;
	vm6 =	vmor vm12, vm6  }
0x24f: {  	vm12 =	veq.s32 v11, v42;
	vm14 =	veq.s32 v9, v42;
	[tilespmem:$0x1F930] =	vst v6;
	v6 =	vmpcnt.ones.xlane vm9  }
0x250: {  	vm0 =	vmand vm14, vm0;
	vm14 =	vlt.s32 v19, v48;
	vm2 =	vgt.s32 v12, v42  }
0x251: {  	vm15 =	vmor vm2, vm15;
	vm9 =	vgt.s32 v9, v42;
	[tilespmem:$0x1F940] =	vst v6;
	v6 =	vmpcnt.ones.xlane vm3  }
0x252: {  	vm2 =	vgt.s32 v11, v42;
	vm9 =	vmor vm9, vm0;
	vm0 =	vmand vm12, vm14  }
0x253: {  	vm12 =	veq.s32 v12, v43;
	vm0 =	vmor vm2, vm0;
	[tilespmem:$0x1F970] =	vst v6;
	v6 =	vimm.s32 $0x0  }
0x254: {  	vm14 =	vlt.s32 v16, v47;
	vm2 =	vgt.s32 v12, v43;
	v6 =	vsel vm0, $0xFFFFFFFF, v6  }
0x255: {  	vm3 =	vlt.s32 v18, v47;
	vm0 =	vmand vm12, vm14;
	[tilespmem:$0x1EEB0] =	vst v6;
	v6 =	vmpcnt.ones.xlane vm4  }
0x256: {  	vm14 =	vlt.s32 v20, v47;
	vm4 =	veq.s32 v10, v43;
	vm12 =	vmor vm2, vm0  }
0x257: {  	vm0 =	vmand vm4, vm3;
	vm4 =	veq.s32 v9, v43;
	[tilespmem:$0x1F980] =	vst v6;
	v6 =	vmpcnt.ones.xlane vm10  }
0x258: {  	vm2 =	vgt.s32 v10, v43;
	vm10 =	vmand vm4, vm14;
	vm14 =	vgt.s32 v9, v43  }
0x259: {  	vm2 =	vmor vm2, vm0;
	vm0 =	vmor vm14, vm10;
	[tilespmem:$0x1F990] =	vst v6;
	v6 =	vimm.s32 $0x0  }
0x25a: {  	v6 =	vsel vm0, $0xFFFFFFFF, v6  }
0x25b: {  	[tilespmem:$0x1EEC0] =	vst v6;
	v6 =	vld [tilespmem:$0x1EE80];
	_ =	sdelay $0x4  }
0x25c: {  	vm10 =	vnez.u8 v6  }
0x25d: {  	v6 =	vmpcnt.ones.xlane vm10  }
0x25e: {  	v62 =	vbroadcast v9, $0xE;
	v46 =	vbroadcast v20, $0xE  }
0x25f: {  	vm4 =	vlt.s32 v19, v47;
	vm0 =	veq.s32 v11, v43;
	[tilespmem:$0x1F9E0] =	vst v6;
	v6 =	vmpcnt.ones.xlane vm11  }
0x260: {  	vm14 =	vlt.s32 v18, v46;
	vm3 =	vmand vm0, vm4;
	vm10 =	vlt.s32 v16, v46  }
0x261: {  	vm11 =	veq.s32 v10, v62;
	[tilespmem:$0x1F9A0] =	vst v6;
	v6 =	vmpcnt.ones.xlane vm1;
	vm1 =	veq.s32 v12, v62  }
0x262: {  	vm4 =	vmand vm11, vm14;
	vm11 =	vgt.s32 v12, v62;
	vm1 =	vmand vm1, vm10  }
0x263: {  	[tilespmem:$0x1F9B0] =	vst v6;
	vm1 =	vmor vm11, vm1;
	v6 =	vimm.s32 $0x0  }
0x264: {  	vm14 =	vgt.s32 v10, v62;
	v6 =	vsel vm1, $0xFFFFFFFF, v6  }
0x265: {  	vm0 =	vmor vm14, vm4;
	[tilespmem:$0x1EED0] =	vst v6;
	v6 =	vimm.s32 $0x0  }
0x266: {  	v6 =	vsel vm0, $0xFFFFFFFF, v6  }
0x267: {  	[tilespmem:$0x1EEE0] =	vst v6;
	v6 =	vld [tilespmem:$0x1EE90];
	_ =	sdelay $0x4  }
0x268: {  	vm11 =	vnez.u8 v6  }
0x269: {  	v6 =	vmpcnt.ones.xlane vm11;
	_ =	sdelay $0x1  }
0x26a: {  	[tilespmem:$0x1F9F0] =	vst v6;
	v6 =	vmpcnt.ones.xlane vm5;
	_ =	sdelay $0x1  }
0x26b: {  	[tilespmem:$0x1FA10] =	vst v6;
	v6 =	vmpcnt.ones.xlane vm13;
	_ =	sdelay $0x1  }
0x26c: {  	v44 =	vbroadcast v19, $0x0;
	v45 =	vbroadcast v20, $0xF;
	[tilespmem:$0x1F9C0] =	vst v6;
	v6 =	vld [tilespmem:$0x1EEA0]  }
0x26d: {  	v29 =	vbroadcast v9, $0xF;
	v30 =	vbroadcast v11, $0x0;
	vm10 =	vgt.s32 v11, v43  }
0x26e: {  	vm14 =	veq.s32 v9, v62;
	vm4 =	vlt.s32 v20, v46;
	vm3 =	vmor vm10, vm3  }
0x26f: {  	vm10 =	veq.s32 v11, v62;
	vm0 =	vmand vm14, vm4;
	vm11 =	vlt.s32 v19, v46  }
0x270: {  	vm4 =	vmand vm10, vm11;
	vm10 =	veq.s32 v12, v29;
	vm11 =	vlt.s32 v16, v45  }
0x271: {  	vm1 =	vlt.s32 v18, v45;
	vm13 =	vmand vm10, vm11;
	vm11 =	vnez.u8 v6  }
0x272: {  	vm14 =	vgt.s32 v9, v62;
	vm5 =	vgt.s32 v11, v62;
	v6 =	vmpcnt.ones.xlane vm11  }
0x273: {  	vm14 =	vmor vm14, vm0;
	vm0 =	veq.s32 v10, v29;
	vm5 =	vmor vm5, vm4  }
0x274: {  	vm4 =	vmand vm0, vm1;
	vm10 =	vgt.s32 v10, v29;
	[tilespmem:$0x1F9D0] =	vst v6;
	v6 =	vmpcnt.ones.xlane vm7  }
0x275: {  	vm0 =	vlt.s32 v20, v45;
	vm1 =	veq.s32 v11, v29;
	vm10 =	vmor vm10, vm4  }
0x276: {  	vm4 =	vlt.s32 v19, v45;
	vm11 =	veq.s32 v9, v29;
	[tilespmem:$0x1FA00] =	vst v6;
	v6 =	vimm.s32 $0x0  }
0x277: {  	vm0 =	vmand vm11, vm0;
	vm7 =	vgt.s32 v12, v29;
	v6 =	vsel vm10, $0xFFFFFFFF, v6  }
0x278: {  	vm13 =	vmor vm7, vm13;
	vm7 =	vgt.s32 v9, v29;
	[tilespmem:$0x1EEF0] =	vst v6;
	v6 =	vmpcnt.ones.xlane vm8  }
0x279: {  	vm10 =	vmor vm7, vm0;
	vm0 =	vmand vm1, vm4;
	vm7 =	vgt.s32 v11, v29  }
0x27a: {  	vm1 =	veq.s32 v12, v30;
	vm4 =	vlt.s32 v16, v44;
	[tilespmem:$0x1FA20] =	vst v6;
	v6 =	vmpcnt.ones.xlane vm15  }
0x27b: {  	vm11 =	vgt.s32 v12, v30;
	vm8 =	vmor vm7, vm0;
	vm0 =	vmand vm1, vm4  }
0x27c: {  	vm1 =	veq.s32 v10, v30;
	vm4 =	vlt.s32 v18, v44;
	[tilespmem:$0x1FA30] =	vst v6;
	v6 =	vmpcnt.ones.xlane vm6  }
0x27d: {  	vm11 =	vmor vm11, vm0;
	vm0 =	vmand vm1, vm4  }
0x27e: {  	vm1 =	veq.s32 v9, v30;
	vm4 =	vlt.s32 v20, v44;
	[tilespmem:$0x1FA40] =	vst v6;
	v6 =	vmpcnt.ones.xlane vm9  }
0x27f: {  	vm15 =	vgt.s32 v10, v30;
	vm9 =	vmand vm1, vm4;
	vm1 =	vgt.s32 v9, v30  }
0x280: {  	vm15 =	vmor vm15, vm0;
	vm0 =	vmor vm1, vm9;
	[tilespmem:$0x1FA50] =	vst v6;
	v6 =	vimm.s32 $0x0  }
0x281: {  	v6 =	vsel vm0, $0xFFFFFFFF, v6  }
0x282: {  	[tilespmem:$0x1EF00] =	vst v6;
	v6 =	vld [tilespmem:$0x1EEB0];
	_ =	sdelay $0x4  }
0x283: {  	vm9 =	vnez.u8 v6  }
0x284: {  	v43 =	vbroadcast v19, $0x1;
	v6 =	vmpcnt.ones.xlane vm9  }
0x285: {  	v31 =	vbroadcast v11, $0x1  }
0x286: {  	vm7 =	vlt.s32 v16, v43;
	vm6 =	vlt.s32 v19, v44;
	[tilespmem:$0x1FA80] =	vst v6;
	v6 =	vmpcnt.ones.xlane vm12  }
0x287: {  	vm4 =	vgt.s32 v10, v31;
	vm0 =	veq.s32 v11, v30;
	vm9 =	veq.s32 v10, v31  }
0x288: {  	vm12 =	vlt.s32 v18, v43;
	[tilespmem:$0x1FA60] =	vst v6;
	v6 =	vmpcnt.ones.xlane vm2;
	vm2 =	veq.s32 v12, v31  }
0x289: {  	vm1 =	vmand vm0, vm6;
	vm6 =	vmand vm2, vm7;
	vm7 =	vmand vm9, vm12  }
0x28a: {  	[tilespmem:$0x1FA70] =	vst v6;
	vm0 =	vmor vm4, vm7;
	v6 =	vimm.s32 $0x0  }
0x28b: {  	v6 =	vsel vm0, $0xFFFFFFFF, v6  }
0x28c: {  	[tilespmem:$0x1EF10] =	vst v6;
	v6 =	vld [tilespmem:$0x1EEC0];
	_ =	sdelay $0x4  }
0x28d: {  	vm7 =	vnez.u8 v6  }
0x28e: {  	v6 =	vmpcnt.ones.xlane vm7;
	_ =	sdelay $0x1  }
0x28f: {  	[tilespmem:$0x1FA90] =	vst v6;
	v6 =	vmpcnt.ones.xlane vm3;
	_ =	sdelay $0x1  }
0x290: {  	[tilespmem:$0x1FAA0] =	vst v6;
	v6 =	vld [tilespmem:$0x1EED0];
	_ =	sdelay $0x1  }
0x291: {  	vm2 =	vgt.s32 v11, v30;
	vm12 =	vgt.s32 v12, v31  }
0x292: {  	vm9 =	veq.s32 v9, v31;
	vm12 =	vmor vm12, vm6;
	vm4 =	vlt.s32 v20, v43  }
0x293: {  	vm6 =	veq.s32 v11, v31;
	vm7 =	vmand vm9, vm4;
	vm9 =	vlt.s32 v19, v43  }
0x294: {  	vm2 =	vmor vm2, vm1;
	vm1 =	vmand vm6, vm9;
	vm6 =	vnez.u8 v6  }
0x295: {  	v6 =	vmpcnt.ones.xlane vm6  }
0x296: {  	vm6 =	vgt.s32 v11, v31  }
0x297: {  	vm1 =	vmor vm6, vm1;
	[tilespmem:$0x1FAB0] =	vst v6;
	v6 =	vimm.s32 $0x0  }
0x298: {  	v6 =	vsel vm1, $0xFFFFFFFF, v6  }
0x299: {  	[tilespmem:$0x1EF20] =	vst v6;
	v6 =	vld [tilespmem:$0x1EEE0];
	_ =	sdelay $0x3  }
0x29a: {  	v33 =	vbroadcast v11, $0x2;
	v42 =	vbroadcast v19, $0x2;
	vm3 =	vgt.s32 v9, v31  }
0x29b: {  	vm3 =	vmor vm3, vm7;
	vm7 =	vnez.u8 v6  }
0x29c: {  	vm0 =	vlt.s32 v16, v42;
	vm9 =	veq.s32 v12, v33;
	v6 =	vmpcnt.ones.xlane vm7  }
0x29d: {  	vm4 =	vmand vm9, vm0  }
0x29e: {  	vm9 =	veq.s32 v10, v33;
	vm0 =	vlt.s32 v18, v42;
	[tilespmem:$0x1FAC0] =	vst v6;
	v6 =	vmpcnt.ones.xlane vm14  }
0x29f: {  	vm1 =	vmand vm9, vm0;
	vm9 =	vgt.s32 v10, v33  }
0x2a0: {  	vm1 =	vmor vm9, vm1;
	[tilespmem:$0x1FAD0] =	vst v6;
	v6 =	vimm.s32 $0x0  }
0x2a1: {  	v6 =	vsel vm1, $0xFFFFFFFF, v6  }
0x2a2: {  	vm0 =	vlt.s32 v20, v42;
	vm14 =	veq.s32 v9, v33;
	[tilespmem:$0x1EF30] =	vst v6;
	v6 =	vmpcnt.ones.xlane vm5  }
0x2a3: {  	vm9 =	vgt.s32 v9, v33;
	vm0 =	vmand vm14, vm0  }
0x2a4: {  	vm14 =	vlt.s32 v19, v42;
	vm5 =	veq.s32 v11, v33;
	[tilespmem:$0x1FAE0] =	vst v6;
	v6 =	vmpcnt.ones.xlane vm13  }
0x2a5: {  	vm9 =	vmor vm9, vm0;
	vm1 =	vgt.s32 v11, v33;
	vm0 =	vmand vm5, vm14  }
0x2a6: {  	vm0 =	vmor vm1, vm0;
	[tilespmem:$0x1FAF0] =	vst v6;
	v6 =	vimm.s32 $0x0  }
0x2a7: {  	v6 =	vsel vm0, $0xFFFFFFFF, v6  }
0x2a8: {  	[tilespmem:$0x1EF40] =	vst v6;
	v6 =	vld [tilespmem:$0x1EEF0];
	_ =	sdelay $0x1  }
0x2a9: {  	v34 =	vbroadcast v11, $0x3;
	v41 =	vbroadcast v19, $0x3  }
0x2aa: {  	vm6 =	vgt.s32 v12, v33  }
0x2ab: {  	vm7 =	vmor vm6, vm4;
	vm4 =	vlt.s32 v16, v41;
	vm5 =	veq.s32 v12, v34  }
0x2ac: {  	vm6 =	vlt.s32 v18, v41;
	vm0 =	vmand vm5, vm4;
	vm5 =	vnez.u8 v6  }
0x2ad: {  	vm1 =	vgt.s32 v12, v34;
	v6 =	vmpcnt.ones.xlane vm5;
	vm5 =	veq.s32 v10, v34  }
0x2ae: {  	vm14 =	vmor vm1, vm0;
	vm0 =	vmand vm5, vm6  }
0x2af: {  	vm5 =	veq.s32 v9, v34;
	vm6 =	vlt.s32 v20, v41;
	[tilespmem:$0x1FB00] =	vst v6;
	v6 =	vmpcnt.ones.xlane vm10  }
0x2b0: {  	vm10 =	vgt.s32 v10, v34;
	vm4 =	vmand vm5, vm6;
	vm5 =	vgt.s32 v9, v34  }
0x2b1: {  	vm10 =	vmor vm10, vm0;
	vm0 =	vmor vm5, vm4;
	[tilespmem:$0x1FB10] =	vst v6;
	v6 =	vimm.s32 $0x0  }
0x2b2: {  	v6 =	vsel vm0, $0xFFFFFFFF, v6  }
0x2b3: {  	[tilespmem:$0x1EF50] =	vst v6;
	v6 =	vmpcnt.ones.xlane vm8;
	_ =	sdelay $0x1  }
0x2b4: {  	[tilespmem:$0x1FB20] =	vst v6;
	v6 =	vmpcnt.ones.xlane vm11;
	_ =	sdelay $0x1  }
0x2b5: {  	[tilespmem:$0x1FB60] =	vst v6;
	v6 =	vmpcnt.ones.xlane vm15;
	_ =	sdelay $0x1  }
0x2b6: {  	[tilespmem:$0x1FB70] =	vst v6;
	v6 =	vld [tilespmem:$0x1EF00]  }
0x2b7: {  	v35 =	vbroadcast v11, $0x4;
	v40 =	vbroadcast v19, $0x4;
	_ =	sdelay $0x1  }
0x2b8: {  	vm4 =	veq.s32 v10, v35;
	vm5 =	vlt.s32 v18, v40  }
0x2b9: {  	vm11 =	vmand vm4, vm5;
	vm15 =	vgt.s32 v10, v35  }
0x2ba: {  	vm15 =	vmor vm15, vm11;
	vm11 =	vnez.u8 v6  }
0x2bb: {  	v6 =	vmpcnt.ones.xlane vm11;
	_ =	sdelay $0x1  }
0x2bc: {  	[tilespmem:$0x1FBB0] =	vst v6;
	v6 =	vmpcnt.ones.xlane vm2;
	_ =	sdelay $0x1  }
0x2bd: {  	vm1 =	vlt.s32 v19, v41;
	[tilespmem:$0x1FBE0] =	vst v6;
	v6 =	vmpcnt.ones.xlane vm12  }
0x2be: {  	vm6 =	vlt.s32 v16, v40;
	vm0 =	veq.s32 v11, v34;
	vm8 =	veq.s32 v12, v35  }
0x2bf: {  	vm0 =	vmand vm0, vm1;
	vm8 =	vmand vm8, vm6;
	vm6 =	vgt.s32 v11, v34;
	[tilespmem:$0x1FB80] =	vst v6;
	v6 =	vld [tilespmem:$0x1EF10]  }
0x2c0: {  	vm13 =	vgt.s32 v12, v35;
	vm4 =	vmor vm6, vm0  }
0x2c1: {  	vm8 =	vmor vm13, vm8;
	vm13 =	veq.s32 v9, v35;
	vm5 =	vlt.s32 v20, v40  }
0x2c2: {  	vm6 =	veq.s32 v11, v35;
	vm13 =	vmand vm13, vm5;
	vm5 =	vlt.s32 v19, v40  }
0x2c3: {  	vm11 =	vmand vm6, vm5;
	vm6 =	vgt.s32 v9, v35;
	vm12 =	vgt.s32 v11, v35  }
0x2c4: {  	vm5 =	vmor vm6, vm13;
	vm13 =	vmor vm12, vm11;
	vm11 =	vnez.u8 v6  }
0x2c5: {  	v6 =	vmpcnt.ones.xlane vm11;
	_ =	sdelay $0x1  }
0x2c6: {  	[tilespmem:$0x1FB90] =	vst v6;
	v6 =	vmpcnt.ones.xlane vm3;
	_ =	sdelay $0x1  }
0x2c7: {  	v38 =	vbroadcast v19, $0x5;
	v62 =	vbroadcast v11, $0x5;
	[tilespmem:$0x1FBC0] =	vst v6;
	v6 =	vld [tilespmem:$0x1EF20];
	_ =	sdelay $0x1  }
0x2c8: {  	vm1 =	veq.s32 v12, v62;
	vm0 =	vlt.s32 v16, v38  }
0x2c9: {  	vm2 =	vmand vm1, vm0;
	vm0 =	vlt.s32 v18, v38;
	vm12 =	veq.s32 v10, v62  }
0x2ca: {  	vm1 =	vmand vm12, vm0;
	vm0 =	veq.s32 v9, v62;
	vm11 =	vlt.s32 v20, v38  }
0x2cb: {  	vm3 =	vmand vm0, vm11;
	vm11 =	vnez.u8 v6  }
0x2cc: {  	vm12 =	vgt.s32 v10, v62;
	v6 =	vmpcnt.ones.xlane vm11  }
0x2cd: {  	vm12 =	vmor vm12, vm1;
	vm1 =	vgt.s32 v9, v62  }
0x2ce: {  	vm1 =	vmor vm1, vm3;
	[tilespmem:$0x1FBF0] =	vst v6;
	v6 =	vimm.s32 $0x0  }
0x2cf: {  	vm6 =	vgt.s32 v12, v62;
	v6 =	vsel vm1, $0xFFFFFFFF, v6  }
0x2d0: {  	vm0 =	vlt.s32 v19, v38;
	vm11 =	veq.s32 v11, v62;
	[tilespmem:$0x1EF60] =	vst v6;
	v6 =	vmpcnt.ones.xlane vm7  }
0x2d1: {  	vm6 =	vmor vm6, vm2;
	vm2 =	vmand vm11, vm0;
	vm1 =	vgt.s32 v11, v62  }
0x2d2: {  	vm1 =	vmor vm1, vm2;
	[tilespmem:$0x1FC10] =	vst v6;
	v6 =	vimm.s32 $0x0  }
0x2d3: {  	v6 =	vsel vm1, $0xFFFFFFFF, v6  }
0x2d4: {  	[tilespmem:$0x1EF70] =	vst v6;
	v6 =	vld [tilespmem:$0x1EF30];
	_ =	sdelay $0x1  }
0x2d5: {  	v36 =	vbroadcast v19, $0x6;
	v29 =	vbroadcast v11, $0x6;
	_ =	sdelay $0x1  }
0x2d6: {  	vm11 =	veq.s32 v12, v29;
	vm7 =	vlt.s32 v16, v36  }
0x2d7: {  	vm0 =	vmand vm11, vm7;
	vm11 =	vnez.u8 v6  }
0x2d8: {  	v6 =	vmpcnt.ones.xlane vm11;
	_ =	sdelay $0x1  }
0x2d9: {  	vm3 =	vlt.s32 v18, v36;
	vm2 =	veq.s32 v10, v29;
	[tilespmem:$0x1FC20] =	vst v6;
	v6 =	vmpcnt.ones.xlane vm9  }
0x2da: {  	vm1 =	vmand vm2, vm3;
	vm2 =	vgt.s32 v10, v29  }
0x2db: {  	vm1 =	vmor vm2, vm1;
	[tilespmem:$0x1FC30] =	vst v6;
	v6 =	vimm.s32 $0x0  }
0x2dc: {  	v6 =	vsel vm1, $0xFFFFFFFF, v6  }
0x2dd: {  	[tilespmem:$0x1EFD0] =	vst v6;
	v6 =	vld [tilespmem:$0x1EF40];
	_ =	sdelay $0x3  }
0x2de: {  	vm7 =	vgt.s32 v12, v29;
	vm11 =	veq.s32 v9, v29;
	vm9 =	vlt.s32 v20, v36  }
0x2df: {  	vm7 =	vmor vm7, vm0;
	vm0 =	vmand vm11, vm9;
	vm11 =	vnez.u8 v6  }
0x2e0: {  	v6 =	vmpcnt.ones.xlane vm11;
	_ =	sdelay $0x1  }
0x2e1: {  	v30 =	vbroadcast v11, $0x7;
	[tilespmem:$0x1FC40] =	vst v6;
	v6 =	vmpcnt.ones.xlane vm14  }
0x2e2: {  	v35 =	vbroadcast v19, $0x7;
	vm3 =	vgt.s32 v11, v29;
	vm2 =	vlt.s32 v19, v36  }
0x2e3: {  	vm9 =	vgt.s32 v9, v29;
	vm1 =	veq.s32 v11, v29;
	[tilespmem:$0x1FC50] =	vst v6;
	v6 =	vmpcnt.ones.xlane vm10  }
0x2e4: {  	vm9 =	vmor vm9, vm0;
	vm0 =	vlt.s32 v18, v35;
	vm1 =	vmand vm1, vm2  }
0x2e5: {  	vm1 =	vmor vm3, vm1;
	vm14 =	veq.s32 v10, v30;
	[tilespmem:$0x1FC60] =	vst v6;
	v6 =	vimm.s32 $0x0  }
0x2e6: {  	vm0 =	vmand vm14, vm0;
	vm14 =	vgt.s32 v10, v30;
	v6 =	vsel vm1, $0xFFFFFFFF, v6  }
0x2e7: {  	vm0 =	vmor vm14, vm0;
	[tilespmem:$0x1F220] =	vst v6;
	v6 =	vimm.s32 $0x0  }
0x2e8: {  	v6 =	vsel vm0, $0xFFFFFFFF, v6  }
0x2e9: {  	[tilespmem:$0x1F230] =	vst v6;
	v6 =	vld [tilespmem:$0x1EF50];
	_ =	sdelay $0x1  }
0x2ea: {  	v13 =	vbroadcast v11, $0xA;
	v31 =	vbroadcast v11, $0x8  }
0x2eb: {  	v33 =	vbroadcast v19, $0x9;
	v34 =	vbroadcast v19, $0x8  }
0x2ec: {  	v62 =	vbroadcast v11, $0x9;
	vm11 =	vlt.s32 v16, v35;
	vm10 =	veq.s32 v12, v30  }
0x2ed: {  	vm2 =	vmand vm10, vm11;
	vm11 =	vgt.s32 v12, v30;
	vm10 =	vnez.u8 v6  }
0x2ee: {  	vm14 =	veq.s32 v9, v30;
	vm11 =	vmor vm11, vm2;
	v6 =	vmpcnt.ones.xlane vm10  }
0x2ef: {  	vm2 =	veq.s32 v11, v30;
	vm0 =	vlt.s32 v16, v34;
	vm10 =	vlt.s32 v20, v35  }
0x2f0: {  	vm10 =	vmand vm14, vm10;
	vm14 =	vlt.s32 v19, v35;
	[tilespmem:$0x1FCA0] =	vst v6;
	v6 =	vmpcnt.ones.xlane vm4  }
0x2f1: {  	vm2 =	vmand vm2, vm14;
	vm4 =	vgt.s32 v9, v30;
	vm14 =	veq.s32 v12, v31  }
0x2f2: {  	vm3 =	vlt.s32 v16, v33;
	vm10 =	vmor vm4, vm10;
	vm1 =	vmand vm14, vm0  }
0x2f3: {  	vm0 =	vlt.s32 v18, v34;
	vm4 =	vgt.s32 v12, v31;
	[tilespmem:$0x1FCD0] =	vst v6;
	v6 =	vmpcnt.ones.xlane vm8  }
0x2f4: {  	vm14 =	vgt.s32 v10, v31;
	vm8 =	vgt.s32 v11, v30;
	v30 =	vbroadcast v19, $0xB  }
0x2f5: {  	vm8 =	vmor vm8, vm2;
	[tilespmem:$0x1FC70] =	vst v6;
	v6 =	vmpcnt.ones.xlane vm15;
	vm15 =	veq.s32 v10, v31  }
0x2f6: {  	vm2 =	vmand vm15, vm0;
	vm15 =	veq.s32 v9, v31;
	vm0 =	vlt.s32 v20, v34  }
0x2f7: {  	[tilespmem:$0x1FC80] =	vst v6;
	v6 =	vmpcnt.ones.xlane vm5;
	vm5 =	vmor vm4, vm1;
	vm14 =	vmor vm14, vm2  }
0x2f8: {  	vm0 =	vmand vm15, vm0;
	vm1 =	vgt.s32 v9, v31;
	vm2 =	veq.s32 v11, v31  }
0x2f9: {  	vm4 =	vlt.s32 v19, v34;
	vm15 =	vgt.s32 v11, v31;
	[tilespmem:$0x1FCB0] =	vst v6;
	v6 =	vimm.s32 $0x0  }
0x2fa: {  	v31 =	vbroadcast v19, $0xA;
	v6 =	vsel vm14, $0xFFFFFFFF, v6;
	vm14 =	vmor vm1, vm0  }
0x2fb: {  	[tilespmem:$0x1F440] =	vst v6;
	v6 =	vmpcnt.ones.xlane vm13;
	vm13 =	vmand vm2, vm4;
	vm2 =	veq.s32 v12, v62  }
0x2fc: {  	vm1 =	vgt.s32 v9, v62;
	vm13 =	vmor vm15, vm13;
	vm4 =	vmand vm2, vm3  }
0x2fd: {  	vm2 =	veq.s32 v10, v62;
	[tilespmem:$0x1FCE0] =	vst v6;
	v6 =	vmpcnt.ones.xlane vm6;
	vm6 =	vgt.s32 v12, v62  }
0x2fe: {  	vm3 =	vlt.s32 v18, v33;
	vm15 =	vgt.s32 v10, v62;
	vm6 =	vmor vm6, vm4  }
0x2ff: {  	vm4 =	veq.s32 v9, v62;
	[tilespmem:$0x1FD30] =	vst v6;
	v6 =	vmpcnt.ones.xlane vm12;
	vm12 =	vmand vm2, vm3  }
0x300: {  	vm2 =	veq.s32 v11, v62;
	vm12 =	vmor vm15, vm12;
	vm15 =	vlt.s32 v20, v33  }
0x301: {  	vm3 =	vgt.s32 v12, v13;
	vm0 =	vmand vm4, vm15;
	vm4 =	vlt.s32 v19, v33  }
0x302: {  	[tilespmem:$0x1FD40] =	vst v6;
	v6 =	vimm.s32 $0x0;
	vm0 =	vmor vm1, vm0;
	vm15 =	vmand vm2, vm4  }
0x303: {  	vm4 =	vgt.s32 v11, v62;
	vm2 =	veq.s32 v10, v13;
	v6 =	vsel vm0, $0xFFFFFFFF, v6  }
0x304: {  	vm0 =	vmor vm4, vm15;
	vm15 =	veq.s32 v12, v13;
	vm4 =	vlt.s32 v16, v31  }
0x305: {  	vm1 =	veq.s32 v9, v13;
	[tilespmem:$0x1F650] =	vst v6;
	v6 =	vimm.s32 $0x0;
	vm4 =	vmand vm15, vm4  }
0x306: {  	vm15 =	vlt.s32 v18, v31;
	v6 =	vsel vm0, $0xFFFFFFFF, v6;
	vm0 =	vlt.s32 v20, v31  }
0x307: {  	vm3 =	vmor vm3, vm4;
	vm2 =	vmand vm2, vm15;
	[tilespmem:$0x1F660] =	vst v6;
	v6 =	vimm.s32 $0x0  }
0x308: {  	vm0 =	vmand vm1, vm0;
	vm1 =	vgt.s32 v10, v13;
	v6 =	vsel vm3, $0xFFFFFFFF, v6  }
0x309: {  	v62 =	vbroadcast v11, $0xB;
	vm1 =	vmor vm1, vm2;
	[tilespmem:$0x1F670] =	vst v6;
	v6 =	vimm.s32 $0x0  }
0x30a: {  	vm4 =	veq.s32 v11, v13;
	vm3 =	vgt.s32 v9, v13;
	v6 =	vsel vm1, $0xFFFFFFFF, v6  }
0x30b: {  	vm15 =	vlt.s32 v19, v31;
	vm0 =	vmor vm3, vm0;
	[tilespmem:$0x1F6A0] =	vst v6;
	v6 =	vimm.s32 $0x0  }
0x30c: {  	vm2 =	veq.s32 v12, v62;
	vm1 =	vgt.s32 v11, v13;
	v6 =	vsel vm0, $0xFFFFFFFF, v6  }
0x30d: {  	vm0 =	vmand vm4, vm15;
	vm15 =	vlt.s32 v16, v30;
	vm4 =	vgt.s32 v12, v62  }
0x30e: {  	[tilespmem:$0x1F950] =	vst v6;
	vm0 =	vmor vm1, vm0;
	v6 =	vimm.s32 $0x0;
	vm15 =	vmand vm2, vm15  }
0x30f: {  	vm2 =	vgt.s32 v10, v62;
	v6 =	vsel vm0, $0xFFFFFFFF, v6;
	vm0 =	vmor vm4, vm15  }
0x310: {  	vm15 =	veq.s32 v10, v62;
	vm4 =	vlt.s32 v18, v30;
	[tilespmem:$0x1F960] =	vst v6;
	v6 =	vimm.s32 $0x0  }
0x311: {  	v6 =	vsel vm0, $0xFFFFFFFF, v6;
	vm0 =	vmand vm15, vm4;
	vm15 =	veq.s32 v9, v62  }
0x312: {  	vm4 =	vlt.s32 v20, v30;
	[tilespmem:$0x1FB30] =	vst v6;
	vm0 =	vmor vm2, vm0;
	v6 =	vimm.s32 $0x0  }
0x313: {  	vm1 =	vmand vm15, vm4;
	vm15 =	vgt.s32 v9, v62;
	v6 =	vsel vm0, $0xFFFFFFFF, v6  }
0x314: {  	vm15 =	vmor vm15, vm1;
	[tilespmem:$0x1FD00] =	vst v6;
	v6 =	vimm.s32 $0x0  }
0x315: {  	v6 =	vsel vm15, $0xFFFFFFFF, v6  }
0x316: {  	[tilespmem:$0x1FE00] =	vst v6;
	v6 =	vld [tilespmem:$0x1EF60];
	_ =	sdelay $0x4  }
0x317: {  	vm15 =	vnez.u8 v6  }
0x318: {  	vm4 =	vlt.s32 v19, v30;
	vm0 =	veq.s32 v11, v62;
	v6 =	vmpcnt.ones.xlane vm15  }
0x319: {  	vm0 =	vmand vm0, vm4;
	vm4 =	vgt.s32 v11, v62  }
0x31a: {  	vm0 =	vmor vm4, vm0;
	[tilespmem:$0x1FD60] =	vst v6;
	v6 =	vimm.s32 $0x0  }
0x31b: {  	v6 =	vsel vm0, $0xFFFFFFFF, v6  }
0x31c: {  	[tilespmem:$0x1FE20] =	vst v6;
	v6 =	vld [tilespmem:$0x1EF70];
	_ =	sdelay $0x1  }
0x31d: {  	v29 =	vbroadcast v19, $0xC;
	v13 =	vbroadcast v11, $0xC;
	_ =	sdelay $0x1  }
0x31e: {  	vm4 =	vlt.s32 v16, v29;
	vm15 =	veq.s32 v12, v13  }
0x31f: {  	vm2 =	vmand vm15, vm4;
	vm15 =	vnez.u8 v6  }
0x320: {  	v6 =	vmpcnt.ones.xlane vm15;
	_ =	sdelay $0x1  }
0x321: {  	[tilespmem:$0x1FDA0] =	vst v6;
	v6 =	vmpcnt.ones.xlane vm7  }
0x322: {  	[tilespmem:$0x1F6C0] =	vst v7;
	v7 =	vld [tilespmem:$0x1EF90]  }
0x323: {  	[tilespmem:$0x1FD70] =	vst v6;
	v6 =	vld [tilespmem:$0x1EF80];
	_ =	sdelay $0x2  }
0x324: {  	v37 =	vadd.s32 v32, v37  }
0x325: {  	v26 =	vadd.s32 v17, v26;
	v17 =	vadd.s32 v39, v37  }
0x326: {  	v17 =	vadd.s32 v50, v17;
	v50 =	vadd.s32 v51, v63;
	v51 =	vadd.s32 v6, v7;
	v6 =	vld [tilespmem:$0x1EFA0];
	_ =	sdelay $0x4  }
0x327: {  	v63 =	vadd.s32 v6, v51;
	v6 =	vld [tilespmem:$0x1EFB0]  }
0x328: {  	v8 =	vadd.s32 v8, v15  }
0x329: {  	v14 =	vadd.s32 v21, v8  }
0x32a: {  	v14 =	vadd.s32 v25, v14  }
0x32b: {  	v14 =	vxor.u32 $0x80000000, v14;
	v62 =	vadd.s32 v52, v50  }
0x32c: {  	(xrf0) =	vmax.scan.msk.u32 $0xffff, v14;
	v14 =	vadd.s32 v6, v62;
	v6 =	vld [tilespmem:$0x1EFC0];
	_ =	sdelay $0x2  }
0x32d: {  	vm1 =	vgt.s32 v12, v13  }
0x32e: {  	vm3 =	vgt.s32 v10, v13;
	vm4 =	veq.s32 v10, v13;
	vm1 =	vmor vm1, vm2  }
0x32f: {  	vm7 =	vlt.s32 v18, v29;
	v21 =	vadd.s32 v6, v63;
	v6 =	vimm.s32 $0x0  }
0x330: {  	vm15 =	vlt.s32 v20, v29;
	vm0 =	vmand vm4, vm7;
	v6 =	vsel vm1, $0xFFFFFFFF, v6  }
0x331: {  	vm4 =	veq.s32 v9, v13;
	vm0 =	vmor vm3, vm0;
	[tilespmem:$0x1FE40] =	vst v6;
	v6 =	vimm.s32 $0x0  }
0x332: {  	vm1 =	vgt.s32 v9, v13;
	v6 =	vsel vm0, $0xFFFFFFFF, v6;
	vm0 =	vmand vm4, vm15  }
0x333: {  	[tilespmem:$0x1FE60] =	vst v6;
	vm0 =	vmor vm1, vm0;
	v6 =	vimm.s32 $0x0  }
0x334: {  	v6 =	vsel vm0, $0xFFFFFFFF, v6  }
0x335: {  	[tilespmem:$0x1FE80] =	vst v6;
	v6 =	vld [tilespmem:$0x1EFD0];
	_ =	sdelay $0x3  }
0x336: {  	vm7 =	veq.s32 v11, v13;
	vm15 =	vlt.s32 v19, v29  }
0x337: {  	vm0 =	vmand vm7, vm15;
	vm7 =	vnez.u8 v6  }
0x338: {  	v6 =	vmpcnt.ones.xlane vm7;
	_ =	sdelay $0x1  }
0x339: {  	[tilespmem:$0x1FD80] =	vst v6;
	v6 =	vmpcnt.ones.xlane vm9  }
0x33a: {  	v7 =	vld [tilespmem:$0x1EFF0]  }
0x33b: {  	[tilespmem:$0x1FDB0] =	vst v6;
	v6 =	vld [tilespmem:$0x1EFE0];
	_ =	sdelay $0x4  }
0x33c: {  	v32 =	vadd.s32 v6, v7;
	v6 =	vld [tilespmem:$0x1F000]  }
0x33d: {  	v7 =	vld [tilespmem:$0x1F010];
	_ =	sdelay $0x4  }
0x33e: {  	v15 =	vadd.s32 v27, v26;
	v37 =	vadd.s32 v6, v7;
	v6 =	vld [tilespmem:$0x1F020]  }
0x33f: {  	v15 =	vadd.s32 v28, v15  }
0x340: {  	v15 =	vxor.u32 $0x80000000, v15  }
0x341: {  	(xrf0) =	vmax.scan.msk.u32 $0xffff, v15;
	v17 =	vxor.u32 $0x80000000, v17  }
0x342: {  	(xrf0) =	vmax.scan.msk.u32 $0xffff, v17;
	v14 =	vxor.u32 $0x80000000, v14  }
0x343: {  	(xrf0) =	vmax.scan.msk.u32 $0xffff, v14;
	v14 =	vadd.s32 v6, v32;
	v6 =	vld [tilespmem:$0x1F030];
	_ =	sdelay $0x4  }
0x344: {  	v15 =	vadd.s32 v6, v37;
	v6 =	vld [tilespmem:$0x1F040];
	_ =	sdelay $0x4  }
0x345: {  	v14 =	vadd.s32 v6, v14;
	v6 =	vld [tilespmem:$0x1F050];
	_ =	sdelay $0x3  }
0x346: {  	v7 =	vld [tilespmem:$0x1F070]  }
0x347: {  	v15 =	vadd.s32 v6, v15;
	v6 =	vld [tilespmem:$0x1F060];
	_ =	sdelay $0x4  }
0x348: {  	v51 =	vadd.s32 v6, v7;
	v6 =	vld [tilespmem:$0x1F080]  }
0x349: {  	v7 =	vld [tilespmem:$0x1F090];
	_ =	sdelay $0x4  }
0x34a: {  	v52 =	vadd.s32 v6, v7;
	v6 =	vld [tilespmem:$0x1F0A0]  }
0x34b: {  	v7 =	vld [tilespmem:$0x1F0B0];
	_ =	sdelay $0x4  }
0x34c: {  	v62 =	vadd.s32 v6, v7;
	v6 =	vld [tilespmem:$0x1F0C0];
	_ =	sdelay $0x4  }
0x34d: {  	v17 =	vadd.s32 v6, v51;
	v6 =	vld [tilespmem:$0x1F0D0];
	_ =	sdelay $0x4  }
0x34e: {  	v25 =	vxor.u32 $0x80000000, v21;
	v21 =	vadd.s32 v6, v52;
	v6 =	vld [tilespmem:$0x1F0E0];
	_ =	sdelay $0x3  }
0x34f: {  	v26, _, _ =	vpop (xrf0)  }
0x350: {  	(v2sf) =	vpush v26, $0xF;
	v26 =	vadd.s32 v6, v62;
	v6 =	vld [tilespmem:$0x1F0F0];
	_ =	sdelay $0x4  }
0x351: {  	v17 =	vadd.s32 v6, v17;
	v6 =	vld [tilespmem:$0x1F100];
	_ =	sdelay $0x4  }
0x352: {  	v21 =	vadd.s32 v6, v21;
	v6 =	vld [tilespmem:$0x1F110];
	_ =	sdelay $0x3  }
0x353: {  	v7 =	vld [tilespmem:$0x1F130]  }
0x354: {  	v26 =	vadd.s32 v6, v26;
	v6 =	vld [tilespmem:$0x1F120];
	_ =	sdelay $0x4  }
0x355: {  	v63 =	vadd.s32 v6, v7;
	v6 =	vld [tilespmem:$0x1F140]  }
0x356: {  	v7 =	vld [tilespmem:$0x1F150];
	_ =	sdelay $0x4  }
0x357: {  	(xrf0) =	vmax.scan.msk.u32 $0xffff, v25;
	v25 =	vadd.s32 v6, v7;
	v6 =	vld [tilespmem:$0x1F160];
	_ =	sdelay $0x3  }
0x358: {  	v27, _, _ =	vpop (xrf0)  }
0x359: {  	(v2sf) =	vpush v27, $0xF;
	v27 =	vadd.s32 v6, v63;
	v6 =	vld [tilespmem:$0x1F170];
	_ =	sdelay $0x3  }
0x35a: {  	v28, _, _ =	vpop (xrf0)  }
0x35b: {  	(v2sf) =	vpush v28, $0xF;
	v28 =	vadd.s32 v6, v25;
	v6 =	vld [tilespmem:$0x1F180];
	_ =	sdelay $0x3  }
0x35c: {  	v14 =	vxor.u32 $0x80000000, v14  }
0x35d: {  	(xrf0) =	vmax.scan.msk.u32 $0xffff, v14;
	v14 =	vadd.s32 v6, v27;
	v6 =	vld [tilespmem:$0x1F190];
	_ =	sdelay $0x3  }
0x35e: {  	v7 =	vld [tilespmem:$0x1F1B0]  }
0x35f: {  	v32 =	vadd.s32 v6, v28;
	v6 =	vld [tilespmem:$0x1F1A0];
	_ =	sdelay $0x2  }
0x360: {  	v39, _, _ =	vpop (xrf0)  }
0x361: {  	(v2sf) =	vpush v39, $0xF;
	v50, _, _ =	vpop (xrf0)  }
0x362: {  	(v2sf) =	vpush v50, $0xF;
	v50 =	vadd.s32 v6, v7;
	v6 =	vld [tilespmem:$0x1F1C0]  }
0x363: {  	v7 =	vld [tilespmem:$0x1F1D0];
	_ =	sdelay $0x4  }
0x364: {  	v51 =	vadd.s32 v6, v7;
	v6 =	vld [tilespmem:$0x1F1E0];
	_ =	sdelay $0x4  }
0x365: {  	v52 =	vadd.s32 v6, v50;
	v6 =	vld [tilespmem:$0x1F1F0];
	_ =	sdelay $0x4  }
0x366: {  	v37 =	vadd.s32 v6, v51;
	v6 =	vld [tilespmem:$0x1F200];
	_ =	sdelay $0x4  }
0x367: {  	v63 =	vadd.s32 v6, v52;
	v6 =	vld [tilespmem:$0x1F210];
	_ =	sdelay $0x4  }
0x368: {  	v8 =	vadd.s32 v6, v37;
	v6 =	vld [tilespmem:$0x1F220];
	_ =	sdelay $0x4  }
0x369: {  	v62 =	vxor.u32 $0x80000000, v26;
	v26 =	vbroadcast v11, $0xD;
	vm4 =	vnez.u8 v6  }
0x36a: {  	v28 =	vbroadcast v19, $0xD;
	v6 =	vmpcnt.ones.xlane vm4;
	_ =	sdelay $0x1  }
0x36b: {  	vm9 =	veq.s32 v12, v26;
	vm15 =	vlt.s32 v16, v28;
	[tilespmem:$0x1FDD0] =	vst v6;
	v6 =	vmpcnt.ones.xlane vm11  }
0x36c: {  	vm1 =	vmand vm9, vm15;
	vm9 =	vgt.s32 v12, v26  }
0x36d: {  	vm11 =	vmor vm9, vm1;
	[tilespmem:$0x1FEB0] =	vst v6;
	v6 =	vimm.s32 $0x0  }
0x36e: {  	v6 =	vsel vm11, $0xFFFFFFFF, v6  }
0x36f: {  	[tilespmem:$0x1FF00] =	vst v6;
	v6 =	vld [tilespmem:$0x1F230];
	_ =	sdelay $0x4  }
0x370: {  	vm9 =	vnez.u8 v6  }
0x371: {  	v6 =	vmpcnt.ones.xlane vm9;
	_ =	sdelay $0x1  }
0x372: {  	[tilespmem:$0x1FEC0] =	vst v6;
	v6 =	vmpcnt.ones.xlane vm10;
	_ =	sdelay $0x1  }
0x373: {  	[tilespmem:$0x1FEE0] =	vst v6;
	v6 =	vmpcnt.ones.xlane vm8;
	_ =	sdelay $0x1  }
0x374: {  	[tilespmem:$0x1FFD0] =	vst v6;
	v6 =	vmpcnt.ones.xlane vm5  }
0x375: {  	v7 =	vld [tilespmem:$0x1F250]  }
0x376: {  	v15 =	vxor.u32 $0x80000000, v15;
	[tilespmem:$0x1FF70] =	vst v6;
	v6 =	vld [tilespmem:$0x1F240]  }
0x377: {  	(xrf0) =	vmax.scan.msk.u32 $0xffff, v15;
	v17 =	vxor.u32 $0x80000000, v17  }
0x378: {  	(xrf0) =	vmax.scan.msk.u32 $0xffff, v17;
	v21 =	vxor.u32 $0x80000000, v21  }
0x379: {  	(xrf0) =	vmax.scan.msk.u32 $0xffff, v21  }
0x37a: {  	(xrf0) =	vmax.scan.msk.u32 $0xffff, v62;
	v14 =	vxor.u32 $0x80000000, v14  }
0x37b: {  	(xrf0) =	vmax.scan.msk.u32 $0xffff, v14;
	v14 =	vxor.u32 $0x80000000, v63;
	v63 =	vadd.s32 v6, v7;
	v6 =	vld [tilespmem:$0x1F260];
	_ =	sdelay $0x3  }
0x37c: {  	v7 =	vld [tilespmem:$0x1F280]  }
0x37d: {  	vm7 =	vgt.s32 v11, v13;
	v13 =	vadd.s32 v6, v63;
	v6 =	vld [tilespmem:$0x1F270];
	_ =	sdelay $0x4  }
0x37e: {  	v21 =	vadd.s32 v6, v7;
	v6 =	vld [tilespmem:$0x1F290];
	_ =	sdelay $0x4  }
0x37f: {  	v13 =	vadd.s32 v6, v13;
	v6 =	vld [tilespmem:$0x1F2A0];
	_ =	sdelay $0x2  }
0x380: {  	v15 =	vxor.u32 $0x80000000, v32  }
0x381: {  	(xrf0) =	vmax.scan.msk.u32 $0xffff, v15;
	v7 =	vld [tilespmem:$0x1F2C0]  }
0x382: {  	v25, _, _ =	vpop (xrf0);
	(xrf0) =	vmax.scan.msk.u32 $0xffff, v14;
	v14 =	vadd.s32 v6, v21;
	v6 =	vld [tilespmem:$0x1F2B0];
	_ =	sdelay $0x4  }
0x383: {  	(v2sf) =	vpush v25, $0xF;
	v25 =	vadd.s32 v6, v7;
	v6 =	vld [tilespmem:$0x1F2D0];
	_ =	sdelay $0x3  }
0x384: {  	v7 =	vld [tilespmem:$0x1F2F0]  }
0x385: {  	v15 =	vadd.s32 v6, v25;
	v6 =	vld [tilespmem:$0x1F2E0];
	_ =	sdelay $0x3  }
0x386: {  	v27 =	vxor.u32 $0x80000000, v8  }
0x387: {  	v32, _, _ =	vpop (xrf0);
	(xrf0) =	vmax.scan.msk.u32 $0xffff, v27;
	v27 =	vadd.s32 v6, v7;
	v6 =	vld [tilespmem:$0x1F300];
	_ =	sdelay $0x1  }
0x388: {  	(v2sf) =	vpush v32, $0xF;
	v37, _, _ =	vpop (xrf0)  }
0x389: {  	(v2sf) =	vpush v37, $0xF;
	v39, _, _ =	vpop (xrf0)  }
0x38a: {  	(v2sf) =	vpush v39, $0xF;
	v50, _, _ =	vpop (xrf0)  }
0x38b: {  	(v2sf) =	vpush v50, $0xF;
	v51, _, _ =	vpop (xrf0);
	v32 =	vadd.s32 v6, v14;
	v6 =	vld [tilespmem:$0x1F310]  }
0x38c: {  	(v2sf) =	vpush v51, $0xF;
	v52, _, _ =	vpop (xrf0)  }
0x38d: {  	(v2sf) =	vpush v52, $0xF;
	v62, _, _ =	vpop (xrf0)  }
0x38e: {  	(v2sf) =	vpush v62, $0xF;
	v17, _, _ =	vpop (xrf0);
	v13 =	vxor.u32 $0x80000000, v13  }
0x38f: {  	(v2sf) =	vpush v17, $0xF;
	(xrf0) =	vmax.scan.msk.u32 $0xffff, v13  }
0x390: {  	v50 =	vadd.s32 v6, v15;
	v6 =	vld [tilespmem:$0x1F320];
	_ =	sdelay $0x3  }
0x391: {  	v7 =	vld [tilespmem:$0x1F340]  }
0x392: {  	v51 =	vadd.s32 v6, v27;
	v6 =	vld [tilespmem:$0x1F330];
	_ =	sdelay $0x4  }
0x393: {  	v52 =	vadd.s32 v6, v7;
	v6 =	vld [tilespmem:$0x1F350]  }
0x394: {  	v7 =	vld [tilespmem:$0x1F360];
	_ =	sdelay $0x4  }
0x395: {  	v62 =	vadd.s32 v6, v7;
	v6 =	vld [tilespmem:$0x1F370];
	_ =	sdelay $0x4  }
0x396: {  	v63 =	vadd.s32 v6, v51;
	v6 =	vld [tilespmem:$0x1F380];
	_ =	sdelay $0x4  }
0x397: {  	v25 =	vadd.s32 v6, v52;
	v6 =	vld [tilespmem:$0x1F390];
	_ =	sdelay $0x4  }
0x398: {  	v27 =	vadd.s32 v6, v62;
	v6 =	vld [tilespmem:$0x1F3A0];
	_ =	sdelay $0x4  }
0x399: {  	v15 =	vadd.s32 v6, v25;
	v6 =	vld [tilespmem:$0x1F3B0];
	_ =	sdelay $0x3  }
0x39a: {  	v7 =	vld [tilespmem:$0x1F3D0]  }
0x39b: {  	v21 =	vadd.s32 v6, v27;
	v6 =	vld [tilespmem:$0x1F3C0];
	_ =	sdelay $0x4  }
0x39c: {  	v13 =	vxor.u32 $0x80000000, v32;
	v32 =	vadd.s32 v6, v7;
	v6 =	vld [tilespmem:$0x1F3E0]  }
0x39d: {  	v7 =	vld [tilespmem:$0x1F3F0];
	_ =	sdelay $0x4  }
0x39e: {  	v14 =	vxor.u32 $0x80000000, v50;
	v50 =	vadd.s32 v6, v7;
	v6 =	vld [tilespmem:$0x1F400];
	_ =	sdelay $0x4  }
0x39f: {  	v51 =	vadd.s32 v6, v32;
	v6 =	vld [tilespmem:$0x1F410];
	_ =	sdelay $0x4  }
0x3a0: {  	v52 =	vadd.s32 v6, v50;
	v6 =	vld [tilespmem:$0x1F420];
	_ =	sdelay $0x2  }
0x3a1: {  	(xrf0) =	vmax.scan.msk.u32 $0xffff, v13  }
0x3a2: {  	(xrf0) =	vmax.scan.msk.u32 $0xffff, v14;
	v13 =	vxor.u32 $0x80000000, v63  }
0x3a3: {  	(xrf0) =	vmax.scan.msk.u32 $0xffff, v13;
	v13 =	vadd.s32 v6, v51;
	v6 =	vld [tilespmem:$0x1F430];
	_ =	sdelay $0x4  }
0x3a4: {  	v14 =	vadd.s32 v6, v52;
	v6 =	vld [tilespmem:$0x1F440];
	_ =	sdelay $0x4  }
0x3a5: {  	vm8 =	vnez.u8 v6  }
0x3a6: {  	v6 =	vmpcnt.ones.xlane vm8;
	_ =	sdelay $0x1  }
0x3a7: {  	[tilespmem:$0x1FF80] =	vst v6;
	v6 =	vmpcnt.ones.xlane vm14;
	_ =	sdelay $0x1  }
0x3a8: {  	[tilespmem:$0x1FFC0] =	vst v6;
	v6 =	vmpcnt.ones.xlane vm13;
	_ =	sdelay $0x1  }
0x3a9: {  	[tilespmem:$0x1FFE0] =	vst v6;
	v6 =	vmpcnt.ones.xlane vm6;
	_ =	sdelay $0x1  }
0x3aa: {  	[tilespmem:$0x1FF90] =	vst v6;
	v6 =	vmpcnt.ones.xlane vm12  }
0x3ab: {  	v7 =	vld [tilespmem:$0x1F460]  }
0x3ac: {  	[tilespmem:$0x1FFA0] =	vst v6;
	v6 =	vld [tilespmem:$0x1F450];
	_ =	sdelay $0x4  }
0x3ad: {  	v32 =	vadd.s32 v6, v7;
	v6 =	vld [tilespmem:$0x1F470];
	_ =	sdelay $0x1  }
0x3ae: {  	v15 =	vxor.u32 $0x80000000, v15  }
0x3af: {  	(xrf0) =	vmax.scan.msk.u32 $0xffff, v15;
	v62 =	vxor.u32 $0x80000000, v21  }
0x3b0: {  	(xrf0) =	vmax.scan.msk.u32 $0xffff, v62;
	v13 =	vxor.u32 $0x80000000, v13;
	v7 =	vld [tilespmem:$0x1F490]  }
0x3b1: {  	v63, _, _ =	vpop (xrf0);
	(xrf0) =	vmax.scan.msk.u32 $0xffff, v13;
	v13 =	vadd.s32 v6, v32;
	v6 =	vld [tilespmem:$0x1F480];
	_ =	sdelay $0x4  }
0x3b2: {  	v37 =	vadd.s32 v6, v7;
	v6 =	vld [tilespmem:$0x1F4A0]  }
0x3b3: {  	vm7 =	vmor vm7, vm0;
	vm2 =	veq.s32 v9, v26  }
0x3b4: {  	vm15 =	veq.s32 v10, v26;
	vm4 =	vlt.s32 v18, v28;
	v14 =	vxor.u32 $0x80000000, v14  }
0x3b5: {  	vm0 =	vmand vm15, vm4;
	vm11 =	vgt.s32 v10, v26;
	(v2sf) =	vpush v63, $0xF;
	v8, _, _ =	vpop (xrf0);
	(xrf0) =	vmax.scan.msk.u32 $0xffff, v14  }
0x3b6: {  	vm15 =	vlt.s32 v20, v28;
	vm9 =	vmor vm11, vm0;
	(v2sf) =	vpush v8, $0xF;
	v17, _, _ =	vpop (xrf0)  }
0x3b7: {  	vm11 =	vgt.s32 v9, v26;
	(v2sf) =	vpush v17, $0xF;
	v21, _, _ =	vpop (xrf0);
	v13 =	vadd.s32 v6, v13;
	v6 =	vld [tilespmem:$0x1F4B0]  }
0x3b8: {  	vm10 =	vmand vm2, vm15;
	vm2 =	veq.s32 v11, v26;
	(v2sf) =	vpush v21, $0xF;
	v25, _, _ =	vpop (xrf0)  }
0x3b9: {  	vm10 =	vmor vm11, vm10;
	vm11 =	vgt.s32 v11, v26;
	(v2sf) =	vpush v25, $0xF;
	v26, _, _ =	vpop (xrf0)  }
0x3ba: {  	(v2sf) =	vpush v26, $0xF;
	v27, _, _ =	vpop (xrf0)  }
0x3bb: {  	s20 =	spop (v2sf);
	(v2sf) =	vpush v27, $0xF;
	v14, _, _ =	vpop (xrf0);
	v7 =	vld [tilespmem:$0x1F4D0]  }
0x3bc: {  	s21 =	spop (v2sf);
	(v2sf) =	vpush v14, $0xF;
	v14 =	vadd.s32 v6, v37;
	v6 =	vld [tilespmem:$0x1F4C0];
	_ =	sdelay $0x4  }
0x3bd: {  	v39 =	vadd.s32 v6, v7;
	v6 =	vld [tilespmem:$0x1F4E0];
	_ =	sdelay $0x4  }
0x3be: {  	v14 =	vadd.s32 v6, v14;
	v6 =	vld [tilespmem:$0x1F4F0];
	_ =	sdelay $0x4  }
0x3bf: {  	v15 =	vadd.s32 v6, v39;
	v6 =	vld [tilespmem:$0x1F500];
	_ =	sdelay $0x3  }
0x3c0: {  	v7 =	vld [tilespmem:$0x1F520]  }
0x3c1: {  	v50 =	vadd.s32 v6, v15;
	v6 =	vld [tilespmem:$0x1F510];
	_ =	sdelay $0x4  }
0x3c2: {  	v51 =	vadd.s32 v6, v7;
	v6 =	vld [tilespmem:$0x1F530]  }
0x3c3: {  	v7 =	vld [tilespmem:$0x1F540];
	_ =	sdelay $0x4  }
0x3c4: {  	v52 =	vadd.s32 v6, v7;
	v6 =	vld [tilespmem:$0x1F550];
	_ =	sdelay $0x4  }
0x3c5: {  	v15 =	vadd.s32 v6, v51;
	v6 =	vld [tilespmem:$0x1F560];
	_ =	sdelay $0x4  }
0x3c6: {  	v21 =	vadd.s32 v6, v52;
	v6 =	vld [tilespmem:$0x1F570];
	_ =	sdelay $0x4  }
0x3c7: {  	v62 =	vadd.s32 v6, v15;
	v6 =	vld [tilespmem:$0x1F580];
	_ =	sdelay $0x3  }
0x3c8: {  	v7 =	vld [tilespmem:$0x1F5A0]  }
0x3c9: {  	v63 =	vadd.s32 v6, v21;
	v6 =	vld [tilespmem:$0x1F590];
	_ =	sdelay $0x4  }
0x3ca: {  	v27 =	vadd.s32 v6, v7;
	v6 =	vld [tilespmem:$0x1F5B0];
	_ =	sdelay $0x3  }
0x3cb: {  	v7 =	vld [tilespmem:$0x1F5D0]  }
0x3cc: {  	v21 =	vadd.s32 v6, v27;
	v6 =	vld [tilespmem:$0x1F5C0];
	_ =	sdelay $0x4  }
0x3cd: {  	v32 =	vadd.s32 v6, v7;
	v6 =	vld [tilespmem:$0x1F5E0];
	_ =	sdelay $0x4  }
0x3ce: {  	v37 =	vadd.s32 v6, v21;
	v6 =	vld [tilespmem:$0x1F5F0];
	_ =	sdelay $0x4  }
0x3cf: {  	v39 =	vadd.s32 v6, v32;
	v6 =	vld [tilespmem:$0x1F600];
	_ =	sdelay $0x3  }
0x3d0: {  	v13 =	vxor.u32 $0x80000000, v13;
	v7 =	vld [tilespmem:$0x1F620]  }
0x3d1: {  	(xrf0) =	vmax.scan.msk.u32 $0xffff, v13;
	v13 =	vxor.u32 $0x80000000, v50;
	v50 =	vadd.s32 v6, v39;
	v6 =	vld [tilespmem:$0x1F610];
	_ =	sdelay $0x4  }
0x3d2: {  	v51 =	vadd.s32 v6, v7;
	v6 =	vld [tilespmem:$0x1F630];
	_ =	sdelay $0x3  }
0x3d3: {  	v14 =	vxor.u32 $0x80000000, v14  }
0x3d4: {  	(xrf0) =	vmax.scan.msk.u32 $0xffff, v14;
	v14 =	vxor.u32 $0x80000000, v62;
	v62 =	vadd.s32 v6, v51;
	v6 =	vld [tilespmem:$0x1F640];
	_ =	sdelay $0x1  }
0x3d5: {  	(xrf0) =	vmax.scan.msk.u32 $0xffff, v13  }
0x3d6: {  	(xrf0) =	vmax.scan.msk.u32 $0xffff, v14;
	v15 =	vxor.u32 $0x80000000, v63  }
0x3d7: {  	(xrf0) =	vmax.scan.msk.u32 $0xffff, v15;
	v13 =	vxor.u32 $0x80000000, v37  }
0x3d8: {  	(xrf0) =	vmax.scan.msk.u32 $0xffff, v13;
	v13 =	vadd.s32 v6, v62;
	v6 =	vld [tilespmem:$0x1F650];
	_ =	sdelay $0x2  }
0x3d9: {  	vm15 =	vlt.s32 v19, v28  }
0x3da: {  	vm5 =	vmand vm2, vm15  }
0x3db: {  	vm15 =	vmor vm11, vm5;
	vm11 =	vnez.u8 v6;
	v6 =	vld [tilespmem:$0x1F660];
	_ =	sdelay $0x1  }
0x3dc: {  	v27 =	vbroadcast v19, $0xE;
	v21 =	vbroadcast v11, $0xE;
	_ =	sdelay $0x1  }
0x3dd: {  	vm13 =	vlt.s32 v16, v27;
	vm12 =	veq.s32 v12, v21  }
0x3de: {  	vm0 =	vmand vm12, vm13;
	vm12 =	vnez.u8 v6;
	v6 =	vld [tilespmem:$0x1F670];
	_ =	sdelay $0x3  }
0x3df: {  	v7 =	vld [tilespmem:$0x1F690]  }
0x3e0: {  	vm13 =	vnez.u8 v6;
	v6 =	vld [tilespmem:$0x1F680];
	_ =	sdelay $0x4  }
0x3e1: {  	v26 =	vadd.s32 v6, v7;
	v6 =	vld [tilespmem:$0x1F6A0];
	_ =	sdelay $0x4  }
0x3e2: {  	vm4 =	vnez.u8 v6;
	v6 =	vld [tilespmem:$0x1F6B0];
	_ =	sdelay $0x2  }
0x3e3: {  	v14 =	vxor.u32 $0x80000000, v50  }
0x3e4: {  	v52, _, _ =	vpop (xrf0);
	(xrf0) =	vmax.scan.msk.u32 $0xffff, v14;
	v13 =	vxor.u32 $0x80000000, v13  }
0x3e5: {  	v63, _, _ =	vpop (xrf0);
	(xrf0) =	vmax.scan.msk.u32 $0xffff, v13;
	v13 =	vadd.s32 v6, v26;
	v6 =	vld [tilespmem:$0x1F6C0];
	_ =	sdelay $0x3  }
0x3e6: {  	v7 =	vld [tilespmem:$0x1F6E0]  }
0x3e7: {  	v13 =	vadd.s32 v6, v13;
	v6 =	vld [tilespmem:$0x1F6D0];
	_ =	sdelay $0x3  }
0x3e8: {  	s24 =	spop (v2sf);
	(v2sf) =	vpush v52, $0xF  }
0x3e9: {  	s25 =	spop (v2sf);
	(v2sf) =	vpush v63, $0xF;
	v63 =	vadd.s32 v6, v7;
	v6 =	vld [tilespmem:$0x1F6F0];
	_ =	sdelay $0x3  }
0x3ea: {  	v7 =	vld [tilespmem:$0x1F710]  }
0x3eb: {  	v14 =	vadd.s32 v6, v63;
	v6 =	vld [tilespmem:$0x1F700];
	_ =	sdelay $0x2  }
0x3ec: {  	v8, _, _ =	vpop (xrf0)  }
0x3ed: {  	s28 =	spop (v2sf);
	(v2sf) =	vpush v8, $0xF;
	v17, _, _ =	vpop (xrf0)  }
0x3ee: {  	s30 =	spop (v2sf);
	(v2sf) =	vpush v17, $0xF;
	v17 =	vadd.s32 v6, v7;
	v6 =	vld [tilespmem:$0x1F720];
	_ =	sdelay $0x4  }
0x3ef: {  	v37 =	vadd.s32 v6, v14;
	v6 =	vld [tilespmem:$0x1F730];
	_ =	sdelay $0x1  }
0x3f0: {  	v25, _, _ =	vpop (xrf0)  }
0x3f1: {  	s29 =	spop (v2sf);
	(v2sf) =	vpush v25, $0xF;
	v32, _, _ =	vpop (xrf0)  }
0x3f2: {  	s26 =	spop (v2sf);
	(v2sf) =	vpush v32, $0xF;
	v62, _, _ =	vpop (xrf0)  }
0x3f3: {  	s22 =	spop (v2sf);
	(v2sf) =	vpush v62, $0xF;
	v62 =	vadd.s32 v6, v17;
	v6 =	vld [tilespmem:$0x1F740];
	_ =	sdelay $0x3  }
0x3f4: {  	v7 =	vld [tilespmem:$0x1F760]  }
0x3f5: {  	v14 =	vadd.s32 v6, v62;
	v6 =	vld [tilespmem:$0x1F750];
	_ =	sdelay $0x4  }
0x3f6: {  	v63 =	vadd.s32 v6, v7;
	v6 =	vld [tilespmem:$0x1F770];
	_ =	sdelay $0x3  }
0x3f7: {  	v7 =	vld [tilespmem:$0x1F790]  }
0x3f8: {  	v17 =	vadd.s32 v6, v63;
	v6 =	vld [tilespmem:$0x1F780];
	_ =	sdelay $0x3  }
0x3f9: {  	v32, _, _ =	vpop (xrf0)  }
0x3fa: {  	s23 =	spop (v2sf);
	(v2sf) =	vpush v32, $0xF;
	v32 =	vadd.s32 v6, v7;
	v6 =	vld [tilespmem:$0x1F7A0];
	_ =	sdelay $0x2  }
0x3fb: {  	v13 =	vxor.u32 $0x80000000, v13  }
0x3fc: {  	(xrf0) =	vmax.scan.msk.u32 $0xffff, v13;
	v13 =	vxor.u32 $0x80000000, v37  }
0x3fd: {  	(xrf0) =	vmax.scan.msk.u32 $0xffff, v13;
	v13 =	vadd.s32 v6, v17;
	v6 =	vld [tilespmem:$0x1F7B0];
	_ =	sdelay $0x3  }
0x3fe: {  	v7 =	vld [tilespmem:$0x1F7D0]  }
0x3ff: {  	v37 =	vadd.s32 v6, v32;
	v6 =	vld [tilespmem:$0x1F7C0];
	_ =	sdelay $0x4  }
0x400: {  	v62 =	vadd.s32 v6, v7;
	v6 =	vld [tilespmem:$0x1F7E0];
	_ =	sdelay $0x3  }
0x401: {  	v14 =	vxor.u32 $0x80000000, v14  }
0x402: {  	(xrf0) =	vmax.scan.msk.u32 $0xffff, v14;
	v14 =	vadd.s32 v6, v37;
	v6 =	vld [tilespmem:$0x1F7F0];
	_ =	sdelay $0x4  }
0x403: {  	v26 =	vadd.s32 v6, v62;
	v6 =	vld [tilespmem:$0x1F800];
	_ =	sdelay $0x3  }
0x404: {  	v7 =	vld [tilespmem:$0x1F820]  }
0x405: {  	v63 =	vadd.s32 v6, v26;
	v6 =	vld [tilespmem:$0x1F810];
	_ =	sdelay $0x4  }
0x406: {  	v17 =	vadd.s32 v6, v7;
	v6 =	vld [tilespmem:$0x1F830];
	_ =	sdelay $0x3  }
0x407: {  	v7 =	vld [tilespmem:$0x1F850]  }
0x408: {  	v32 =	vadd.s32 v6, v17;
	v6 =	vld [tilespmem:$0x1F840];
	_ =	sdelay $0x4  }
0x409: {  	v37 =	vadd.s32 v6, v7;
	v6 =	vld [tilespmem:$0x1F860];
	_ =	sdelay $0x4  }
0x40a: {  	v17 =	vadd.s32 v6, v32;
	v6 =	vld [tilespmem:$0x1F870];
	_ =	sdelay $0x4  }
0x40b: {  	v26 =	vadd.s32 v6, v37;
	v6 =	vld [tilespmem:$0x1F880];
	_ =	sdelay $0x2  }
0x40c: {  	v13 =	vxor.u32 $0x80000000, v13  }
0x40d: {  	(xrf0) =	vmax.scan.msk.u32 $0xffff, v13;
	v14 =	vxor.u32 $0x80000000, v14;
	v7 =	vld [tilespmem:$0x1F8A0]  }
0x40e: {  	(xrf0) =	vmax.scan.msk.u32 $0xffff, v14;
	v14 =	vadd.s32 v6, v26;
	v6 =	vld [tilespmem:$0x1F890];
	_ =	sdelay $0x4  }
0x40f: {  	v32 =	vadd.s32 v6, v7;
	v6 =	vld [tilespmem:$0x1F8B0];
	_ =	sdelay $0x4  }
0x410: {  	v13 =	vxor.u32 $0x80000000, v63;
	v63 =	vadd.s32 v6, v32;
	v6 =	vld [tilespmem:$0x1F8C0];
	_ =	sdelay $0x3  }
0x411: {  	v15, _, _ =	vpop (xrf0);
	(xrf0) =	vmax.scan.msk.u32 $0xffff, v13;
	v13 =	vxor.u32 $0x80000000, v17;
	v7 =	vld [tilespmem:$0x1F8E0]  }
0x412: {  	v37, _, _ =	vpop (xrf0);
	(xrf0) =	vmax.scan.msk.u32 $0xffff, v13;
	v13 =	vadd.s32 v6, v63;
	v6 =	vld [tilespmem:$0x1F8D0];
	_ =	sdelay $0x4  }
0x413: {  	v26 =	vadd.s32 v6, v7;
	v6 =	vld [tilespmem:$0x1F8F0];
	_ =	sdelay $0x3  }
0x414: {  	v14 =	vxor.u32 $0x80000000, v14;
	v7 =	vld [tilespmem:$0x1F910]  }
0x415: {  	v17, _, _ =	vpop (xrf0);
	(xrf0) =	vmax.scan.msk.u32 $0xffff, v14;
	v14 =	vadd.s32 v6, v26;
	v6 =	vld [tilespmem:$0x1F900];
	_ =	sdelay $0x4  }
0x416: {  	v32 =	vadd.s32 v6, v7;
	v6 =	vld [tilespmem:$0x1F920];
	_ =	sdelay $0x4  }
0x417: {  	v63 =	vadd.s32 v6, v14;
	v6 =	vld [tilespmem:$0x1F930];
	_ =	sdelay $0x2  }
0x418: {  	s2 =	spop (v2sf);
	(v2sf) =	vpush v15, $0xF  }
0x419: {  	s31 =	spop (v2sf);
	(v2sf) =	vpush v37, $0xF  }
0x41a: {  	s0 =	spop (v2sf);
	(v2sf) =	vpush v17, $0xF;
	v17 =	vadd.s32 v6, v32;
	v6 =	vld [tilespmem:$0x1F940];
	_ =	sdelay $0x4  }
0x41b: {  	v14 =	vadd.s32 v6, v17;
	v6 =	vld [tilespmem:$0x1F950];
	_ =	sdelay $0x3  }
0x41c: {  	vm8 =	vlt.s32 v18, v27;
	vm14 =	vgt.s32 v12, v21;
	vm6 =	veq.s32 v10, v21  }
0x41d: {  	vm14 =	vmor vm14, vm0;
	vm0 =	vmand vm6, vm8;
	vm5 =	vnez.u8 v6;
	v6 =	vld [tilespmem:$0x1F960]  }
0x41e: {  	vm8 =	veq.s32 v9, v21;
	v51 =	vmpcnt.ones.xlane vm11;
	vm11 =	vlt.s32 v20, v27  }
0x41f: {  	v52 =	vmpcnt.ones.xlane vm12;
	vm12 =	vmand vm8, vm11;
	vm8 =	veq.s32 v11, v21  }
0x420: {  	vm11 =	vlt.s32 v19, v27;
	v50 =	vmpcnt.ones.xlane vm13;
	vm13 =	vgt.s32 v9, v21  }
0x421: {  	vm1 =	vmor vm13, vm12;
	vm12 =	vmand vm8, vm11;
	vm13 =	vgt.s32 v11, v21;
	v7 =	vld [tilespmem:$0x1F980]  }
0x422: {  	vm2 =	vmor vm13, vm12;
	vm13 =	vnez.u8 v6;
	v6 =	vld [tilespmem:$0x1F970];
	_ =	sdelay $0x2  }
0x423: {  	v13 =	vxor.u32 $0x80000000, v13  }
0x424: {  	v37, _, _ =	vpop (xrf0);
	(xrf0) =	vmax.scan.msk.u32 $0xffff, v13;
	v13 =	vxor.u32 $0x80000000, v63  }
0x425: {  	(xrf0) =	vmax.scan.msk.u32 $0xffff, v13;
	v13 =	vadd.s32 v6, v7;
	v6 =	vld [tilespmem:$0x1F990];
	_ =	sdelay $0x1  }
0x426: {  	s1 =	spop (v2sf);
	(v2sf) =	vpush v37, $0xF;
	v32, _, _ =	vpop (xrf0)  }
0x427: {  	s8 =	spop (v2sf);
	(v2sf) =	vpush v32, $0xF;
	v37, _, _ =	vpop (xrf0)  }
0x428: {  	s5 =	spop (v2sf);
	(v2sf) =	vpush v37, $0xF;
	v63, _, _ =	vpop (xrf0);
	v7 =	vld [tilespmem:$0x1F9B0]  }
0x429: {  	s4 =	spop (v2sf);
	(v2sf) =	vpush v63, $0xF;
	v63 =	vadd.s32 v6, v13;
	v6 =	vld [tilespmem:$0x1F9A0]  }
0x42a: {  	v62 =	vxor.u32 $0x80000000, v14  }
0x42b: {  	vm6 =	vgt.s32 v10, v21;
	v21 =	vld [tilespmem:$0x1F9F0];
	v8, _, _ =	vpop (xrf0);
	(xrf0) =	vmax.scan.msk.u32 $0xffff, v62  }
0x42c: {  	s7 =	spop (v2sf);
	(v2sf) =	vpush v8, $0xF;
	v62 =	vld [tilespmem:$0x1FA10];
	v14, _, _ =	vpop (xrf0)  }
0x42d: {  	s15 =	spop (v2sf);
	(v2sf) =	vpush v14, $0xF;
	v14 =	vld [tilespmem:$0x1F9D0]  }
0x42e: {  	v6 =	vadd.s32 v6, v7;
	v7 =	vld [tilespmem:$0x1F9C0];
	_ =	sdelay $0x1  }
0x42f: {  	v15, _, _ =	vpop (xrf0)  }
0x430: {  	s6 =	spop (v2sf);
	(v2sf) =	vpush v15, $0xF;
	v15 =	vld [tilespmem:$0x1F9E0];
	v26, _, _ =	vpop (xrf0)  }
0x431: {  	s9 =	spop (v2sf);
	(v2sf) =	vpush v26, $0xF;
	v26 =	vld [tilespmem:$0x1FA00];
	v6 =	vadd.s32 v21, v6  }
0x432: {  	v7 =	vadd.s32 v7, v14;
	v14 =	vadd.s32 v62, v6;
	v6 =	vld [tilespmem:$0x1FA20];
	_ =	sdelay $0x3  }
0x433: {  	v13 =	vld [tilespmem:$0x1FA40];
	v7 =	vadd.s32 v26, v7  }
0x434: {  	v63 =	vadd.s32 v15, v63;
	v15 =	vadd.s32 v6, v7;
	v7 =	vld [tilespmem:$0x1FA30]  }
0x435: {  	v26 =	vld [tilespmem:$0x1FA50];
	_ =	sdelay $0x3  }
0x436: {  	v62 =	vld [tilespmem:$0x1FA70];
	v7 =	vadd.s32 v7, v13  }
0x437: {  	v21 =	vshra.s32 v10, $0x1F;
	v6 =	vshra.s32 v12, $0x1F;
	v13 =	vadd.s32 v26, v7;
	v7 =	vld [tilespmem:$0x1FA60]  }
0x438: {  	v8 =	vand.u32 $0x7FFFFFFF, v21;
	v21 =	vld [tilespmem:$0x1FA90];
	v6 =	vand.u32 $0x7FFFFFFF, v6  }
0x439: {  	v6 =	vxor.u32 v12, v6;
	v26 =	vld [tilespmem:$0x1FAA0]  }
0x43a: {  	v25 =	vbroadcast v19, $0xF;
	v6 =	vmax.f32 v6, $0.0e+00  }
0x43b: {  	[tilespmem:v16+s3+$0x0] =	vst.idx.msk $0xffff, v6;
	v6 =	vld [tilespmem:$0x1FA80]  }
0x43c: {  	vm11 =	vlt.s32 v16, v25;
	v16 =	vld [tilespmem:$0x1FAC0];
	v7 =	vadd.s32 v7, v62  }
0x43d: {  	v62 =	vld [tilespmem:$0x1FAB0];
	v7 =	vadd.s32 v21, v7  }
0x43e: {  	v7 =	vadd.s32 v26, v7;
	v26 =	vld [tilespmem:$0x1FAD0]  }
0x43f: {  	v8 =	vxor.u32 v10, v8  }
0x440: {  	v8 =	vmax.f32 v8, $0.0e+00  }
0x441: {  	[tilespmem:v18+s3+$0x0] =	vst.idx.msk $0xffff, v8;
	v21 =	vxor.u32 $0x80000000, v63;
	v63 =	vshra.s32 v9, $0x1F  }
0x442: {  	(xrf0) =	vmax.scan.msk.u32 $0xffff, v21;
	v21 =	vand.u32 $0x7FFFFFFF, v63;
	v63 =	vld [tilespmem:$0x1FB00];
	v8 =	vadd.s32 v62, v16;
	v62 =	vxor.u32 $0x80000000, v14  }
0x443: {  	v6 =	vadd.s32 v6, v13;
	(xrf0) =	vmax.scan.msk.u32 $0xffff, v62;
	v62 =	vld [tilespmem:$0x1FAF0];
	v8 =	vadd.s32 v26, v8;
	v26 =	vxor.u32 $0x80000000, v15  }
0x444: {  	v6 =	vxor.u32 $0x80000000, v6;
	(xrf0) =	vmax.scan.msk.u32 $0xffff, v26  }
0x445: {  	v13 =	vxor.u32 v9, v21;
	v21 =	vshra.s32 v11, $0x1F;
	v16 =	vld [tilespmem:$0x1FAE0];
	(xrf0) =	vmax.scan.msk.u32 $0xffff, v6;
	v6 =	vxor.u32 $0x80000000, v7  }
0x446: {  	(xrf0) =	vmax.scan.msk.u32 $0xffff, v6;
	v6 =	vand.u32 $0x7FFFFFFF, v21  }
0x447: {  	s20 =	sxor.u32 $0x80000000, s20;
	v26 =	vmax.f32 v13, $0.0e+00;
	v6 =	vxor.u32 v11, v6  }
0x448: {  	s21 =	sxor.u32 $0x80000000, s21;
	v7 =	vmov s20;
	[tilespmem:v20+s3+$0x0] =	vst.idx.msk $0xffff, v26;
	v14 =	vadd.s32 v62, v63;
	v62 =	vld [tilespmem:$0x1FB10];
	v6 =	vmax.f32 v6, $0.0e+00  }
0x449: {  	v15 =	vmov s21;
	[tilespmem:v19+s3+$0x0] =	vst.idx.msk $0xffff, v6;
	v6 =	vld [tilespmem:$0x1FB20]  }
0x44a: {  	v8 =	vadd.s32 v16, v8  }
0x44b: {  	s24 =	sxor.u32 $0x80000000, s24;
	v8 =	vxor.u32 $0x80000000, v8;
	v63, _, _ =	vpop (xrf0)  }
0x44c: {  	s21 =	sxor.u32 $0x80000000, s25;
	v13 =	vmov s24;
	s24 =	spop (v2sf);
	(xrf0) =	vmax.scan.msk.u32 $0xffff, v8;
	(v2sf) =	vpush v63, $0xF;
	v21, _, _ =	vpop (xrf0)  }
0x44d: {  	s25 =	sxor.u32 $0x80000000, s28;
	s20 =	spop (v2sf);
	(v2sf) =	vpush v21, $0xF;
	v21 =	vld [tilespmem:$0x1FB40];
	[tilespmem:v7+s14+$0x0] =	vst.idx.msk $0x1, v22;
	v8 =	vadd.s32 v62, v14;
	v14 =	vmov s21  }
0x44e: {  	[tilespmem:v15+s14+$0x0] =	vst.idx.msk $0x1, v23;
	v23 =	vld [tilespmem:$0x1FB50];
	v6 =	vadd.s32 v6, v8;
	v8 =	vmov s25;
	_ =	sdelay $0x2  }
0x44f: {  	s30 =	sxor.u32 $0x80000000, s30;
	[tilespmem:v13+s14+$0x0] =	vst.idx.msk $0x1, v24  }
0x450: {  	s29 =	sxor.u32 $0x80000000, s29;
	v7 =	vmov s30;
	v6 =	vxor.u32 $0x80000000, v6;
	[tilespmem:v14+s14+$0x0] =	vst.idx.msk $0x1, v21;
	v21 =	vld [tilespmem:$0x1FBA0]  }
0x451: {  	(xrf0) =	vmax.scan.msk.u32 $0xffff, v6;
	v6 =	vmov s29;
	[tilespmem:v8+s14+$0x0] =	vst.idx.msk $0x1, v23;
	v23 =	vld [tilespmem:$0x1FBD0]  }
0x452: {  	v16 =	vld [tilespmem:$0x1FB30];
	v26, _, _ =	vpop (xrf0)  }
0x453: {  	s21 =	spop (v2sf);
	(v2sf) =	vpush v26, $0xF;
	v62, _, _ =	vpop (xrf0);
	v24 =	vld [tilespmem:$0x1FB60]  }
0x454: {  	s25 =	spop (v2sf);
	(v2sf) =	vpush v62, $0xF;
	v62 =	vld [tilespmem:$0x1FB70]  }
0x455: {  	v17 =	vbroadcast v11, $0xF;
	[tilespmem:v7+s14+$0x0] =	vst.idx.msk $0x1, v21;
	v7 =	vld [tilespmem:$0x1FBB0]  }
0x456: {  	[tilespmem:v6+s14+$0x0] =	vst.idx.msk $0x1, v23;
	v6 =	vld [tilespmem:$0x1FBE0]  }
0x457: {  	vm8 =	veq.s32 v12, v17  }
0x458: {  	vm12 =	vmand vm8, vm11;
	vm11 =	vnez.u8 v16;
	v16 =	vld [tilespmem:$0x1FB90];
	v63, _, _ =	vpop (xrf0)  }
0x459: {  	s30 =	sxor.u32 $0x80000000, s26;
	v22, _, _ =	vpop (xrf0);
	s26 =	spop (v2sf);
	(v2sf) =	vpush v63, $0xF;
	v63 =	vld [tilespmem:$0x1FB80];
	v8 =	vadd.s32 v24, v62  }
0x45a: {  	s28 =	spop (v2sf);
	(v2sf) =	vpush v22, $0xF;
	v22 =	vld [tilespmem:$0x1FBC0];
	v7 =	vadd.s32 v7, v8  }
0x45b: {  	v6 =	vadd.s32 v6, v7;
	v7 =	vld [tilespmem:$0x1FBF0];
	_ =	sdelay $0x2  }
0x45c: {  	v24 =	vld [tilespmem:$0x1FC00];
	v14 =	vadd.s32 v63, v16  }
0x45d: {  	v62 =	vld [tilespmem:$0x1FC10];
	v8 =	vadd.s32 v22, v14  }
0x45e: {  	v13 =	vmov s30;
	v63 =	vld [tilespmem:$0x1FC20];
	v6 =	vxor.u32 $0x80000000, v6;
	v7 =	vadd.s32 v7, v8  }
0x45f: {  	(xrf0) =	vmax.scan.msk.u32 $0xffff, v6;
	v6 =	vld [tilespmem:$0x1FC30];
	v7 =	vxor.u32 $0x80000000, v7  }
0x460: {  	(xrf0) =	vmax.scan.msk.u32 $0xffff, v7;
	v7 =	vld [tilespmem:$0x1FC40];
	_ =	sdelay $0x2  }
0x461: {  	v16 =	vld [tilespmem:$0x1FCC0];
	[tilespmem:v13+s14+$0x0] =	vst.idx.msk $0x1, v24;
	v13 =	vadd.s32 v62, v63  }
0x462: {  	v21 =	vld [tilespmem:$0x1FC60];
	v6 =	vadd.s32 v6, v13  }
0x463: {  	v6 =	vadd.s32 v7, v6;
	v7 =	vld [tilespmem:$0x1FC50]  }
0x464: {  	v23 =	vld [tilespmem:$0x1FC80]  }
0x465: {  	s22 =	sxor.u32 $0x80000000, s22;
	v22 =	vld [tilespmem:$0x1FC70]  }
0x466: {  	v24 =	vld [tilespmem:$0x1FC90];
	v14 =	vmov s22  }
0x467: {  	v62 =	vld [tilespmem:$0x1FCA0]  }
0x468: {  	v7 =	vadd.s32 v7, v21;
	v21 =	vld [tilespmem:$0x1FCD0]  }
0x469: {  	s23 =	sxor.u32 $0x80000000, s23;
	v63 =	vld [tilespmem:$0x1FCB0]  }
0x46a: {  	v8 =	vmov s23;
	v13 =	vadd.s32 v22, v23;
	v22 =	vld [tilespmem:$0x1FCE0]  }
0x46b: {  	s30 =	sxor.u32 $0x80000000, s2;
	[tilespmem:v14+s14+$0x0] =	vst.idx.msk $0x1, v24;
	v24 =	vld [tilespmem:$0x1FCF0]  }
0x46c: {  	v15 =	vmov s30;
	s23 =	sxor.u32 $0x80000000, s31;
	v7 =	vadd.s32 v62, v7;
	v62 =	vld [tilespmem:$0x1FD00]  }
0x46d: {  	v32 =	vmpcnt.ones.xlane vm13;
	v14 =	vmov s23;
	v7 =	vadd.s32 v21, v7;
	v21 =	vld [tilespmem:$0x1FD10]  }
0x46e: {  	vm13 =	vlt.s32 v18, v25;
	v13 =	vadd.s32 v63, v13;
	v6 =	vxor.u32 $0x80000000, v6  }
0x46f: {  	s0 =	sxor.u32 $0x80000000, s0;
	v18 =	vld [tilespmem:$0x1FD80];
	[tilespmem:v8+s14+$0x0] =	vst.idx.msk $0x1, v16;
	v8 =	vadd.s32 v22, v13;
	(xrf0) =	vmax.scan.msk.u32 $0xffff, v6;
	v6 =	vxor.u32 $0x80000000, v7  }
0x470: {  	s1 =	sxor.u32 $0x80000000, s1;
	vm8 =	vgt.s32 v12, v17;
	v12, _, _ =	vpop (xrf0);
	v23 =	vmov s0;
	v22 =	vld [tilespmem:$0x1FD20];
	(xrf0) =	vmax.scan.msk.u32 $0xffff, v6;
	v6 =	vxor.u32 $0x80000000, v8  }
0x471: {  	vm3 =	vmor vm8, vm12;
	s29 =	sxor.u32 $0x80000000, s8;
	[tilespmem:v15+s14+$0x0] =	vst.idx.msk $0x1, v24;
	v15 =	vmov s1;
	vm12 =	vnez.u8 v62;
	v62 =	vld [tilespmem:$0x1FD50]  }
0x472: {  	s2 =	spop (v2sf);
	(v2sf) =	vpush v12, $0xF;
	v63, _, _ =	vpop (xrf0);
	v7 =	vmov s29;
	[tilespmem:v14+s14+$0x0] =	vst.idx.msk $0x1, v21;
	v21 =	vld [tilespmem:$0x1FD90]  }
0x473: {  	s0 =	spop (v2sf);
	(v2sf) =	vpush v63, $0xF;
	v63 =	vld [tilespmem:$0x1FD60];
	(xrf0) =	vmax.scan.msk.u32 $0xffff, v6;
	v6, _, _ =	vpop (xrf0)  }
0x474: {  	s1 =	spop (v2sf);
	(v2sf) =	vpush v6, $0xF;
	v6 =	vld [tilespmem:$0x1FD30]  }
0x475: {  	[tilespmem:v23+s14+$0x0] =	vst.idx.msk $0x1, v22;
	v23 =	vld [tilespmem:$0x1FD40]  }
0x476: {  	v16 =	vld [tilespmem:$0x1FD70];
	[tilespmem:v15+s14+$0x0] =	vst.idx.msk $0x1, v62  }
0x477: {  	[tilespmem:v7+s14+$0x0] =	vst.idx.msk $0x1, v21;
	v7 =	vld [tilespmem:$0x1FDA0];
	_ =	sdelay $0x2  }
0x478: {  	v6 =	vadd.s32 v6, v23  }
0x479: {  	v14 =	vadd.s32 v16, v18;
	v16 =	vld [tilespmem:$0x1FE20];
	v6 =	vadd.s32 v63, v6  }
0x47a: {  	v6 =	vadd.s32 v7, v6;
	v7 =	vld [tilespmem:$0x1FDB0]  }
0x47b: {  	s30 =	sxor.u32 $0x80000000, s5;
	v23 =	vld [tilespmem:$0x1FDD0]  }
0x47c: {  	v8 =	vmov s30;
	v22 =	vld [tilespmem:$0x1FDC0]  }
0x47d: {  	s4 =	sxor.u32 $0x80000000, s4;
	v18 =	vld [tilespmem:$0x1FE30]  }
0x47e: {  	v13 =	vmov s4;
	v62, _, _ =	vpop (xrf0);
	v21 =	vld [tilespmem:$0x1FDE0]  }
0x47f: {  	s31 =	sxor.u32 $0x80000000, s7;
	s22 =	spop (v2sf);
	(v2sf) =	vpush v62, $0xF;
	v62 =	vld [tilespmem:$0x1FE00];
	v7 =	vadd.s32 v7, v14  }
0x480: {  	s8 =	sxor.u32 $0x80000000, s6;
	s7 =	sxor.u32 $0x80000000, s15;
	v15 =	vmov s31;
	v63, _, _ =	vpop (xrf0);
	v7 =	vadd.s32 v23, v7;
	v23 =	vld [tilespmem:$0x1FDF0]  }
0x481: {  	[tilespmem:v8+s14+$0x0] =	vst.idx.msk $0x1, v22;
	v8 =	vmov s8;
	s8 =	spop (v2sf);
	(v2sf) =	vpush v63, $0xF;
	v63 =	vld [tilespmem:$0x1FE10];
	v14 =	vmov s7  }
0x482: {  	v24 =	vmpcnt.ones.xlane vm12;
	vm12 =	vnez.u8 v16;
	v16 =	vld [tilespmem:$0x1FE80]  }
0x483: {  	v26 =	vmpcnt.ones.xlane vm11;
	s15 =	sxor.u32 $0x80000000, s9;
	[tilespmem:v13+s14+$0x0] =	vst.idx.msk $0x1, v21;
	v21 =	vld [tilespmem:$0x1FE40];
	v6 =	vxor.u32 $0x80000000, v6  }
0x484: {  	vm11 =	vnez.u8 v62;
	v62 =	vld [tilespmem:$0x1FE50];
	(xrf0) =	vmax.scan.msk.u32 $0xffff, v6;
	v6 =	vxor.u32 $0x80000000, v7;
	v7 =	vmov s15  }
0x485: {  	vm0 =	vmor vm6, vm0;
	[tilespmem:v15+s14+$0x0] =	vst.idx.msk $0x1, v23  }
0x486: {  	vm6 =	vgt.s32 v9, v17;
	vm8 =	veq.s32 v10, v17;
	(xrf0) =	vmax.scan.msk.u32 $0xffff, v6;
	[tilespmem:v14+s14+$0x0] =	vst.idx.msk $0x1, v63;
	v63 =	vld [tilespmem:$0x1FE60]  }
0x487: {  	v37 =	vmpcnt.ones.xlane vm5;
	vm5 =	vmand vm8, vm13;
	vm8 =	vgt.s32 v10, v17;
	s23 =	sxor.u32 $0x80000000, s20;
	s7 =	sxor.u32 $0x80000000, s24  }
0x488: {  	v12 =	vld [tilespmem:$0x1FE70];
	v22, _, _ =	vpop (xrf0);
	v13 =	vmov s23;
	vm13 =	vnez.u8 v21;
	v6 =	vmov s7;
	[tilespmem:v8+s14+$0x0] =	vst.idx.msk $0x1, v18  }
0x489: {  	s24 =	spop (v2sf);
	(v2sf) =	vpush v22, $0xF;
	v21 =	vmpcnt.ones.xlane vm13;
	vm13 =	vnez.u8 v16;
	[tilespmem:v7+s14+$0x0] =	vst.idx.msk $0x1, v62;
	v62 =	vld [tilespmem:$0x1FE90]  }
0x48a: {  	v22 =	vmpcnt.ones.xlane vm12;
	vm12 =	veq.s32 v9, v17;
	v16 =	vmpcnt.ones.xlane vm13  }
0x48b: {  	vm13 =	veq.s32 v11, v17;
	v23 =	vmpcnt.ones.xlane vm11;
	v14, _, _ =	vpop (xrf0);
	vm11 =	vnez.u8 v63  }
0x48c: {  	s15 =	spop (v2sf);
	(v2sf) =	vpush v14, $0xF;
	v63, _, _ =	vpop (xrf0);
	v18 =	vmpcnt.ones.xlane vm11;
	vm11 =	vgt.s32 v11, v17;
	v17 =	vld [tilespmem:$0x1FEA0]  }
0x48d: {  	s29 =	sxor.u32 $0x80000000, s21;
	s21 =	spop (v2sf);
	[tilespmem:v6+s14+$0x0] =	vst.idx.msk $0x1, v12;
	(v2sf) =	vpush v63, $0xF;
	v63 =	vld [tilespmem:$0x1FEC0]  }
0x48e: {  	v10 =	vmov s29;
	[tilespmem:v13+s14+$0x0] =	vst.idx.msk $0x1, v62;
	v62 =	vld [tilespmem:$0x1FEB0]  }
0x48f: {  	s30 =	sxor.u32 $0x80000000, s25  }
0x490: {  	s31 =	sxor.u32 $0x80000000, s26;
	v8 =	vmov s30;
	v12 =	vld [tilespmem:$0x1FED0]  }
0x491: {  	v15 =	vld [tilespmem:$0x1FEF0];
	v7 =	vmov s31  }
0x492: {  	v14 =	vld [tilespmem:$0x1FEE0]  }
0x493: {  	s9 =	sxor.u32 $0x80000000, s28;
	[tilespmem:v10+s14+$0x0] =	vst.idx.msk $0x1, v17;
	v10 =	vadd.s32 v62, v63;
	v62 =	vld [tilespmem:$0x1FF00]  }
0x494: {  	s2 =	sxor.u32 $0x80000000, s2;
	v6 =	vmov s9;
	v63 =	vld [tilespmem:$0x1FF10]  }
0x495: {  	s20 =	sxor.u32 $0x80000000, s0;
	v11 =	vmov s2;
	[tilespmem:v8+s14+$0x0] =	vst.idx.msk $0x1, v12;
	v12 =	vld [tilespmem:$0x1FF20]  }
0x496: {  	v13 =	vmov s20;
	[tilespmem:v7+s14+$0x0] =	vst.idx.msk $0x1, v15;
	v15 =	vld [tilespmem:$0x1FF30];
	_ =	sdelay $0x2  }
0x497: {  	s1 =	sxor.u32 $0x80000000, s1;
	v17 =	vmpcnt.ones.xlane vm7;
	[tilespmem:v6+s14+$0x0] =	vst.idx.msk $0x1, v63  }
0x498: {  	s22 =	sxor.u32 $0x80000000, s22;
	v14 =	vadd.s32 v14, v10;
	v10 =	vmov s1;
	vm7 =	vnez.u8 v62;
	v62 =	vld [tilespmem:$0x1FF40];
	[tilespmem:v11+s14+$0x0] =	vst.idx.msk $0x1, v12  }
0x499: {  	v7 =	vmov s22;
	[tilespmem:v13+s14+$0x0] =	vst.idx.msk $0x1, v15;
	v15 =	vld [tilespmem:$0x1FF50];
	_ =	sdelay $0x3  }
0x49a: {  	s23 =	sxor.u32 $0x80000000, s8;
	[tilespmem:v10+s14+$0x0] =	vst.idx.msk $0x1, v62  }
0x49b: {  	v6 =	vmov s23;
	[tilespmem:v7+s14+$0x0] =	vst.idx.msk $0x1, v15;
	v7 =	vld [tilespmem:$0x1FF60];
	_ =	sdelay $0x4  }
0x49c: {  	[tilespmem:v6+s14+$0x0] =	vst.idx.msk $0x1, v7;
	v6 =	vld [tilespmem:$0x1FF70]  }
0x49d: {  	v7 =	vld [tilespmem:$0x1FF80];
	_ =	sdelay $0x3  }
0x49e: {  	v62 =	vld [tilespmem:$0x1FFA0]  }
0x49f: {  	v6 =	vadd.s32 v6, v7;
	v7 =	vld [tilespmem:$0x1FF90];
	_ =	sdelay $0x3  }
0x4a0: {  	v39 =	vmpcnt.ones.xlane vm4;
	vm4 =	vlt.s32 v20, v25;
	s24 =	sxor.u32 $0x80000000, s24;
	v20 =	vmpcnt.ones.xlane vm7  }
0x4a1: {  	vm7 =	vlt.s32 v19, v25;
	v19 =	vmov s24;
	v7 =	vadd.s32 v7, v62;
	v62 =	vld [tilespmem:$0x1FFB0];
	_ =	sdelay $0x4  }
0x4a2: {  	[tilespmem:v19+s14+$0x0] =	vst.idx.msk $0x1, v62;
	v62 =	vld [tilespmem:$0x1FFC0];
	_ =	sdelay $0x4  }
0x4a3: {  	v39 =	vadd.s32 v50, v39;
	v6 =	vadd.s32 v62, v6;
	v62 =	vld [tilespmem:$0x1FFD0]  }
0x4a4: {  	v24 =	vadd.s32 v26, v24;
	v26 =	vadd.s32 v37, v39  }
0x4a5: {  	vm5 =	vmor vm8, vm5;
	v32 =	vadd.s32 v32, v26  }
0x4a6: {  	v9 =	vmpcnt.ones.xlane vm1;
	vm4 =	vmand vm12, vm4;
	v23 =	vadd.s32 v23, v24  }
0x4a7: {  	vm4 =	vmor vm6, vm4;
	v37 =	vadd.s32 v22, v23;
	v18 =	vadd.s32 v21, v18  }
0x4a8: {  	v16 =	vadd.s32 v16, v18;
	v12 =	vmpcnt.ones.xlane vm9;
	v14 =	vadd.s32 v62, v14;
	v62 =	vld [tilespmem:$0x1FFE0]  }
0x4a9: {  	v8 =	vmpcnt.ones.xlane vm14;
	v16 =	vadd.s32 v17, v16;
	v63 =	vmpcnt.ones.xlane vm10  }
0x4aa: {  	v16 =	vxor.u32 $0x80000000, v16;
	v11 =	vmpcnt.ones.xlane vm2;
	v12 =	vadd.s32 v20, v12  }
0x4ab: {  	v13 =	vmpcnt.ones.xlane vm15;
	vm15 =	vmand vm13, vm7;
	v50 =	vadd.s32 v63, v12  }
0x4ac: {  	v63 =	vmpcnt.ones.xlane vm4;
	v10 =	vmpcnt.ones.xlane vm0;
	vm0 =	vmor vm11, vm15  }
0x4ad: {  	s25 =	sxor.u32 $0x80000000, s15;
	v7 =	vadd.s32 v51, v7;
	v39 =	vxor.u32 $0x80000000, v14;
	v6 =	vadd.s32 v62, v6  }
0x4ae: {  	v7 =	vadd.s32 v52, v7;
	v19 =	vmov s25;
	(xrf0) =	vmax.scan.msk.u32 $0xffff, v39;
	v6 =	vxor.u32 $0x80000000, v6  }
0x4af: {  	v15 =	vmpcnt.ones.xlane vm3;
	v52 =	vmpcnt.ones.xlane vm5;
	v7 =	vxor.u32 $0x80000000, v7;
	(xrf0) =	vmax.scan.msk.u32 $0xffff, v6  }
0x4b0: {  	v17 =	vmpcnt.ones.xlane vm0;
	v8 =	vadd.s32 v8, v10;
	v51 =	vxor.u32 $0x80000000, v32;
	(xrf0) =	vmax.scan.msk.u32 $0xffff, v7  }
0x4b1: {  	s26 =	spop (v2sf);
	s0 =	sxor.u32 $0x80000000, s21;
	v8 =	vadd.s32 v9, v8;
	v10 =	vadd.s32 v15, v52;
	v62 =	vxor.u32 $0x80000000, v37;
	(xrf0) =	vmax.scan.msk.u32 $0xffff, v51  }
0x4b2: {  	s28 =	sxor.u32 $0x80000000, s26;
	s29 =	spop (v2sf);
	v23 =	vld [tilespmem:$0x1FFF0];
	v10 =	vadd.s32 v63, v10;
	v6 =	vadd.s32 v13, v50;
	v7 =	vmov s0;
	(xrf0) =	vmax.scan.msk.u32 $0xffff, v62  }
0x4b3: {  	s30 =	spop (v2sf);
	s1 =	sxor.u32 $0x80000000, s29;
	[tilespmem:v19+s14+$0x0] =	vst.idx.msk $0x1, v60;
	v60 =	vmov s28;
	v6 =	vxor.u32 $0x80000000, v6;
	(xrf0) =	vmax.scan.msk.u32 $0xffff, v16  }
0x4b4: {  	s31 =	spop (v2sf);
	v18 =	vmov s1;
	v8 =	vadd.s32 v11, v8;
	s0 =	sxor.u32 $0x80000000, s30;
	v19, _, _ =	vpop (xrf0);
	(xrf0) =	vmax.scan.msk.u32 $0xffff, v6;
	v6 =	vadd.s32 v17, v10  }
0x4b5: {  	s4 =	spop (v2sf);
	s2 =	sxor.u32 $0x80000000, s31;
	v8 =	vxor.u32 $0x80000000, v8;
	v20 =	vmov s0;
	v6 =	vxor.u32 $0x80000000, v6  }
0x4b6: {  	s5 =	sxor.u32 $0x80000000, s4;
	s6 =	spop (v2sf);
	v22 =	vmov s2;
	(v2sf) =	vpush v19, $0xF;
	v21, _, _ =	vpop (xrf0);
	(xrf0) =	vmax.scan.msk.u32 $0xffff, v8  }
0x4b7: {  	s7 =	sxor.u32 $0x80000000, s6;
	s8 =	spop (v2sf);
	[tilespmem:v7+s14+$0x0] =	vst.idx.msk $0x1, v23;
	v7 =	vmov s5;
	(v2sf) =	vpush v21, $0xF;
	v24, _, _ =	vpop (xrf0);
	(xrf0) =	vmax.scan.msk.u32 $0xffff, v6  }
0x4b8: {  	v26 =	vmov s7;
	s9 =	sxor.u32 $0x80000000, s8;
	s15 =	spop (v2sf);
	[tilespmem:v60+s14+$0x0] =	vst.idx.msk $0x1, v61;
	(v2sf) =	vpush v24, $0xF;
	v6, _, _ =	vpop (xrf0)  }
0x4b9: {  	s20 =	sxor.u32 $0x80000000, s15;
	s21 =	spop (v2sf);
	v37 =	vmov s9;
	[tilespmem:v18+s14+$0x0] =	vst.idx.msk $0x1, v59;
	v32, _, _ =	vpop (xrf0);
	(v2sf) =	vpush v6, $0xF  }
0x4ba: {  	s22 =	sxor.u32 $0x80000000, s21;
	s23 =	spop (v2sf);
	v39 =	vmov s20;
	[tilespmem:v20+s14+$0x0] =	vst.idx.msk $0x1, v58;
	v6, _, _ =	vpop (xrf0);
	(v2sf) =	vpush v32, $0xF  }
0x4bb: {  	s24 =	sxor.u32 $0x80000000, s23;
	s25 =	spop (v2sf);
	v51 =	vmov s22;
	[tilespmem:v22+s14+$0x0] =	vst.idx.msk $0x1, v57;
	v50, _, _ =	vpop (xrf0);
	(v2sf) =	vpush v6, $0xF  }
0x4bc: {  	s26 =	sxor.u32 $0x80000000, s25;
	s28 =	spop (v2sf);
	[tilespmem:v7+s14+$0x0] =	vst.idx.msk $0x1, v56;
	v7 =	vmov s24;
	v6, _, _ =	vpop (xrf0);
	(v2sf) =	vpush v50, $0xF  }
0x4bd: {  	v52 =	vmov s26;
	s29 =	sxor.u32 $0x80000000, s28;
	s30 =	spop (v2sf);
	[tilespmem:v26+s14+$0x0] =	vst.idx.msk $0x1, v55;
	(v2sf) =	vpush v6, $0xF;
	v6, _, _ =	vpop (xrf0)  }
0x4be: {  	s31 =	spop (v2sf);
	s1 =	sxor.u32 $0x80000000, s30;
	[tilespmem:v37+s14+$0x0] =	vst.idx.msk $0x1, v54;
	(v2sf) =	vpush v6, $0xF;
	v6 =	vmov s29  }
0x4bf: {  	s2 =	spop (v2sf);
	s0 =	sxor.u32 $0x80000000, s31;
	[tilespmem:v39+s14+$0x0] =	vst.idx.msk $0x1, v53;
	v53 =	vmov s1  }
0x4c0: {  	s4 =	spop (v2sf);
	v54 =	vmov s0;
	s1 =	sxor.u32 $0x80000000, s2;
	[tilespmem:v51+s14+$0x0] =	vst.idx.msk $0x1, v49  }
0x4c1: {  	s5 =	spop (v2sf);
	s0 =	sxor.u32 $0x80000000, s4;
	[tilespmem:v7+s14+$0x0] =	vst.idx.msk $0x1, v48;
	v7 =	vmov s1  }
0x4c2: {  	s6 =	spop (v2sf);
	v55 =	vmov s0;
	s1 =	sxor.u32 $0x80000000, s5;
	[tilespmem:v52+s14+$0x0] =	vst.idx.msk $0x1, v47  }
0x4c3: {  	s7 =	spop (v2sf);
	s0 =	sxor.u32 $0x80000000, s6;
	[tilespmem:v6+s14+$0x0] =	vst.idx.msk $0x1, v46;
	v6 =	vmov s1  }
0x4c4: {  	s8 =	spop (v2sf);
	v56 =	vmov s0;
	s1 =	sxor.u32 $0x80000000, s7;
	[tilespmem:v53+s14+$0x0] =	vst.idx.msk $0x1, v45  }
0x4c5: {  	s0 =	sxor.u32 $0x80000000, s8;
	s9 =	spop (v2sf);
	v57 =	vmov s1;
	[tilespmem:v54+s14+$0x0] =	vst.idx.msk $0x1, v44  }
0x4c6: {  	s1 =	sxor.u32 $0x80000000, s9;
	s15 =	spop (v2sf);
	[tilespmem:v7+s14+$0x0] =	vst.idx.msk $0x1, v43;
	v7 =	vmov s0  }
0x4c7: {  	v58 =	vmov s1;
	s20 =	spop (v2sf);
	s0 =	sxor.u32 $0x80000000, s15;
	[tilespmem:v55+s14+$0x0] =	vst.idx.msk $0x1, v42  }
0x4c8: {  	s1 =	sxor.u32 $0x80000000, s20;
	[tilespmem:v6+s14+$0x0] =	vst.idx.msk $0x1, v41;
	v6 =	vmov s0;
	s21 =	spop (v2sf)  }
0x4c9: {  	v59 =	vmov s1;
	[tilespmem:v56+s14+$0x0] =	vst.idx.msk $0x1, v40;
	s22 =	spop (v2sf);
	s0 =	sxor.u32 $0x80000000, s21  }
0x4ca: {  	[tilespmem:v57+s14+$0x0] =	vst.idx.msk $0x1, v38;
	v60 =	vmov s0;
	s23 =	spop (v2sf);
	s1 =	sxor.u32 $0x80000000, s22  }
0x4cb: {  	[tilespmem:v7+s14+$0x0] =	vst.idx.msk $0x1, v36;
	v7 =	vmov s1;
	s24 =	spop (v2sf);
	s0 =	sxor.u32 $0x80000000, s23  }
0x4cc: {  	[tilespmem:v58+s14+$0x0] =	vst.idx.msk $0x1, v35;
	v61 =	vmov s0;
	s25 =	spop (v2sf);
	s1 =	sxor.u32 $0x80000000, s24  }
0x4cd: {  	[tilespmem:v6+s14+$0x0] =	vst.idx.msk $0x1, v34;
	v6 =	vmov s1;
	s0 =	sxor.u32 $0x80000000, s25;
	s26 =	spop (v2sf)  }
0x4ce: {  	v62 =	vmov s0;
	[tilespmem:v59+s14+$0x0] =	vst.idx.msk $0x1, v33;
	s28 =	sxor.u32 $0x80000000, s26  }
0x4cf: {  	[tilespmem:v60+s14+$0x0] =	vst.idx.msk $0x1, v31;
	v63 =	vmov s28  }
0x4d0: {  	[tilespmem:v7+s14+$0x0] =	vst.idx.msk $0x1, v30  }
0x4d1: {  	[tilespmem:v61+s14+$0x0] =	vst.idx.msk $0x1, v29  }
0x4d2: {  	[tilespmem:v6+s14+$0x0] =	vst.idx.msk $0x1, v28  }
0x4d3: {  	s16 =	sadd.s32 $0x1, s16;
	s30 =	sshll.u32 s17, $0xA;
	s29 =	rddreg [dreg:$0x1];
	[tilespmem:v62+s14+$0x0] =	vst.idx.msk $0x1, v27  }
0x4d4: {  	s4 =	simm.s32 $0x400;
	s2 =	simm.s32 $0x80;
	s0 =	sadd.s32 s29, s19;
	[tilespmem:v63+s14+$0x0] =	vst.idx.msk $0x1, v25  }
0x4d5: {  	[hbm4b:s0+s2] =	stream.strided.scatter [tilespmem:s3], [sflag:$0x1], $0x8000, s4, s2, $0x38;
	[tilespmem:$0x18280] =	vst v63  }
0x4d6: {  	p0 =	sne.s32 s16, $0x20;
	s0 =	sor.u32 s18, s30;
	_ =	swait.ge [sflag:s10], $0x8000  }
0x4d7: {  	s0 =	sshrl.u32 s0, $0x3;
	[sflag:s10] =	ssyncset.done $0x0;
	s31 =	rddreg [dreg:$0x4]  }
.Ltmp3:
0x4d8: {  	[sflag:s10] =	ssyncadd.s32 $0xFFFF8000;
	s0 =	sadd.s32 s31, s0;
	(pc) =	sbr.rel @!p0 .LBB2_27-.Ltmp3, $4  }
0x4d9: {  	[hbm4b:s0+s3] =	stream.linear.scatter [tilespmem:s14], [sflag:$0x1], $0x80, $0x38;
	[tilespmem:$0x18280] =	vst v63  }
0x4da: {  	_ =	swait.ge [sflag:s10], $0x80  }
0x4db: {  	[sflag:s10] =	ssyncset.done $0x0  }
0x4dc: {  	[sflag:s10] =	ssyncadd.s32 $0xFFFFFF80  }
.LBB2_2:
0x4dd: {  	s0 =	rddreg [dreg:$0x5]  }
0x4de: {  	s0 =	sadd.s32 s0, s16  }
0x4df: {  	s28 =	sshll.u32 s16, $0x7;
	s17 =	sshrl.u32 s0, $0x3  }
0x4e0: {  	s18 =	sand.u32 $0x380, s28;
	s29 =	sshll.u32 s17, $0x12  }
0x4e1: {  	s0 =	sor.u32 s18, s29  }
0x4e2: {  	s30 =	rddreg [dreg:$0x0];
	s19 =	sshrl.u32 s0, $0x3  }
0x4e3: {  	s1 =	simm.s32 $0x0;
	s0 =	sadd.s32 s30, s19  }
0x4e4: {  	[tilespmem:s1], [sflag:$0x1] =	stream.strided.gather [hbm4b:s0+s2], $0x8000, s4, s2, $0x38;
	[tilespmem:$0x18280] =	vst v63  }
0x4e5: {  	_ =	swait.ge [sflag:s10], $0x8000  }
0x4e6: {  	[sflag:s10] =	ssyncset.done $0x0  }
0x4e7: {  	s31 =	simm.s32 $0x0;
	[sflag:s10] =	ssyncadd.s32 $0xFFFF8000  }
0x4e8: {  	v7 =	vld [tilespmem:s31+$0x30]  }
0x4e9: {  	v8 =	vld [tilespmem:s31+$0x0]  }
0x4ea: {  	v6 =	vimm.f32 $-Inf;
	v9 =	vld [tilespmem:s31+$0x10]  }
0x4eb: {  	v11 =	vimm.f32 $-Inf;
	v12 =	vimm.f32 $-Inf;
	v13 =	vimm.f32 $-Inf;
	s0 =	simm.s32 $0x100;
	v10 =	vld [tilespmem:s31+$0x20]  }
.LBB2_3:
0x4ec: {  	p0 =	sne.s32 s0, $0x1FF00  }
.Ltmp4:
0x4ed: {  	s1 =	sshra.s32 s0, $0x2;
	s0 =	sadd.s32 $0x100, s0;
	v6 =	vmax.f32 v6, v7;
	(pc) =	sbr.rel @p0 .LBB2_3-.Ltmp4, $4  }
0x4ee: {  	v7 =	vld [tilespmem:s1+$0x30];
	v11 =	vmax.f32 v11, v8  }
0x4ef: {  	v8 =	vld [tilespmem:s1+$0x0];
	v12 =	vmax.f32 v12, v9  }
0x4f0: {  	v9 =	vld [tilespmem:s1+$0x10];
	v13 =	vmax.f32 v13, v10  }
0x4f1: {  	v10 =	vld [tilespmem:s1+$0x20]  }
0x4f2: {  	_ =	sdelay $0x2  }
0x4f3: {  	v6 =	vmax.f32 v6, v7  }
0x4f4: {  	v8 =	vmax.f32 v11, v8;
	v9 =	vmax.f32 v12, v9;
	v10 =	vmax.f32 v13, v10  }
0x4f5: {  	v7 =	vmin.f32 v8, v9;
	v11 =	vmin.f32 v10, v6  }
0x4f6: {  	v7 =	vmin.f32 v7, v11  }
0x4f7: {  	(xrf0) =	vmin.scan.msk.f32 $0xffff, v7;
	_ =	sdelay $0x2  }
0x4f8: {  	s0 =	simm.s32 $0x20  }
0x4f9: {  	v12 =	vld [tilespmem:s0+$0xFFFFFFE0];
	_ =	sdelay $0x1  }
0x4fa: {  	v11, _, _ =	vpop (xrf0)  }
0x4fb: {  	v11 =	vbroadcast v11, $0xF;
	_ =	sdelay $0x1  }
0x4fc: {  	v13 =	vshra.s32 v12, $0x1F;
	vm0 =	vge.f32 v12, v11  }
0x4fd: {  	v13 =	vand.u32 $0x7FFFFFFF, v13;
	v14 =	vmpcnt.ones.xlane vm0  }
0x4fe: {  	s1 =	simm.s32 $0x0;
	[tilespmem:s0+$0xFFFFFFE0] =	vst v1;
	v12 =	vxor.u32 v12, v13  }
0x4ff: {  	[tilespmem:s1+$0x8000] =	vst.msk vm0, v12;
	v12 =	vor.u32 s1, v0;
	(v2sf) =	vpush v14, $0x0  }
0x500: {  	[tilespmem:s1+$0x10080] =	vst.msk vm0, v12  }
0x501: {  	v12 =	vld [tilespmem:s0+$0xFFFFFFF0];
	_ =	sdelay $0x4  }
0x502: {  	vm0 =	vge.f32 v12, v11  }
0x503: {  	v13 =	vmpcnt.ones.xlane vm0;
	_ =	sdelay $0x1  }
0x504: {  	(v2sf) =	vpush v13, $0x0;
	_ =	sdelay $0x3  }
0x505: {  	v13 =	vshra.s32 v12, $0x1F  }
0x506: {  	v13 =	vand.u32 $0x7FFFFFFF, v13;
	s2 =	spop (v2sf)  }
0x507: {  	[tilespmem:s0+$0xFFFFFFF0] =	vst v1;
	v12 =	vxor.u32 v12, v13;
	s2 =	sadd.s32 $0x0, s2  }
0x508: {  	[tilespmem:s2+$0x8000] =	vst.msk vm0, v12;
	v12 =	vor.u32 s1, v2  }
0x509: {  	[tilespmem:s2+$0x10080] =	vst.msk vm0, v12  }
0x50a: {  	v12 =	vld [tilespmem:s0+$0x0];
	_ =	sdelay $0x4  }
0x50b: {  	vm0 =	vge.f32 v12, v11;
	v13 =	vshra.s32 v12, $0x1F  }
0x50c: {  	s4 =	spop (v2sf);
	v13 =	vand.u32 $0x7FFFFFFF, v13;
	v14 =	vmpcnt.ones.xlane vm0  }
0x50d: {  	[tilespmem:s0+$0x0] =	vst v1;
	s2 =	sadd.s32 s2, s4;
	v12 =	vxor.u32 v12, v13  }
0x50e: {  	[tilespmem:s2+$0x8000] =	vst.msk vm0, v12;
	v12 =	vor.u32 s1, v3;
	(v2sf) =	vpush v14, $0x0  }
0x50f: {  	[tilespmem:s2+$0x10080] =	vst.msk vm0, v12  }
0x510: {  	v12 =	vld [tilespmem:s0+$0x10];
	_ =	sdelay $0x4  }
0x511: {  	vm0 =	vge.f32 v12, v11  }
0x512: {  	v13 =	vmpcnt.ones.xlane vm0;
	_ =	sdelay $0x1  }
0x513: {  	(v2sf) =	vpush v13, $0x0;
	_ =	sdelay $0x3  }
0x514: {  	v13 =	vshra.s32 v12, $0x1F  }
0x515: {  	v13 =	vand.u32 $0x7FFFFFFF, v13;
	s31 =	spop (v2sf)  }
0x516: {  	[tilespmem:s0+$0x10] =	vst v1;
	v12 =	vxor.u32 v12, v13;
	s2 =	sadd.s32 s2, s31  }
0x517: {  	[tilespmem:s2+$0x8000] =	vst.msk vm0, v12;
	v12 =	vor.u32 s1, v4  }
0x518: {  	s21 =	simm.s32 $0x60;
	[tilespmem:s2+$0x10080] =	vst.msk vm0, v12  }
0x519: {  	v12 =	vld [tilespmem:s21+$0xFFFFFFE0];
	_ =	sdelay $0x4  }
0x51a: {  	vm0 =	vge.f32 v12, v11;
	v13 =	vshra.s32 v12, $0x1F  }
0x51b: {  	s20 =	simm.s32 $0x40;
	s0 =	simm.s32 $0x80;
	[tilespmem:s21+$0xFFFFFFE0] =	vst v1;
	v14 =	vand.u32 $0x7FFFFFFF, v13;
	v13 =	vmpcnt.ones.xlane vm0;
	s1 =	spop (v2sf)  }
.LBB2_5:
0x51c: {  	p0 =	sne.s32 s0, $0x7FC0  }
0x51d: {  	v12 =	vxor.u32 v12, v14;
	s2 =	sadd.s32 s2, s1;
	s1 =	smov.u32 s0;
	s0 =	sadd.s32 $0x40, s0  }
0x51e: {  	[tilespmem:s2+$0x8000] =	vst.msk vm0, v12;
	v12 =	vor.u32 s20, v0;
	(v2sf) =	vpush v13, $0x0  }
0x51f: {  	[tilespmem:s2+$0x10080] =	vst.msk vm0, v12  }
0x520: {  	v12 =	vld [tilespmem:s21+$0xFFFFFFF0];
	_ =	sdelay $0x4  }
0x521: {  	vm0 =	vge.f32 v12, v11;
	v13 =	vshra.s32 v12, $0x1F  }
0x522: {  	v13 =	vand.u32 $0x7FFFFFFF, v13;
	v14 =	vmpcnt.ones.xlane vm0  }
0x523: {  	v12 =	vxor.u32 v12, v13  }
0x524: {  	(v2sf) =	vpush v14, $0x0;
	_ =	sdelay $0x4  }
0x525: {  	s4 =	spop (v2sf)  }
0x526: {  	s2 =	sadd.s32 s2, s4;
	[tilespmem:s21+$0xFFFFFFF0] =	vst v1  }
0x527: {  	[tilespmem:s2+$0x8000] =	vst.msk vm0, v12;
	v12 =	vor.u32 s20, v2  }
0x528: {  	[tilespmem:s2+$0x10080] =	vst.msk vm0, v12  }
0x529: {  	v12 =	vld [tilespmem:s21+$0x0]  }
0x52a: {  	[tilespmem:s21+$0x0] =	vst v1;
	_ =	sdelay $0x3  }
0x52b: {  	vm0 =	vge.f32 v12, v11;
	v13 =	vshra.s32 v12, $0x1F  }
0x52c: {  	v13 =	vand.u32 $0x7FFFFFFF, v13;
	v14 =	vmpcnt.ones.xlane vm0;
	s4 =	spop (v2sf)  }
0x52d: {  	s2 =	sadd.s32 s2, s4;
	v12 =	vxor.u32 v12, v13  }
0x52e: {  	[tilespmem:s2+$0x8000] =	vst.msk vm0, v12;
	v12 =	vor.u32 s20, v3;
	(v2sf) =	vpush v14, $0x0  }
0x52f: {  	[tilespmem:s2+$0x10080] =	vst.msk vm0, v12  }
0x530: {  	v12 =	vld [tilespmem:s21+$0x10]  }
0x531: {  	[tilespmem:s21+$0x10] =	vst v1;
	_ =	sdelay $0x3  }
0x532: {  	vm0 =	vge.f32 v12, v11;
	v13 =	vshra.s32 v12, $0x1F  }
0x533: {  	v13 =	vand.u32 $0x7FFFFFFF, v13;
	v14 =	vmpcnt.ones.xlane vm0  }
0x534: {  	v12 =	vxor.u32 v12, v13  }
0x535: {  	(v2sf) =	vpush v14, $0x0;
	_ =	sdelay $0x4  }
0x536: {  	s4 =	spop (v2sf)  }
0x537: {  	s2 =	sadd.s32 s2, s4  }
0x538: {  	[tilespmem:s2+$0x8000] =	vst.msk vm0, v12;
	v12 =	vor.u32 s20, v4;
	s20 =	smov.u32 s1  }
0x539: {  	s21 =	sadd.s32 $0x40, s21;
	[tilespmem:s2+$0x10080] =	vst.msk vm0, v12  }
0x53a: {  	v12 =	vld [tilespmem:s21+$0xFFFFFFE0]  }
0x53b: {  	[tilespmem:s21+$0xFFFFFFE0] =	vst v1  }
.Ltmp5:
0x53c: {  	(pc) =	sbr.rel @p0 .LBB2_5-.Ltmp5, $3  }
0x53d: {  	_ =	sdelay $0x1  }
0x53e: {  	vm0 =	vge.f32 v12, v11;
	v13 =	vshra.s32 v12, $0x1F  }
0x53f: {  	v14 =	vand.u32 $0x7FFFFFFF, v13;
	v13 =	vmpcnt.ones.xlane vm0;
	s1 =	spop (v2sf)  }
0x540: {  	v12 =	vxor.u32 v12, v14;
	s0 =	sadd.s32 s2, s1  }
0x541: {  	v54 =	vor.u32 s20, v0;
	[tilespmem:s0+$0x8000] =	vst.msk vm0, v12;
	(v2sf) =	vpush v13, $0x0  }
0x542: {  	[tilespmem:s0+$0x10080] =	vst.msk vm0, v54  }
0x543: {  	v12 =	vld [tilespmem:s21+$0xFFFFFFF0];
	_ =	sdelay $0x4  }
0x544: {  	vm13 =	vge.f32 v12, v11  }
0x545: {  	v55 =	vmpcnt.ones.xlane vm13;
	_ =	sdelay $0x1  }
0x546: {  	(v2sf) =	vpush v55, $0x0;
	_ =	sdelay $0x3  }
0x547: {  	v56 =	vshra.s32 v12, $0x1F  }
0x548: {  	v13 =	vand.u32 $0x7FFFFFFF, v56;
	s24 =	spop (v2sf)  }
0x549: {  	[tilespmem:s21+$0xFFFFFFF0] =	vst v1;
	v12 =	vxor.u32 v12, v13;
	s0 =	sadd.s32 s0, s24  }
0x54a: {  	v57 =	vor.u32 s20, v2;
	[tilespmem:s0+$0x8000] =	vst.msk vm13, v12  }
0x54b: {  	[tilespmem:s0+$0x10080] =	vst.msk vm13, v57  }
0x54c: {  	v12 =	vld [tilespmem:s21+$0x0];
	_ =	sdelay $0x4  }
0x54d: {  	v58 =	vshra.s32 v12, $0x1F  }
0x54e: {  	v13 =	vand.u32 $0x7FFFFFFF, v58;
	s25 =	spop (v2sf)  }
0x54f: {  	[tilespmem:s21+$0x0] =	vst v1;
	vm14 =	vge.f32 v12, v11;
	s0 =	sadd.s32 s0, s25;
	v12 =	vxor.u32 v12, v13  }
0x550: {  	v59 =	vor.u32 s20, v3;
	[tilespmem:s0+$0x8000] =	vst.msk vm14, v12  }
0x551: {  	[tilespmem:s0+$0x10080] =	vst.msk vm14, v59  }
0x552: {  	v12 =	vld [tilespmem:s21+$0x10];
	_ =	sdelay $0x3  }
0x553: {  	v8 =	vmax.f32 v8, v9;
	v6 =	vmax.f32 v10, v6;
	v62 =	vshra.s32 v7, $0x1F  }
0x554: {  	v7 =	vxor.u32 $0x80000000, v7;
	v60 =	vmpcnt.ones.xlane vm14;
	vm15 =	vge.f32 v12, v11  }
0x555: {  	v6 =	vmax.f32 v8, v6;
	v8 =	vand.u32 $0x7FFFFFFF, v62;
	v61 =	vmpcnt.ones.xlane vm15  }
0x556: {  	v63 =	vshra.s32 v6, $0x1F;
	v7 =	vxor.u32 v7, v8;
	(v2sf) =	vpush v60, $0x0  }
0x557: {  	v6 =	vxor.u32 $0x80000000, v6;
	v8 =	vand.u32 $0x7FFFFFFF, v63;
	(v2sf) =	vpush v61, $0x0  }
0x558: {  	(xrf0) =	vmin.scan.msk.u32 $0xffff, v7;
	v6 =	vxor.u32 v6, v8  }
0x559: {  	(xrf0) =	vmax.scan.msk.u32 $0xffff, v6;
	_ =	sdelay $0x4  }
0x55a: {  	v6, _, _ =	vpop (xrf0)  }
0x55b: {  	(v2sf) =	vpush v6, $0xF;
	v6, _, _ =	vpop (xrf0)  }
0x55c: {  	(v2sf) =	vpush v6, $0xF;
	_ =	sdelay $0x4  }
0x55d: {  	s26 =	spop (v2sf)  }
0x55e: {  	s1 =	sadd.s32 s0, s26;
	s28 =	spop (v2sf)  }
0x55f: {  	s5 =	sadd.s32 s1, s28  }
0x560: {  	s29 =	sadd.s32 $0xF, s5  }
0x561: {  	s30 =	sand.u32 $0xF, s29  }
0x562: {  	v6 =	vshra.s32 v12, $0x1F;
	s31 =	sshra.s32 s29, $0x1F;
	p1 =	slt.s32 s29, $0x1;
	p0 =	sne.s32 s30, $0x0  }
.Ltmp6:
0x563: {  	v6 =	vand.u32 $0x7FFFFFFF, v6;
	s2 =	sshrl.u32 s31, $0x1C;
	p0 =	por !p1, !p0;
	(pc) =	sbr.rel .LBB2_7-.Ltmp6, $4  }
0x564: {  	s4 =	simm.s32 $0x1;
	[tilespmem:s21+$0x10] =	vst v1;
	v6 =	vxor.u32 v12, v6;
	s2 =	sadd.s32 s2, s29;
	p0 =	por !p0, !p0  }
0x565: {  	v7 =	vor.u32 s20, v4;
	[tilespmem:s1+$0x8000] =	vst.msk vm15, v6;
	s2 =	sshra.s32 s2, $0x4;
	s4 =	simm.s32 @!p0 $0x0  }
0x566: {  	[tilespmem:s1+$0x10080] =	vst.msk vm15, v7;
	s0 =	spop (v2sf);
	s1 =	simm.s32 $0x0;
	s2 =	ssub.s32 s2, s4  }
0x567: {  	v6 =	vmov s5;
	s5 =	simm.s32 $0x0;
	s4 =	spop (v2sf);
	p0 =	slt.s32 s2, $0x1  }
.LBB2_8:
0x568: {  	p1 =	slt.u32 s6, s0  }
0x569: {  	p1 =	por @!p2 p1, p1  }
.LBB2_15:
0x56a: {  	s5 =	sadd.s32 $0x1, s5  }
0x56b: {  	p2 =	sne.s32 s5, $0x20  }
.Ltmp7:
0x56c: {  	_ = 	snop;
	(pc) =	sbr.rel @!p2 .LBB2_16-.Ltmp7, $2  }
0x56d: {  	_ =	sdelay $0x2  }
0x56e: {  	s1 =	smov.u32 @p1 s6  }
.LBB2_7:
0x56f: {  	s6 =	sshrl.u32 s11, s5  }
0x570: {  	s6 =	sor.u32 s6, s1  }
0x571: {  	p2 =	sgt.u32 s6, s4  }
0x572: {  	p1 =	slt.u32 @!p2 s6, s0  }
0x573: {  	p1 =	por p2, p1  }
.Ltmp8:
0x574: {  	_ = 	snop;
	(pc) =	sbr.rel @p1 .LBB2_8-.Ltmp8, $1  }
0x575: {  	_ =	sdelay $0x3  }
.Ltmp9:
0x576: {  	(pc) =	sbr.rel @p0 .LBB2_10-.Ltmp9, $1  }
0x577: {  	_ =	sdelay $0x3  }
0x578: {  	s7 =	simm.s32 $0x8000  }
0x579: {  	p1 =	sne.s32 s2, $0x1;
	v9 =	vld [tilespmem:s7+$0x0]  }
.Ltmp10:
0x57a: {  	_ = 	snop;
	(pc) =	sbr.rel @!p1 .LBB2_13-.Ltmp10, $4  }
0x57b: {  	_ = 	snop  }
0x57c: {  	s8 =	sxor.u32 $0x80000000, s6;
	s7 =	simm.s32 $0x0  }
0x57d: {  	v8 =	vmov s8;
	v10 =	vor.u32 s7, v0  }
0x57e: {  	v7 =	vimm.s32 $0x0;
	s9 =	simm.s32 $0x8010;
	s8 =	sadd.s32 $0xFFFFFFFF, s2;
	vm0 =	vlt.s32 v10, v6;
	vm1 =	vge.s32 v9, v8  }
.LBB2_12:
0x57f: {  	v9 =	vld [tilespmem:s9+$0x0];
	p1 =	sne.s32 s8, $0x1;
	s8 =	sadd.s32 $0xFFFFFFFF, s8;
	vm0 =	vmand vm0, vm1  }
.Ltmp11:
0x580: {  	v10 =	vmpcnt.ones.xlane vm0;
	(pc) =	sbr.rel @p1 .LBB2_12-.Ltmp11, $4  }
0x581: {  	_ = 	snop  }
0x582: {  	s7 =	sadd.s32 $0x10, s7;
	v7 =	vadd.s32 v7, v10  }
0x583: {  	v10 =	vor.u32 s7, v0  }
0x584: {  	s9 =	sadd.s32 $0x10, s9;
	vm0 =	vlt.s32 v10, v6;
	vm1 =	vge.s32 v9, v8  }
.LBB2_13:
.Ltmp12:
0x585: {  	vm0 =	vmand vm0, vm1;
	(pc) =	sbr.rel .LBB2_14-.Ltmp12, $3  }
0x586: {  	v8 =	vmpcnt.ones.xlane vm0;
	_ =	sdelay $0x1  }
0x587: {  	v7 =	vadd.s32 v7, v8  }
0x588: {  	v7 =	vxor.u32 $0x80000000, v7  }
.LBB2_10:
0x589: {  	v7 =	vimm.s32 $0x80000000  }
.LBB2_14:
0x58a: {  	(xrf0) =	vmax.scan.msk.u32 $0xffff, v7;
	_ =	sdelay $0x5  }
0x58b: {  	v7, _, _ =	vpop (xrf0)  }
0x58c: {  	(v2sf) =	vpush v7, $0xF;
	_ =	sdelay $0xb  }
.Ltmp13:
0x58d: {  	_ = 	snop;
	(pc) =	sbr.rel .LBB2_15-.Ltmp13, $3  }
0x58e: {  	_ =	sdelay $0x1  }
0x58f: {  	s7 =	spop (v2sf)  }
0x590: {  	p1 =	sgt.u32 s7, $0x8000003F  }
.LBB2_16:
.Ltmp14:
0x591: {  	(pc) =	sbr.rel @p0 .LBB2_26-.Ltmp14, $1  }
0x592: {  	_ =	sdelay $0x3  }
0x593: {  	s4 =	simm.s32 $0x8000  }
0x594: {  	p1 =	sne.s32 s2, $0x1;
	v8 =	vld [tilespmem:s4+$0x0]  }
.Ltmp15:
0x595: {  	_ = 	snop;
	(pc) =	sbr.rel @!p1 .LBB2_19-.Ltmp15, $4  }
0x596: {  	_ = 	snop  }
0x597: {  	s1 =	sxor.u32 $0x80000000, s1;
	s0 =	simm.s32 $0x0  }
0x598: {  	v11 =	vimm.s32 $0x0;
	v7 =	vmov s1;
	v10 =	vor.u32 s0, v0  }
0x599: {  	s5 =	simm.s32 $0x8010;
	s6 =	simm.s32 $0x0;
	s1 =	sadd.s32 $0xFFFFFFFF, s2;
	vm0 =	vlt.s32 v10, v6;
	vm1 =	vgt.s32 v8, v7;
	v8 =	vimm.s32 $0x0  }
.LBB2_18:
0x59a: {  	v9 =	vld [tilespmem:s5+$0x0];
	p0 =	sne.s32 s1, $0x1;
	s1 =	sadd.s32 $0xFFFFFFFF, s1;
	vm0 =	vmand vm0, vm1  }
.Ltmp16:
0x59b: {  	v12 =	vmpcnt.ones.xlane vm0;
	(pc) =	sbr.rel @p0 .LBB2_18-.Ltmp16, $4  }
0x59c: {  	_ = 	snop  }
0x59d: {  	s6 =	sadd.s32 $0x10, s6;
	v8 =	vadd.s32 v8, v12  }
0x59e: {  	v12 =	vor.u32 s6, v0  }
0x59f: {  	s5 =	sadd.s32 $0x10, s5;
	vm0 =	vlt.s32 v12, v6;
	vm1 =	vgt.s32 v9, v7  }
.LBB2_19:
0x5a0: {  	vm0 =	vmand vm0, vm1  }
0x5a1: {  	v9 =	vmpcnt.ones.xlane vm0;
	_ =	sdelay $0x1  }
0x5a2: {  	v8 =	vadd.s32 v8, v9  }
0x5a3: {  	v8 =	vxor.u32 $0x80000000, v8  }
0x5a4: {  	(xrf0) =	vmax.scan.msk.u32 $0xffff, v8;
	_ =	sdelay $0x5  }
0x5a5: {  	v8, _, _ =	vpop (xrf0)  }
0x5a6: {  	(v2sf) =	vpush v8, $0xF;
	_ =	sdelay $0xd  }
.Ltmp17:
0x5a7: {  	_ = 	snop;
	(pc) =	sbr.rel @!p1 .LBB2_20-.Ltmp17, $4  }
0x5a8: {  	s1 =	spop (v2sf)  }
0x5a9: {  	s1 =	sxor.u32 $0x80000000, s1  }
0x5aa: {  	v9 =	vld [tilespmem:s4+$0x0];
	s1 =	ssub.s32 $0x40, s1  }
0x5ab: {  	s2 =	sadd.s32 $0xFFFFFFFF, s2;
	p0 =	por $0x0, $0x0;
	v8 =	vmov s1;
	s1 =	simm.s32 $0x10080  }
0x5ac: {  	_ =	sdelay $0x2  }
0x5ad: {  	vm0 =	vlt.s32 v10, v6;
	vm1 =	veq.s32 v9, v7  }
0x5ae: {  	vm1 =	vmand vm0, vm1  }
0x5af: {  	v10 =	vsel vm1, $0x1, v5  }
0x5b0: {  	(xrf0) =	vadd.scan.msk.s32 $0xffff, v10;
	_ =	sdelay $0x5  }
0x5b1: {  	v10, _, _ =	vpop (xrf0)  }
0x5b2: {  	v10 =	vadd.s32 v10, v11  }
0x5b3: {  	v10 =	vadd.s32 $0xFFFFFFFF, v10  }
0x5b4: {  	vm2 =	vgt.s32 v9, v7;
	vm3 =	vlt.s32 v10, v8  }
0x5b5: {  	vm0 =	vmand vm0, vm2;
	vm15 =	vmand vm1, vm3  }
0x5b6: {  	vm0 =	vmor vm0, vm15  }
0x5b7: {  	v10 =	vsel vm0, $0x1, v5  }
0x5b8: {  	(xrf0) =	vadd.scan.msk.s32 $0xffff, v10;
	_ =	sdelay $0x5  }
0x5b9: {  	v10, _, _ =	vpop (xrf0)  }
0x5ba: {  	v10 =	vadd.s32 v10, v11  }
0x5bb: {  	v13 =	vadd.s32 $0xFFFFFFFF, v10  }
0x5bc: {  	v14 =	vld [tilespmem:s1+$0x0];
	_ =	sdelay $0x1  }
0x5bd: {  	p1 =	sne.s32 s2, $0x1  }
.Ltmp18:
0x5be: {  	_ = 	snop;
	(pc) =	sbr.rel @!p1 .LBB2_22-.Ltmp18, $4  }
0x5bf: {  	v15 =	vmpcnt.ones.xlane vm0;
	v10 =	vmpcnt.ones.xlane vm1;
	[tilespmem:v13+s12+$0x0] =	vst.idx.msk vm0, v9  }
0x5c0: {  	s5 =	simm.s32 $0x8010;
	[tilespmem:v13+s13+$0x0] =	vst.idx.msk vm0, v14  }
0x5c1: {  	s6 =	sadd.s32 $0xFFFFFFFF, s2;
	v12 =	vadd.s32 v11, v10;
	v10 =	vadd.s32 v11, v15;
	v9 =	vld [tilespmem:s5+$0x0]  }
0x5c2: {  	p0 =	por $0x1, $0x1;
	s4 =	simm.s32 $0x0;
	s2 =	simm.s32 $0x10080;
	v11 =	vmov v12;
	v13 =	vmov v10  }
.LBB2_23:
0x5c3: {  	p1 =	sne.s32 s6, $0x1  }
0x5c4: {  	s4 =	sadd.s32 $0x10, s4  }
0x5c5: {  	v14 =	vor.u32 s4, v0  }
0x5c6: {  	vm0 =	vlt.s32 v14, v6;
	vm1 =	veq.s32 v9, v7  }
0x5c7: {  	vm1 =	vmand vm0, vm1  }
0x5c8: {  	v14 =	vsel vm1, $0x1, v5;
	v15 =	vmpcnt.ones.xlane vm1  }
0x5c9: {  	(xrf0) =	vadd.scan.msk.s32 $0xffff, v14  }
0x5ca: {  	v11 =	vadd.s32 v11, v15;
	_ =	sdelay $0x4  }
0x5cb: {  	v14, _, _ =	vpop (xrf0)  }
0x5cc: {  	v14 =	vadd.s32 v14, v12;
	v12 =	vmov v11  }
0x5cd: {  	v14 =	vadd.s32 $0xFFFFFFFF, v14  }
0x5ce: {  	vm2 =	vgt.s32 v9, v7;
	vm3 =	vlt.s32 v14, v8  }
0x5cf: {  	vm0 =	vmand vm0, vm2;
	vm1 =	vmand vm1, vm3  }
0x5d0: {  	vm0 =	vmor vm0, vm1  }
0x5d1: {  	v14 =	vsel vm0, $0x1, v5;
	v15 =	vmpcnt.ones.xlane vm0  }
0x5d2: {  	(xrf0) =	vadd.scan.msk.s32 $0xffff, v14  }
0x5d3: {  	v13 =	vadd.s32 v13, v15;
	_ =	sdelay $0x4  }
0x5d4: {  	v14, _, _ =	vpop (xrf0)  }
0x5d5: {  	v14 =	vadd.s32 v14, v10;
	v10 =	vmov v13  }
0x5d6: {  	s2 =	sadd.s32 $0x10, s2;
	v14 =	vadd.s32 $0xFFFFFFFF, v14  }
0x5d7: {  	v15 =	vld [tilespmem:s2+$0x0];
	_ =	sdelay $0x2  }
.Ltmp19:
0x5d8: {  	(pc) =	sbr.rel @p1 .LBB2_23-.Ltmp19, $4  }
0x5d9: {  	[tilespmem:v14+s12+$0x0] =	vst.idx.msk vm0, v9  }
0x5da: {  	s5 =	sadd.s32 $0x10, s5;
	[tilespmem:v14+s13+$0x0] =	vst.idx.msk vm0, v15  }
0x5db: {  	v9 =	vld [tilespmem:s5+$0x0]  }
0x5dc: {  	s6 =	sadd.s32 $0xFFFFFFFF, s6  }
.Ltmp20:
0x5dd: {  	(pc) =	sbr.rel .LBB2_25-.Ltmp20, $2  }
0x5de: {  	_ =	sdelay $0x2  }
0x5df: {  	v11 =	vmov v12  }
.LBB2_22:
.Ltmp21:
0x5e0: {  	(pc) =	sbr.rel .LBB2_25-.Ltmp21, $2  }
0x5e1: {  	_ =	sdelay $0x2  }
0x5e2: {  	s4 =	simm.s32 $0x0;
	v11 =	vmov v12;
	s2 =	simm.s32 $0x10080  }
.LBB2_28:
0x5e3: {  	_ =	sfence.sel $0x180000  }
0x5e4: {  	[bflag:$0x0] =	sbarrier.arrive $0xFFFF  }
0x5e5: {  	_ =	strace $0x90000047  }
0x5e6: {  	s0 =	stileid.u32;
	[bflag:$0x2] =	sbarrier.arrive $0xFFFF  }
0x5e7: {  	p0 =	sne.s32 s0, $0x0;
	s0 =	rddreg [dreg:$0x3]  }
0x5e8: {  	s0 =	sadd.s32 @!p0 $0x100000, s0  }
0x5e9: {  	[sflag:s0] =	ssyncadd.tile.s32 @!p0 $0x1;
	_ =	shalt  }
.Lfunc_end2:
_tile_overlayer_lowered:
.L_overlay_start_2:
0x5ea: {  	(tag) =	ssettag $0x2  }
0x5eb: {  	s0 =	rddreg [dreg:$0x0];
	s2 =	stileid.u32  }
0x5ec: {  	s1 =	rddreg [dreg:$0x1];
	p0 =	sne.s32 s2, $0x0  }
0x5ed: {  	s3 =	rddreg [dreg:$0x2];
	[bflag:$0x3] =	sbarrier.arrive $0xFFFF;
	s2 =	simm.s32 @!p0 $0x1C01  }
0x5ee: {  	[timem:s3], [sflag:s2] =	dma.local @!p0 [hbm:s0], s1  }
0x5ef: {  	s0 =	simm.s32 @!p0 $0x1  }
0x5f0: {  	_ =	swait.ge @!p0 [sflag:s0], s1  }
0x5f1: {  	s1 =	ssub.s32 @!p0 $0x0, s1;
	[sflag:s0] =	ssyncset.done @!p0 $0x0  }
0x5f2: {  	[sflag:s0] =	ssyncadd.s32 @!p0 s1  }
0x5f3: {  	[bflag:$0x3] =	sbarrier.arrive $0xFFFF  }
0x5f4: {  	_ =	shalt  }

</sc_bundles>
